<compile_context>
chip_gen: v7x
topology: tpu7x:2x2x1
jax: 0.10.2.dev20260603
libtpu: 0.0.44.dev20260713+nightly
codegen_flags: <defaults>
</compile_context>

<pallas_src>
import functools

import jax
import jax.numpy as jnp
from jax import lax
from jax.experimental import pallas as pl
from jax.experimental.pallas import tpu as pltpu
from jax.experimental.pallas import tpu_sc as plsc

N = 10000
E = 320000
IN_DIM = 128
HID = 16
HEADS = 8
OUT_DIM = 16

NC, NS = 2, 16
NW = NC * NS
EB = 64
CPW = 160
QRT = CPW // 4
VROWS = E // EB
NP = 10240
RPT = NP // NS
BLK = 2000

NEG = 0.2
_DOT = dict(preferred_element_type=jnp.float32, precision=lax.Precision.HIGHEST)


def _prep1_body(x_ref, w1_ref, bs_ref, bd_ref, h_ref, sp_ref, dp_ref):
    h = jnp.dot(x_ref[...], w1_ref[...], **_DOT)
    s = jnp.dot(h, bs_ref[...], **_DOT)
    d = jnp.dot(h, bd_ref[...], **_DOT)
    z = s + d
    c = jnp.maximum(z, NEG * z)
    lane = lax.broadcasted_iota(jnp.int32, c.shape, 1)
    eneg = jnp.where(lane < HEADS, jnp.exp(-c), 0.0)
    h_ref[...] = h
    sp_ref[...] = s
    dp_ref[...] = d + jnp.dot(eneg, _shift8(), **_DOT)


def _shift8():
    r = lax.broadcasted_iota(jnp.int32, (16, 16), 0)
    c = lax.broadcasted_iota(jnp.int32, (16, 16), 1)
    return (r + 8 == c).astype(jnp.float32)


def _prep1(x, W1, Bs, Bd):
    return pl.pallas_call(
        _prep1_body,
        grid=(N // BLK,),
        in_specs=[
            pl.BlockSpec((BLK, IN_DIM), lambda i: (i, 0)),
            pl.BlockSpec((IN_DIM, IN_DIM), lambda i: (0, 0)),
            pl.BlockSpec((IN_DIM, 16), lambda i: (0, 0)),
            pl.BlockSpec((IN_DIM, 16), lambda i: (0, 0)),
        ],
        out_specs=[
            pl.BlockSpec((BLK, IN_DIM), lambda i: (i, 0)),
            pl.BlockSpec((BLK, 16), lambda i: (i, 0)),
            pl.BlockSpec((BLK, 16), lambda i: (i, 0)),
        ],
        out_shape=[
            jax.ShapeDtypeStruct((NP, IN_DIM), jnp.float32),
            jax.ShapeDtypeStruct((NP, 16), jnp.float32),
            jax.ShapeDtypeStruct((NP, 16), jnp.float32),
        ],
    )(x, W1, Bs, Bd)


def _edge_fused(spack, dpack, h, src_rows, dst_rows, D):
    nvec = D // 16
    mesh = plsc.VectorSubcoreMesh(
        core_axis_name="c", subcore_axis_name="s", num_cores=NC, num_subcores=NS
    )

    @functools.partial(
        pl.kernel,
        out_type=[
            jax.ShapeDtypeStruct((NC, NP, 16), jnp.float32),
            jax.ShapeDtypeStruct((NC, NP, D), jnp.float32),
        ],
        mesh=mesh,
        scratch_types=[
            pltpu.VMEM((QRT, EB), jnp.int32),
            pltpu.VMEM((QRT, EB), jnp.int32),
            pltpu.VMEM((2, EB, 16), jnp.float32),
            pltpu.VMEM((2, EB, 16), jnp.float32),
            pltpu.VMEM((2, EB, D), jnp.float32),
            pltpu.VMEM((2, EB, 16), jnp.float32),
            pltpu.VMEM_SHARED((NP, 16), jnp.float32),
            pltpu.VMEM_SHARED((NP, D), jnp.float32),
        ] + [pltpu.SemaphoreType.DMA] * 10,
        compiler_params=pltpu.CompilerParams(use_tc_tiling_on_sc=False),
    )
    def k(sp_hbm, dp_hbm, h_hbm, src_hbm, dst_hbm, den_hbm, out_hbm,
          ids_s, ids_d, sbuf, dbuf, hbuf, ebuf, den_sh, out_sh,
          gs0, gd0, gh0, gs1, gd1, gh1, sd0, so0, sd1, so1):
        ci = lax.axis_index("c")
        si = lax.axis_index("s")
        w = si * NC + ci
        base_row = w * CPW
        nvalid = jnp.clip(VROWS - base_row, 0, CPW)

        @pl.loop(0, EB)
        def _(i):
            ebuf[0, i, :] = jnp.zeros((16,), jnp.float32)
            for v in range(nvec):
                hbuf[0, i, pl.ds(v * 16, 16)] = jnp.zeros((16,), jnp.float32)

        @pl.loop(0, RPT // EB)
        def _(r):
            pltpu.sync_copy(ebuf.at[0], den_sh.at[pl.ds(si * RPT + r * EB, EB)])
            pltpu.sync_copy(hbuf.at[0], out_sh.at[pl.ds(si * RPT + r * EB, EB)])

        plsc.subcore_barrier()

        rot8 = (lax.iota(jnp.int32, 16) % 8) + 8
        _dn = lax.GatherDimensionNumbers(offset_dims=(),
                                         collapsed_slice_dims=(0,),
                                         start_index_map=(0,))
        _pib = lax.GatherScatterMode.PROMISE_IN_BOUNDS

        def compute(b):
            @plsc.parallel_loop(0, EB, unroll=4)
            def _(e):
                sv = sbuf[b, e, :]
                d = dbuf[b, e, :]
                z = sv + d
                lz = jnp.maximum(z, NEG * z)
                en = lax.gather(d, rot8[:, None], _dn, (1,), mode=_pib)
                ev = jnp.exp(lz) * en
                ebuf[b, e, :] = ev
                for v in range(nvec):
                    hv = hbuf[b, e, pl.ds(v * 16, 16)]
                    hbuf[b, e, pl.ds(v * 16, 16)] = hv * ev[v]

        def wait_scatters():
            pltpu.make_async_copy(ebuf.at[0], den_sh.at[ids_d.at[0]],
                                  sd0).wait()
            pltpu.make_async_copy(hbuf.at[0], out_sh.at[ids_d.at[0]],
                                  so0).wait()
            pltpu.make_async_copy(ebuf.at[1], den_sh.at[ids_d.at[0]],
                                  sd1).wait()
            pltpu.make_async_copy(hbuf.at[1], out_sh.at[ids_d.at[0]],
                                  so1).wait()

        @pl.loop(0, 4)
        def _(q):
            qoff = q * QRT

            @pl.when(qoff < nvalid)
            def _():
                pltpu.sync_copy(src_hbm.at[pl.ds(base_row + qoff, QRT)], ids_s)
                pltpu.sync_copy(dst_hbm.at[pl.ds(base_row + qoff, QRT)], ids_d)

                @pl.loop(0, QRT // 2)
                def _(jj):
                    j0 = 2 * jj
                    j1 = j0 + 1

                    @pl.when(qoff + j0 < nvalid)
                    def _():
                        @pl.when(qoff + jj > 0)
                        def _():
                            wait_scatters()

                        g0a = pltpu.async_copy(sp_hbm.at[ids_s.at[j0]],
                                               sbuf.at[0], gs0)
                        g0b = pltpu.async_copy(dp_hbm.at[ids_d.at[j0]],
                                               dbuf.at[0], gd0)
                        g0c = pltpu.async_copy(h_hbm.at[ids_s.at[j0]],
                                               hbuf.at[0], gh0)
                        g1a = pltpu.async_copy(sp_hbm.at[ids_s.at[j1]],
                                               sbuf.at[1], gs1)
                        g1b = pltpu.async_copy(dp_hbm.at[ids_d.at[j1]],
                                               dbuf.at[1], gd1)
                        g1c = pltpu.async_copy(h_hbm.at[ids_s.at[j1]],
                                               hbuf.at[1], gh1)
                        g0a.wait()
                        g0b.wait()
                        g0c.wait()
                        compute(0)
                        pltpu.async_copy(ebuf.at[0], den_sh.at[ids_d.at[j0]],
                                         sd0, add=True)
                        pltpu.async_copy(hbuf.at[0], out_sh.at[ids_d.at[j0]],
                                         so0, add=True)
                        g1a.wait()
                        g1b.wait()
                        g1c.wait()
                        compute(1)
                        pltpu.async_copy(ebuf.at[1], den_sh.at[ids_d.at[j1]],
                                         sd1, add=True)
                        pltpu.async_copy(hbuf.at[1], out_sh.at[ids_d.at[j1]],
                                         so1, add=True)

        wait_scatters()
        plsc.subcore_barrier()
        pltpu.sync_copy(den_sh.at[pl.ds(si * RPT, RPT)],
                        den_hbm.at[ci].at[pl.ds(si * RPT, RPT)])
        pltpu.sync_copy(out_sh.at[pl.ds(si * RPT, RPT)],
                        out_hbm.at[ci].at[pl.ds(si * RPT, RPT)])

    return k(spack, dpack, h, src_rows, dst_rows)


def _comb1_body(p0_ref, p1_ref, d0_ref, d1_ref, h1_ref, w2_ref, b2s_ref,
                b2d_ref, b1_ref, rx_ref, h2_ref, sp2_ref, dp2_ref):
    den = d0_ref[0] + d1_ref[0] + 1.0
    rcp = 1.0 / (den + 1e-16)
    rexp = jnp.dot(rcp, rx_ref[...], **_DOT)
    g = (p0_ref[0] + p1_ref[0] + h1_ref[...]) * rexp + b1_ref[...]
    g = jnp.where(g > 0, g, jnp.exp(g) - 1.0)
    h2 = jnp.dot(g, w2_ref[...], **_DOT)
    s2 = jnp.dot(h2, b2s_ref[...], **_DOT)
    d2 = jnp.dot(h2, b2d_ref[...], **_DOT)
    z = s2 + d2
    c2 = jnp.maximum(z, NEG * z)
    lane = lax.broadcasted_iota(jnp.int32, c2.shape, 1)
    eneg = jnp.where(lane < 1, jnp.exp(-c2), 0.0)
    h2_ref[...] = h2
    sp2_ref[...] = s2
    dp2_ref[...] = d2 + jnp.dot(eneg, _shift8(), **_DOT)


def _comb1(P, den, h1, W2, B2s, B2d, b1, rxmat):
    return pl.pallas_call(
        _comb1_body,
        grid=(N // BLK,),
        in_specs=[
            pl.BlockSpec((1, BLK, IN_DIM), lambda i: (0, i, 0)),
            pl.BlockSpec((1, BLK, IN_DIM), lambda i: (1, i, 0)),
            pl.BlockSpec((1, BLK, 16), lambda i: (0, i, 0)),
            pl.BlockSpec((1, BLK, 16), lambda i: (1, i, 0)),
            pl.BlockSpec((BLK, IN_DIM), lambda i: (i, 0)),
            pl.BlockSpec((IN_DIM, OUT_DIM), lambda i: (0, 0)),
            pl.BlockSpec((OUT_DIM, 16), lambda i: (0, 0)),
            pl.BlockSpec((OUT_DIM, 16), lambda i: (0, 0)),
            pl.BlockSpec((1, IN_DIM), lambda i: (0, 0)),
            pl.BlockSpec((16, IN_DIM), lambda i: (0, 0)),
        ],
        out_specs=[
            pl.BlockSpec((BLK, OUT_DIM), lambda i: (i, 0)),
            pl.BlockSpec((BLK, 16), lambda i: (i, 0)),
            pl.BlockSpec((BLK, 16), lambda i: (i, 0)),
        ],
        out_shape=[
            jax.ShapeDtypeStruct((NP, OUT_DIM), jnp.float32),
            jax.ShapeDtypeStruct((NP, 16), jnp.float32),
            jax.ShapeDtypeStruct((NP, 16), jnp.float32),
        ],
    )(P, P, den, den, h1, W2, B2s, B2d, b1, rxmat)


def _comb2_body(q0_ref, q1_ref, dd0_ref, dd1_ref, h2_ref, b2_ref, cx_ref,
                out_ref):
    den = dd0_ref[0] + dd1_ref[0] + 1.0
    rcp = 1.0 / (den + 1e-16)
    r0 = jnp.dot(rcp, cx_ref[...], **_DOT)
    out_ref[...] = (q0_ref[0] + q1_ref[0] + h2_ref[...]) * r0 + b2_ref[...]


def _comb2(Q, den2, h2, b2, cxmat):
    return pl.pallas_call(
        _comb2_body,
        grid=(N // BLK,),
        in_specs=[
            pl.BlockSpec((1, BLK, OUT_DIM), lambda i: (0, i, 0)),
            pl.BlockSpec((1, BLK, OUT_DIM), lambda i: (1, i, 0)),
            pl.BlockSpec((1, BLK, 16), lambda i: (0, i, 0)),
            pl.BlockSpec((1, BLK, 16), lambda i: (1, i, 0)),
            pl.BlockSpec((BLK, OUT_DIM), lambda i: (i, 0)),
            pl.BlockSpec((1, OUT_DIM), lambda i: (0, 0)),
            pl.BlockSpec((16, OUT_DIM), lambda i: (0, 0)),
        ],
        out_specs=pl.BlockSpec((BLK, OUT_DIM), lambda i: (i, 0)),
        out_shape=jax.ShapeDtypeStruct((N, OUT_DIM), jnp.float32),
    )(Q, Q, den2, den2, h2, b2, cxmat)


def _head_proj(att, heads, hid):
    rows = jnp.arange(heads * hid)[:, None]
    cols = jnp.arange(16)[None, :]
    mask = (rows // hid == cols).astype(jnp.float32)
    return att.reshape(-1)[:, None] * mask


def kernel(x, edge_index, W1, att_src1, att_dst1, b1, W2, att_src2, att_dst2,
           b2):
    src_rows = edge_index[0].reshape(VROWS, EB)
    dst_rows = edge_index[1].reshape(VROWS, EB)

    Bs1 = _head_proj(att_src1, HEADS, HID)
    Bd1 = _head_proj(att_dst1, HEADS, HID)
    B2s = _head_proj(att_src2, 1, OUT_DIM)
    B2d = _head_proj(att_dst2, 1, OUT_DIM)

    rxmat = jnp.zeros((16, IN_DIM), jnp.float32)
    rxmat = rxmat.at[jnp.repeat(jnp.arange(HEADS), HID),
                     jnp.arange(IN_DIM)].set(1.0)
    cxmat = jnp.zeros((16, OUT_DIM), jnp.float32).at[0, :].set(1.0)

    h1, sp1, dp1 = _prep1(x, W1, Bs1, Bd1)
    den1, P = _edge_fused(sp1, dp1, h1, src_rows, dst_rows, IN_DIM)
    h2, sp2, dp2 = _comb1(P, den1, h1, W2, B2s, B2d, b1[None, :], rxmat)
    den2, Q = _edge_fused(sp2, dp2, h2, src_rows, dst_rows, OUT_DIM)
    return _comb2(Q, den2, h2, b2[None, :], cxmat)

# --- scband reference (transcript-rebuilt; emitter-appended) ---
"""Pipeline reference for scband-gatclassifier-13486197310302 (READ-ONLY COPY).

The authoritative reference and input builder live on the scoring server;
editing this copy changes nothing except your own understanding.
"""

import jax, jax.numpy as jnp
import numpy as np

N_NODES = 10000
N_EDGES = 320000
IN_DIM = 128
HID = 16
HEADS = 8
OUT_DIM = 16


def setup_inputs(seed: int = 0) -> dict:
    key = jax.random.key(seed)
    ks = jax.random.split(key, 12)
    x = jax.random.normal(ks[0], (N_NODES, IN_DIM), dtype=jnp.float32)
    edge_index = jax.random.randint(ks[1], (2, N_EDGES), 0, N_NODES, dtype=jnp.int32)
    W1 = jax.random.normal(ks[2], (IN_DIM, HEADS * HID), dtype=jnp.float32) * 0.1
    att_src1 = jax.random.normal(ks[3], (HEADS, HID), dtype=jnp.float32) * 0.1
    att_dst1 = jax.random.normal(ks[4], (HEADS, HID), dtype=jnp.float32) * 0.1
    b1 = jnp.zeros((HEADS * HID,), dtype=jnp.float32)
    W2 = jax.random.normal(ks[5], (HEADS * HID, 1 * OUT_DIM), dtype=jnp.float32) * 0.1
    att_src2 = jax.random.normal(ks[6], (1, OUT_DIM), dtype=jnp.float32) * 0.1
    att_dst2 = jax.random.normal(ks[7], (1, OUT_DIM), dtype=jnp.float32) * 0.1
    b2 = jnp.zeros((OUT_DIM,), dtype=jnp.float32)
    return {"x": x, "edge_index": edge_index, "W1": W1, "att_src1": att_src1,
            "att_dst1": att_dst1, "b1": b1, "W2": W2, "att_src2": att_src2,
            "att_dst2": att_dst2, "b2": b2}


def _gat_conv(x, src, dst, W, att_src, att_dst, bias, heads, out_ch, concat):
    # PyG GATConv semantics (eval mode: attention dropout is identity).
    N = x.shape[0]
    h = (x @ W).reshape(N, heads, out_ch)
    a_src = (h * att_src[None, :, :]).sum(-1)  # [N, heads]
    a_dst = (h * att_dst[None, :, :]).sum(-1)  # [N, heads]
    alpha = a_src[src] + a_dst[dst]            # [E, heads]
    alpha = jax.nn.leaky_relu(alpha, negative_slope=0.2)
    amax = jax.ops.segment_max(alpha, dst, num_segments=N)
    amax = jnp.where(jnp.isfinite(amax), amax, 0.0)
    ealpha = jnp.exp(alpha - amax[dst])
    denom = jax.ops.segment_sum(ealpha, dst, num_segments=N)
    coef = ealpha / (denom[dst] + 1e-16)       # softmax over incoming edges per dst
    msg = h[src] * coef[:, :, None]            # [E, heads, out_ch]
    out = jax.ops.segment_sum(msg, dst, num_segments=N)  # [N, heads, out_ch]
    if concat:
        out = out.reshape(N, heads * out_ch)
    else:
        out = out.mean(axis=1)
    return out + bias[None, :]


def reference(x, edge_index, W1, att_src1, att_dst1, b1, W2, att_src2, att_dst2, b2):
    N = x.shape[0]
    # add_self_loops=True (PyG default)
    loops = jnp.arange(N, dtype=edge_index.dtype)
    src = jnp.concatenate([edge_index[0], loops])
    dst = jnp.concatenate([edge_index[1], loops])
    # dropout p=0.6 is identity in eval mode
    h = _gat_conv(x, src, dst, W1, att_src1, att_dst1, b1, HEADS, HID, True)
    h = jax.nn.elu(h)
    out = _gat_conv(h, src, dst, W2, att_src2, att_dst2, b2, 1, OUT_DIM, False)
    return out

if __name__ == "__main__":
    import jax
    _d = setup_inputs()
    print(jax.jit(kernel)(*tuple(_d.values())))

</pallas_src>

<mosaic_0001>
#map = affine_map<(d0, d1) -> (0, 0)>
#map1 = affine_map<(d0, d1) -> (0, 0, 0)>
module attributes {stable_mosaic.version = 14 : i64} {
  func.func @k(%arg0: i32, %arg1: i32, %arg2: memref<10240x16xf32, #tpu.memory_space<hbm>>, %arg3: memref<10240x16xf32, #tpu.memory_space<hbm>>, %arg4: memref<10240x128xf32, #tpu.memory_space<hbm>>, %arg5: memref<5000x64xi32, #tpu.memory_space<hbm>>, %arg6: memref<5000x64xi32, #tpu.memory_space<hbm>>, %arg7: memref<2x10240x16xf32, #tpu.memory_space<hbm>>, %arg8: memref<2x10240x128xf32, #tpu.memory_space<hbm>>, %arg9: memref<40x64xi32, #tpu.memory_space<vmem>>, %arg10: memref<40x64xi32, #tpu.memory_space<vmem>>, %arg11: memref<2x64x16xf32, #tpu.memory_space<vmem>>, %arg12: memref<2x64x16xf32, #tpu.memory_space<vmem>>, %arg13: memref<2x64x128xf32, #tpu.memory_space<vmem>>, %arg14: memref<2x64x16xf32, #tpu.memory_space<vmem>>, %arg15: memref<10240x16xf32, #tpu.memory_space<vmem_shared>>, %arg16: memref<10240x128xf32, #tpu.memory_space<vmem_shared>>, %arg17: memref<!tpu.dma_semaphore, #tpu.memory_space<semaphore_mem>>, %arg18: memref<!tpu.dma_semaphore, #tpu.memory_space<semaphore_mem>>, %arg19: memref<!tpu.dma_semaphore, #tpu.memory_space<semaphore_mem>>, %arg20: memref<!tpu.dma_semaphore, #tpu.memory_space<semaphore_mem>>, %arg21: memref<!tpu.dma_semaphore, #tpu.memory_space<semaphore_mem>>, %arg22: memref<!tpu.dma_semaphore, #tpu.memory_space<semaphore_mem>>, %arg23: memref<!tpu.dma_semaphore, #tpu.memory_space<semaphore_mem>>, %arg24: memref<!tpu.dma_semaphore, #tpu.memory_space<semaphore_mem>>, %arg25: memref<!tpu.dma_semaphore, #tpu.memory_space<semaphore_mem>>, %arg26: memref<!tpu.dma_semaphore, #tpu.memory_space<semaphore_mem>>) attributes {dimension_semantics = [#tpu.dimension_semantics<core_parallel>, #tpu.dimension_semantics<subcore_parallel>], iteration_bounds = array<i64: 2, 16>, scalar_prefetch = 0 : i64, scratch_operands = 18 : i64, tpu.core_type = #tpu.core_type<sc_vector_subcore>, window_params = [{transform_indices = #map}, {transform_indices = #map}, {transform_indices = #map}, {transform_indices = #map}, {transform_indices = #map}, {transform_indices = #map1}, {transform_indices = #map1}]} {
    %mul3A = arith.constant 2 : i32
    %mul3A_0 = arith.muli %arg1, %mul3A : i32
    %add3A = arith.addi %mul3A_0, %arg0 : i32
    %mul3A_1 = arith.constant 160 : i32
    %mul3A_2 = arith.muli %add3A, %mul3A_1 : i32
    %sub3A = arith.constant 5000 : i32
    %sub3A_3 = arith.subi %sub3A, %mul3A_2 : i32
    %jit3A = arith.constant 0 : i32
    %jit3A_4 = arith.constant 160 : i32
    %max3A = arith.maxsi %jit3A, %sub3A_3 : i32
    %min3A = arith.minsi %jit3A_4, %max3A : i32
    %scan3A = arith.constant 0 : i32
    %scan3A_5 = arith.constant 64 : i32
    %scan3A_6 = arith.addi %scan3A, %scan3A_5 : i32
    %scan3A_7 = arith.constant 1 : i32
    scf.for %scan3A_94 = %scan3A to %scan3A_6 step %scan3A_7  : i32 {
      %mul3A_95 = arith.constant 1 : i32
      %mul3A_96 = arith.muli %scan3A_94, %mul3A_95 : i32
      %add3A_97 = arith.constant 0 : i32
      %add3A_98 = arith.addi %add3A_97, %mul3A_96 : i32
      %broadcast_in_dim3A = arith.constant 0.000000e+00 : f32
      %broadcast_in_dim3A_99 = vector.broadcast %broadcast_in_dim3A : f32 to vector<16xf32>
      %swap3A = arith.constant 0 : i32
      %swap3A_100 = arith.index_cast %swap3A : i32 to index
      %swap3A_101 = arith.index_cast %add3A_98 : i32 to index
      %swap3A_102 = arith.constant 0 : index
      %swap3A_103 = tpu.vector_load %arg14[%swap3A_100, %swap3A_101, %swap3A_102] {strides = array<i32>} : memref<2x64x16xf32, #tpu.memory_space<vmem>>, vector<1x1x16xf32>,
      %swap3A_104 = vector.shape_cast %swap3A_103 : vector<1x1x16xf32> to vector<16xf32>
      %swap3A_105 = vector.shape_cast %broadcast_in_dim3A_99 : vector<16xf32> to vector<1x1x16xf32>
      tpu.vector_store %arg14[%swap3A_100, %swap3A_101, %swap3A_102], %swap3A_105 {strides = array<i32>} : memref<2x64x16xf32, #tpu.memory_space<vmem>>, vector<1x1x16xf32>,
      %broadcast_in_dim3A_106 = arith.constant 0.000000e+00 : f32
      %broadcast_in_dim3A_107 = vector.broadcast %broadcast_in_dim3A_106 : f32 to vector<16xf32>
      %swap3A_108 = arith.constant 0 : i32
      %swap3A_109 = arith.index_cast %swap3A_108 : i32 to index
      %swap3A_110 = arith.index_cast %add3A_98 : i32 to index
      %swap3A_111 = arith.constant 0 : index
      %swap3A_112 = tpu.vector_load %arg13[%swap3A_109, %swap3A_110, %swap3A_111] {strides = array<i32>} : memref<2x64x128xf32, #tpu.memory_space<vmem>>, vector<1x1x16xf32>,
      %swap3A_113 = vector.shape_cast %swap3A_112 : vector<1x1x16xf32> to vector<16xf32>
      %swap3A_114 = vector.shape_cast %broadcast_in_dim3A_107 : vector<16xf32> to vector<1x1x16xf32>
      tpu.vector_store %arg13[%swap3A_109, %swap3A_110, %swap3A_111], %swap3A_114 {strides = array<i32>} : memref<2x64x128xf32, #tpu.memory_space<vmem>>, vector<1x1x16xf32>,
      %broadcast_in_dim3A_115 = arith.constant 0.000000e+00 : f32
      %broadcast_in_dim3A_116 = vector.broadcast %broadcast_in_dim3A_115 : f32 to vector<16xf32>
      %swap3A_117 = arith.constant 0 : i32
      %swap3A_118 = arith.index_cast %swap3A_117 : i32 to index
      %swap3A_119 = arith.index_cast %add3A_98 : i32 to index
      %swap3A_120 = arith.constant 16 : index
      %swap3A_121 = tpu.vector_load %arg13[%swap3A_118, %swap3A_119, %swap3A_120] {strides = array<i32>} : memref<2x64x128xf32, #tpu.memory_space<vmem>>, vector<1x1x16xf32>,
      %swap3A_122 = vector.shape_cast %swap3A_121 : vector<1x1x16xf32> to vector<16xf32>
      %swap3A_123 = vector.shape_cast %broadcast_in_dim3A_116 : vector<16xf32> to vector<1x1x16xf32>
      tpu.vector_store %arg13[%swap3A_118, %swap3A_119, %swap3A_120], %swap3A_123 {strides = array<i32>} : memref<2x64x128xf32, #tpu.memory_space<vmem>>, vector<1x1x16xf32>,
      %broadcast_in_dim3A_124 = arith.constant 0.000000e+00 : f32
      %broadcast_in_dim3A_125 = vector.broadcast %broadcast_in_dim3A_124 : f32 to vector<16xf32>
      %swap3A_126 = arith.constant 0 : i32
      %swap3A_127 = arith.index_cast %swap3A_126 : i32 to index
      %swap3A_128 = arith.index_cast %add3A_98 : i32 to index
      %swap3A_129 = arith.constant 32 : index
      %swap3A_130 = tpu.vector_load %arg13[%swap3A_127, %swap3A_128, %swap3A_129] {strides = array<i32>} : memref<2x64x128xf32, #tpu.memory_space<vmem>>, vector<1x1x16xf32>,
      %swap3A_131 = vector.shape_cast %swap3A_130 : vector<1x1x16xf32> to vector<16xf32>
      %swap3A_132 = vector.shape_cast %broadcast_in_dim3A_125 : vector<16xf32> to vector<1x1x16xf32>
      tpu.vector_store %arg13[%swap3A_127, %swap3A_128, %swap3A_129], %swap3A_132 {strides = array<i32>} : memref<2x64x128xf32, #tpu.memory_space<vmem>>, vector<1x1x16xf32>,
      %broadcast_in_dim3A_133 = arith.constant 0.000000e+00 : f32
      %broadcast_in_dim3A_134 = vector.broadcast %broadcast_in_dim3A_133 : f32 to vector<16xf32>
      %swap3A_135 = arith.constant 0 : i32
      %swap3A_136 = arith.index_cast %swap3A_135 : i32 to index
      %swap3A_137 = arith.index_cast %add3A_98 : i32 to index
      %swap3A_138 = arith.constant 48 : index
      %swap3A_139 = tpu.vector_load %arg13[%swap3A_136, %swap3A_137, %swap3A_138] {strides = array<i32>} : memref<2x64x128xf32, #tpu.memory_space<vmem>>, vector<1x1x16xf32>,
      %swap3A_140 = vector.shape_cast %swap3A_139 : vector<1x1x16xf32> to vector<16xf32>
      %swap3A_141 = vector.shape_cast %broadcast_in_dim3A_134 : vector<16xf32> to vector<1x1x16xf32>
      tpu.vector_store %arg13[%swap3A_136, %swap3A_137, %swap3A_138], %swap3A_141 {strides = array<i32>} : memref<2x64x128xf32, #tpu.memory_space<vmem>>, vector<1x1x16xf32>,
      %broadcast_in_dim3A_142 = arith.constant 0.000000e+00 : f32
      %broadcast_in_dim3A_143 = vector.broadcast %broadcast_in_dim3A_142 : f32 to vector<16xf32>
      %swap3A_144 = arith.constant 0 : i32
      %swap3A_145 = arith.index_cast %swap3A_144 : i32 to index
      %swap3A_146 = arith.index_cast %add3A_98 : i32 to index
      %swap3A_147 = arith.constant 64 : index
      %swap3A_148 = tpu.vector_load %arg13[%swap3A_145, %swap3A_146, %swap3A_147] {strides = array<i32>} : memref<2x64x128xf32, #tpu.memory_space<vmem>>, vector<1x1x16xf32>,
      %swap3A_149 = vector.shape_cast %swap3A_148 : vector<1x1x16xf32> to vector<16xf32>
      %swap3A_150 = vector.shape_cast %broadcast_in_dim3A_143 : vector<16xf32> to vector<1x1x16xf32>
      tpu.vector_store %arg13[%swap3A_145, %swap3A_146, %swap3A_147], %swap3A_150 {strides = array<i32>} : memref<2x64x128xf32, #tpu.memory_space<vmem>>, vector<1x1x16xf32>,
      %broadcast_in_dim3A_151 = arith.constant 0.000000e+00 : f32
      %broadcast_in_dim3A_152 = vector.broadcast %broadcast_in_dim3A_151 : f32 to vector<16xf32>
      %swap3A_153 = arith.constant 0 : i32
      %swap3A_154 = arith.index_cast %swap3A_153 : i32 to index
      %swap3A_155 = arith.index_cast %add3A_98 : i32 to index
      %swap3A_156 = arith.constant 80 : index
      %swap3A_157 = tpu.vector_load %arg13[%swap3A_154, %swap3A_155, %swap3A_156] {strides = array<i32>} : memref<2x64x128xf32, #tpu.memory_space<vmem>>, vector<1x1x16xf32>,
      %swap3A_158 = vector.shape_cast %swap3A_157 : vector<1x1x16xf32> to vector<16xf32>
      %swap3A_159 = vector.shape_cast %broadcast_in_dim3A_152 : vector<16xf32> to vector<1x1x16xf32>
      tpu.vector_store %arg13[%swap3A_154, %swap3A_155, %swap3A_156], %swap3A_159 {strides = array<i32>} : memref<2x64x128xf32, #tpu.memory_space<vmem>>, vector<1x1x16xf32>,
      %broadcast_in_dim3A_160 = arith.constant 0.000000e+00 : f32
      %broadcast_in_dim3A_161 = vector.broadcast %broadcast_in_dim3A_160 : f32 to vector<16xf32>
      %swap3A_162 = arith.constant 0 : i32
      %swap3A_163 = arith.index_cast %swap3A_162 : i32 to index
      %swap3A_164 = arith.index_cast %add3A_98 : i32 to index
      %swap3A_165 = arith.constant 96 : index
      %swap3A_166 = tpu.vector_load %arg13[%swap3A_163, %swap3A_164, %swap3A_165] {strides = array<i32>} : memref<2x64x128xf32, #tpu.memory_space<vmem>>, vector<1x1x16xf32>,
      %swap3A_167 = vector.shape_cast %swap3A_166 : vector<1x1x16xf32> to vector<16xf32>
      %swap3A_168 = vector.shape_cast %broadcast_in_dim3A_161 : vector<16xf32> to vector<1x1x16xf32>
      tpu.vector_store %arg13[%swap3A_163, %swap3A_164, %swap3A_165], %swap3A_168 {strides = array<i32>} : memref<2x64x128xf32, #tpu.memory_space<vmem>>, vector<1x1x16xf32>,
      %broadcast_in_dim3A_169 = arith.constant 0.000000e+00 : f32
      %broadcast_in_dim3A_170 = vector.broadcast %broadcast_in_dim3A_169 : f32 to vector<16xf32>
      %swap3A_171 = arith.constant 0 : i32
      %swap3A_172 = arith.index_cast %swap3A_171 : i32 to index
      %swap3A_173 = arith.index_cast %add3A_98 : i32 to index
      %swap3A_174 = arith.constant 112 : index
      %swap3A_175 = tpu.vector_load %arg13[%swap3A_172, %swap3A_173, %swap3A_174] {strides = array<i32>} : memref<2x64x128xf32, #tpu.memory_space<vmem>>, vector<1x1x16xf32>,
      %swap3A_176 = vector.shape_cast %swap3A_175 : vector<1x1x16xf32> to vector<16xf32>
      %swap3A_177 = vector.shape_cast %broadcast_in_dim3A_170 : vector<16xf32> to vector<1x1x16xf32>
      tpu.vector_store %arg13[%swap3A_172, %swap3A_173, %swap3A_174], %swap3A_177 {strides = array<i32>} : memref<2x64x128xf32, #tpu.memory_space<vmem>>, vector<1x1x16xf32>,
    }
    %scan3A_8 = arith.constant 64 : i32
    %scan3A_9 = arith.constant 0 : i32
    %scan3A_10 = arith.constant 10 : i32
    %scan3A_11 = arith.addi %scan3A_9, %scan3A_10 : i32
    %scan3A_12 = arith.constant 1 : i32
    scf.for %scan3A_94 = %scan3A_9 to %scan3A_11 step %scan3A_12  : i32 {
      %mul3A_95 = arith.constant 1 : i32
      %mul3A_96 = arith.muli %scan3A_94, %mul3A_95 : i32
      %add3A_97 = arith.constant 0 : i32
      %add3A_98 = arith.addi %add3A_97, %mul3A_96 : i32
      %mul3A_99 = arith.constant 640 : i32
      %mul3A_100 = arith.muli %arg1, %mul3A_99 : i32
      %mul3A_101 = arith.constant 64 : i32
      %mul3A_102 = arith.muli %add3A_98, %mul3A_101 : i32
      %add3A_103 = arith.addi %mul3A_100, %mul3A_102 : i32
      %run_scoped3A = arith.constant 0 : i32
      "tpu.region"() ({
        %run_scoped3A_110 = tpu.sem_alloc : memref<!tpu.dma_semaphore, #tpu.memory_space<semaphore_mem>>
        %dma_start3A = arith.constant 0 : i32
        %dma_start3A_111 = arith.constant 0 : i32
        %dma_start3A_112 = tpu.memref_slice %arg14[%run_scoped3A, %dma_start3A, %dma_start3A_111] : memref<2x64x16xf32, #tpu.memory_space<vmem>> -> memref<1x64x16xf32, #tpu.memory_space<vmem>>
        %dma_start3A_113 = tpu.memref_squeeze %dma_start3A_112 : memref<1x64x16xf32, #tpu.memory_space<vmem>> -> memref<64x16xf32, #tpu.memory_space<vmem>>
        %dma_start3A_114 = arith.constant 0 : i32
        %dma_start3A_115 = tpu.memref_slice %arg15[%add3A_103, %dma_start3A_114] : memref<10240x16xf32, #tpu.memory_space<vmem_shared>> -> memref<64x16xf32, #tpu.memory_space<vmem_shared>>
        %dma_start3A_116 = arith.constant 0 : i32
        %dma_start3A_117 = tpu.memref_slice %arg15[%add3A_103, %dma_start3A_116] : memref<10240x16xf32, #tpu.memory_space<vmem_shared>> -> memref<64x16xf32, #tpu.memory_space<vmem_shared>>
        %dma_start3A_118 = arith.constant 0 : i32
        %dma_start3A_119 = arith.constant 0 : i32
        %dma_start3A_120 = tpu.memref_slice %arg14[%run_scoped3A, %dma_start3A_118, %dma_start3A_119] : memref<2x64x16xf32, #tpu.memory_space<vmem>> -> memref<1x64x16xf32, #tpu.memory_space<vmem>>
        %dma_start3A_121 = tpu.memref_squeeze %dma_start3A_120 : memref<1x64x16xf32, #tpu.memory_space<vmem>> -> memref<64x16xf32, #tpu.memory_space<vmem>>
        tpu.enqueue_dma source(%dma_start3A_121 : memref<64x16xf32, #tpu.memory_space<vmem>>) target(%dma_start3A_117 : memref<64x16xf32, #tpu.memory_space<vmem_shared>>) target_semaphore(%run_scoped3A_110 : memref<!tpu.dma_semaphore, #tpu.memory_space<semaphore_mem>>)
        %dma_wait3A_122 = arith.constant 0 : i32
        %dma_wait3A_123 = arith.constant 0 : i32
        %dma_wait3A_124 = tpu.memref_slice %arg14[%run_scoped3A, %dma_wait3A_122, %dma_wait3A_123] : memref<2x64x16xf32, #tpu.memory_space<vmem>> -> memref<1x64x16xf32, #tpu.memory_space<vmem>>
        %dma_wait3A_125 = tpu.memref_squeeze %dma_wait3A_124 : memref<1x64x16xf32, #tpu.memory_space<vmem>> -> memref<64x16xf32, #tpu.memory_space<vmem>>
        %dma_wait3A_126 = arith.constant 0 : i32
        %dma_wait3A_127 = tpu.memref_slice %arg15[%add3A_103, %dma_wait3A_126] : memref<10240x16xf32, #tpu.memory_space<vmem_shared>> -> memref<64x16xf32, #tpu.memory_space<vmem_shared>>
        %dma_wait3A_128 = arith.constant 0 : i32
        %dma_wait3A_129 = tpu.memref_slice %arg15[%add3A_103, %dma_wait3A_128] : memref<10240x16xf32, #tpu.memory_space<vmem_shared>> -> memref<64x16xf32, #tpu.memory_space<vmem_shared>>
        %dma_wait3A_130 = arith.constant 0 : i32
        %dma_wait3A_131 = arith.constant 0 : i32
        %dma_wait3A_132 = tpu.memref_slice %arg14[%run_scoped3A, %dma_wait3A_130, %dma_wait3A_131] : memref<2x64x16xf32, #tpu.memory_space<vmem>> -> memref<1x64x16xf32, #tpu.memory_space<vmem>>
        %dma_wait3A_133 = tpu.memref_squeeze %dma_wait3A_132 : memref<1x64x16xf32, #tpu.memory_space<vmem>> -> memref<64x16xf32, #tpu.memory_space<vmem>>
        tpu.wait_dma2 semaphore(%run_scoped3A_110 : memref<!tpu.dma_semaphore, #tpu.memory_space<semaphore_mem>>) src(%dma_wait3A_133 : memref<64x16xf32, #tpu.memory_space<vmem>>) dst(%dma_wait3A_129 : memref<64x16xf32, #tpu.memory_space<vmem_shared>>)
        tpu.yield
      }) : () -> ()
      %mul3A_104 = arith.constant 640 : i32
      %mul3A_105 = arith.muli %arg1, %mul3A_104 : i32
      %mul3A_106 = arith.constant 64 : i32
      %mul3A_107 = arith.muli %add3A_98, %mul3A_106 : i32
      %add3A_108 = arith.addi %mul3A_105, %mul3A_107 : i32
      %run_scoped3A_109 = arith.constant 0 : i32
      "tpu.region"() ({
        %run_scoped3A_110 = tpu.sem_alloc : memref<!tpu.dma_semaphore, #tpu.memory_space<semaphore_mem>>
        %dma_start3A = arith.constant 0 : i32
        %dma_start3A_111 = arith.constant 0 : i32
        %dma_start3A_112 = tpu.memref_slice %arg13[%run_scoped3A_109, %dma_start3A, %dma_start3A_111] : memref<2x64x128xf32, #tpu.memory_space<vmem>> -> memref<1x64x128xf32, #tpu.memory_space<vmem>>
        %dma_start3A_113 = tpu.memref_squeeze %dma_start3A_112 : memref<1x64x128xf32, #tpu.memory_space<vmem>> -> memref<64x128xf32, #tpu.memory_space<vmem>>
        %dma_start3A_114 = arith.constant 0 : i32
        %dma_start3A_115 = tpu.memref_slice %arg16[%add3A_108, %dma_start3A_114] : memref<10240x128xf32, #tpu.memory_space<vmem_shared>> -> memref<64x128xf32, #tpu.memory_space<vmem_shared>>
        %dma_start3A_116 = arith.constant 0 : i32
        %dma_start3A_117 = tpu.memref_slice %arg16[%add3A_108, %dma_start3A_116] : memref<10240x128xf32, #tpu.memory_space<vmem_shared>> -> memref<64x128xf32, #tpu.memory_space<vmem_shared>>
        %dma_start3A_118 = arith.constant 0 : i32
        %dma_start3A_119 = arith.constant 0 : i32
        %dma_start3A_120 = tpu.memref_slice %arg13[%run_scoped3A_109, %dma_start3A_118, %dma_start3A_119] : memref<2x64x128xf32, #tpu.memory_space<vmem>> -> memref<1x64x128xf32, #tpu.memory_space<vmem>>
        %dma_start3A_121 = tpu.memref_squeeze %dma_start3A_120 : memref<1x64x128xf32, #tpu.memory_space<vmem>> -> memref<64x128xf32, #tpu.memory_space<vmem>>
        tpu.enqueue_dma source(%dma_start3A_121 : memref<64x128xf32, #tpu.memory_space<vmem>>) target(%dma_start3A_117 : memref<64x128xf32, #tpu.memory_space<vmem_shared>>) target_semaphore(%run_scoped3A_110 : memref<!tpu.dma_semaphore, #tpu.memory_space<semaphore_mem>>)
        %dma_wait3A_122 = arith.constant 0 : i32
        %dma_wait3A_123 = arith.constant 0 : i32
        %dma_wait3A_124 = tpu.memref_slice %arg13[%run_scoped3A_109, %dma_wait3A_122, %dma_wait3A_123] : memref<2x64x128xf32, #tpu.memory_space<vmem>> -> memref<1x64x128xf32, #tpu.memory_space<vmem>>
        %dma_wait3A_125 = tpu.memref_squeeze %dma_wait3A_124 : memref<1x64x128xf32, #tpu.memory_space<vmem>> -> memref<64x128xf32, #tpu.memory_space<vmem>>
        %dma_wait3A_126 = arith.constant 0 : i32
        %dma_wait3A_127 = tpu.memref_slice %arg16[%add3A_108, %dma_wait3A_126] : memref<10240x128xf32, #tpu.memory_space<vmem_shared>> -> memref<64x128xf32, #tpu.memory_space<vmem_shared>>
        %dma_wait3A_128 = arith.constant 0 : i32
        %dma_wait3A_129 = tpu.memref_slice %arg16[%add3A_108, %dma_wait3A_128] : memref<10240x128xf32, #tpu.memory_space<vmem_shared>> -> memref<64x128xf32, #tpu.memory_space<vmem_shared>>
        %dma_wait3A_130 = arith.constant 0 : i32
        %dma_wait3A_131 = arith.constant 0 : i32
        %dma_wait3A_132 = tpu.memref_slice %arg13[%run_scoped3A_109, %dma_wait3A_130, %dma_wait3A_131] : memref<2x64x128xf32, #tpu.memory_space<vmem>> -> memref<1x64x128xf32, #tpu.memory_space<vmem>>
        %dma_wait3A_133 = tpu.memref_squeeze %dma_wait3A_132 : memref<1x64x128xf32, #tpu.memory_space<vmem>> -> memref<64x128xf32, #tpu.memory_space<vmem>>
        tpu.wait_dma2 semaphore(%run_scoped3A_110 : memref<!tpu.dma_semaphore, #tpu.memory_space<semaphore_mem>>) src(%dma_wait3A_133 : memref<64x128xf32, #tpu.memory_space<vmem>>) dst(%dma_wait3A_129 : memref<64x128xf32, #tpu.memory_space<vmem_shared>>)
        tpu.yield
      }) : () -> ()
    }
    %scan3A_13 = arith.constant 10 : i32
    %barrier3A = arith.constant 0 : index
    tpu.barrier barrier_id(%barrier3A)
    %iota3A = tpu.iota {dimensions = array<i32: 0>} : vector<16xi32>
    %jit3A_14 = arith.constant 8 : i32
    %eq3A = arith.constant 0 : i32
    %eq3A_15 = arith.cmpi eq, %jit3A_14, %eq3A : i32
    %jit3A_16 = arith.constant 1 : i32
    %select_n3A = arith.select %eq3A_15, %jit3A_16, %jit3A_14 : i32
    %rem3A = vector.broadcast %select_n3A : i32 to vector<16xi32>
    %rem3A_17 = arith.remsi %iota3A, %rem3A : vector<16xi32>
    %ne3A = arith.constant 0 : i32
    %ne3A_18 = vector.broadcast %ne3A : i32 to vector<16xi32>
    %ne3A_19 = arith.cmpi ne, %rem3A_17, %ne3A_18 : vector<16xi32>
    %lt3A = arith.constant 0 : i32
    %lt3A_20 = vector.broadcast %lt3A : i32 to vector<16xi32>
    %lt3A_21 = arith.cmpi slt, %rem3A_17, %lt3A_20 : vector<16xi32>
    %lt3A_22 = arith.constant 0 : i32
    %lt3A_23 = arith.cmpi slt, %select_n3A, %lt3A_22 : i32
    %ne3A_24 = vector.broadcast %lt3A_23 : i1 to vector<16xi1>
    %ne3A_25 = vector.broadcast %ne3A_24 : vector<16xi1> to vector<16xi1>
    %ne3A_26 = arith.xori %lt3A_21, %ne3A_25 : vector<16xi1>
    %and3A = arith.andi %ne3A_26, %ne3A_19 : vector<16xi1>
    %add3A_27 = vector.broadcast %select_n3A : i32 to vector<16xi32>
    %add3A_28 = arith.addi %rem3A_17, %add3A_27 : vector<16xi32>
    %select_n3A_29 = arith.select %and3A, %add3A_28, %rem3A_17 : vector<16xi1>, vector<16xi32>
    %add3A_30 = arith.constant 8 : i32
    %add3A_31 = vector.broadcast %add3A_30 : i32 to vector<16xi32>
    %add3A_32 = arith.addi %select_n3A_29, %add3A_31 : vector<16xi32>
    %scan3A_33 = arith.constant 0 : i32
    %scan3A_34 = arith.constant 4 : i32
    %scan3A_35 = arith.addi %scan3A_33, %scan3A_34 : i32
    %scan3A_36 = arith.constant 1 : i32
    scf.for %scan3A_94 = %scan3A_33 to %scan3A_35 step %scan3A_36  : i32 {
      %mul3A_95 = arith.constant 1 : i32
      %mul3A_96 = arith.muli %scan3A_94, %mul3A_95 : i32
      %add3A_97 = arith.constant 0 : i32
      %add3A_98 = arith.addi %add3A_97, %mul3A_96 : i32
      %mul3A_99 = arith.constant 40 : i32
      %mul3A_100 = arith.muli %add3A_98, %mul3A_99 : i32
      %lt3A_101 = arith.cmpi slt, %mul3A_100, %min3A : i32
      %convert_element_type3A = arith.extui %lt3A_101 : i1 to i32
      %cond3A = arith.constant 0 : i32
      %cond3A_102 = arith.cmpi ne, %convert_element_type3A, %cond3A : i32
      scf.if %cond3A_102 {
        %add3A_103 = arith.addi %mul3A_2, %mul3A_100 : i32
        "tpu.region"() ({
          %run_scoped3A = tpu.sem_alloc : memref<!tpu.dma_semaphore, #tpu.memory_space<semaphore_mem>>
          %dma_start3A = arith.constant 0 : i32
          %dma_start3A_110 = tpu.memref_slice %arg5[%add3A_103, %dma_start3A] : memref<5000x64xi32, #tpu.memory_space<hbm>> -> memref<40x64xi32, #tpu.memory_space<hbm>>
          %dma_start3A_111 = arith.constant 0 : i32
          %dma_start3A_112 = tpu.memref_slice %arg5[%add3A_103, %dma_start3A_111] : memref<5000x64xi32, #tpu.memory_space<hbm>> -> memref<40x64xi32, #tpu.memory_space<hbm>>
          tpu.enqueue_dma source(%dma_start3A_112 : memref<40x64xi32, #tpu.memory_space<hbm>>) target(%arg9 : memref<40x64xi32, #tpu.memory_space<vmem>>) target_semaphore(%run_scoped3A : memref<!tpu.dma_semaphore, #tpu.memory_space<semaphore_mem>>)
          %dma_wait3A_113 = arith.constant 0 : i32
          %dma_wait3A_114 = tpu.memref_slice %arg5[%add3A_103, %dma_wait3A_113] : memref<5000x64xi32, #tpu.memory_space<hbm>> -> memref<40x64xi32, #tpu.memory_space<hbm>>
          %dma_wait3A_115 = arith.constant 0 : i32
          %dma_wait3A_116 = tpu.memref_slice %arg5[%add3A_103, %dma_wait3A_115] : memref<5000x64xi32, #tpu.memory_space<hbm>> -> memref<40x64xi32, #tpu.memory_space<hbm>>
          tpu.wait_dma2 semaphore(%run_scoped3A : memref<!tpu.dma_semaphore, #tpu.memory_space<semaphore_mem>>) src(%dma_wait3A_116 : memref<40x64xi32, #tpu.memory_space<hbm>>) dst(%arg9 : memref<40x64xi32, #tpu.memory_space<vmem>>)
          tpu.yield
        }) : () -> ()
        %add3A_104 = arith.addi %mul3A_2, %mul3A_100 : i32
        "tpu.region"() ({
          %run_scoped3A = tpu.sem_alloc : memref<!tpu.dma_semaphore, #tpu.memory_space<semaphore_mem>>
          %dma_start3A = arith.constant 0 : i32
          %dma_start3A_110 = tpu.memref_slice %arg6[%add3A_104, %dma_start3A] : memref<5000x64xi32, #tpu.memory_space<hbm>> -> memref<40x64xi32, #tpu.memory_space<hbm>>
          %dma_start3A_111 = arith.constant 0 : i32
          %dma_start3A_112 = tpu.memref_slice %arg6[%add3A_104, %dma_start3A_111] : memref<5000x64xi32, #tpu.memory_space<hbm>> -> memref<40x64xi32, #tpu.memory_space<hbm>>
          tpu.enqueue_dma source(%dma_start3A_112 : memref<40x64xi32, #tpu.memory_space<hbm>>) target(%arg10 : memref<40x64xi32, #tpu.memory_space<vmem>>) target_semaphore(%run_scoped3A : memref<!tpu.dma_semaphore, #tpu.memory_space<semaphore_mem>>)
          %dma_wait3A_113 = arith.constant 0 : i32
          %dma_wait3A_114 = tpu.memref_slice %arg6[%add3A_104, %dma_wait3A_113] : memref<5000x64xi32, #tpu.memory_space<hbm>> -> memref<40x64xi32, #tpu.memory_space<hbm>>
          %dma_wait3A_115 = arith.constant 0 : i32
          %dma_wait3A_116 = tpu.memref_slice %arg6[%add3A_104, %dma_wait3A_115] : memref<5000x64xi32, #tpu.memory_space<hbm>> -> memref<40x64xi32, #tpu.memory_space<hbm>>
          tpu.wait_dma2 semaphore(%run_scoped3A : memref<!tpu.dma_semaphore, #tpu.memory_space<semaphore_mem>>) src(%dma_wait3A_116 : memref<40x64xi32, #tpu.memory_space<hbm>>) dst(%arg10 : memref<40x64xi32, #tpu.memory_space<vmem>>)
          tpu.yield
        }) : () -> ()
        %scan3A_105 = arith.constant 0 : i32
        %scan3A_106 = arith.constant 20 : i32
        %scan3A_107 = arith.addi %scan3A_105, %scan3A_106 : i32
        %scan3A_108 = arith.constant 1 : i32
        scf.for %scan3A_110 = %scan3A_105 to %scan3A_107 step %scan3A_108  : i32 {
          %mul3A_111 = arith.constant 1 : i32
          %mul3A_112 = arith.muli %scan3A_110, %mul3A_111 : i32
          %add3A_113 = arith.constant 0 : i32
          %add3A_114 = arith.addi %add3A_113, %mul3A_112 : i32
          %mul3A_115 = arith.constant 2 : i32
          %mul3A_116 = arith.muli %mul3A_115, %add3A_114 : i32
          %add3A_117 = arith.constant 1 : i32
          %add3A_118 = arith.addi %mul3A_116, %add3A_117 : i32
          %add3A_119 = arith.addi %mul3A_100, %mul3A_116 : i32
          %lt3A_120 = arith.cmpi slt, %add3A_119, %min3A : i32
          %convert_element_type3A_121 = arith.extui %lt3A_120 : i1 to i32
          %cond3A_122 = arith.constant 0 : i32
          %cond3A_123 = arith.cmpi ne, %convert_element_type3A_121, %cond3A_122 : i32
          scf.if %cond3A_123 {
            %add3A_124 = arith.addi %mul3A_100, %add3A_114 : i32
            %gt3A = arith.constant 0 : i32
            %gt3A_125 = arith.cmpi sgt, %add3A_124, %gt3A : i32
            %convert_element_type3A_126 = arith.extui %gt3A_125 : i1 to i32
            %cond3A_127 = arith.constant 0 : i32
            %cond3A_128 = arith.cmpi ne, %convert_element_type3A_126, %cond3A_127 : i32
            scf.if %cond3A_128 {
              %dma_wait3A_309 = arith.constant 0 : i32
              %dma_wait3A_310 = arith.constant 0 : i32
              %dma_wait3A_311 = arith.constant 0 : i32
              %dma_wait3A_312 = arith.constant 0 : i32
              %dma_wait3A_313 = tpu.memref_slice %arg14[%dma_wait3A_309, %dma_wait3A_311, %dma_wait3A_312] : memref<2x64x16xf32, #tpu.memory_space<vmem>> -> memref<1x64x16xf32, #tpu.memory_space<vmem>>
              %dma_wait3A_314 = tpu.memref_squeeze %dma_wait3A_313 : memref<1x64x16xf32, #tpu.memory_space<vmem>> -> memref<64x16xf32, #tpu.memory_space<vmem>>
              %dma_wait3A_315 = arith.constant 0 : i32
              %dma_wait3A_316 = tpu.memref_slice %arg10[%dma_wait3A_310, %dma_wait3A_315] : memref<40x64xi32, #tpu.memory_space<vmem>> -> memref<1x64xi32, #tpu.memory_space<vmem>>
              %dma_wait3A_317 = tpu.memref_squeeze %dma_wait3A_316 : memref<1x64xi32, #tpu.memory_space<vmem>> -> memref<64xi32, #tpu.memory_space<vmem>>
              %dma_wait3A_318 = arith.constant 0 : i32
              %dma_wait3A_319 = arith.constant 0 : i32
              %dma_wait3A_320 = tpu.memref_slice %arg15[%dma_wait3A_318, %dma_wait3A_319] : memref<10240x16xf32, #tpu.memory_space<vmem_shared>> -> memref<10240x16xf32, #tpu.memory_space<vmem_shared>>
              tpu.wait_indirect_dma semaphore(%arg23 : memref<!tpu.dma_semaphore, #tpu.memory_space<semaphore_mem>>) src(%dma_wait3A_314 : memref<64x16xf32, #tpu.memory_space<vmem>>) dst(%dma_wait3A_320 : memref<10240x16xf32, #tpu.memory_space<vmem_shared>>)
              %dma_wait3A_321 = arith.constant 0 : i32
              %dma_wait3A_322 = arith.constant 0 : i32
              %dma_wait3A_323 = arith.constant 0 : i32
              %dma_wait3A_324 = arith.constant 0 : i32
              %dma_wait3A_325 = tpu.memref_slice %arg13[%dma_wait3A_321, %dma_wait3A_323, %dma_wait3A_324] : memref<2x64x128xf32, #tpu.memory_space<vmem>> -> memref<1x64x128xf32, #tpu.memory_space<vmem>>
              %dma_wait3A_326 = tpu.memref_squeeze %dma_wait3A_325 : memref<1x64x128xf32, #tpu.memory_space<vmem>> -> memref<64x128xf32, #tpu.memory_space<vmem>>
              %dma_wait3A_327 = arith.constant 0 : i32
              %dma_wait3A_328 = tpu.memref_slice %arg10[%dma_wait3A_322, %dma_wait3A_327] : memref<40x64xi32, #tpu.memory_space<vmem>> -> memref<1x64xi32, #tpu.memory_space<vmem>>
              %dma_wait3A_329 = tpu.memref_squeeze %dma_wait3A_328 : memref<1x64xi32, #tpu.memory_space<vmem>> -> memref<64xi32, #tpu.memory_space<vmem>>
              %dma_wait3A_330 = arith.constant 0 : i32
              %dma_wait3A_331 = arith.constant 0 : i32
              %dma_wait3A_332 = tpu.memref_slice %arg16[%dma_wait3A_330, %dma_wait3A_331] : memref<10240x128xf32, #tpu.memory_space<vmem_shared>> -> memref<10240x128xf32, #tpu.memory_space<vmem_shared>>
              tpu.wait_indirect_dma semaphore(%arg24 : memref<!tpu.dma_semaphore, #tpu.memory_space<semaphore_mem>>) src(%dma_wait3A_326 : memref<64x128xf32, #tpu.memory_space<vmem>>) dst(%dma_wait3A_332 : memref<10240x128xf32, #tpu.memory_space<vmem_shared>>)
              %dma_wait3A_333 = arith.constant 1 : i32
              %dma_wait3A_334 = arith.constant 0 : i32
              %dma_wait3A_335 = arith.constant 0 : i32
              %dma_wait3A_336 = arith.constant 0 : i32
              %dma_wait3A_337 = tpu.memref_slice %arg14[%dma_wait3A_333, %dma_wait3A_335, %dma_wait3A_336] : memref<2x64x16xf32, #tpu.memory_space<vmem>> -> memref<1x64x16xf32, #tpu.memory_space<vmem>>
              %dma_wait3A_338 = tpu.memref_squeeze %dma_wait3A_337 : memref<1x64x16xf32, #tpu.memory_space<vmem>> -> memref<64x16xf32, #tpu.memory_space<vmem>>
              %dma_wait3A_339 = arith.constant 0 : i32
              %dma_wait3A_340 = tpu.memref_slice %arg10[%dma_wait3A_334, %dma_wait3A_339] : memref<40x64xi32, #tpu.memory_space<vmem>> -> memref<1x64xi32, #tpu.memory_space<vmem>>
              %dma_wait3A_341 = tpu.memref_squeeze %dma_wait3A_340 : memref<1x64xi32, #tpu.memory_space<vmem>> -> memref<64xi32, #tpu.memory_space<vmem>>
              %dma_wait3A_342 = arith.constant 0 : i32
              %dma_wait3A_343 = arith.constant 0 : i32
              %dma_wait3A_344 = tpu.memref_slice %arg15[%dma_wait3A_342, %dma_wait3A_343] : memref<10240x16xf32, #tpu.memory_space<vmem_shared>> -> memref<10240x16xf32, #tpu.memory_space<vmem_shared>>
              tpu.wait_indirect_dma semaphore(%arg25 : memref<!tpu.dma_semaphore, #tpu.memory_space<semaphore_mem>>) src(%dma_wait3A_338 : memref<64x16xf32, #tpu.memory_space<vmem>>) dst(%dma_wait3A_344 : memref<10240x16xf32, #tpu.memory_space<vmem_shared>>)
              %dma_wait3A_345 = arith.constant 1 : i32
              %dma_wait3A_346 = arith.constant 0 : i32
              %dma_wait3A_347 = arith.constant 0 : i32
              %dma_wait3A_348 = arith.constant 0 : i32
              %dma_wait3A_349 = tpu.memref_slice %arg13[%dma_wait3A_345, %dma_wait3A_347, %dma_wait3A_348] : memref<2x64x128xf32, #tpu.memory_space<vmem>> -> memref<1x64x128xf32, #tpu.memory_space<vmem>>
              %dma_wait3A_350 = tpu.memref_squeeze %dma_wait3A_349 : memref<1x64x128xf32, #tpu.memory_space<vmem>> -> memref<64x128xf32, #tpu.memory_space<vmem>>
              %dma_wait3A_351 = arith.constant 0 : i32
              %dma_wait3A_352 = tpu.memref_slice %arg10[%dma_wait3A_346, %dma_wait3A_351] : memref<40x64xi32, #tpu.memory_space<vmem>> -> memref<1x64xi32, #tpu.memory_space<vmem>>
              %dma_wait3A_353 = tpu.memref_squeeze %dma_wait3A_352 : memref<1x64xi32, #tpu.memory_space<vmem>> -> memref<64xi32, #tpu.memory_space<vmem>>
              %dma_wait3A_354 = arith.constant 0 : i32
              %dma_wait3A_355 = arith.constant 0 : i32
              %dma_wait3A_356 = tpu.memref_slice %arg16[%dma_wait3A_354, %dma_wait3A_355] : memref<10240x128xf32, #tpu.memory_space<vmem_shared>> -> memref<10240x128xf32, #tpu.memory_space<vmem_shared>>
              tpu.wait_indirect_dma semaphore(%arg26 : memref<!tpu.dma_semaphore, #tpu.memory_space<semaphore_mem>>) src(%dma_wait3A_350 : memref<64x128xf32, #tpu.memory_space<vmem>>) dst(%dma_wait3A_356 : memref<10240x128xf32, #tpu.memory_space<vmem_shared>>)
            } else {
            }
            %dma_start3A = arith.constant 0 : i32
            %dma_start3A_129 = arith.constant 0 : i32
            %dma_start3A_130 = arith.constant 0 : i32
            %dma_start3A_131 = tpu.memref_slice %arg11[%dma_start3A, %dma_start3A_129, %dma_start3A_130] : memref<2x64x16xf32, #tpu.memory_space<vmem>> -> memref<1x64x16xf32, #tpu.memory_space<vmem>>
            %dma_start3A_132 = tpu.memref_squeeze %dma_start3A_131 : memref<1x64x16xf32, #tpu.memory_space<vmem>> -> memref<64x16xf32, #tpu.memory_space<vmem>>
            %dma_start3A_133 = arith.constant 0 : i32
            %dma_start3A_134 = tpu.memref_slice %arg9[%mul3A_116, %dma_start3A_133] : memref<40x64xi32, #tpu.memory_space<vmem>> -> memref<1x64xi32, #tpu.memory_space<vmem>>
            %dma_start3A_135 = tpu.memref_squeeze %dma_start3A_134 : memref<1x64xi32, #tpu.memory_space<vmem>> -> memref<64xi32, #tpu.memory_space<vmem>>
            %dma_start3A_136 = arith.constant 0 : i32
            %dma_start3A_137 = arith.constant 0 : i32
            %dma_start3A_138 = tpu.memref_slice %arg2[%dma_start3A_136, %dma_start3A_137] : memref<10240x16xf32, #tpu.memory_space<hbm>> -> memref<10240x16xf32, #tpu.memory_space<hbm>>
            tpu.enqueue_indirect_dma source(%dma_start3A_138 : memref<10240x16xf32, #tpu.memory_space<hbm>>) target(%dma_start3A_132 : memref<64x16xf32, #tpu.memory_space<vmem>>) offsets(%dma_start3A_135 : memref<64xi32, #tpu.memory_space<vmem>>) semaphore(%arg17 : memref<!tpu.dma_semaphore, #tpu.memory_space<semaphore_mem>>)
            %dma_start3A_139 = arith.constant 0 : i32
            %dma_start3A_140 = arith.constant 0 : i32
            %dma_start3A_141 = arith.constant 0 : i32
            %dma_start3A_142 = tpu.memref_slice %arg12[%dma_start3A_139, %dma_start3A_140, %dma_start3A_141] : memref<2x64x16xf32, #tpu.memory_space<vmem>> -> memref<1x64x16xf32, #tpu.memory_space<vmem>>
            %dma_start3A_143 = tpu.memref_squeeze %dma_start3A_142 : memref<1x64x16xf32, #tpu.memory_space<vmem>> -> memref<64x16xf32, #tpu.memory_space<vmem>>
            %dma_start3A_144 = arith.constant 0 : i32
            %dma_start3A_145 = tpu.memref_slice %arg10[%mul3A_116, %dma_start3A_144] : memref<40x64xi32, #tpu.memory_space<vmem>> -> memref<1x64xi32, #tpu.memory_space<vmem>>
            %dma_start3A_146 = tpu.memref_squeeze %dma_start3A_145 : memref<1x64xi32, #tpu.memory_space<vmem>> -> memref<64xi32, #tpu.memory_space<vmem>>
            %dma_start3A_147 = arith.constant 0 : i32
            %dma_start3A_148 = arith.constant 0 : i32
            %dma_start3A_149 = tpu.memref_slice %arg3[%dma_start3A_147, %dma_start3A_148] : memref<10240x16xf32, #tpu.memory_space<hbm>> -> memref<10240x16xf32, #tpu.memory_space<hbm>>
            tpu.enqueue_indirect_dma source(%dma_start3A_149 : memref<10240x16xf32, #tpu.memory_space<hbm>>) target(%dma_start3A_143 : memref<64x16xf32, #tpu.memory_space<vmem>>) offsets(%dma_start3A_146 : memref<64xi32, #tpu.memory_space<vmem>>) semaphore(%arg18 : memref<!tpu.dma_semaphore, #tpu.memory_space<semaphore_mem>>)
            %dma_start3A_150 = arith.constant 0 : i32
            %dma_start3A_151 = arith.constant 0 : i32
            %dma_start3A_152 = arith.constant 0 : i32
            %dma_start3A_153 = tpu.memref_slice %arg13[%dma_start3A_150, %dma_start3A_151, %dma_start3A_152] : memref<2x64x128xf32, #tpu.memory_space<vmem>> -> memref<1x64x128xf32, #tpu.memory_space<vmem>>
            %dma_start3A_154 = tpu.memref_squeeze %dma_start3A_153 : memref<1x64x128xf32, #tpu.memory_space<vmem>> -> memref<64x128xf32, #tpu.memory_space<vmem>>
            %dma_start3A_155 = arith.constant 0 : i32
            %dma_start3A_156 = tpu.memref_slice %arg9[%mul3A_116, %dma_start3A_155] : memref<40x64xi32, #tpu.memory_space<vmem>> -> memref<1x64xi32, #tpu.memory_space<vmem>>
            %dma_start3A_157 = tpu.memref_squeeze %dma_start3A_156 : memref<1x64xi32, #tpu.memory_space<vmem>> -> memref<64xi32, #tpu.memory_space<vmem>>
            %dma_start3A_158 = arith.constant 0 : i32
            %dma_start3A_159 = arith.constant 0 : i32
            %dma_start3A_160 = tpu.memref_slice %arg4[%dma_start3A_158, %dma_start3A_159] : memref<10240x128xf32, #tpu.memory_space<hbm>> -> memref<10240x128xf32, #tpu.memory_space<hbm>>
            tpu.enqueue_indirect_dma source(%dma_start3A_160 : memref<10240x128xf32, #tpu.memory_space<hbm>>) target(%dma_start3A_154 : memref<64x128xf32, #tpu.memory_space<vmem>>) offsets(%dma_start3A_157 : memref<64xi32, #tpu.memory_space<vmem>>) semaphore(%arg19 : memref<!tpu.dma_semaphore, #tpu.memory_space<semaphore_mem>>)
            %dma_start3A_161 = arith.constant 1 : i32
            %dma_start3A_162 = arith.constant 0 : i32
            %dma_start3A_163 = arith.constant 0 : i32
            %dma_start3A_164 = tpu.memref_slice %arg11[%dma_start3A_161, %dma_start3A_162, %dma_start3A_163] : memref<2x64x16xf32, #tpu.memory_space<vmem>> -> memref<1x64x16xf32, #tpu.memory_space<vmem>>
            %dma_start3A_165 = tpu.memref_squeeze %dma_start3A_164 : memref<1x64x16xf32, #tpu.memory_space<vmem>> -> memref<64x16xf32, #tpu.memory_space<vmem>>
            %dma_start3A_166 = arith.constant 0 : i32
            %dma_start3A_167 = tpu.memref_slice %arg9[%add3A_118, %dma_start3A_166] : memref<40x64xi32, #tpu.memory_space<vmem>> -> memref<1x64xi32, #tpu.memory_space<vmem>>
            %dma_start3A_168 = tpu.memref_squeeze %dma_start3A_167 : memref<1x64xi32, #tpu.memory_space<vmem>> -> memref<64xi32, #tpu.memory_space<vmem>>
            %dma_start3A_169 = arith.constant 0 : i32
            %dma_start3A_170 = arith.constant 0 : i32
            %dma_start3A_171 = tpu.memref_slice %arg2[%dma_start3A_169, %dma_start3A_170] : memref<10240x16xf32, #tpu.memory_space<hbm>> -> memref<10240x16xf32, #tpu.memory_space<hbm>>
            tpu.enqueue_indirect_dma source(%dma_start3A_171 : memref<10240x16xf32, #tpu.memory_space<hbm>>) target(%dma_start3A_165 : memref<64x16xf32, #tpu.memory_space<vmem>>) offsets(%dma_start3A_168 : memref<64xi32, #tpu.memory_space<vmem>>) semaphore(%arg20 : memref<!tpu.dma_semaphore, #tpu.memory_space<semaphore_mem>>)
            %dma_start3A_172 = arith.constant 1 : i32
            %dma_start3A_173 = arith.constant 0 : i32
            %dma_start3A_174 = arith.constant 0 : i32
            %dma_start3A_175 = tpu.memref_slice %arg12[%dma_start3A_172, %dma_start3A_173, %dma_start3A_174] : memref<2x64x16xf32, #tpu.memory_space<vmem>> -> memref<1x64x16xf32, #tpu.memory_space<vmem>>
            %dma_start3A_176 = tpu.memref_squeeze %dma_start3A_175 : memref<1x64x16xf32, #tpu.memory_space<vmem>> -> memref<64x16xf32, #tpu.memory_space<vmem>>
            %dma_start3A_177 = arith.constant 0 : i32
            %dma_start3A_178 = tpu.memref_slice %arg10[%add3A_118, %dma_start3A_177] : memref<40x64xi32, #tpu.memory_space<vmem>> -> memref<1x64xi32, #tpu.memory_space<vmem>>
            %dma_start3A_179 = tpu.memref_squeeze %dma_start3A_178 : memref<1x64xi32, #tpu.memory_space<vmem>> -> memref<64xi32, #tpu.memory_space<vmem>>
            %dma_start3A_180 = arith.constant 0 : i32
            %dma_start3A_181 = arith.constant 0 : i32
            %dma_start3A_182 = tpu.memref_slice %arg3[%dma_start3A_180, %dma_start3A_181] : memref<10240x16xf32, #tpu.memory_space<hbm>> -> memref<10240x16xf32, #tpu.memory_space<hbm>>
            tpu.enqueue_indirect_dma source(%dma_start3A_182 : memref<10240x16xf32, #tpu.memory_space<hbm>>) target(%dma_start3A_176 : memref<64x16xf32, #tpu.memory_space<vmem>>) offsets(%dma_start3A_179 : memref<64xi32, #tpu.memory_space<vmem>>) semaphore(%arg21 : memref<!tpu.dma_semaphore, #tpu.memory_space<semaphore_mem>>)
            %dma_start3A_183 = arith.constant 1 : i32
            %dma_start3A_184 = arith.constant 0 : i32
            %dma_start3A_185 = arith.constant 0 : i32
            %dma_start3A_186 = tpu.memref_slice %arg13[%dma_start3A_183, %dma_start3A_184, %dma_start3A_185] : memref<2x64x128xf32, #tpu.memory_space<vmem>> -> memref<1x64x128xf32, #tpu.memory_space<vmem>>
            %dma_start3A_187 = tpu.memref_squeeze %dma_start3A_186 : memref<1x64x128xf32, #tpu.memory_space<vmem>> -> memref<64x128xf32, #tpu.memory_space<vmem>>
            %dma_start3A_188 = arith.constant 0 : i32
            %dma_start3A_189 = tpu.memref_slice %arg9[%add3A_118, %dma_start3A_188] : memref<40x64xi32, #tpu.memory_space<vmem>> -> memref<1x64xi32, #tpu.memory_space<vmem>>
            %dma_start3A_190 = tpu.memref_squeeze %dma_start3A_189 : memref<1x64xi32, #tpu.memory_space<vmem>> -> memref<64xi32, #tpu.memory_space<vmem>>
            %dma_start3A_191 = arith.constant 0 : i32
            %dma_start3A_192 = arith.constant 0 : i32
            %dma_start3A_193 = tpu.memref_slice %arg4[%dma_start3A_191, %dma_start3A_192] : memref<10240x128xf32, #tpu.memory_space<hbm>> -> memref<10240x128xf32, #tpu.memory_space<hbm>>
            tpu.enqueue_indirect_dma source(%dma_start3A_193 : memref<10240x128xf32, #tpu.memory_space<hbm>>) target(%dma_start3A_187 : memref<64x128xf32, #tpu.memory_space<vmem>>) offsets(%dma_start3A_190 : memref<64xi32, #tpu.memory_space<vmem>>) semaphore(%arg22 : memref<!tpu.dma_semaphore, #tpu.memory_space<semaphore_mem>>)
            %dma_wait3A_194 = arith.constant 0 : i32
            %dma_wait3A_195 = arith.constant 0 : i32
            %dma_wait3A_196 = arith.constant 0 : i32
            %dma_wait3A_197 = tpu.memref_slice %arg11[%dma_wait3A_194, %dma_wait3A_195, %dma_wait3A_196] : memref<2x64x16xf32, #tpu.memory_space<vmem>> -> memref<1x64x16xf32, #tpu.memory_space<vmem>>
            %dma_wait3A_198 = tpu.memref_squeeze %dma_wait3A_197 : memref<1x64x16xf32, #tpu.memory_space<vmem>> -> memref<64x16xf32, #tpu.memory_space<vmem>>
            %dma_wait3A_199 = arith.constant 0 : i32
            %dma_wait3A_200 = tpu.memref_slice %arg9[%mul3A_116, %dma_wait3A_199] : memref<40x64xi32, #tpu.memory_space<vmem>> -> memref<1x64xi32, #tpu.memory_space<vmem>>
            %dma_wait3A_201 = tpu.memref_squeeze %dma_wait3A_200 : memref<1x64xi32, #tpu.memory_space<vmem>> -> memref<64xi32, #tpu.memory_space<vmem>>
            %dma_wait3A_202 = arith.constant 0 : i32
            %dma_wait3A_203 = arith.constant 0 : i32
            %dma_wait3A_204 = tpu.memref_slice %arg2[%dma_wait3A_202, %dma_wait3A_203] : memref<10240x16xf32, #tpu.memory_space<hbm>> -> memref<10240x16xf32, #tpu.memory_space<hbm>>
            tpu.wait_indirect_dma semaphore(%arg17 : memref<!tpu.dma_semaphore, #tpu.memory_space<semaphore_mem>>) src(%dma_wait3A_204 : memref<10240x16xf32, #tpu.memory_space<hbm>>) dst(%dma_wait3A_198 : memref<64x16xf32, #tpu.memory_space<vmem>>)
            %dma_wait3A_205 = arith.constant 0 : i32
            %dma_wait3A_206 = arith.constant 0 : i32
            %dma_wait3A_207 = arith.constant 0 : i32
            %dma_wait3A_208 = tpu.memref_slice %arg12[%dma_wait3A_205, %dma_wait3A_206, %dma_wait3A_207] : memref<2x64x16xf32, #tpu.memory_space<vmem>> -> memref<1x64x16xf32, #tpu.memory_space<vmem>>
            %dma_wait3A_209 = tpu.memref_squeeze %dma_wait3A_208 : memref<1x64x16xf32, #tpu.memory_space<vmem>> -> memref<64x16xf32, #tpu.memory_space<vmem>>
            %dma_wait3A_210 = arith.constant 0 : i32
            %dma_wait3A_211 = tpu.memref_slice %arg10[%mul3A_116, %dma_wait3A_210] : memref<40x64xi32, #tpu.memory_space<vmem>> -> memref<1x64xi32, #tpu.memory_space<vmem>>
            %dma_wait3A_212 = tpu.memref_squeeze %dma_wait3A_211 : memref<1x64xi32, #tpu.memory_space<vmem>> -> memref<64xi32, #tpu.memory_space<vmem>>
            %dma_wait3A_213 = arith.constant 0 : i32
            %dma_wait3A_214 = arith.constant 0 : i32
            %dma_wait3A_215 = tpu.memref_slice %arg3[%dma_wait3A_213, %dma_wait3A_214] : memref<10240x16xf32, #tpu.memory_space<hbm>> -> memref<10240x16xf32, #tpu.memory_space<hbm>>
            tpu.wait_indirect_dma semaphore(%arg18 : memref<!tpu.dma_semaphore, #tpu.memory_space<semaphore_mem>>) src(%dma_wait3A_215 : memref<10240x16xf32, #tpu.memory_space<hbm>>) dst(%dma_wait3A_209 : memref<64x16xf32, #tpu.memory_space<vmem>>)
            %dma_wait3A_216 = arith.constant 0 : i32
            %dma_wait3A_217 = arith.constant 0 : i32
            %dma_wait3A_218 = arith.constant 0 : i32
            %dma_wait3A_219 = tpu.memref_slice %arg13[%dma_wait3A_216, %dma_wait3A_217, %dma_wait3A_218] : memref<2x64x128xf32, #tpu.memory_space<vmem>> -> memref<1x64x128xf32, #tpu.memory_space<vmem>>
            %dma_wait3A_220 = tpu.memref_squeeze %dma_wait3A_219 : memref<1x64x128xf32, #tpu.memory_space<vmem>> -> memref<64x128xf32, #tpu.memory_space<vmem>>
            %dma_wait3A_221 = arith.constant 0 : i32
            %dma_wait3A_222 = tpu.memref_slice %arg9[%mul3A_116, %dma_wait3A_221] : memref<40x64xi32, #tpu.memory_space<vmem>> -> memref<1x64xi32, #tpu.memory_space<vmem>>
            %dma_wait3A_223 = tpu.memref_squeeze %dma_wait3A_222 : memref<1x64xi32, #tpu.memory_space<vmem>> -> memref<64xi32, #tpu.memory_space<vmem>>
            %dma_wait3A_224 = arith.constant 0 : i32
            %dma_wait3A_225 = arith.constant 0 : i32
            %dma_wait3A_226 = tpu.memref_slice %arg4[%dma_wait3A_224, %dma_wait3A_225] : memref<10240x128xf32, #tpu.memory_space<hbm>> -> memref<10240x128xf32, #tpu.memory_space<hbm>>
            tpu.wait_indirect_dma semaphore(%arg19 : memref<!tpu.dma_semaphore, #tpu.memory_space<semaphore_mem>>) src(%dma_wait3A_226 : memref<10240x128xf32, #tpu.memory_space<hbm>>) dst(%dma_wait3A_220 : memref<64x128xf32, #tpu.memory_space<vmem>>)
            %parallel_loop3A = arith.constant 0 : i32
            %parallel_loop3A_227 = arith.constant 64 : i32
            %parallel_loop3A_228 = arith.constant 1 : i32
            scf.for %parallel_loop3A_309 = %parallel_loop3A to %parallel_loop3A_227 step %parallel_loop3A_228  : i32 {
              %parallel_loop3A_310 = arith.constant 0 : i32
              %parallel_loop3A_311 = arith.index_cast %parallel_loop3A_310 : i32 to index
              %parallel_loop3A_312 = arith.index_cast %parallel_loop3A_309 : i32 to index
              %parallel_loop3A_313 = arith.constant 0 : index
              %parallel_loop3A_314 = tpu.vector_load %arg11[%parallel_loop3A_311, %parallel_loop3A_312, %parallel_loop3A_313] {strides = array<i32>} : memref<2x64x16xf32, #tpu.memory_space<vmem>>, vector<1x1x16xf32>,
              %parallel_loop3A_315 = vector.shape_cast %parallel_loop3A_314 : vector<1x1x16xf32> to vector<16xf32>
              %parallel_loop3A_316 = arith.constant 0 : i32
              %parallel_loop3A_317 = arith.index_cast %parallel_loop3A_316 : i32 to index
              %parallel_loop3A_318 = arith.index_cast %parallel_loop3A_309 : i32 to index
              %parallel_loop3A_319 = arith.constant 0 : index
              %parallel_loop3A_320 = tpu.vector_load %arg12[%parallel_loop3A_317, %parallel_loop3A_318, %parallel_loop3A_319] {strides = array<i32>} : memref<2x64x16xf32, #tpu.memory_space<vmem>>, vector<1x1x16xf32>,
              %parallel_loop3A_321 = vector.shape_cast %parallel_loop3A_320 : vector<1x1x16xf32> to vector<16xf32>
              %parallel_loop3A_322 = arith.addf %parallel_loop3A_315, %parallel_loop3A_321 : vector<16xf32>
              %parallel_loop3A_323 = arith.constant 2.000000e-01 : f32
              %parallel_loop3A_324 = vector.broadcast %parallel_loop3A_323 : f32 to vector<16xf32>
              %parallel_loop3A_325 = arith.mulf %parallel_loop3A_324, %parallel_loop3A_322 : vector<16xf32>
              %parallel_loop3A_326 = arith.maximumf %parallel_loop3A_322, %parallel_loop3A_325 : vector<16xf32>
              %parallel_loop3A_327 = vector.shape_cast %add3A_32 : vector<16xi32> to vector<16x1xi32>
              %parallel_loop3A_328 = vector.shape_cast %parallel_loop3A_327 : vector<16x1xi32> to vector<16xi32>
              %parallel_loop3A_329 = tpu.dynamic_gather %parallel_loop3A_321[%parallel_loop3A_328] in [0] : vector<16xf32>, vector<16xi32> -> vector<16xf32>
              %parallel_loop3A_330 = math.exp %parallel_loop3A_326 : vector<16xf32>
              %parallel_loop3A_331 = arith.mulf %parallel_loop3A_330, %parallel_loop3A_329 : vector<16xf32>
              %parallel_loop3A_332 = arith.constant 0 : i32
              %parallel_loop3A_333 = arith.index_cast %parallel_loop3A_332 : i32 to index
              %parallel_loop3A_334 = arith.index_cast %parallel_loop3A_309 : i32 to index
              %parallel_loop3A_335 = arith.constant 0 : index
              %parallel_loop3A_336 = tpu.vector_load %arg14[%parallel_loop3A_333, %parallel_loop3A_334, %parallel_loop3A_335] {strides = array<i32>} : memref<2x64x16xf32, #tpu.memory_space<vmem>>, vector<1x1x16xf32>,
              %parallel_loop3A_337 = vector.shape_cast %parallel_loop3A_336 : vector<1x1x16xf32> to vector<16xf32>
              %parallel_loop3A_338 = vector.shape_cast %parallel_loop3A_331 : vector<16xf32> to vector<1x1x16xf32>
              tpu.vector_store %arg14[%parallel_loop3A_333, %parallel_loop3A_334, %parallel_loop3A_335], %parallel_loop3A_338 {strides = array<i32>} : memref<2x64x16xf32, #tpu.memory_space<vmem>>, vector<1x1x16xf32>,
              %parallel_loop3A_339 = arith.constant 0 : i32
              %parallel_loop3A_340 = arith.index_cast %parallel_loop3A_339 : i32 to index
              %parallel_loop3A_341 = arith.index_cast %parallel_loop3A_309 : i32 to index
              %parallel_loop3A_342 = arith.constant 0 : index
              %parallel_loop3A_343 = tpu.vector_load %arg13[%parallel_loop3A_340, %parallel_loop3A_341, %parallel_loop3A_342] {strides = array<i32>} : memref<2x64x128xf32, #tpu.memory_space<vmem>>, vector<1x1x16xf32>,
              %parallel_loop3A_344 = vector.shape_cast %parallel_loop3A_343 : vector<1x1x16xf32> to vector<16xf32>
              %parallel_loop3A_345 = vector.extract_strided_slice %parallel_loop3A_331 {offsets = [0], sizes = [1], strides = [1]} : vector<16xf32> to vector<1xf32>
              %parallel_loop3A_346 = vector.extract %parallel_loop3A_345[0] : f32 from vector<1xf32>
              %parallel_loop3A_347 = vector.broadcast %parallel_loop3A_346 : f32 to vector<16xf32>
              %parallel_loop3A_348 = arith.mulf %parallel_loop3A_344, %parallel_loop3A_347 : vector<16xf32>
              %parallel_loop3A_349 = arith.constant 0 : i32
              %parallel_loop3A_350 = arith.index_cast %parallel_loop3A_349 : i32 to index
              %parallel_loop3A_351 = arith.index_cast %parallel_loop3A_309 : i32 to index
              %parallel_loop3A_352 = arith.constant 0 : index
              %parallel_loop3A_353 = tpu.vector_load %arg13[%parallel_loop3A_350, %parallel_loop3A_351, %parallel_loop3A_352] {strides = array<i32>} : memref<2x64x128xf32, #tpu.memory_space<vmem>>, vector<1x1x16xf32>,
              %parallel_loop3A_354 = vector.shape_cast %parallel_loop3A_353 : vector<1x1x16xf32> to vector<16xf32>
              %parallel_loop3A_355 = vector.shape_cast %parallel_loop3A_348 : vector<16xf32> to vector<1x1x16xf32>
              tpu.vector_store %arg13[%parallel_loop3A_350, %parallel_loop3A_351, %parallel_loop3A_352], %parallel_loop3A_355 {strides = array<i32>} : memref<2x64x128xf32, #tpu.memory_space<vmem>>, vector<1x1x16xf32>,
              %parallel_loop3A_356 = arith.constant 0 : i32
              %parallel_loop3A_357 = arith.index_cast %parallel_loop3A_356 : i32 to index
              %parallel_loop3A_358 = arith.index_cast %parallel_loop3A_309 : i32 to index
              %parallel_loop3A_359 = arith.constant 16 : index
              %parallel_loop3A_360 = tpu.vector_load %arg13[%parallel_loop3A_357, %parallel_loop3A_358, %parallel_loop3A_359] {strides = array<i32>} : memref<2x64x128xf32, #tpu.memory_space<vmem>>, vector<1x1x16xf32>,
              %parallel_loop3A_361 = vector.shape_cast %parallel_loop3A_360 : vector<1x1x16xf32> to vector<16xf32>
              %parallel_loop3A_362 = vector.extract_strided_slice %parallel_loop3A_331 {offsets = [1], sizes = [1], strides = [1]} : vector<16xf32> to vector<1xf32>
              %parallel_loop3A_363 = vector.extract %parallel_loop3A_362[0] : f32 from vector<1xf32>
              %parallel_loop3A_364 = vector.broadcast %parallel_loop3A_363 : f32 to vector<16xf32>
              %parallel_loop3A_365 = arith.mulf %parallel_loop3A_361, %parallel_loop3A_364 : vector<16xf32>
              %parallel_loop3A_366 = arith.constant 0 : i32
              %parallel_loop3A_367 = arith.index_cast %parallel_loop3A_366 : i32 to index
              %parallel_loop3A_368 = arith.index_cast %parallel_loop3A_309 : i32 to index
              %parallel_loop3A_369 = arith.constant 16 : index
              %parallel_loop3A_370 = tpu.vector_load %arg13[%parallel_loop3A_367, %parallel_loop3A_368, %parallel_loop3A_369] {strides = array<i32>} : memref<2x64x128xf32, #tpu.memory_space<vmem>>, vector<1x1x16xf32>,
              %parallel_loop3A_371 = vector.shape_cast %parallel_loop3A_370 : vector<1x1x16xf32> to vector<16xf32>
              %parallel_loop3A_372 = vector.shape_cast %parallel_loop3A_365 : vector<16xf32> to vector<1x1x16xf32>
              tpu.vector_store %arg13[%parallel_loop3A_367, %parallel_loop3A_368, %parallel_loop3A_369], %parallel_loop3A_372 {strides = array<i32>} : memref<2x64x128xf32, #tpu.memory_space<vmem>>, vector<1x1x16xf32>,
              %parallel_loop3A_373 = arith.constant 0 : i32
              %parallel_loop3A_374 = arith.index_cast %parallel_loop3A_373 : i32 to index
              %parallel_loop3A_375 = arith.index_cast %parallel_loop3A_309 : i32 to index
              %parallel_loop3A_376 = arith.constant 32 : index
              %parallel_loop3A_377 = tpu.vector_load %arg13[%parallel_loop3A_374, %parallel_loop3A_375, %parallel_loop3A_376] {strides = array<i32>} : memref<2x64x128xf32, #tpu.memory_space<vmem>>, vector<1x1x16xf32>,
              %parallel_loop3A_378 = vector.shape_cast %parallel_loop3A_377 : vector<1x1x16xf32> to vector<16xf32>
              %parallel_loop3A_379 = vector.extract_strided_slice %parallel_loop3A_331 {offsets = [2], sizes = [1], strides = [1]} : vector<16xf32> to vector<1xf32>
              %parallel_loop3A_380 = vector.extract %parallel_loop3A_379[0] : f32 from vector<1xf32>
              %parallel_loop3A_381 = vector.broadcast %parallel_loop3A_380 : f32 to vector<16xf32>
              %parallel_loop3A_382 = arith.mulf %parallel_loop3A_378, %parallel_loop3A_381 : vector<16xf32>
              %parallel_loop3A_383 = arith.constant 0 : i32
              %parallel_loop3A_384 = arith.index_cast %parallel_loop3A_383 : i32 to index
              %parallel_loop3A_385 = arith.index_cast %parallel_loop3A_309 : i32 to index
              %parallel_loop3A_386 = arith.constant 32 : index
              %parallel_loop3A_387 = tpu.vector_load %arg13[%parallel_loop3A_384, %parallel_loop3A_385, %parallel_loop3A_386] {strides = array<i32>} : memref<2x64x128xf32, #tpu.memory_space<vmem>>, vector<1x1x16xf32>,
              %parallel_loop3A_388 = vector.shape_cast %parallel_loop3A_387 : vector<1x1x16xf32> to vector<16xf32>
              %parallel_loop3A_389 = vector.shape_cast %parallel_loop3A_382 : vector<16xf32> to vector<1x1x16xf32>
              tpu.vector_store %arg13[%parallel_loop3A_384, %parallel_loop3A_385, %parallel_loop3A_386], %parallel_loop3A_389 {strides = array<i32>} : memref<2x64x128xf32, #tpu.memory_space<vmem>>, vector<1x1x16xf32>,
              %parallel_loop3A_390 = arith.constant 0 : i32
              %parallel_loop3A_391 = arith.index_cast %parallel_loop3A_390 : i32 to index
              %parallel_loop3A_392 = arith.index_cast %parallel_loop3A_309 : i32 to index
              %parallel_loop3A_393 = arith.constant 48 : index
              %parallel_loop3A_394 = tpu.vector_load %arg13[%parallel_loop3A_391, %parallel_loop3A_392, %parallel_loop3A_393] {strides = array<i32>} : memref<2x64x128xf32, #tpu.memory_space<vmem>>, vector<1x1x16xf32>,
              %parallel_loop3A_395 = vector.shape_cast %parallel_loop3A_394 : vector<1x1x16xf32> to vector<16xf32>
              %parallel_loop3A_396 = vector.extract_strided_slice %parallel_loop3A_331 {offsets = [3], sizes = [1], strides = [1]} : vector<16xf32> to vector<1xf32>
              %parallel_loop3A_397 = vector.extract %parallel_loop3A_396[0] : f32 from vector<1xf32>
              %parallel_loop3A_398 = vector.broadcast %parallel_loop3A_397 : f32 to vector<16xf32>
              %parallel_loop3A_399 = arith.mulf %parallel_loop3A_395, %parallel_loop3A_398 : vector<16xf32>
              %parallel_loop3A_400 = arith.constant 0 : i32
              %parallel_loop3A_401 = arith.index_cast %parallel_loop3A_400 : i32 to index
              %parallel_loop3A_402 = arith.index_cast %parallel_loop3A_309 : i32 to index
              %parallel_loop3A_403 = arith.constant 48 : index
              %parallel_loop3A_404 = tpu.vector_load %arg13[%parallel_loop3A_401, %parallel_loop3A_402, %parallel_loop3A_403] {strides = array<i32>} : memref<2x64x128xf32, #tpu.memory_space<vmem>>, vector<1x1x16xf32>,
              %parallel_loop3A_405 = vector.shape_cast %parallel_loop3A_404 : vector<1x1x16xf32> to vector<16xf32>
              %parallel_loop3A_406 = vector.shape_cast %parallel_loop3A_399 : vector<16xf32> to vector<1x1x16xf32>
              tpu.vector_store %arg13[%parallel_loop3A_401, %parallel_loop3A_402, %parallel_loop3A_403], %parallel_loop3A_406 {strides = array<i32>} : memref<2x64x128xf32, #tpu.memory_space<vmem>>, vector<1x1x16xf32>,
              %parallel_loop3A_407 = arith.constant 0 : i32
              %parallel_loop3A_408 = arith.index_cast %parallel_loop3A_407 : i32 to index
              %parallel_loop3A_409 = arith.index_cast %parallel_loop3A_309 : i32 to index
              %parallel_loop3A_410 = arith.constant 64 : index
              %parallel_loop3A_411 = tpu.vector_load %arg13[%parallel_loop3A_408, %parallel_loop3A_409, %parallel_loop3A_410] {strides = array<i32>} : memref<2x64x128xf32, #tpu.memory_space<vmem>>, vector<1x1x16xf32>,
              %parallel_loop3A_412 = vector.shape_cast %parallel_loop3A_411 : vector<1x1x16xf32> to vector<16xf32>
              %parallel_loop3A_413 = vector.extract_strided_slice %parallel_loop3A_331 {offsets = [4], sizes = [1], strides = [1]} : vector<16xf32> to vector<1xf32>
              %parallel_loop3A_414 = vector.extract %parallel_loop3A_413[0] : f32 from vector<1xf32>
              %parallel_loop3A_415 = vector.broadcast %parallel_loop3A_414 : f32 to vector<16xf32>
              %parallel_loop3A_416 = arith.mulf %parallel_loop3A_412, %parallel_loop3A_415 : vector<16xf32>
              %parallel_loop3A_417 = arith.constant 0 : i32
              %parallel_loop3A_418 = arith.index_cast %parallel_loop3A_417 : i32 to index
              %parallel_loop3A_419 = arith.index_cast %parallel_loop3A_309 : i32 to index
              %parallel_loop3A_420 = arith.constant 64 : index
              %parallel_loop3A_421 = tpu.vector_load %arg13[%parallel_loop3A_418, %parallel_loop3A_419, %parallel_loop3A_420] {strides = array<i32>} : memref<2x64x128xf32, #tpu.memory_space<vmem>>, vector<1x1x16xf32>,
              %parallel_loop3A_422 = vector.shape_cast %parallel_loop3A_421 : vector<1x1x16xf32> to vector<16xf32>
              %parallel_loop3A_423 = vector.shape_cast %parallel_loop3A_416 : vector<16xf32> to vector<1x1x16xf32>
              tpu.vector_store %arg13[%parallel_loop3A_418, %parallel_loop3A_419, %parallel_loop3A_420], %parallel_loop3A_423 {strides = array<i32>} : memref<2x64x128xf32, #tpu.memory_space<vmem>>, vector<1x1x16xf32>,
              %parallel_loop3A_424 = arith.constant 0 : i32
              %parallel_loop3A_425 = arith.index_cast %parallel_loop3A_424 : i32 to index
              %parallel_loop3A_426 = arith.index_cast %parallel_loop3A_309 : i32 to index
              %parallel_loop3A_427 = arith.constant 80 : index
              %parallel_loop3A_428 = tpu.vector_load %arg13[%parallel_loop3A_425, %parallel_loop3A_426, %parallel_loop3A_427] {strides = array<i32>} : memref<2x64x128xf32, #tpu.memory_space<vmem>>, vector<1x1x16xf32>,
              %parallel_loop3A_429 = vector.shape_cast %parallel_loop3A_428 : vector<1x1x16xf32> to vector<16xf32>
              %parallel_loop3A_430 = vector.extract_strided_slice %parallel_loop3A_331 {offsets = [5], sizes = [1], strides = [1]} : vector<16xf32> to vector<1xf32>
              %parallel_loop3A_431 = vector.extract %parallel_loop3A_430[0] : f32 from vector<1xf32>
              %parallel_loop3A_432 = vector.broadcast %parallel_loop3A_431 : f32 to vector<16xf32>
              %parallel_loop3A_433 = arith.mulf %parallel_loop3A_429, %parallel_loop3A_432 : vector<16xf32>
              %parallel_loop3A_434 = arith.constant 0 : i32
              %parallel_loop3A_435 = arith.index_cast %parallel_loop3A_434 : i32 to index
              %parallel_loop3A_436 = arith.index_cast %parallel_loop3A_309 : i32 to index
              %parallel_loop3A_437 = arith.constant 80 : index
              %parallel_loop3A_438 = tpu.vector_load %arg13[%parallel_loop3A_435, %parallel_loop3A_436, %parallel_loop3A_437] {strides = array<i32>} : memref<2x64x128xf32, #tpu.memory_space<vmem>>, vector<1x1x16xf32>,
              %parallel_loop3A_439 = vector.shape_cast %parallel_loop3A_438 : vector<1x1x16xf32> to vector<16xf32>
              %parallel_loop3A_440 = vector.shape_cast %parallel_loop3A_433 : vector<16xf32> to vector<1x1x16xf32>
              tpu.vector_store %arg13[%parallel_loop3A_435, %parallel_loop3A_436, %parallel_loop3A_437], %parallel_loop3A_440 {strides = array<i32>} : memref<2x64x128xf32, #tpu.memory_space<vmem>>, vector<1x1x16xf32>,
              %parallel_loop3A_441 = arith.constant 0 : i32
              %parallel_loop3A_442 = arith.index_cast %parallel_loop3A_441 : i32 to index
              %parallel_loop3A_443 = arith.index_cast %parallel_loop3A_309 : i32 to index
              %parallel_loop3A_444 = arith.constant 96 : index
              %parallel_loop3A_445 = tpu.vector_load %arg13[%parallel_loop3A_442, %parallel_loop3A_443, %parallel_loop3A_444] {strides = array<i32>} : memref<2x64x128xf32, #tpu.memory_space<vmem>>, vector<1x1x16xf32>,
              %parallel_loop3A_446 = vector.shape_cast %parallel_loop3A_445 : vector<1x1x16xf32> to vector<16xf32>
              %parallel_loop3A_447 = vector.extract_strided_slice %parallel_loop3A_331 {offsets = [6], sizes = [1], strides = [1]} : vector<16xf32> to vector<1xf32>
              %parallel_loop3A_448 = vector.extract %parallel_loop3A_447[0] : f32 from vector<1xf32>
              %parallel_loop3A_449 = vector.broadcast %parallel_loop3A_448 : f32 to vector<16xf32>
              %parallel_loop3A_450 = arith.mulf %parallel_loop3A_446, %parallel_loop3A_449 : vector<16xf32>
              %parallel_loop3A_451 = arith.constant 0 : i32
              %parallel_loop3A_452 = arith.index_cast %parallel_loop3A_451 : i32 to index
              %parallel_loop3A_453 = arith.index_cast %parallel_loop3A_309 : i32 to index
              %parallel_loop3A_454 = arith.constant 96 : index
              %parallel_loop3A_455 = tpu.vector_load %arg13[%parallel_loop3A_452, %parallel_loop3A_453, %parallel_loop3A_454] {strides = array<i32>} : memref<2x64x128xf32, #tpu.memory_space<vmem>>, vector<1x1x16xf32>,
              %parallel_loop3A_456 = vector.shape_cast %parallel_loop3A_455 : vector<1x1x16xf32> to vector<16xf32>
              %parallel_loop3A_457 = vector.shape_cast %parallel_loop3A_450 : vector<16xf32> to vector<1x1x16xf32>
              tpu.vector_store %arg13[%parallel_loop3A_452, %parallel_loop3A_453, %parallel_loop3A_454], %parallel_loop3A_457 {strides = array<i32>} : memref<2x64x128xf32, #tpu.memory_space<vmem>>, vector<1x1x16xf32>,
              %parallel_loop3A_458 = arith.constant 0 : i32
              %parallel_loop3A_459 = arith.index_cast %parallel_loop3A_458 : i32 to index
              %parallel_loop3A_460 = arith.index_cast %parallel_loop3A_309 : i32 to index
              %parallel_loop3A_461 = arith.constant 112 : index
              %parallel_loop3A_462 = tpu.vector_load %arg13[%parallel_loop3A_459, %parallel_loop3A_460, %parallel_loop3A_461] {strides = array<i32>} : memref<2x64x128xf32, #tpu.memory_space<vmem>>, vector<1x1x16xf32>,
              %parallel_loop3A_463 = vector.shape_cast %parallel_loop3A_462 : vector<1x1x16xf32> to vector<16xf32>
              %parallel_loop3A_464 = vector.extract_strided_slice %parallel_loop3A_331 {offsets = [7], sizes = [1], strides = [1]} : vector<16xf32> to vector<1xf32>
              %parallel_loop3A_465 = vector.extract %parallel_loop3A_464[0] : f32 from vector<1xf32>
              %parallel_loop3A_466 = vector.broadcast %parallel_loop3A_465 : f32 to vector<16xf32>
              %parallel_loop3A_467 = arith.mulf %parallel_loop3A_463, %parallel_loop3A_466 : vector<16xf32>
              %parallel_loop3A_468 = arith.constant 0 : i32
              %parallel_loop3A_469 = arith.index_cast %parallel_loop3A_468 : i32 to index
              %parallel_loop3A_470 = arith.index_cast %parallel_loop3A_309 : i32 to index
              %parallel_loop3A_471 = arith.constant 112 : index
              %parallel_loop3A_472 = tpu.vector_load %arg13[%parallel_loop3A_469, %parallel_loop3A_470, %parallel_loop3A_471] {strides = array<i32>} : memref<2x64x128xf32, #tpu.memory_space<vmem>>, vector<1x1x16xf32>,
              %parallel_loop3A_473 = vector.shape_cast %parallel_loop3A_472 : vector<1x1x16xf32> to vector<16xf32>
              %parallel_loop3A_474 = vector.shape_cast %parallel_loop3A_467 : vector<16xf32> to vector<1x1x16xf32>
              tpu.vector_store %arg13[%parallel_loop3A_469, %parallel_loop3A_470, %parallel_loop3A_471], %parallel_loop3A_474 {strides = array<i32>} : memref<2x64x128xf32, #tpu.memory_space<vmem>>, vector<1x1x16xf32>,
            } {sc.loop_unroll_factor = 4 : i64, sc.parallel_access}
            %dma_start3A_229 = arith.constant 0 : i32
            %dma_start3A_230 = arith.constant 0 : i32
            %dma_start3A_231 = arith.constant 0 : i32
            %dma_start3A_232 = tpu.memref_slice %arg14[%dma_start3A_229, %dma_start3A_230, %dma_start3A_231] : memref<2x64x16xf32, #tpu.memory_space<vmem>> -> memref<1x64x16xf32, #tpu.memory_space<vmem>>
            %dma_start3A_233 = tpu.memref_squeeze %dma_start3A_232 : memref<1x64x16xf32, #tpu.memory_space<vmem>> -> memref<64x16xf32, #tpu.memory_space<vmem>>
            %dma_start3A_234 = arith.constant 0 : i32
            %dma_start3A_235 = tpu.memref_slice %arg10[%mul3A_116, %dma_start3A_234] : memref<40x64xi32, #tpu.memory_space<vmem>> -> memref<1x64xi32, #tpu.memory_space<vmem>>
            %dma_start3A_236 = tpu.memref_squeeze %dma_start3A_235 : memref<1x64xi32, #tpu.memory_space<vmem>> -> memref<64xi32, #tpu.memory_space<vmem>>
            %dma_start3A_237 = arith.constant 0 : i32
            %dma_start3A_238 = arith.constant 0 : i32
            %dma_start3A_239 = tpu.memref_slice %arg15[%dma_start3A_237, %dma_start3A_238] : memref<10240x16xf32, #tpu.memory_space<vmem_shared>> -> memref<10240x16xf32, #tpu.memory_space<vmem_shared>>
            tpu.enqueue_indirect_dma source(%dma_start3A_233 : memref<64x16xf32, #tpu.memory_space<vmem>>) target(%dma_start3A_239 : memref<10240x16xf32, #tpu.memory_space<vmem_shared>>) offsets(%dma_start3A_236 : memref<64xi32, #tpu.memory_space<vmem>>) semaphore(%arg23 : memref<!tpu.dma_semaphore, #tpu.memory_space<semaphore_mem>>) {add = true}
            %dma_start3A_240 = arith.constant 0 : i32
            %dma_start3A_241 = arith.constant 0 : i32
            %dma_start3A_242 = arith.constant 0 : i32
            %dma_start3A_243 = tpu.memref_slice %arg13[%dma_start3A_240, %dma_start3A_241, %dma_start3A_242] : memref<2x64x128xf32, #tpu.memory_space<vmem>> -> memref<1x64x128xf32, #tpu.memory_space<vmem>>
            %dma_start3A_244 = tpu.memref_squeeze %dma_start3A_243 : memref<1x64x128xf32, #tpu.memory_space<vmem>> -> memref<64x128xf32, #tpu.memory_space<vmem>>
            %dma_start3A_245 = arith.constant 0 : i32
            %dma_start3A_246 = tpu.memref_slice %arg10[%mul3A_116, %dma_start3A_245] : memref<40x64xi32, #tpu.memory_space<vmem>> -> memref<1x64xi32, #tpu.memory_space<vmem>>
            %dma_start3A_247 = tpu.memref_squeeze %dma_start3A_246 : memref<1x64xi32, #tpu.memory_space<vmem>> -> memref<64xi32, #tpu.memory_space<vmem>>
            %dma_start3A_248 = arith.constant 0 : i32
            %dma_start3A_249 = arith.constant 0 : i32
            %dma_start3A_250 = tpu.memref_slice %arg16[%dma_start3A_248, %dma_start3A_249] : memref<10240x128xf32, #tpu.memory_space<vmem_shared>> -> memref<10240x128xf32, #tpu.memory_space<vmem_shared>>
            tpu.enqueue_indirect_dma source(%dma_start3A_244 : memref<64x128xf32, #tpu.memory_space<vmem>>) target(%dma_start3A_250 : memref<10240x128xf32, #tpu.memory_space<vmem_shared>>) offsets(%dma_start3A_247 : memref<64xi32, #tpu.memory_space<vmem>>) semaphore(%arg24 : memref<!tpu.dma_semaphore, #tpu.memory_space<semaphore_mem>>) {add = true}
            %dma_wait3A_251 = arith.constant 1 : i32
            %dma_wait3A_252 = arith.constant 0 : i32
            %dma_wait3A_253 = arith.constant 0 : i32
            %dma_wait3A_254 = tpu.memref_slice %arg11[%dma_wait3A_251, %dma_wait3A_252, %dma_wait3A_253] : memref<2x64x16xf32, #tpu.memory_space<vmem>> -> memref<1x64x16xf32, #tpu.memory_space<vmem>>
            %dma_wait3A_255 = tpu.memref_squeeze %dma_wait3A_254 : memref<1x64x16xf32, #tpu.memory_space<vmem>> -> memref<64x16xf32, #tpu.memory_space<vmem>>
            %dma_wait3A_256 = arith.constant 0 : i32
            %dma_wait3A_257 = tpu.memref_slice %arg9[%add3A_118, %dma_wait3A_256] : memref<40x64xi32, #tpu.memory_space<vmem>> -> memref<1x64xi32, #tpu.memory_space<vmem>>
            %dma_wait3A_258 = tpu.memref_squeeze %dma_wait3A_257 : memref<1x64xi32, #tpu.memory_space<vmem>> -> memref<64xi32, #tpu.memory_space<vmem>>
            %dma_wait3A_259 = arith.constant 0 : i32
            %dma_wait3A_260 = arith.constant 0 : i32
            %dma_wait3A_261 = tpu.memref_slice %arg2[%dma_wait3A_259, %dma_wait3A_260] : memref<10240x16xf32, #tpu.memory_space<hbm>> -> memref<10240x16xf32, #tpu.memory_space<hbm>>
            tpu.wait_indirect_dma semaphore(%arg20 : memref<!tpu.dma_semaphore, #tpu.memory_space<semaphore_mem>>) src(%dma_wait3A_261 : memref<10240x16xf32, #tpu.memory_space<hbm>>) dst(%dma_wait3A_255 : memref<64x16xf32, #tpu.memory_space<vmem>>)
            %dma_wait3A_262 = arith.constant 1 : i32
            %dma_wait3A_263 = arith.constant 0 : i32
            %dma_wait3A_264 = arith.constant 0 : i32
            %dma_wait3A_265 = tpu.memref_slice %arg12[%dma_wait3A_262, %dma_wait3A_263, %dma_wait3A_264] : memref<2x64x16xf32, #tpu.memory_space<vmem>> -> memref<1x64x16xf32, #tpu.memory_space<vmem>>
            %dma_wait3A_266 = tpu.memref_squeeze %dma_wait3A_265 : memref<1x64x16xf32, #tpu.memory_space<vmem>> -> memref<64x16xf32, #tpu.memory_space<vmem>>
            %dma_wait3A_267 = arith.constant 0 : i32
            %dma_wait3A_268 = tpu.memref_slice %arg10[%add3A_118, %dma_wait3A_267] : memref<40x64xi32, #tpu.memory_space<vmem>> -> memref<1x64xi32, #tpu.memory_space<vmem>>
            %dma_wait3A_269 = tpu.memref_squeeze %dma_wait3A_268 : memref<1x64xi32, #tpu.memory_space<vmem>> -> memref<64xi32, #tpu.memory_space<vmem>>
            %dma_wait3A_270 = arith.constant 0 : i32
            %dma_wait3A_271 = arith.constant 0 : i32
            %dma_wait3A_272 = tpu.memref_slice %arg3[%dma_wait3A_270, %dma_wait3A_271] : memref<10240x16xf32, #tpu.memory_space<hbm>> -> memref<10240x16xf32, #tpu.memory_space<hbm>>
            tpu.wait_indirect_dma semaphore(%arg21 : memref<!tpu.dma_semaphore, #tpu.memory_space<semaphore_mem>>) src(%dma_wait3A_272 : memref<10240x16xf32, #tpu.memory_space<hbm>>) dst(%dma_wait3A_266 : memref<64x16xf32, #tpu.memory_space<vmem>>)
            %dma_wait3A_273 = arith.constant 1 : i32
            %dma_wait3A_274 = arith.constant 0 : i32
            %dma_wait3A_275 = arith.constant 0 : i32
            %dma_wait3A_276 = tpu.memref_slice %arg13[%dma_wait3A_273, %dma_wait3A_274, %dma_wait3A_275] : memref<2x64x128xf32, #tpu.memory_space<vmem>> -> memref<1x64x128xf32, #tpu.memory_space<vmem>>
            %dma_wait3A_277 = tpu.memref_squeeze %dma_wait3A_276 : memref<1x64x128xf32, #tpu.memory_space<vmem>> -> memref<64x128xf32, #tpu.memory_space<vmem>>
            %dma_wait3A_278 = arith.constant 0 : i32
            %dma_wait3A_279 = tpu.memref_slice %arg9[%add3A_118, %dma_wait3A_278] : memref<40x64xi32, #tpu.memory_space<vmem>> -> memref<1x64xi32, #tpu.memory_space<vmem>>
            %dma_wait3A_280 = tpu.memref_squeeze %dma_wait3A_279 : memref<1x64xi32, #tpu.memory_space<vmem>> -> memref<64xi32, #tpu.memory_space<vmem>>
            %dma_wait3A_281 = arith.constant 0 : i32
            %dma_wait3A_282 = arith.constant 0 : i32
            %dma_wait3A_283 = tpu.memref_slice %arg4[%dma_wait3A_281, %dma_wait3A_282] : memref<10240x128xf32, #tpu.memory_space<hbm>> -> memref<10240x128xf32, #tpu.memory_space<hbm>>
            tpu.wait_indirect_dma semaphore(%arg22 : memref<!tpu.dma_semaphore, #tpu.memory_space<semaphore_mem>>) src(%dma_wait3A_283 : memref<10240x128xf32, #tpu.memory_space<hbm>>) dst(%dma_wait3A_277 : memref<64x128xf32, #tpu.memory_space<vmem>>)
            %parallel_loop3A_284 = arith.constant 0 : i32
            %parallel_loop3A_285 = arith.constant 64 : i32
            %parallel_loop3A_286 = arith.constant 1 : i32
            scf.for %parallel_loop3A_309 = %parallel_loop3A_284 to %parallel_loop3A_285 step %parallel_loop3A_286  : i32 {
              %parallel_loop3A_310 = arith.constant 1 : i32
              %parallel_loop3A_311 = arith.index_cast %parallel_loop3A_310 : i32 to index
              %parallel_loop3A_312 = arith.index_cast %parallel_loop3A_309 : i32 to index
              %parallel_loop3A_313 = arith.constant 0 : index
              %parallel_loop3A_314 = tpu.vector_load %arg11[%parallel_loop3A_311, %parallel_loop3A_312, %parallel_loop3A_313] {strides = array<i32>} : memref<2x64x16xf32, #tpu.memory_space<vmem>>, vector<1x1x16xf32>,
              %parallel_loop3A_315 = vector.shape_cast %parallel_loop3A_314 : vector<1x1x16xf32> to vector<16xf32>
              %parallel_loop3A_316 = arith.constant 1 : i32
              %parallel_loop3A_317 = arith.index_cast %parallel_loop3A_316 : i32 to index
              %parallel_loop3A_318 = arith.index_cast %parallel_loop3A_309 : i32 to index
              %parallel_loop3A_319 = arith.constant 0 : index
              %parallel_loop3A_320 = tpu.vector_load %arg12[%parallel_loop3A_317, %parallel_loop3A_318, %parallel_loop3A_319] {strides = array<i32>} : memref<2x64x16xf32, #tpu.memory_space<vmem>>, vector<1x1x16xf32>,
              %parallel_loop3A_321 = vector.shape_cast %parallel_loop3A_320 : vector<1x1x16xf32> to vector<16xf32>
              %parallel_loop3A_322 = arith.addf %parallel_loop3A_315, %parallel_loop3A_321 : vector<16xf32>
              %parallel_loop3A_323 = arith.constant 2.000000e-01 : f32
              %parallel_loop3A_324 = vector.broadcast %parallel_loop3A_323 : f32 to vector<16xf32>
              %parallel_loop3A_325 = arith.mulf %parallel_loop3A_324, %parallel_loop3A_322 : vector<16xf32>
              %parallel_loop3A_326 = arith.maximumf %parallel_loop3A_322, %parallel_loop3A_325 : vector<16xf32>
              %parallel_loop3A_327 = vector.shape_cast %add3A_32 : vector<16xi32> to vector<16x1xi32>
              %parallel_loop3A_328 = vector.shape_cast %parallel_loop3A_327 : vector<16x1xi32> to vector<16xi32>
              %parallel_loop3A_329 = tpu.dynamic_gather %parallel_loop3A_321[%parallel_loop3A_328] in [0] : vector<16xf32>, vector<16xi32> -> vector<16xf32>
              %parallel_loop3A_330 = math.exp %parallel_loop3A_326 : vector<16xf32>
              %parallel_loop3A_331 = arith.mulf %parallel_loop3A_330, %parallel_loop3A_329 : vector<16xf32>
              %parallel_loop3A_332 = arith.constant 1 : i32
              %parallel_loop3A_333 = arith.index_cast %parallel_loop3A_332 : i32 to index
              %parallel_loop3A_334 = arith.index_cast %parallel_loop3A_309 : i32 to index
              %parallel_loop3A_335 = arith.constant 0 : index
              %parallel_loop3A_336 = tpu.vector_load %arg14[%parallel_loop3A_333, %parallel_loop3A_334, %parallel_loop3A_335] {strides = array<i32>} : memref<2x64x16xf32, #tpu.memory_space<vmem>>, vector<1x1x16xf32>,
              %parallel_loop3A_337 = vector.shape_cast %parallel_loop3A_336 : vector<1x1x16xf32> to vector<16xf32>
              %parallel_loop3A_338 = vector.shape_cast %parallel_loop3A_331 : vector<16xf32> to vector<1x1x16xf32>
              tpu.vector_store %arg14[%parallel_loop3A_333, %parallel_loop3A_334, %parallel_loop3A_335], %parallel_loop3A_338 {strides = array<i32>} : memref<2x64x16xf32, #tpu.memory_space<vmem>>, vector<1x1x16xf32>,
              %parallel_loop3A_339 = arith.constant 1 : i32
              %parallel_loop3A_340 = arith.index_cast %parallel_loop3A_339 : i32 to index
              %parallel_loop3A_341 = arith.index_cast %parallel_loop3A_309 : i32 to index
              %parallel_loop3A_342 = arith.constant 0 : index
              %parallel_loop3A_343 = tpu.vector_load %arg13[%parallel_loop3A_340, %parallel_loop3A_341, %parallel_loop3A_342] {strides = array<i32>} : memref<2x64x128xf32, #tpu.memory_space<vmem>>, vector<1x1x16xf32>,
              %parallel_loop3A_344 = vector.shape_cast %parallel_loop3A_343 : vector<1x1x16xf32> to vector<16xf32>
              %parallel_loop3A_345 = vector.extract_strided_slice %parallel_loop3A_331 {offsets = [0], sizes = [1], strides = [1]} : vector<16xf32> to vector<1xf32>
              %parallel_loop3A_346 = vector.extract %parallel_loop3A_345[0] : f32 from vector<1xf32>
              %parallel_loop3A_347 = vector.broadcast %parallel_loop3A_346 : f32 to vector<16xf32>
              %parallel_loop3A_348 = arith.mulf %parallel_loop3A_344, %parallel_loop3A_347 : vector<16xf32>
              %parallel_loop3A_349 = arith.constant 1 : i32
              %parallel_loop3A_350 = arith.index_cast %parallel_loop3A_349 : i32 to index
              %parallel_loop3A_351 = arith.index_cast %parallel_loop3A_309 : i32 to index
              %parallel_loop3A_352 = arith.constant 0 : index
              %parallel_loop3A_353 = tpu.vector_load %arg13[%parallel_loop3A_350, %parallel_loop3A_351, %parallel_loop3A_352] {strides = array<i32>} : memref<2x64x128xf32, #tpu.memory_space<vmem>>, vector<1x1x16xf32>,
              %parallel_loop3A_354 = vector.shape_cast %parallel_loop3A_353 : vector<1x1x16xf32> to vector<16xf32>
              %parallel_loop3A_355 = vector.shape_cast %parallel_loop3A_348 : vector<16xf32> to vector<1x1x16xf32>
              tpu.vector_store %arg13[%parallel_loop3A_350, %parallel_loop3A_351, %parallel_loop3A_352], %parallel_loop3A_355 {strides = array<i32>} : memref<2x64x128xf32, #tpu.memory_space<vmem>>, vector<1x1x16xf32>,
              %parallel_loop3A_356 = arith.constant 1 : i32
              %parallel_loop3A_357 = arith.index_cast %parallel_loop3A_356 : i32 to index
              %parallel_loop3A_358 = arith.index_cast %parallel_loop3A_309 : i32 to index
              %parallel_loop3A_359 = arith.constant 16 : index
              %parallel_loop3A_360 = tpu.vector_load %arg13[%parallel_loop3A_357, %parallel_loop3A_358, %parallel_loop3A_359] {strides = array<i32>} : memref<2x64x128xf32, #tpu.memory_space<vmem>>, vector<1x1x16xf32>,
              %parallel_loop3A_361 = vector.shape_cast %parallel_loop3A_360 : vector<1x1x16xf32> to vector<16xf32>
              %parallel_loop3A_362 = vector.extract_strided_slice %parallel_loop3A_331 {offsets = [1], sizes = [1], strides = [1]} : vector<16xf32> to vector<1xf32>
              %parallel_loop3A_363 = vector.extract %parallel_loop3A_362[0] : f32 from vector<1xf32>
              %parallel_loop3A_364 = vector.broadcast %parallel_loop3A_363 : f32 to vector<16xf32>
              %parallel_loop3A_365 = arith.mulf %parallel_loop3A_361, %parallel_loop3A_364 : vector<16xf32>
              %parallel_loop3A_366 = arith.constant 1 : i32
              %parallel_loop3A_367 = arith.index_cast %parallel_loop3A_366 : i32 to index
              %parallel_loop3A_368 = arith.index_cast %parallel_loop3A_309 : i32 to index
              %parallel_loop3A_369 = arith.constant 16 : index
              %parallel_loop3A_370 = tpu.vector_load %arg13[%parallel_loop3A_367, %parallel_loop3A_368, %parallel_loop3A_369] {strides = array<i32>} : memref<2x64x128xf32, #tpu.memory_space<vmem>>, vector<1x1x16xf32>,
              %parallel_loop3A_371 = vector.shape_cast %parallel_loop3A_370 : vector<1x1x16xf32> to vector<16xf32>
              %parallel_loop3A_372 = vector.shape_cast %parallel_loop3A_365 : vector<16xf32> to vector<1x1x16xf32>
              tpu.vector_store %arg13[%parallel_loop3A_367, %parallel_loop3A_368, %parallel_loop3A_369], %parallel_loop3A_372 {strides = array<i32>} : memref<2x64x128xf32, #tpu.memory_space<vmem>>, vector<1x1x16xf32>,
              %parallel_loop3A_373 = arith.constant 1 : i32
              %parallel_loop3A_374 = arith.index_cast %parallel_loop3A_373 : i32 to index
              %parallel_loop3A_375 = arith.index_cast %parallel_loop3A_309 : i32 to index
              %parallel_loop3A_376 = arith.constant 32 : index
              %parallel_loop3A_377 = tpu.vector_load %arg13[%parallel_loop3A_374, %parallel_loop3A_375, %parallel_loop3A_376] {strides = array<i32>} : memref<2x64x128xf32, #tpu.memory_space<vmem>>, vector<1x1x16xf32>,
              %parallel_loop3A_378 = vector.shape_cast %parallel_loop3A_377 : vector<1x1x16xf32> to vector<16xf32>
              %parallel_loop3A_379 = vector.extract_strided_slice %parallel_loop3A_331 {offsets = [2], sizes = [1], strides = [1]} : vector<16xf32> to vector<1xf32>
              %parallel_loop3A_380 = vector.extract %parallel_loop3A_379[0] : f32 from vector<1xf32>
              %parallel_loop3A_381 = vector.broadcast %parallel_loop3A_380 : f32 to vector<16xf32>
              %parallel_loop3A_382 = arith.mulf %parallel_loop3A_378, %parallel_loop3A_381 : vector<16xf32>
              %parallel_loop3A_383 = arith.constant 1 : i32
              %parallel_loop3A_384 = arith.index_cast %parallel_loop3A_383 : i32 to index
              %parallel_loop3A_385 = arith.index_cast %parallel_loop3A_309 : i32 to index
              %parallel_loop3A_386 = arith.constant 32 : index
              %parallel_loop3A_387 = tpu.vector_load %arg13[%parallel_loop3A_384, %parallel_loop3A_385, %parallel_loop3A_386] {strides = array<i32>} : memref<2x64x128xf32, #tpu.memory_space<vmem>>, vector<1x1x16xf32>,
              %parallel_loop3A_388 = vector.shape_cast %parallel_loop3A_387 : vector<1x1x16xf32> to vector<16xf32>
              %parallel_loop3A_389 = vector.shape_cast %parallel_loop3A_382 : vector<16xf32> to vector<1x1x16xf32>
              tpu.vector_store %arg13[%parallel_loop3A_384, %parallel_loop3A_385, %parallel_loop3A_386], %parallel_loop3A_389 {strides = array<i32>} : memref<2x64x128xf32, #tpu.memory_space<vmem>>, vector<1x1x16xf32>,
              %parallel_loop3A_390 = arith.constant 1 : i32
              %parallel_loop3A_391 = arith.index_cast %parallel_loop3A_390 : i32 to index
              %parallel_loop3A_392 = arith.index_cast %parallel_loop3A_309 : i32 to index
              %parallel_loop3A_393 = arith.constant 48 : index
              %parallel_loop3A_394 = tpu.vector_load %arg13[%parallel_loop3A_391, %parallel_loop3A_392, %parallel_loop3A_393] {strides = array<i32>} : memref<2x64x128xf32, #tpu.memory_space<vmem>>, vector<1x1x16xf32>,
              %parallel_loop3A_395 = vector.shape_cast %parallel_loop3A_394 : vector<1x1x16xf32> to vector<16xf32>
              %parallel_loop3A_396 = vector.extract_strided_slice %parallel_loop3A_331 {offsets = [3], sizes = [1], strides = [1]} : vector<16xf32> to vector<1xf32>
              %parallel_loop3A_397 = vector.extract %parallel_loop3A_396[0] : f32 from vector<1xf32>
              %parallel_loop3A_398 = vector.broadcast %parallel_loop3A_397 : f32 to vector<16xf32>
              %parallel_loop3A_399 = arith.mulf %parallel_loop3A_395, %parallel_loop3A_398 : vector<16xf32>
              %parallel_loop3A_400 = arith.constant 1 : i32
              %parallel_loop3A_401 = arith.index_cast %parallel_loop3A_400 : i32 to index
              %parallel_loop3A_402 = arith.index_cast %parallel_loop3A_309 : i32 to index
              %parallel_loop3A_403 = arith.constant 48 : index
              %parallel_loop3A_404 = tpu.vector_load %arg13[%parallel_loop3A_401, %parallel_loop3A_402, %parallel_loop3A_403] {strides = array<i32>} : memref<2x64x128xf32, #tpu.memory_space<vmem>>, vector<1x1x16xf32>,
              %parallel_loop3A_405 = vector.shape_cast %parallel_loop3A_404 : vector<1x1x16xf32> to vector<16xf32>
              %parallel_loop3A_406 = vector.shape_cast %parallel_loop3A_399 : vector<16xf32> to vector<1x1x16xf32>
              tpu.vector_store %arg13[%parallel_loop3A_401, %parallel_loop3A_402, %parallel_loop3A_403], %parallel_loop3A_406 {strides = array<i32>} : memref<2x64x128xf32, #tpu.memory_space<vmem>>, vector<1x1x16xf32>,
              %parallel_loop3A_407 = arith.constant 1 : i32
              %parallel_loop3A_408 = arith.index_cast %parallel_loop3A_407 : i32 to index
              %parallel_loop3A_409 = arith.index_cast %parallel_loop3A_309 : i32 to index
              %parallel_loop3A_410 = arith.constant 64 : index
              %parallel_loop3A_411 = tpu.vector_load %arg13[%parallel_loop3A_408, %parallel_loop3A_409, %parallel_loop3A_410] {strides = array<i32>} : memref<2x64x128xf32, #tpu.memory_space<vmem>>, vector<1x1x16xf32>,
              %parallel_loop3A_412 = vector.shape_cast %parallel_loop3A_411 : vector<1x1x16xf32> to vector<16xf32>
              %parallel_loop3A_413 = vector.extract_strided_slice %parallel_loop3A_331 {offsets = [4], sizes = [1], strides = [1]} : vector<16xf32> to vector<1xf32>
              %parallel_loop3A_414 = vector.extract %parallel_loop3A_413[0] : f32 from vector<1xf32>
              %parallel_loop3A_415 = vector.broadcast %parallel_loop3A_414 : f32 to vector<16xf32>
              %parallel_loop3A_416 = arith.mulf %parallel_loop3A_412, %parallel_loop3A_415 : vector<16xf32>
              %parallel_loop3A_417 = arith.constant 1 : i32
              %parallel_loop3A_418 = arith.index_cast %parallel_loop3A_417 : i32 to index
              %parallel_loop3A_419 = arith.index_cast %parallel_loop3A_309 : i32 to index
              %parallel_loop3A_420 = arith.constant 64 : index
              %parallel_loop3A_421 = tpu.vector_load %arg13[%parallel_loop3A_418, %parallel_loop3A_419, %parallel_loop3A_420] {strides = array<i32>} : memref<2x64x128xf32, #tpu.memory_space<vmem>>, vector<1x1x16xf32>,
              %parallel_loop3A_422 = vector.shape_cast %parallel_loop3A_421 : vector<1x1x16xf32> to vector<16xf32>
              %parallel_loop3A_423 = vector.shape_cast %parallel_loop3A_416 : vector<16xf32> to vector<1x1x16xf32>
              tpu.vector_store %arg13[%parallel_loop3A_418, %parallel_loop3A_419, %parallel_loop3A_420], %parallel_loop3A_423 {strides = array<i32>} : memref<2x64x128xf32, #tpu.memory_space<vmem>>, vector<1x1x16xf32>,
              %parallel_loop3A_424 = arith.constant 1 : i32
              %parallel_loop3A_425 = arith.index_cast %parallel_loop3A_424 : i32 to index
              %parallel_loop3A_426 = arith.index_cast %parallel_loop3A_309 : i32 to index
              %parallel_loop3A_427 = arith.constant 80 : index
              %parallel_loop3A_428 = tpu.vector_load %arg13[%parallel_loop3A_425, %parallel_loop3A_426, %parallel_loop3A_427] {strides = array<i32>} : memref<2x64x128xf32, #tpu.memory_space<vmem>>, vector<1x1x16xf32>,
              %parallel_loop3A_429 = vector.shape_cast %parallel_loop3A_428 : vector<1x1x16xf32> to vector<16xf32>
              %parallel_loop3A_430 = vector.extract_strided_slice %parallel_loop3A_331 {offsets = [5], sizes = [1], strides = [1]} : vector<16xf32> to vector<1xf32>
              %parallel_loop3A_431 = vector.extract %parallel_loop3A_430[0] : f32 from vector<1xf32>
              %parallel_loop3A_432 = vector.broadcast %parallel_loop3A_431 : f32 to vector<16xf32>
              %parallel_loop3A_433 = arith.mulf %parallel_loop3A_429, %parallel_loop3A_432 : vector<16xf32>
              %parallel_loop3A_434 = arith.constant 1 : i32
              %parallel_loop3A_435 = arith.index_cast %parallel_loop3A_434 : i32 to index
              %parallel_loop3A_436 = arith.index_cast %parallel_loop3A_309 : i32 to index
              %parallel_loop3A_437 = arith.constant 80 : index
              %parallel_loop3A_438 = tpu.vector_load %arg13[%parallel_loop3A_435, %parallel_loop3A_436, %parallel_loop3A_437] {strides = array<i32>} : memref<2x64x128xf32, #tpu.memory_space<vmem>>, vector<1x1x16xf32>,
              %parallel_loop3A_439 = vector.shape_cast %parallel_loop3A_438 : vector<1x1x16xf32> to vector<16xf32>
              %parallel_loop3A_440 = vector.shape_cast %parallel_loop3A_433 : vector<16xf32> to vector<1x1x16xf32>
              tpu.vector_store %arg13[%parallel_loop3A_435, %parallel_loop3A_436, %parallel_loop3A_437], %parallel_loop3A_440 {strides = array<i32>} : memref<2x64x128xf32, #tpu.memory_space<vmem>>, vector<1x1x16xf32>,
              %parallel_loop3A_441 = arith.constant 1 : i32
              %parallel_loop3A_442 = arith.index_cast %parallel_loop3A_441 : i32 to index
              %parallel_loop3A_443 = arith.index_cast %parallel_loop3A_309 : i32 to index
              %parallel_loop3A_444 = arith.constant 96 : index
              %parallel_loop3A_445 = tpu.vector_load %arg13[%parallel_loop3A_442, %parallel_loop3A_443, %parallel_loop3A_444] {strides = array<i32>} : memref<2x64x128xf32, #tpu.memory_space<vmem>>, vector<1x1x16xf32>,
              %parallel_loop3A_446 = vector.shape_cast %parallel_loop3A_445 : vector<1x1x16xf32> to vector<16xf32>
              %parallel_loop3A_447 = vector.extract_strided_slice %parallel_loop3A_331 {offsets = [6], sizes = [1], strides = [1]} : vector<16xf32> to vector<1xf32>
              %parallel_loop3A_448 = vector.extract %parallel_loop3A_447[0] : f32 from vector<1xf32>
              %parallel_loop3A_449 = vector.broadcast %parallel_loop3A_448 : f32 to vector<16xf32>
              %parallel_loop3A_450 = arith.mulf %parallel_loop3A_446, %parallel_loop3A_449 : vector<16xf32>
              %parallel_loop3A_451 = arith.constant 1 : i32
              %parallel_loop3A_452 = arith.index_cast %parallel_loop3A_451 : i32 to index
              %parallel_loop3A_453 = arith.index_cast %parallel_loop3A_309 : i32 to index
              %parallel_loop3A_454 = arith.constant 96 : index
              %parallel_loop3A_455 = tpu.vector_load %arg13[%parallel_loop3A_452, %parallel_loop3A_453, %parallel_loop3A_454] {strides = array<i32>} : memref<2x64x128xf32, #tpu.memory_space<vmem>>, vector<1x1x16xf32>,
              %parallel_loop3A_456 = vector.shape_cast %parallel_loop3A_455 : vector<1x1x16xf32> to vector<16xf32>
              %parallel_loop3A_457 = vector.shape_cast %parallel_loop3A_450 : vector<16xf32> to vector<1x1x16xf32>
              tpu.vector_store %arg13[%parallel_loop3A_452, %parallel_loop3A_453, %parallel_loop3A_454], %parallel_loop3A_457 {strides = array<i32>} : memref<2x64x128xf32, #tpu.memory_space<vmem>>, vector<1x1x16xf32>,
              %parallel_loop3A_458 = arith.constant 1 : i32
              %parallel_loop3A_459 = arith.index_cast %parallel_loop3A_458 : i32 to index
              %parallel_loop3A_460 = arith.index_cast %parallel_loop3A_309 : i32 to index
              %parallel_loop3A_461 = arith.constant 112 : index
              %parallel_loop3A_462 = tpu.vector_load %arg13[%parallel_loop3A_459, %parallel_loop3A_460, %parallel_loop3A_461] {strides = array<i32>} : memref<2x64x128xf32, #tpu.memory_space<vmem>>, vector<1x1x16xf32>,
              %parallel_loop3A_463 = vector.shape_cast %parallel_loop3A_462 : vector<1x1x16xf32> to vector<16xf32>
              %parallel_loop3A_464 = vector.extract_strided_slice %parallel_loop3A_331 {offsets = [7], sizes = [1], strides = [1]} : vector<16xf32> to vector<1xf32>
              %parallel_loop3A_465 = vector.extract %parallel_loop3A_464[0] : f32 from vector<1xf32>
              %parallel_loop3A_466 = vector.broadcast %parallel_loop3A_465 : f32 to vector<16xf32>
              %parallel_loop3A_467 = arith.mulf %parallel_loop3A_463, %parallel_loop3A_466 : vector<16xf32>
              %parallel_loop3A_468 = arith.constant 1 : i32
              %parallel_loop3A_469 = arith.index_cast %parallel_loop3A_468 : i32 to index
              %parallel_loop3A_470 = arith.index_cast %parallel_loop3A_309 : i32 to index
              %parallel_loop3A_471 = arith.constant 112 : index
              %parallel_loop3A_472 = tpu.vector_load %arg13[%parallel_loop3A_469, %parallel_loop3A_470, %parallel_loop3A_471] {strides = array<i32>} : memref<2x64x128xf32, #tpu.memory_space<vmem>>, vector<1x1x16xf32>,
              %parallel_loop3A_473 = vector.shape_cast %parallel_loop3A_472 : vector<1x1x16xf32> to vector<16xf32>
              %parallel_loop3A_474 = vector.shape_cast %parallel_loop3A_467 : vector<16xf32> to vector<1x1x16xf32>
              tpu.vector_store %arg13[%parallel_loop3A_469, %parallel_loop3A_470, %parallel_loop3A_471], %parallel_loop3A_474 {strides = array<i32>} : memref<2x64x128xf32, #tpu.memory_space<vmem>>, vector<1x1x16xf32>,
            } {sc.loop_unroll_factor = 4 : i64, sc.parallel_access}
            %dma_start3A_287 = arith.constant 1 : i32
            %dma_start3A_288 = arith.constant 0 : i32
            %dma_start3A_289 = arith.constant 0 : i32
            %dma_start3A_290 = tpu.memref_slice %arg14[%dma_start3A_287, %dma_start3A_288, %dma_start3A_289] : memref<2x64x16xf32, #tpu.memory_space<vmem>> -> memref<1x64x16xf32, #tpu.memory_space<vmem>>
            %dma_start3A_291 = tpu.memref_squeeze %dma_start3A_290 : memref<1x64x16xf32, #tpu.memory_space<vmem>> -> memref<64x16xf32, #tpu.memory_space<vmem>>
            %dma_start3A_292 = arith.constant 0 : i32
            %dma_start3A_293 = tpu.memref_slice %arg10[%add3A_118, %dma_start3A_292] : memref<40x64xi32, #tpu.memory_space<vmem>> -> memref<1x64xi32, #tpu.memory_space<vmem>>
            %dma_start3A_294 = tpu.memref_squeeze %dma_start3A_293 : memref<1x64xi32, #tpu.memory_space<vmem>> -> memref<64xi32, #tpu.memory_space<vmem>>
            %dma_start3A_295 = arith.constant 0 : i32
            %dma_start3A_296 = arith.constant 0 : i32
            %dma_start3A_297 = tpu.memref_slice %arg15[%dma_start3A_295, %dma_start3A_296] : memref<10240x16xf32, #tpu.memory_space<vmem_shared>> -> memref<10240x16xf32, #tpu.memory_space<vmem_shared>>
            tpu.enqueue_indirect_dma source(%dma_start3A_291 : memref<64x16xf32, #tpu.memory_space<vmem>>) target(%dma_start3A_297 : memref<10240x16xf32, #tpu.memory_space<vmem_shared>>) offsets(%dma_start3A_294 : memref<64xi32, #tpu.memory_space<vmem>>) semaphore(%arg25 : memref<!tpu.dma_semaphore, #tpu.memory_space<semaphore_mem>>) {add = true}
            %dma_start3A_298 = arith.constant 1 : i32
            %dma_start3A_299 = arith.constant 0 : i32
            %dma_start3A_300 = arith.constant 0 : i32
            %dma_start3A_301 = tpu.memref_slice %arg13[%dma_start3A_298, %dma_start3A_299, %dma_start3A_300] : memref<2x64x128xf32, #tpu.memory_space<vmem>> -> memref<1x64x128xf32, #tpu.memory_space<vmem>>
            %dma_start3A_302 = tpu.memref_squeeze %dma_start3A_301 : memref<1x64x128xf32, #tpu.memory_space<vmem>> -> memref<64x128xf32, #tpu.memory_space<vmem>>
            %dma_start3A_303 = arith.constant 0 : i32
            %dma_start3A_304 = tpu.memref_slice %arg10[%add3A_118, %dma_start3A_303] : memref<40x64xi32, #tpu.memory_space<vmem>> -> memref<1x64xi32, #tpu.memory_space<vmem>>
            %dma_start3A_305 = tpu.memref_squeeze %dma_start3A_304 : memref<1x64xi32, #tpu.memory_space<vmem>> -> memref<64xi32, #tpu.memory_space<vmem>>
            %dma_start3A_306 = arith.constant 0 : i32
            %dma_start3A_307 = arith.constant 0 : i32
            %dma_start3A_308 = tpu.memref_slice %arg16[%dma_start3A_306, %dma_start3A_307] : memref<10240x128xf32, #tpu.memory_space<vmem_shared>> -> memref<10240x128xf32, #tpu.memory_space<vmem_shared>>
            tpu.enqueue_indirect_dma source(%dma_start3A_302 : memref<64x128xf32, #tpu.memory_space<vmem>>) target(%dma_start3A_308 : memref<10240x128xf32, #tpu.memory_space<vmem_shared>>) offsets(%dma_start3A_305 : memref<64xi32, #tpu.memory_space<vmem>>) semaphore(%arg26 : memref<!tpu.dma_semaphore, #tpu.memory_space<semaphore_mem>>) {add = true}
          } else {
          }
        }
        %scan3A_109 = arith.constant 20 : i32
      } else {
      }
    }
    %scan3A_37 = arith.constant 4 : i32
    %dma_wait3A = arith.constant 0 : i32
    %dma_wait3A_38 = arith.constant 0 : i32
    %dma_wait3A_39 = arith.constant 0 : i32
    %dma_wait3A_40 = arith.constant 0 : i32
    %dma_wait3A_41 = tpu.memref_slice %arg14[%dma_wait3A, %dma_wait3A_39, %dma_wait3A_40] : memref<2x64x16xf32, #tpu.memory_space<vmem>> -> memref<1x64x16xf32, #tpu.memory_space<vmem>>
    %dma_wait3A_42 = tpu.memref_squeeze %dma_wait3A_41 : memref<1x64x16xf32, #tpu.memory_space<vmem>> -> memref<64x16xf32, #tpu.memory_space<vmem>>
    %dma_wait3A_43 = arith.constant 0 : i32
    %dma_wait3A_44 = tpu.memref_slice %arg10[%dma_wait3A_38, %dma_wait3A_43] : memref<40x64xi32, #tpu.memory_space<vmem>> -> memref<1x64xi32, #tpu.memory_space<vmem>>
    %dma_wait3A_45 = tpu.memref_squeeze %dma_wait3A_44 : memref<1x64xi32, #tpu.memory_space<vmem>> -> memref<64xi32, #tpu.memory_space<vmem>>
    %dma_wait3A_46 = arith.constant 0 : i32
    %dma_wait3A_47 = arith.constant 0 : i32
    %dma_wait3A_48 = tpu.memref_slice %arg15[%dma_wait3A_46, %dma_wait3A_47] : memref<10240x16xf32, #tpu.memory_space<vmem_shared>> -> memref<10240x16xf32, #tpu.memory_space<vmem_shared>>
    tpu.wait_indirect_dma semaphore(%arg23 : memref<!tpu.dma_semaphore, #tpu.memory_space<semaphore_mem>>) src(%dma_wait3A_42 : memref<64x16xf32, #tpu.memory_space<vmem>>) dst(%dma_wait3A_48 : memref<10240x16xf32, #tpu.memory_space<vmem_shared>>)
    %dma_wait3A_49 = arith.constant 0 : i32
    %dma_wait3A_50 = arith.constant 0 : i32
    %dma_wait3A_51 = arith.constant 0 : i32
    %dma_wait3A_52 = arith.constant 0 : i32
    %dma_wait3A_53 = tpu.memref_slice %arg13[%dma_wait3A_49, %dma_wait3A_51, %dma_wait3A_52] : memref<2x64x128xf32, #tpu.memory_space<vmem>> -> memref<1x64x128xf32, #tpu.memory_space<vmem>>
    %dma_wait3A_54 = tpu.memref_squeeze %dma_wait3A_53 : memref<1x64x128xf32, #tpu.memory_space<vmem>> -> memref<64x128xf32, #tpu.memory_space<vmem>>
    %dma_wait3A_55 = arith.constant 0 : i32
    %dma_wait3A_56 = tpu.memref_slice %arg10[%dma_wait3A_50, %dma_wait3A_55] : memref<40x64xi32, #tpu.memory_space<vmem>> -> memref<1x64xi32, #tpu.memory_space<vmem>>
    %dma_wait3A_57 = tpu.memref_squeeze %dma_wait3A_56 : memref<1x64xi32, #tpu.memory_space<vmem>> -> memref<64xi32, #tpu.memory_space<vmem>>
    %dma_wait3A_58 = arith.constant 0 : i32
    %dma_wait3A_59 = arith.constant 0 : i32
    %dma_wait3A_60 = tpu.memref_slice %arg16[%dma_wait3A_58, %dma_wait3A_59] : memref<10240x128xf32, #tpu.memory_space<vmem_shared>> -> memref<10240x128xf32, #tpu.memory_space<vmem_shared>>
    tpu.wait_indirect_dma semaphore(%arg24 : memref<!tpu.dma_semaphore, #tpu.memory_space<semaphore_mem>>) src(%dma_wait3A_54 : memref<64x128xf32, #tpu.memory_space<vmem>>) dst(%dma_wait3A_60 : memref<10240x128xf32, #tpu.memory_space<vmem_shared>>)
    %dma_wait3A_61 = arith.constant 1 : i32
    %dma_wait3A_62 = arith.constant 0 : i32
    %dma_wait3A_63 = arith.constant 0 : i32
    %dma_wait3A_64 = arith.constant 0 : i32
    %dma_wait3A_65 = tpu.memref_slice %arg14[%dma_wait3A_61, %dma_wait3A_63, %dma_wait3A_64] : memref<2x64x16xf32, #tpu.memory_space<vmem>> -> memref<1x64x16xf32, #tpu.memory_space<vmem>>
    %dma_wait3A_66 = tpu.memref_squeeze %dma_wait3A_65 : memref<1x64x16xf32, #tpu.memory_space<vmem>> -> memref<64x16xf32, #tpu.memory_space<vmem>>
    %dma_wait3A_67 = arith.constant 0 : i32
    %dma_wait3A_68 = tpu.memref_slice %arg10[%dma_wait3A_62, %dma_wait3A_67] : memref<40x64xi32, #tpu.memory_space<vmem>> -> memref<1x64xi32, #tpu.memory_space<vmem>>
    %dma_wait3A_69 = tpu.memref_squeeze %dma_wait3A_68 : memref<1x64xi32, #tpu.memory_space<vmem>> -> memref<64xi32, #tpu.memory_space<vmem>>
    %dma_wait3A_70 = arith.constant 0 : i32
    %dma_wait3A_71 = arith.constant 0 : i32
    %dma_wait3A_72 = tpu.memref_slice %arg15[%dma_wait3A_70, %dma_wait3A_71] : memref<10240x16xf32, #tpu.memory_space<vmem_shared>> -> memref<10240x16xf32, #tpu.memory_space<vmem_shared>>
    tpu.wait_indirect_dma semaphore(%arg25 : memref<!tpu.dma_semaphore, #tpu.memory_space<semaphore_mem>>) src(%dma_wait3A_66 : memref<64x16xf32, #tpu.memory_space<vmem>>) dst(%dma_wait3A_72 : memref<10240x16xf32, #tpu.memory_space<vmem_shared>>)
    %dma_wait3A_73 = arith.constant 1 : i32
    %dma_wait3A_74 = arith.constant 0 : i32
    %dma_wait3A_75 = arith.constant 0 : i32
    %dma_wait3A_76 = arith.constant 0 : i32
    %dma_wait3A_77 = tpu.memref_slice %arg13[%dma_wait3A_73, %dma_wait3A_75, %dma_wait3A_76] : memref<2x64x128xf32, #tpu.memory_space<vmem>> -> memref<1x64x128xf32, #tpu.memory_space<vmem>>
    %dma_wait3A_78 = tpu.memref_squeeze %dma_wait3A_77 : memref<1x64x128xf32, #tpu.memory_space<vmem>> -> memref<64x128xf32, #tpu.memory_space<vmem>>
    %dma_wait3A_79 = arith.constant 0 : i32
    %dma_wait3A_80 = tpu.memref_slice %arg10[%dma_wait3A_74, %dma_wait3A_79] : memref<40x64xi32, #tpu.memory_space<vmem>> -> memref<1x64xi32, #tpu.memory_space<vmem>>
    %dma_wait3A_81 = tpu.memref_squeeze %dma_wait3A_80 : memref<1x64xi32, #tpu.memory_space<vmem>> -> memref<64xi32, #tpu.memory_space<vmem>>
    %dma_wait3A_82 = arith.constant 0 : i32
    %dma_wait3A_83 = arith.constant 0 : i32
    %dma_wait3A_84 = tpu.memref_slice %arg16[%dma_wait3A_82, %dma_wait3A_83] : memref<10240x128xf32, #tpu.memory_space<vmem_shared>> -> memref<10240x128xf32, #tpu.memory_space<vmem_shared>>
    tpu.wait_indirect_dma semaphore(%arg26 : memref<!tpu.dma_semaphore, #tpu.memory_space<semaphore_mem>>) src(%dma_wait3A_78 : memref<64x128xf32, #tpu.memory_space<vmem>>) dst(%dma_wait3A_84 : memref<10240x128xf32, #tpu.memory_space<vmem_shared>>)
    %barrier3A_85 = arith.constant 0 : index
    tpu.barrier barrier_id(%barrier3A_85)
    %mul3A_86 = arith.constant 640 : i32
    %mul3A_87 = arith.muli %arg1, %mul3A_86 : i32
    %mul3A_88 = arith.constant 640 : i32
    %mul3A_89 = arith.muli %arg1, %mul3A_88 : i32
    "tpu.region"() ({
      %run_scoped3A = tpu.sem_alloc : memref<!tpu.dma_semaphore, #tpu.memory_space<semaphore_mem>>
      %dma_start3A = arith.constant 0 : i32
      %dma_start3A_94 = arith.constant 0 : i32
      %dma_start3A_95 = tpu.memref_slice %arg7[%arg0, %dma_start3A, %dma_start3A_94] : memref<2x10240x16xf32, #tpu.memory_space<hbm>> -> memref<1x10240x16xf32, #tpu.memory_space<hbm>>
      %dma_start3A_96 = tpu.memref_squeeze %dma_start3A_95 : memref<1x10240x16xf32, #tpu.memory_space<hbm>> -> memref<10240x16xf32, #tpu.memory_space<hbm>>
      %dma_start3A_97 = arith.constant 0 : i32
      %dma_start3A_98 = tpu.memref_slice %dma_start3A_96[%mul3A_89, %dma_start3A_97] : memref<10240x16xf32, #tpu.memory_space<hbm>> -> memref<640x16xf32, #tpu.memory_space<hbm>>
      %dma_start3A_99 = arith.constant 0 : i32
      %dma_start3A_100 = tpu.memref_slice %arg15[%mul3A_87, %dma_start3A_99] : memref<10240x16xf32, #tpu.memory_space<vmem_shared>> -> memref<640x16xf32, #tpu.memory_space<vmem_shared>>
      tpu.enqueue_dma source(%dma_start3A_100 : memref<640x16xf32, #tpu.memory_space<vmem_shared>>) target(%dma_start3A_98 : memref<640x16xf32, #tpu.memory_space<hbm>>) target_semaphore(%run_scoped3A : memref<!tpu.dma_semaphore, #tpu.memory_space<semaphore_mem>>)
      %dma_wait3A_101 = arith.constant 0 : i32
      %dma_wait3A_102 = arith.constant 0 : i32
      %dma_wait3A_103 = tpu.memref_slice %arg7[%arg0, %dma_wait3A_101, %dma_wait3A_102] : memref<2x10240x16xf32, #tpu.memory_space<hbm>> -> memref<1x10240x16xf32, #tpu.memory_space<hbm>>
      %dma_wait3A_104 = tpu.memref_squeeze %dma_wait3A_103 : memref<1x10240x16xf32, #tpu.memory_space<hbm>> -> memref<10240x16xf32, #tpu.memory_space<hbm>>
      %dma_wait3A_105 = arith.constant 0 : i32
      %dma_wait3A_106 = tpu.memref_slice %dma_wait3A_104[%mul3A_89, %dma_wait3A_105] : memref<10240x16xf32, #tpu.memory_space<hbm>> -> memref<640x16xf32, #tpu.memory_space<hbm>>
      %dma_wait3A_107 = arith.constant 0 : i32
      %dma_wait3A_108 = tpu.memref_slice %arg15[%mul3A_87, %dma_wait3A_107] : memref<10240x16xf32, #tpu.memory_space<vmem_shared>> -> memref<640x16xf32, #tpu.memory_space<vmem_shared>>
      tpu.wait_dma2 semaphore(%run_scoped3A : memref<!tpu.dma_semaphore, #tpu.memory_space<semaphore_mem>>) src(%dma_wait3A_108 : memref<640x16xf32, #tpu.memory_space<vmem_shared>>) dst(%dma_wait3A_106 : memref<640x16xf32, #tpu.memory_space<hbm>>)
      tpu.yield
    }) : () -> ()
    %mul3A_90 = arith.constant 640 : i32
    %mul3A_91 = arith.muli %arg1, %mul3A_90 : i32
    %mul3A_92 = arith.constant 640 : i32
    %mul3A_93 = arith.muli %arg1, %mul3A_92 : i32
    "tpu.region"() ({
      %run_scoped3A = tpu.sem_alloc : memref<!tpu.dma_semaphore, #tpu.memory_space<semaphore_mem>>
      %dma_start3A = arith.constant 0 : i32
      %dma_start3A_94 = arith.constant 0 : i32
      %dma_start3A_95 = tpu.memref_slice %arg8[%arg0, %dma_start3A, %dma_start3A_94] : memref<2x10240x128xf32, #tpu.memory_space<hbm>> -> memref<1x10240x128xf32, #tpu.memory_space<hbm>>
      %dma_start3A_96 = tpu.memref_squeeze %dma_start3A_95 : memref<1x10240x128xf32, #tpu.memory_space<hbm>> -> memref<10240x128xf32, #tpu.memory_space<hbm>>
      %dma_start3A_97 = arith.constant 0 : i32
      %dma_start3A_98 = tpu.memref_slice %dma_start3A_96[%mul3A_93, %dma_start3A_97] : memref<10240x128xf32, #tpu.memory_space<hbm>> -> memref<640x128xf32, #tpu.memory_space<hbm>>
      %dma_start3A_99 = arith.constant 0 : i32
      %dma_start3A_100 = tpu.memref_slice %arg16[%mul3A_91, %dma_start3A_99] : memref<10240x128xf32, #tpu.memory_space<vmem_shared>> -> memref<640x128xf32, #tpu.memory_space<vmem_shared>>
      tpu.enqueue_dma source(%dma_start3A_100 : memref<640x128xf32, #tpu.memory_space<vmem_shared>>) target(%dma_start3A_98 : memref<640x128xf32, #tpu.memory_space<hbm>>) target_semaphore(%run_scoped3A : memref<!tpu.dma_semaphore, #tpu.memory_space<semaphore_mem>>)
      %dma_wait3A_101 = arith.constant 0 : i32
      %dma_wait3A_102 = arith.constant 0 : i32
      %dma_wait3A_103 = tpu.memref_slice %arg8[%arg0, %dma_wait3A_101, %dma_wait3A_102] : memref<2x10240x128xf32, #tpu.memory_space<hbm>> -> memref<1x10240x128xf32, #tpu.memory_space<hbm>>
      %dma_wait3A_104 = tpu.memref_squeeze %dma_wait3A_103 : memref<1x10240x128xf32, #tpu.memory_space<hbm>> -> memref<10240x128xf32, #tpu.memory_space<hbm>>
      %dma_wait3A_105 = arith.constant 0 : i32
      %dma_wait3A_106 = tpu.memref_slice %dma_wait3A_104[%mul3A_93, %dma_wait3A_105] : memref<10240x128xf32, #tpu.memory_space<hbm>> -> memref<640x128xf32, #tpu.memory_space<hbm>>
      %dma_wait3A_107 = arith.constant 0 : i32
      %dma_wait3A_108 = tpu.memref_slice %arg16[%mul3A_91, %dma_wait3A_107] : memref<10240x128xf32, #tpu.memory_space<vmem_shared>> -> memref<640x128xf32, #tpu.memory_space<vmem_shared>>
      tpu.wait_dma2 semaphore(%run_scoped3A : memref<!tpu.dma_semaphore, #tpu.memory_space<semaphore_mem>>) src(%dma_wait3A_108 : memref<640x128xf32, #tpu.memory_space<vmem_shared>>) dst(%dma_wait3A_106 : memref<640x128xf32, #tpu.memory_space<hbm>>)
      tpu.yield
    }) : () -> ()
    return
  }
}

#map = affine_map<(d0, d1) -> (0, 0)>
#map1 = affine_map<(d0, d1) -> (0, 0, 0)>
module attributes {stable_mosaic.version = 14 : i64} {
  func.func @k(%arg0: i32, %arg1: i32, %arg2: memref<10240x16xf32, #tpu.memory_space<hbm>>, %arg3: memref<10240x16xf32, #tpu.memory_space<hbm>>, %arg4: memref<10240x16xf32, #tpu.memory_space<hbm>>, %arg5: memref<5000x64xi32, #tpu.memory_space<hbm>>, %arg6: memref<5000x64xi32, #tpu.memory_space<hbm>>, %arg7: memref<2x10240x16xf32, #tpu.memory_space<hbm>>, %arg8: memref<2x10240x16xf32, #tpu.memory_space<hbm>>, %arg9: memref<40x64xi32, #tpu.memory_space<vmem>>, %arg10: memref<40x64xi32, #tpu.memory_space<vmem>>, %arg11: memref<2x64x16xf32, #tpu.memory_space<vmem>>, %arg12: memref<2x64x16xf32, #tpu.memory_space<vmem>>, %arg13: memref<2x64x16xf32, #tpu.memory_space<vmem>>, %arg14: memref<2x64x16xf32, #tpu.memory_space<vmem>>, %arg15: memref<10240x16xf32, #tpu.memory_space<vmem_shared>>, %arg16: memref<10240x16xf32, #tpu.memory_space<vmem_shared>>, %arg17: memref<!tpu.dma_semaphore, #tpu.memory_space<semaphore_mem>>, %arg18: memref<!tpu.dma_semaphore, #tpu.memory_space<semaphore_mem>>, %arg19: memref<!tpu.dma_semaphore, #tpu.memory_space<semaphore_mem>>, %arg20: memref<!tpu.dma_semaphore, #tpu.memory_space<semaphore_mem>>, %arg21: memref<!tpu.dma_semaphore, #tpu.memory_space<semaphore_mem>>, %arg22: memref<!tpu.dma_semaphore, #tpu.memory_space<semaphore_mem>>, %arg23: memref<!tpu.dma_semaphore, #tpu.memory_space<semaphore_mem>>, %arg24: memref<!tpu.dma_semaphore, #tpu.memory_space<semaphore_mem>>, %arg25: memref<!tpu.dma_semaphore, #tpu.memory_space<semaphore_mem>>, %arg26: memref<!tpu.dma_semaphore, #tpu.memory_space<semaphore_mem>>) attributes {dimension_semantics = [#tpu.dimension_semantics<core_parallel>, #tpu.dimension_semantics<subcore_parallel>], iteration_bounds = array<i64: 2, 16>, scalar_prefetch = 0 : i64, scratch_operands = 18 : i64, tpu.core_type = #tpu.core_type<sc_vector_subcore>, window_params = [{transform_indices = #map}, {transform_indices = #map}, {transform_indices = #map}, {transform_indices = #map}, {transform_indices = #map}, {transform_indices = #map1}, {transform_indices = #map1}]} {
    %mul3A = arith.constant 2 : i32
    %mul3A_0 = arith.muli %arg1, %mul3A : i32
    %add3A = arith.addi %mul3A_0, %arg0 : i32
    %mul3A_1 = arith.constant 160 : i32
    %mul3A_2 = arith.muli %add3A, %mul3A_1 : i32
    %sub3A = arith.constant 5000 : i32
    %sub3A_3 = arith.subi %sub3A, %mul3A_2 : i32
    %jit3A = arith.constant 0 : i32
    %jit3A_4 = arith.constant 160 : i32
    %max3A = arith.maxsi %jit3A, %sub3A_3 : i32
    %min3A = arith.minsi %jit3A_4, %max3A : i32
    %scan3A = arith.constant 0 : i32
    %scan3A_5 = arith.constant 64 : i32
    %scan3A_6 = arith.addi %scan3A, %scan3A_5 : i32
    %scan3A_7 = arith.constant 1 : i32
    scf.for %scan3A_94 = %scan3A to %scan3A_6 step %scan3A_7  : i32 {
      %mul3A_95 = arith.constant 1 : i32
      %mul3A_96 = arith.muli %scan3A_94, %mul3A_95 : i32
      %add3A_97 = arith.constant 0 : i32
      %add3A_98 = arith.addi %add3A_97, %mul3A_96 : i32
      %broadcast_in_dim3A = arith.constant 0.000000e+00 : f32
      %broadcast_in_dim3A_99 = vector.broadcast %broadcast_in_dim3A : f32 to vector<16xf32>
      %swap3A = arith.constant 0 : i32
      %swap3A_100 = arith.index_cast %swap3A : i32 to index
      %swap3A_101 = arith.index_cast %add3A_98 : i32 to index
      %swap3A_102 = arith.constant 0 : index
      %swap3A_103 = tpu.vector_load %arg14[%swap3A_100, %swap3A_101, %swap3A_102] {strides = array<i32>} : memref<2x64x16xf32, #tpu.memory_space<vmem>>, vector<1x1x16xf32>,
      %swap3A_104 = vector.shape_cast %swap3A_103 : vector<1x1x16xf32> to vector<16xf32>
      %swap3A_105 = vector.shape_cast %broadcast_in_dim3A_99 : vector<16xf32> to vector<1x1x16xf32>
      tpu.vector_store %arg14[%swap3A_100, %swap3A_101, %swap3A_102], %swap3A_105 {strides = array<i32>} : memref<2x64x16xf32, #tpu.memory_space<vmem>>, vector<1x1x16xf32>,
      %broadcast_in_dim3A_106 = arith.constant 0.000000e+00 : f32
      %broadcast_in_dim3A_107 = vector.broadcast %broadcast_in_dim3A_106 : f32 to vector<16xf32>
      %swap3A_108 = arith.constant 0 : i32
      %swap3A_109 = arith.index_cast %swap3A_108 : i32 to index
      %swap3A_110 = arith.index_cast %add3A_98 : i32 to index
      %swap3A_111 = arith.constant 0 : index
      %swap3A_112 = tpu.vector_load %arg13[%swap3A_109, %swap3A_110, %swap3A_111] {strides = array<i32>} : memref<2x64x16xf32, #tpu.memory_space<vmem>>, vector<1x1x16xf32>,
      %swap3A_113 = vector.shape_cast %swap3A_112 : vector<1x1x16xf32> to vector<16xf32>
      %swap3A_114 = vector.shape_cast %broadcast_in_dim3A_107 : vector<16xf32> to vector<1x1x16xf32>
      tpu.vector_store %arg13[%swap3A_109, %swap3A_110, %swap3A_111], %swap3A_114 {strides = array<i32>} : memref<2x64x16xf32, #tpu.memory_space<vmem>>, vector<1x1x16xf32>,
    }
    %scan3A_8 = arith.constant 64 : i32
    %scan3A_9 = arith.constant 0 : i32
    %scan3A_10 = arith.constant 10 : i32
    %scan3A_11 = arith.addi %scan3A_9, %scan3A_10 : i32
    %scan3A_12 = arith.constant 1 : i32
    scf.for %scan3A_94 = %scan3A_9 to %scan3A_11 step %scan3A_12  : i32 {
      %mul3A_95 = arith.constant 1 : i32
      %mul3A_96 = arith.muli %scan3A_94, %mul3A_95 : i32
      %add3A_97 = arith.constant 0 : i32
      %add3A_98 = arith.addi %add3A_97, %mul3A_96 : i32
      %mul3A_99 = arith.constant 640 : i32
      %mul3A_100 = arith.muli %arg1, %mul3A_99 : i32
      %mul3A_101 = arith.constant 64 : i32
      %mul3A_102 = arith.muli %add3A_98, %mul3A_101 : i32
      %add3A_103 = arith.addi %mul3A_100, %mul3A_102 : i32
      %run_scoped3A = arith.constant 0 : i32
      "tpu.region"() ({
        %run_scoped3A_110 = tpu.sem_alloc : memref<!tpu.dma_semaphore, #tpu.memory_space<semaphore_mem>>
        %dma_start3A = arith.constant 0 : i32
        %dma_start3A_111 = arith.constant 0 : i32
        %dma_start3A_112 = tpu.memref_slice %arg14[%run_scoped3A, %dma_start3A, %dma_start3A_111] : memref<2x64x16xf32, #tpu.memory_space<vmem>> -> memref<1x64x16xf32, #tpu.memory_space<vmem>>
        %dma_start3A_113 = tpu.memref_squeeze %dma_start3A_112 : memref<1x64x16xf32, #tpu.memory_space<vmem>> -> memref<64x16xf32, #tpu.memory_space<vmem>>
        %dma_start3A_114 = arith.constant 0 : i32
        %dma_start3A_115 = tpu.memref_slice %arg15[%add3A_103, %dma_start3A_114] : memref<10240x16xf32, #tpu.memory_space<vmem_shared>> -> memref<64x16xf32, #tpu.memory_space<vmem_shared>>
        %dma_start3A_116 = arith.constant 0 : i32
        %dma_start3A_117 = tpu.memref_slice %arg15[%add3A_103, %dma_start3A_116] : memref<10240x16xf32, #tpu.memory_space<vmem_shared>> -> memref<64x16xf32, #tpu.memory_space<vmem_shared>>
        %dma_start3A_118 = arith.constant 0 : i32
        %dma_start3A_119 = arith.constant 0 : i32
        %dma_start3A_120 = tpu.memref_slice %arg14[%run_scoped3A, %dma_start3A_118, %dma_start3A_119] : memref<2x64x16xf32, #tpu.memory_space<vmem>> -> memref<1x64x16xf32, #tpu.memory_space<vmem>>
        %dma_start3A_121 = tpu.memref_squeeze %dma_start3A_120 : memref<1x64x16xf32, #tpu.memory_space<vmem>> -> memref<64x16xf32, #tpu.memory_space<vmem>>
        tpu.enqueue_dma source(%dma_start3A_121 : memref<64x16xf32, #tpu.memory_space<vmem>>) target(%dma_start3A_117 : memref<64x16xf32, #tpu.memory_space<vmem_shared>>) target_semaphore(%run_scoped3A_110 : memref<!tpu.dma_semaphore, #tpu.memory_space<semaphore_mem>>)
        %dma_wait3A_122 = arith.constant 0 : i32
        %dma_wait3A_123 = arith.constant 0 : i32
        %dma_wait3A_124 = tpu.memref_slice %arg14[%run_scoped3A, %dma_wait3A_122, %dma_wait3A_123] : memref<2x64x16xf32, #tpu.memory_space<vmem>> -> memref<1x64x16xf32, #tpu.memory_space<vmem>>
        %dma_wait3A_125 = tpu.memref_squeeze %dma_wait3A_124 : memref<1x64x16xf32, #tpu.memory_space<vmem>> -> memref<64x16xf32, #tpu.memory_space<vmem>>
        %dma_wait3A_126 = arith.constant 0 : i32
        %dma_wait3A_127 = tpu.memref_slice %arg15[%add3A_103, %dma_wait3A_126] : memref<10240x16xf32, #tpu.memory_space<vmem_shared>> -> memref<64x16xf32, #tpu.memory_space<vmem_shared>>
        %dma_wait3A_128 = arith.constant 0 : i32
        %dma_wait3A_129 = tpu.memref_slice %arg15[%add3A_103, %dma_wait3A_128] : memref<10240x16xf32, #tpu.memory_space<vmem_shared>> -> memref<64x16xf32, #tpu.memory_space<vmem_shared>>
        %dma_wait3A_130 = arith.constant 0 : i32
        %dma_wait3A_131 = arith.constant 0 : i32
        %dma_wait3A_132 = tpu.memref_slice %arg14[%run_scoped3A, %dma_wait3A_130, %dma_wait3A_131] : memref<2x64x16xf32, #tpu.memory_space<vmem>> -> memref<1x64x16xf32, #tpu.memory_space<vmem>>
        %dma_wait3A_133 = tpu.memref_squeeze %dma_wait3A_132 : memref<1x64x16xf32, #tpu.memory_space<vmem>> -> memref<64x16xf32, #tpu.memory_space<vmem>>
        tpu.wait_dma2 semaphore(%run_scoped3A_110 : memref<!tpu.dma_semaphore, #tpu.memory_space<semaphore_mem>>) src(%dma_wait3A_133 : memref<64x16xf32, #tpu.memory_space<vmem>>) dst(%dma_wait3A_129 : memref<64x16xf32, #tpu.memory_space<vmem_shared>>)
        tpu.yield
      }) : () -> ()
      %mul3A_104 = arith.constant 640 : i32
      %mul3A_105 = arith.muli %arg1, %mul3A_104 : i32
      %mul3A_106 = arith.constant 64 : i32
      %mul3A_107 = arith.muli %add3A_98, %mul3A_106 : i32
      %add3A_108 = arith.addi %mul3A_105, %mul3A_107 : i32
      %run_scoped3A_109 = arith.constant 0 : i32
      "tpu.region"() ({
        %run_scoped3A_110 = tpu.sem_alloc : memref<!tpu.dma_semaphore, #tpu.memory_space<semaphore_mem>>
        %dma_start3A = arith.constant 0 : i32
        %dma_start3A_111 = arith.constant 0 : i32
        %dma_start3A_112 = tpu.memref_slice %arg13[%run_scoped3A_109, %dma_start3A, %dma_start3A_111] : memref<2x64x16xf32, #tpu.memory_space<vmem>> -> memref<1x64x16xf32, #tpu.memory_space<vmem>>
        %dma_start3A_113 = tpu.memref_squeeze %dma_start3A_112 : memref<1x64x16xf32, #tpu.memory_space<vmem>> -> memref<64x16xf32, #tpu.memory_space<vmem>>
        %dma_start3A_114 = arith.constant 0 : i32
        %dma_start3A_115 = tpu.memref_slice %arg16[%add3A_108, %dma_start3A_114] : memref<10240x16xf32, #tpu.memory_space<vmem_shared>> -> memref<64x16xf32, #tpu.memory_space<vmem_shared>>
        %dma_start3A_116 = arith.constant 0 : i32
        %dma_start3A_117 = tpu.memref_slice %arg16[%add3A_108, %dma_start3A_116] : memref<10240x16xf32, #tpu.memory_space<vmem_shared>> -> memref<64x16xf32, #tpu.memory_space<vmem_shared>>
        %dma_start3A_118 = arith.constant 0 : i32
        %dma_start3A_119 = arith.constant 0 : i32
        %dma_start3A_120 = tpu.memref_slice %arg13[%run_scoped3A_109, %dma_start3A_118, %dma_start3A_119] : memref<2x64x16xf32, #tpu.memory_space<vmem>> -> memref<1x64x16xf32, #tpu.memory_space<vmem>>
        %dma_start3A_121 = tpu.memref_squeeze %dma_start3A_120 : memref<1x64x16xf32, #tpu.memory_space<vmem>> -> memref<64x16xf32, #tpu.memory_space<vmem>>
        tpu.enqueue_dma source(%dma_start3A_121 : memref<64x16xf32, #tpu.memory_space<vmem>>) target(%dma_start3A_117 : memref<64x16xf32, #tpu.memory_space<vmem_shared>>) target_semaphore(%run_scoped3A_110 : memref<!tpu.dma_semaphore, #tpu.memory_space<semaphore_mem>>)
        %dma_wait3A_122 = arith.constant 0 : i32
        %dma_wait3A_123 = arith.constant 0 : i32
        %dma_wait3A_124 = tpu.memref_slice %arg13[%run_scoped3A_109, %dma_wait3A_122, %dma_wait3A_123] : memref<2x64x16xf32, #tpu.memory_space<vmem>> -> memref<1x64x16xf32, #tpu.memory_space<vmem>>
        %dma_wait3A_125 = tpu.memref_squeeze %dma_wait3A_124 : memref<1x64x16xf32, #tpu.memory_space<vmem>> -> memref<64x16xf32, #tpu.memory_space<vmem>>
        %dma_wait3A_126 = arith.constant 0 : i32
        %dma_wait3A_127 = tpu.memref_slice %arg16[%add3A_108, %dma_wait3A_126] : memref<10240x16xf32, #tpu.memory_space<vmem_shared>> -> memref<64x16xf32, #tpu.memory_space<vmem_shared>>
        %dma_wait3A_128 = arith.constant 0 : i32
        %dma_wait3A_129 = tpu.memref_slice %arg16[%add3A_108, %dma_wait3A_128] : memref<10240x16xf32, #tpu.memory_space<vmem_shared>> -> memref<64x16xf32, #tpu.memory_space<vmem_shared>>
        %dma_wait3A_130 = arith.constant 0 : i32
        %dma_wait3A_131 = arith.constant 0 : i32
        %dma_wait3A_132 = tpu.memref_slice %arg13[%run_scoped3A_109, %dma_wait3A_130, %dma_wait3A_131] : memref<2x64x16xf32, #tpu.memory_space<vmem>> -> memref<1x64x16xf32, #tpu.memory_space<vmem>>
        %dma_wait3A_133 = tpu.memref_squeeze %dma_wait3A_132 : memref<1x64x16xf32, #tpu.memory_space<vmem>> -> memref<64x16xf32, #tpu.memory_space<vmem>>
        tpu.wait_dma2 semaphore(%run_scoped3A_110 : memref<!tpu.dma_semaphore, #tpu.memory_space<semaphore_mem>>) src(%dma_wait3A_133 : memref<64x16xf32, #tpu.memory_space<vmem>>) dst(%dma_wait3A_129 : memref<64x16xf32, #tpu.memory_space<vmem_shared>>)
        tpu.yield
      }) : () -> ()
    }
    %scan3A_13 = arith.constant 10 : i32
    %barrier3A = arith.constant 0 : index
    tpu.barrier barrier_id(%barrier3A)
    %iota3A = tpu.iota {dimensions = array<i32: 0>} : vector<16xi32>
    %jit3A_14 = arith.constant 8 : i32
    %eq3A = arith.constant 0 : i32
    %eq3A_15 = arith.cmpi eq, %jit3A_14, %eq3A : i32
    %jit3A_16 = arith.constant 1 : i32
    %select_n3A = arith.select %eq3A_15, %jit3A_16, %jit3A_14 : i32
    %rem3A = vector.broadcast %select_n3A : i32 to vector<16xi32>
    %rem3A_17 = arith.remsi %iota3A, %rem3A : vector<16xi32>
    %ne3A = arith.constant 0 : i32
    %ne3A_18 = vector.broadcast %ne3A : i32 to vector<16xi32>
    %ne3A_19 = arith.cmpi ne, %rem3A_17, %ne3A_18 : vector<16xi32>
    %lt3A = arith.constant 0 : i32
    %lt3A_20 = vector.broadcast %lt3A : i32 to vector<16xi32>
    %lt3A_21 = arith.cmpi slt, %rem3A_17, %lt3A_20 : vector<16xi32>
    %lt3A_22 = arith.constant 0 : i32
    %lt3A_23 = arith.cmpi slt, %select_n3A, %lt3A_22 : i32
    %ne3A_24 = vector.broadcast %lt3A_23 : i1 to vector<16xi1>
    %ne3A_25 = vector.broadcast %ne3A_24 : vector<16xi1> to vector<16xi1>
    %ne3A_26 = arith.xori %lt3A_21, %ne3A_25 : vector<16xi1>
    %and3A = arith.andi %ne3A_26, %ne3A_19 : vector<16xi1>
    %add3A_27 = vector.broadcast %select_n3A : i32 to vector<16xi32>
    %add3A_28 = arith.addi %rem3A_17, %add3A_27 : vector<16xi32>
    %select_n3A_29 = arith.select %and3A, %add3A_28, %rem3A_17 : vector<16xi1>, vector<16xi32>
    %add3A_30 = arith.constant 8 : i32
    %add3A_31 = vector.broadcast %add3A_30 : i32 to vector<16xi32>
    %add3A_32 = arith.addi %select_n3A_29, %add3A_31 : vector<16xi32>
    %scan3A_33 = arith.constant 0 : i32
    %scan3A_34 = arith.constant 4 : i32
    %scan3A_35 = arith.addi %scan3A_33, %scan3A_34 : i32
    %scan3A_36 = arith.constant 1 : i32
    scf.for %scan3A_94 = %scan3A_33 to %scan3A_35 step %scan3A_36  : i32 {
      %mul3A_95 = arith.constant 1 : i32
      %mul3A_96 = arith.muli %scan3A_94, %mul3A_95 : i32
      %add3A_97 = arith.constant 0 : i32
      %add3A_98 = arith.addi %add3A_97, %mul3A_96 : i32
      %mul3A_99 = arith.constant 40 : i32
      %mul3A_100 = arith.muli %add3A_98, %mul3A_99 : i32
      %lt3A_101 = arith.cmpi slt, %mul3A_100, %min3A : i32
      %convert_element_type3A = arith.extui %lt3A_101 : i1 to i32
      %cond3A = arith.constant 0 : i32
      %cond3A_102 = arith.cmpi ne, %convert_element_type3A, %cond3A : i32
      scf.if %cond3A_102 {
        %add3A_103 = arith.addi %mul3A_2, %mul3A_100 : i32
        "tpu.region"() ({
          %run_scoped3A = tpu.sem_alloc : memref<!tpu.dma_semaphore, #tpu.memory_space<semaphore_mem>>
          %dma_start3A = arith.constant 0 : i32
          %dma_start3A_110 = tpu.memref_slice %arg5[%add3A_103, %dma_start3A] : memref<5000x64xi32, #tpu.memory_space<hbm>> -> memref<40x64xi32, #tpu.memory_space<hbm>>
          %dma_start3A_111 = arith.constant 0 : i32
          %dma_start3A_112 = tpu.memref_slice %arg5[%add3A_103, %dma_start3A_111] : memref<5000x64xi32, #tpu.memory_space<hbm>> -> memref<40x64xi32, #tpu.memory_space<hbm>>
          tpu.enqueue_dma source(%dma_start3A_112 : memref<40x64xi32, #tpu.memory_space<hbm>>) target(%arg9 : memref<40x64xi32, #tpu.memory_space<vmem>>) target_semaphore(%run_scoped3A : memref<!tpu.dma_semaphore, #tpu.memory_space<semaphore_mem>>)
          %dma_wait3A_113 = arith.constant 0 : i32
          %dma_wait3A_114 = tpu.memref_slice %arg5[%add3A_103, %dma_wait3A_113] : memref<5000x64xi32, #tpu.memory_space<hbm>> -> memref<40x64xi32, #tpu.memory_space<hbm>>
          %dma_wait3A_115 = arith.constant 0 : i32
          %dma_wait3A_116 = tpu.memref_slice %arg5[%add3A_103, %dma_wait3A_115] : memref<5000x64xi32, #tpu.memory_space<hbm>> -> memref<40x64xi32, #tpu.memory_space<hbm>>
          tpu.wait_dma2 semaphore(%run_scoped3A : memref<!tpu.dma_semaphore, #tpu.memory_space<semaphore_mem>>) src(%dma_wait3A_116 : memref<40x64xi32, #tpu.memory_space<hbm>>) dst(%arg9 : memref<40x64xi32, #tpu.memory_space<vmem>>)
          tpu.yield
        }) : () -> ()
        %add3A_104 = arith.addi %mul3A_2, %mul3A_100 : i32
        "tpu.region"() ({
          %run_scoped3A = tpu.sem_alloc : memref<!tpu.dma_semaphore, #tpu.memory_space<semaphore_mem>>
          %dma_start3A = arith.constant 0 : i32
          %dma_start3A_110 = tpu.memref_slice %arg6[%add3A_104, %dma_start3A] : memref<5000x64xi32, #tpu.memory_space<hbm>> -> memref<40x64xi32, #tpu.memory_space<hbm>>
          %dma_start3A_111 = arith.constant 0 : i32
          %dma_start3A_112 = tpu.memref_slice %arg6[%add3A_104, %dma_start3A_111] : memref<5000x64xi32, #tpu.memory_space<hbm>> -> memref<40x64xi32, #tpu.memory_space<hbm>>
          tpu.enqueue_dma source(%dma_start3A_112 : memref<40x64xi32, #tpu.memory_space<hbm>>) target(%arg10 : memref<40x64xi32, #tpu.memory_space<vmem>>) target_semaphore(%run_scoped3A : memref<!tpu.dma_semaphore, #tpu.memory_space<semaphore_mem>>)
          %dma_wait3A_113 = arith.constant 0 : i32
          %dma_wait3A_114 = tpu.memref_slice %arg6[%add3A_104, %dma_wait3A_113] : memref<5000x64xi32, #tpu.memory_space<hbm>> -> memref<40x64xi32, #tpu.memory_space<hbm>>
          %dma_wait3A_115 = arith.constant 0 : i32
          %dma_wait3A_116 = tpu.memref_slice %arg6[%add3A_104, %dma_wait3A_115] : memref<5000x64xi32, #tpu.memory_space<hbm>> -> memref<40x64xi32, #tpu.memory_space<hbm>>
          tpu.wait_dma2 semaphore(%run_scoped3A : memref<!tpu.dma_semaphore, #tpu.memory_space<semaphore_mem>>) src(%dma_wait3A_116 : memref<40x64xi32, #tpu.memory_space<hbm>>) dst(%arg10 : memref<40x64xi32, #tpu.memory_space<vmem>>)
          tpu.yield
        }) : () -> ()
        %scan3A_105 = arith.constant 0 : i32
        %scan3A_106 = arith.constant 20 : i32
        %scan3A_107 = arith.addi %scan3A_105, %scan3A_106 : i32
        %scan3A_108 = arith.constant 1 : i32
        scf.for %scan3A_110 = %scan3A_105 to %scan3A_107 step %scan3A_108  : i32 {
          %mul3A_111 = arith.constant 1 : i32
          %mul3A_112 = arith.muli %scan3A_110, %mul3A_111 : i32
          %add3A_113 = arith.constant 0 : i32
          %add3A_114 = arith.addi %add3A_113, %mul3A_112 : i32
          %mul3A_115 = arith.constant 2 : i32
          %mul3A_116 = arith.muli %mul3A_115, %add3A_114 : i32
          %add3A_117 = arith.constant 1 : i32
          %add3A_118 = arith.addi %mul3A_116, %add3A_117 : i32
          %add3A_119 = arith.addi %mul3A_100, %mul3A_116 : i32
          %lt3A_120 = arith.cmpi slt, %add3A_119, %min3A : i32
          %convert_element_type3A_121 = arith.extui %lt3A_120 : i1 to i32
          %cond3A_122 = arith.constant 0 : i32
          %cond3A_123 = arith.cmpi ne, %convert_element_type3A_121, %cond3A_122 : i32
          scf.if %cond3A_123 {
            %add3A_124 = arith.addi %mul3A_100, %add3A_114 : i32
            %gt3A = arith.constant 0 : i32
            %gt3A_125 = arith.cmpi sgt, %add3A_124, %gt3A : i32
            %convert_element_type3A_126 = arith.extui %gt3A_125 : i1 to i32
            %cond3A_127 = arith.constant 0 : i32
            %cond3A_128 = arith.cmpi ne, %convert_element_type3A_126, %cond3A_127 : i32
            scf.if %cond3A_128 {
              %dma_wait3A_309 = arith.constant 0 : i32
              %dma_wait3A_310 = arith.constant 0 : i32
              %dma_wait3A_311 = arith.constant 0 : i32
              %dma_wait3A_312 = arith.constant 0 : i32
              %dma_wait3A_313 = tpu.memref_slice %arg14[%dma_wait3A_309, %dma_wait3A_311, %dma_wait3A_312] : memref<2x64x16xf32, #tpu.memory_space<vmem>> -> memref<1x64x16xf32, #tpu.memory_space<vmem>>
              %dma_wait3A_314 = tpu.memref_squeeze %dma_wait3A_313 : memref<1x64x16xf32, #tpu.memory_space<vmem>> -> memref<64x16xf32, #tpu.memory_space<vmem>>
              %dma_wait3A_315 = arith.constant 0 : i32
              %dma_wait3A_316 = tpu.memref_slice %arg10[%dma_wait3A_310, %dma_wait3A_315] : memref<40x64xi32, #tpu.memory_space<vmem>> -> memref<1x64xi32, #tpu.memory_space<vmem>>
              %dma_wait3A_317 = tpu.memref_squeeze %dma_wait3A_316 : memref<1x64xi32, #tpu.memory_space<vmem>> -> memref<64xi32, #tpu.memory_space<vmem>>
              %dma_wait3A_318 = arith.constant 0 : i32
              %dma_wait3A_319 = arith.constant 0 : i32
              %dma_wait3A_320 = tpu.memref_slice %arg15[%dma_wait3A_318, %dma_wait3A_319] : memref<10240x16xf32, #tpu.memory_space<vmem_shared>> -> memref<10240x16xf32, #tpu.memory_space<vmem_shared>>
              tpu.wait_indirect_dma semaphore(%arg23 : memref<!tpu.dma_semaphore, #tpu.memory_space<semaphore_mem>>) src(%dma_wait3A_314 : memref<64x16xf32, #tpu.memory_space<vmem>>) dst(%dma_wait3A_320 : memref<10240x16xf32, #tpu.memory_space<vmem_shared>>)
              %dma_wait3A_321 = arith.constant 0 : i32
              %dma_wait3A_322 = arith.constant 0 : i32
              %dma_wait3A_323 = arith.constant 0 : i32
              %dma_wait3A_324 = arith.constant 0 : i32
              %dma_wait3A_325 = tpu.memref_slice %arg13[%dma_wait3A_321, %dma_wait3A_323, %dma_wait3A_324] : memref<2x64x16xf32, #tpu.memory_space<vmem>> -> memref<1x64x16xf32, #tpu.memory_space<vmem>>
              %dma_wait3A_326 = tpu.memref_squeeze %dma_wait3A_325 : memref<1x64x16xf32, #tpu.memory_space<vmem>> -> memref<64x16xf32, #tpu.memory_space<vmem>>
              %dma_wait3A_327 = arith.constant 0 : i32
              %dma_wait3A_328 = tpu.memref_slice %arg10[%dma_wait3A_322, %dma_wait3A_327] : memref<40x64xi32, #tpu.memory_space<vmem>> -> memref<1x64xi32, #tpu.memory_space<vmem>>
              %dma_wait3A_329 = tpu.memref_squeeze %dma_wait3A_328 : memref<1x64xi32, #tpu.memory_space<vmem>> -> memref<64xi32, #tpu.memory_space<vmem>>
              %dma_wait3A_330 = arith.constant 0 : i32
              %dma_wait3A_331 = arith.constant 0 : i32
              %dma_wait3A_332 = tpu.memref_slice %arg16[%dma_wait3A_330, %dma_wait3A_331] : memref<10240x16xf32, #tpu.memory_space<vmem_shared>> -> memref<10240x16xf32, #tpu.memory_space<vmem_shared>>
              tpu.wait_indirect_dma semaphore(%arg24 : memref<!tpu.dma_semaphore, #tpu.memory_space<semaphore_mem>>) src(%dma_wait3A_326 : memref<64x16xf32, #tpu.memory_space<vmem>>) dst(%dma_wait3A_332 : memref<10240x16xf32, #tpu.memory_space<vmem_shared>>)
              %dma_wait3A_333 = arith.constant 1 : i32
              %dma_wait3A_334 = arith.constant 0 : i32
              %dma_wait3A_335 = arith.constant 0 : i32
              %dma_wait3A_336 = arith.constant 0 : i32
              %dma_wait3A_337 = tpu.memref_slice %arg14[%dma_wait3A_333, %dma_wait3A_335, %dma_wait3A_336] : memref<2x64x16xf32, #tpu.memory_space<vmem>> -> memref<1x64x16xf32, #tpu.memory_space<vmem>>
              %dma_wait3A_338 = tpu.memref_squeeze %dma_wait3A_337 : memref<1x64x16xf32, #tpu.memory_space<vmem>> -> memref<64x16xf32, #tpu.memory_space<vmem>>
              %dma_wait3A_339 = arith.constant 0 : i32
              %dma_wait3A_340 = tpu.memref_slice %arg10[%dma_wait3A_334, %dma_wait3A_339] : memref<40x64xi32, #tpu.memory_space<vmem>> -> memref<1x64xi32, #tpu.memory_space<vmem>>
              %dma_wait3A_341 = tpu.memref_squeeze %dma_wait3A_340 : memref<1x64xi32, #tpu.memory_space<vmem>> -> memref<64xi32, #tpu.memory_space<vmem>>
              %dma_wait3A_342 = arith.constant 0 : i32
              %dma_wait3A_343 = arith.constant 0 : i32
              %dma_wait3A_344 = tpu.memref_slice %arg15[%dma_wait3A_342, %dma_wait3A_343] : memref<10240x16xf32, #tpu.memory_space<vmem_shared>> -> memref<10240x16xf32, #tpu.memory_space<vmem_shared>>
              tpu.wait_indirect_dma semaphore(%arg25 : memref<!tpu.dma_semaphore, #tpu.memory_space<semaphore_mem>>) src(%dma_wait3A_338 : memref<64x16xf32, #tpu.memory_space<vmem>>) dst(%dma_wait3A_344 : memref<10240x16xf32, #tpu.memory_space<vmem_shared>>)
              %dma_wait3A_345 = arith.constant 1 : i32
              %dma_wait3A_346 = arith.constant 0 : i32
              %dma_wait3A_347 = arith.constant 0 : i32
              %dma_wait3A_348 = arith.constant 0 : i32
              %dma_wait3A_349 = tpu.memref_slice %arg13[%dma_wait3A_345, %dma_wait3A_347, %dma_wait3A_348] : memref<2x64x16xf32, #tpu.memory_space<vmem>> -> memref<1x64x16xf32, #tpu.memory_space<vmem>>
              %dma_wait3A_350 = tpu.memref_squeeze %dma_wait3A_349 : memref<1x64x16xf32, #tpu.memory_space<vmem>> -> memref<64x16xf32, #tpu.memory_space<vmem>>
              %dma_wait3A_351 = arith.constant 0 : i32
              %dma_wait3A_352 = tpu.memref_slice %arg10[%dma_wait3A_346, %dma_wait3A_351] : memref<40x64xi32, #tpu.memory_space<vmem>> -> memref<1x64xi32, #tpu.memory_space<vmem>>
              %dma_wait3A_353 = tpu.memref_squeeze %dma_wait3A_352 : memref<1x64xi32, #tpu.memory_space<vmem>> -> memref<64xi32, #tpu.memory_space<vmem>>
              %dma_wait3A_354 = arith.constant 0 : i32
              %dma_wait3A_355 = arith.constant 0 : i32
              %dma_wait3A_356 = tpu.memref_slice %arg16[%dma_wait3A_354, %dma_wait3A_355] : memref<10240x16xf32, #tpu.memory_space<vmem_shared>> -> memref<10240x16xf32, #tpu.memory_space<vmem_shared>>
              tpu.wait_indirect_dma semaphore(%arg26 : memref<!tpu.dma_semaphore, #tpu.memory_space<semaphore_mem>>) src(%dma_wait3A_350 : memref<64x16xf32, #tpu.memory_space<vmem>>) dst(%dma_wait3A_356 : memref<10240x16xf32, #tpu.memory_space<vmem_shared>>)
            } else {
            }
            %dma_start3A = arith.constant 0 : i32
            %dma_start3A_129 = arith.constant 0 : i32
            %dma_start3A_130 = arith.constant 0 : i32
            %dma_start3A_131 = tpu.memref_slice %arg11[%dma_start3A, %dma_start3A_129, %dma_start3A_130] : memref<2x64x16xf32, #tpu.memory_space<vmem>> -> memref<1x64x16xf32, #tpu.memory_space<vmem>>
            %dma_start3A_132 = tpu.memref_squeeze %dma_start3A_131 : memref<1x64x16xf32, #tpu.memory_space<vmem>> -> memref<64x16xf32, #tpu.memory_space<vmem>>
            %dma_start3A_133 = arith.constant 0 : i32
            %dma_start3A_134 = tpu.memref_slice %arg9[%mul3A_116, %dma_start3A_133] : memref<40x64xi32, #tpu.memory_space<vmem>> -> memref<1x64xi32, #tpu.memory_space<vmem>>
            %dma_start3A_135 = tpu.memref_squeeze %dma_start3A_134 : memref<1x64xi32, #tpu.memory_space<vmem>> -> memref<64xi32, #tpu.memory_space<vmem>>
            %dma_start3A_136 = arith.constant 0 : i32
            %dma_start3A_137 = arith.constant 0 : i32
            %dma_start3A_138 = tpu.memref_slice %arg2[%dma_start3A_136, %dma_start3A_137] : memref<10240x16xf32, #tpu.memory_space<hbm>> -> memref<10240x16xf32, #tpu.memory_space<hbm>>
            tpu.enqueue_indirect_dma source(%dma_start3A_138 : memref<10240x16xf32, #tpu.memory_space<hbm>>) target(%dma_start3A_132 : memref<64x16xf32, #tpu.memory_space<vmem>>) offsets(%dma_start3A_135 : memref<64xi32, #tpu.memory_space<vmem>>) semaphore(%arg17 : memref<!tpu.dma_semaphore, #tpu.memory_space<semaphore_mem>>)
            %dma_start3A_139 = arith.constant 0 : i32
            %dma_start3A_140 = arith.constant 0 : i32
            %dma_start3A_141 = arith.constant 0 : i32
            %dma_start3A_142 = tpu.memref_slice %arg12[%dma_start3A_139, %dma_start3A_140, %dma_start3A_141] : memref<2x64x16xf32, #tpu.memory_space<vmem>> -> memref<1x64x16xf32, #tpu.memory_space<vmem>>
            %dma_start3A_143 = tpu.memref_squeeze %dma_start3A_142 : memref<1x64x16xf32, #tpu.memory_space<vmem>> -> memref<64x16xf32, #tpu.memory_space<vmem>>
            %dma_start3A_144 = arith.constant 0 : i32
            %dma_start3A_145 = tpu.memref_slice %arg10[%mul3A_116, %dma_start3A_144] : memref<40x64xi32, #tpu.memory_space<vmem>> -> memref<1x64xi32, #tpu.memory_space<vmem>>
            %dma_start3A_146 = tpu.memref_squeeze %dma_start3A_145 : memref<1x64xi32, #tpu.memory_space<vmem>> -> memref<64xi32, #tpu.memory_space<vmem>>
            %dma_start3A_147 = arith.constant 0 : i32
            %dma_start3A_148 = arith.constant 0 : i32
            %dma_start3A_149 = tpu.memref_slice %arg3[%dma_start3A_147, %dma_start3A_148] : memref<10240x16xf32, #tpu.memory_space<hbm>> -> memref<10240x16xf32, #tpu.memory_space<hbm>>
            tpu.enqueue_indirect_dma source(%dma_start3A_149 : memref<10240x16xf32, #tpu.memory_space<hbm>>) target(%dma_start3A_143 : memref<64x16xf32, #tpu.memory_space<vmem>>) offsets(%dma_start3A_146 : memref<64xi32, #tpu.memory_space<vmem>>) semaphore(%arg18 : memref<!tpu.dma_semaphore, #tpu.memory_space<semaphore_mem>>)
            %dma_start3A_150 = arith.constant 0 : i32
            %dma_start3A_151 = arith.constant 0 : i32
            %dma_start3A_152 = arith.constant 0 : i32
            %dma_start3A_153 = tpu.memref_slice %arg13[%dma_start3A_150, %dma_start3A_151, %dma_start3A_152] : memref<2x64x16xf32, #tpu.memory_space<vmem>> -> memref<1x64x16xf32, #tpu.memory_space<vmem>>
            %dma_start3A_154 = tpu.memref_squeeze %dma_start3A_153 : memref<1x64x16xf32, #tpu.memory_space<vmem>> -> memref<64x16xf32, #tpu.memory_space<vmem>>
            %dma_start3A_155 = arith.constant 0 : i32
            %dma_start3A_156 = tpu.memref_slice %arg9[%mul3A_116, %dma_start3A_155] : memref<40x64xi32, #tpu.memory_space<vmem>> -> memref<1x64xi32, #tpu.memory_space<vmem>>
            %dma_start3A_157 = tpu.memref_squeeze %dma_start3A_156 : memref<1x64xi32, #tpu.memory_space<vmem>> -> memref<64xi32, #tpu.memory_space<vmem>>
            %dma_start3A_158 = arith.constant 0 : i32
            %dma_start3A_159 = arith.constant 0 : i32
            %dma_start3A_160 = tpu.memref_slice %arg4[%dma_start3A_158, %dma_start3A_159] : memref<10240x16xf32, #tpu.memory_space<hbm>> -> memref<10240x16xf32, #tpu.memory_space<hbm>>
            tpu.enqueue_indirect_dma source(%dma_start3A_160 : memref<10240x16xf32, #tpu.memory_space<hbm>>) target(%dma_start3A_154 : memref<64x16xf32, #tpu.memory_space<vmem>>) offsets(%dma_start3A_157 : memref<64xi32, #tpu.memory_space<vmem>>) semaphore(%arg19 : memref<!tpu.dma_semaphore, #tpu.memory_space<semaphore_mem>>)
            %dma_start3A_161 = arith.constant 1 : i32
            %dma_start3A_162 = arith.constant 0 : i32
            %dma_start3A_163 = arith.constant 0 : i32
            %dma_start3A_164 = tpu.memref_slice %arg11[%dma_start3A_161, %dma_start3A_162, %dma_start3A_163] : memref<2x64x16xf32, #tpu.memory_space<vmem>> -> memref<1x64x16xf32, #tpu.memory_space<vmem>>
            %dma_start3A_165 = tpu.memref_squeeze %dma_start3A_164 : memref<1x64x16xf32, #tpu.memory_space<vmem>> -> memref<64x16xf32, #tpu.memory_space<vmem>>
            %dma_start3A_166 = arith.constant 0 : i32
            %dma_start3A_167 = tpu.memref_slice %arg9[%add3A_118, %dma_start3A_166] : memref<40x64xi32, #tpu.memory_space<vmem>> -> memref<1x64xi32, #tpu.memory_space<vmem>>
            %dma_start3A_168 = tpu.memref_squeeze %dma_start3A_167 : memref<1x64xi32, #tpu.memory_space<vmem>> -> memref<64xi32, #tpu.memory_space<vmem>>
            %dma_start3A_169 = arith.constant 0 : i32
            %dma_start3A_170 = arith.constant 0 : i32
            %dma_start3A_171 = tpu.memref_slice %arg2[%dma_start3A_169, %dma_start3A_170] : memref<10240x16xf32, #tpu.memory_space<hbm>> -> memref<10240x16xf32, #tpu.memory_space<hbm>>
            tpu.enqueue_indirect_dma source(%dma_start3A_171 : memref<10240x16xf32, #tpu.memory_space<hbm>>) target(%dma_start3A_165 : memref<64x16xf32, #tpu.memory_space<vmem>>) offsets(%dma_start3A_168 : memref<64xi32, #tpu.memory_space<vmem>>) semaphore(%arg20 : memref<!tpu.dma_semaphore, #tpu.memory_space<semaphore_mem>>)
            %dma_start3A_172 = arith.constant 1 : i32
            %dma_start3A_173 = arith.constant 0 : i32
            %dma_start3A_174 = arith.constant 0 : i32
            %dma_start3A_175 = tpu.memref_slice %arg12[%dma_start3A_172, %dma_start3A_173, %dma_start3A_174] : memref<2x64x16xf32, #tpu.memory_space<vmem>> -> memref<1x64x16xf32, #tpu.memory_space<vmem>>
            %dma_start3A_176 = tpu.memref_squeeze %dma_start3A_175 : memref<1x64x16xf32, #tpu.memory_space<vmem>> -> memref<64x16xf32, #tpu.memory_space<vmem>>
            %dma_start3A_177 = arith.constant 0 : i32
            %dma_start3A_178 = tpu.memref_slice %arg10[%add3A_118, %dma_start3A_177] : memref<40x64xi32, #tpu.memory_space<vmem>> -> memref<1x64xi32, #tpu.memory_space<vmem>>
            %dma_start3A_179 = tpu.memref_squeeze %dma_start3A_178 : memref<1x64xi32, #tpu.memory_space<vmem>> -> memref<64xi32, #tpu.memory_space<vmem>>
            %dma_start3A_180 = arith.constant 0 : i32
            %dma_start3A_181 = arith.constant 0 : i32
            %dma_start3A_182 = tpu.memref_slice %arg3[%dma_start3A_180, %dma_start3A_181] : memref<10240x16xf32, #tpu.memory_space<hbm>> -> memref<10240x16xf32, #tpu.memory_space<hbm>>
            tpu.enqueue_indirect_dma source(%dma_start3A_182 : memref<10240x16xf32, #tpu.memory_space<hbm>>) target(%dma_start3A_176 : memref<64x16xf32, #tpu.memory_space<vmem>>) offsets(%dma_start3A_179 : memref<64xi32, #tpu.memory_space<vmem>>) semaphore(%arg21 : memref<!tpu.dma_semaphore, #tpu.memory_space<semaphore_mem>>)
            %dma_start3A_183 = arith.constant 1 : i32
            %dma_start3A_184 = arith.constant 0 : i32
            %dma_start3A_185 = arith.constant 0 : i32
            %dma_start3A_186 = tpu.memref_slice %arg13[%dma_start3A_183, %dma_start3A_184, %dma_start3A_185] : memref<2x64x16xf32, #tpu.memory_space<vmem>> -> memref<1x64x16xf32, #tpu.memory_space<vmem>>
            %dma_start3A_187 = tpu.memref_squeeze %dma_start3A_186 : memref<1x64x16xf32, #tpu.memory_space<vmem>> -> memref<64x16xf32, #tpu.memory_space<vmem>>
            %dma_start3A_188 = arith.constant 0 : i32
            %dma_start3A_189 = tpu.memref_slice %arg9[%add3A_118, %dma_start3A_188] : memref<40x64xi32, #tpu.memory_space<vmem>> -> memref<1x64xi32, #tpu.memory_space<vmem>>
            %dma_start3A_190 = tpu.memref_squeeze %dma_start3A_189 : memref<1x64xi32, #tpu.memory_space<vmem>> -> memref<64xi32, #tpu.memory_space<vmem>>
            %dma_start3A_191 = arith.constant 0 : i32
            %dma_start3A_192 = arith.constant 0 : i32
            %dma_start3A_193 = tpu.memref_slice %arg4[%dma_start3A_191, %dma_start3A_192] : memref<10240x16xf32, #tpu.memory_space<hbm>> -> memref<10240x16xf32, #tpu.memory_space<hbm>>
            tpu.enqueue_indirect_dma source(%dma_start3A_193 : memref<10240x16xf32, #tpu.memory_space<hbm>>) target(%dma_start3A_187 : memref<64x16xf32, #tpu.memory_space<vmem>>) offsets(%dma_start3A_190 : memref<64xi32, #tpu.memory_space<vmem>>) semaphore(%arg22 : memref<!tpu.dma_semaphore, #tpu.memory_space<semaphore_mem>>)
            %dma_wait3A_194 = arith.constant 0 : i32
            %dma_wait3A_195 = arith.constant 0 : i32
            %dma_wait3A_196 = arith.constant 0 : i32
            %dma_wait3A_197 = tpu.memref_slice %arg11[%dma_wait3A_194, %dma_wait3A_195, %dma_wait3A_196] : memref<2x64x16xf32, #tpu.memory_space<vmem>> -> memref<1x64x16xf32, #tpu.memory_space<vmem>>
            %dma_wait3A_198 = tpu.memref_squeeze %dma_wait3A_197 : memref<1x64x16xf32, #tpu.memory_space<vmem>> -> memref<64x16xf32, #tpu.memory_space<vmem>>
            %dma_wait3A_199 = arith.constant 0 : i32
            %dma_wait3A_200 = tpu.memref_slice %arg9[%mul3A_116, %dma_wait3A_199] : memref<40x64xi32, #tpu.memory_space<vmem>> -> memref<1x64xi32, #tpu.memory_space<vmem>>
            %dma_wait3A_201 = tpu.memref_squeeze %dma_wait3A_200 : memref<1x64xi32, #tpu.memory_space<vmem>> -> memref<64xi32, #tpu.memory_space<vmem>>
            %dma_wait3A_202 = arith.constant 0 : i32
            %dma_wait3A_203 = arith.constant 0 : i32
            %dma_wait3A_204 = tpu.memref_slice %arg2[%dma_wait3A_202, %dma_wait3A_203] : memref<10240x16xf32, #tpu.memory_space<hbm>> -> memref<10240x16xf32, #tpu.memory_space<hbm>>
            tpu.wait_indirect_dma semaphore(%arg17 : memref<!tpu.dma_semaphore, #tpu.memory_space<semaphore_mem>>) src(%dma_wait3A_204 : memref<10240x16xf32, #tpu.memory_space<hbm>>) dst(%dma_wait3A_198 : memref<64x16xf32, #tpu.memory_space<vmem>>)
            %dma_wait3A_205 = arith.constant 0 : i32
            %dma_wait3A_206 = arith.constant 0 : i32
            %dma_wait3A_207 = arith.constant 0 : i32
            %dma_wait3A_208 = tpu.memref_slice %arg12[%dma_wait3A_205, %dma_wait3A_206, %dma_wait3A_207] : memref<2x64x16xf32, #tpu.memory_space<vmem>> -> memref<1x64x16xf32, #tpu.memory_space<vmem>>
            %dma_wait3A_209 = tpu.memref_squeeze %dma_wait3A_208 : memref<1x64x16xf32, #tpu.memory_space<vmem>> -> memref<64x16xf32, #tpu.memory_space<vmem>>
            %dma_wait3A_210 = arith.constant 0 : i32
            %dma_wait3A_211 = tpu.memref_slice %arg10[%mul3A_116, %dma_wait3A_210] : memref<40x64xi32, #tpu.memory_space<vmem>> -> memref<1x64xi32, #tpu.memory_space<vmem>>
            %dma_wait3A_212 = tpu.memref_squeeze %dma_wait3A_211 : memref<1x64xi32, #tpu.memory_space<vmem>> -> memref<64xi32, #tpu.memory_space<vmem>>
            %dma_wait3A_213 = arith.constant 0 : i32
            %dma_wait3A_214 = arith.constant 0 : i32
            %dma_wait3A_215 = tpu.memref_slice %arg3[%dma_wait3A_213, %dma_wait3A_214] : memref<10240x16xf32, #tpu.memory_space<hbm>> -> memref<10240x16xf32, #tpu.memory_space<hbm>>
            tpu.wait_indirect_dma semaphore(%arg18 : memref<!tpu.dma_semaphore, #tpu.memory_space<semaphore_mem>>) src(%dma_wait3A_215 : memref<10240x16xf32, #tpu.memory_space<hbm>>) dst(%dma_wait3A_209 : memref<64x16xf32, #tpu.memory_space<vmem>>)
            %dma_wait3A_216 = arith.constant 0 : i32
            %dma_wait3A_217 = arith.constant 0 : i32
            %dma_wait3A_218 = arith.constant 0 : i32
            %dma_wait3A_219 = tpu.memref_slice %arg13[%dma_wait3A_216, %dma_wait3A_217, %dma_wait3A_218] : memref<2x64x16xf32, #tpu.memory_space<vmem>> -> memref<1x64x16xf32, #tpu.memory_space<vmem>>
            %dma_wait3A_220 = tpu.memref_squeeze %dma_wait3A_219 : memref<1x64x16xf32, #tpu.memory_space<vmem>> -> memref<64x16xf32, #tpu.memory_space<vmem>>
            %dma_wait3A_221 = arith.constant 0 : i32
            %dma_wait3A_222 = tpu.memref_slice %arg9[%mul3A_116, %dma_wait3A_221] : memref<40x64xi32, #tpu.memory_space<vmem>> -> memref<1x64xi32, #tpu.memory_space<vmem>>
            %dma_wait3A_223 = tpu.memref_squeeze %dma_wait3A_222 : memref<1x64xi32, #tpu.memory_space<vmem>> -> memref<64xi32, #tpu.memory_space<vmem>>
            %dma_wait3A_224 = arith.constant 0 : i32
            %dma_wait3A_225 = arith.constant 0 : i32
            %dma_wait3A_226 = tpu.memref_slice %arg4[%dma_wait3A_224, %dma_wait3A_225] : memref<10240x16xf32, #tpu.memory_space<hbm>> -> memref<10240x16xf32, #tpu.memory_space<hbm>>
            tpu.wait_indirect_dma semaphore(%arg19 : memref<!tpu.dma_semaphore, #tpu.memory_space<semaphore_mem>>) src(%dma_wait3A_226 : memref<10240x16xf32, #tpu.memory_space<hbm>>) dst(%dma_wait3A_220 : memref<64x16xf32, #tpu.memory_space<vmem>>)
            %parallel_loop3A = arith.constant 0 : i32
            %parallel_loop3A_227 = arith.constant 64 : i32
            %parallel_loop3A_228 = arith.constant 1 : i32
            scf.for %parallel_loop3A_309 = %parallel_loop3A to %parallel_loop3A_227 step %parallel_loop3A_228  : i32 {
              %parallel_loop3A_310 = arith.constant 0 : i32
              %parallel_loop3A_311 = arith.index_cast %parallel_loop3A_310 : i32 to index
              %parallel_loop3A_312 = arith.index_cast %parallel_loop3A_309 : i32 to index
              %parallel_loop3A_313 = arith.constant 0 : index
              %parallel_loop3A_314 = tpu.vector_load %arg11[%parallel_loop3A_311, %parallel_loop3A_312, %parallel_loop3A_313] {strides = array<i32>} : memref<2x64x16xf32, #tpu.memory_space<vmem>>, vector<1x1x16xf32>,
              %parallel_loop3A_315 = vector.shape_cast %parallel_loop3A_314 : vector<1x1x16xf32> to vector<16xf32>
              %parallel_loop3A_316 = arith.constant 0 : i32
              %parallel_loop3A_317 = arith.index_cast %parallel_loop3A_316 : i32 to index
              %parallel_loop3A_318 = arith.index_cast %parallel_loop3A_309 : i32 to index
              %parallel_loop3A_319 = arith.constant 0 : index
              %parallel_loop3A_320 = tpu.vector_load %arg12[%parallel_loop3A_317, %parallel_loop3A_318, %parallel_loop3A_319] {strides = array<i32>} : memref<2x64x16xf32, #tpu.memory_space<vmem>>, vector<1x1x16xf32>,
              %parallel_loop3A_321 = vector.shape_cast %parallel_loop3A_320 : vector<1x1x16xf32> to vector<16xf32>
              %parallel_loop3A_322 = arith.addf %parallel_loop3A_315, %parallel_loop3A_321 : vector<16xf32>
              %parallel_loop3A_323 = arith.constant 2.000000e-01 : f32
              %parallel_loop3A_324 = vector.broadcast %parallel_loop3A_323 : f32 to vector<16xf32>
              %parallel_loop3A_325 = arith.mulf %parallel_loop3A_324, %parallel_loop3A_322 : vector<16xf32>
              %parallel_loop3A_326 = arith.maximumf %parallel_loop3A_322, %parallel_loop3A_325 : vector<16xf32>
              %parallel_loop3A_327 = vector.shape_cast %add3A_32 : vector<16xi32> to vector<16x1xi32>
              %parallel_loop3A_328 = vector.shape_cast %parallel_loop3A_327 : vector<16x1xi32> to vector<16xi32>
              %parallel_loop3A_329 = tpu.dynamic_gather %parallel_loop3A_321[%parallel_loop3A_328] in [0] : vector<16xf32>, vector<16xi32> -> vector<16xf32>
              %parallel_loop3A_330 = math.exp %parallel_loop3A_326 : vector<16xf32>
              %parallel_loop3A_331 = arith.mulf %parallel_loop3A_330, %parallel_loop3A_329 : vector<16xf32>
              %parallel_loop3A_332 = arith.constant 0 : i32
              %parallel_loop3A_333 = arith.index_cast %parallel_loop3A_332 : i32 to index
              %parallel_loop3A_334 = arith.index_cast %parallel_loop3A_309 : i32 to index
              %parallel_loop3A_335 = arith.constant 0 : index
              %parallel_loop3A_336 = tpu.vector_load %arg14[%parallel_loop3A_333, %parallel_loop3A_334, %parallel_loop3A_335] {strides = array<i32>} : memref<2x64x16xf32, #tpu.memory_space<vmem>>, vector<1x1x16xf32>,
              %parallel_loop3A_337 = vector.shape_cast %parallel_loop3A_336 : vector<1x1x16xf32> to vector<16xf32>
              %parallel_loop3A_338 = vector.shape_cast %parallel_loop3A_331 : vector<16xf32> to vector<1x1x16xf32>
              tpu.vector_store %arg14[%parallel_loop3A_333, %parallel_loop3A_334, %parallel_loop3A_335], %parallel_loop3A_338 {strides = array<i32>} : memref<2x64x16xf32, #tpu.memory_space<vmem>>, vector<1x1x16xf32>,
              %parallel_loop3A_339 = arith.constant 0 : i32
              %parallel_loop3A_340 = arith.index_cast %parallel_loop3A_339 : i32 to index
              %parallel_loop3A_341 = arith.index_cast %parallel_loop3A_309 : i32 to index
              %parallel_loop3A_342 = arith.constant 0 : index
              %parallel_loop3A_343 = tpu.vector_load %arg13[%parallel_loop3A_340, %parallel_loop3A_341, %parallel_loop3A_342] {strides = array<i32>} : memref<2x64x16xf32, #tpu.memory_space<vmem>>, vector<1x1x16xf32>,
              %parallel_loop3A_344 = vector.shape_cast %parallel_loop3A_343 : vector<1x1x16xf32> to vector<16xf32>
              %parallel_loop3A_345 = vector.extract_strided_slice %parallel_loop3A_331 {offsets = [0], sizes = [1], strides = [1]} : vector<16xf32> to vector<1xf32>
              %parallel_loop3A_346 = vector.extract %parallel_loop3A_345[0] : f32 from vector<1xf32>
              %parallel_loop3A_347 = vector.broadcast %parallel_loop3A_346 : f32 to vector<16xf32>
              %parallel_loop3A_348 = arith.mulf %parallel_loop3A_344, %parallel_loop3A_347 : vector<16xf32>
              %parallel_loop3A_349 = arith.constant 0 : i32
              %parallel_loop3A_350 = arith.index_cast %parallel_loop3A_349 : i32 to index
              %parallel_loop3A_351 = arith.index_cast %parallel_loop3A_309 : i32 to index
              %parallel_loop3A_352 = arith.constant 0 : index
              %parallel_loop3A_353 = tpu.vector_load %arg13[%parallel_loop3A_350, %parallel_loop3A_351, %parallel_loop3A_352] {strides = array<i32>} : memref<2x64x16xf32, #tpu.memory_space<vmem>>, vector<1x1x16xf32>,
              %parallel_loop3A_354 = vector.shape_cast %parallel_loop3A_353 : vector<1x1x16xf32> to vector<16xf32>
              %parallel_loop3A_355 = vector.shape_cast %parallel_loop3A_348 : vector<16xf32> to vector<1x1x16xf32>
              tpu.vector_store %arg13[%parallel_loop3A_350, %parallel_loop3A_351, %parallel_loop3A_352], %parallel_loop3A_355 {strides = array<i32>} : memref<2x64x16xf32, #tpu.memory_space<vmem>>, vector<1x1x16xf32>,
            } {sc.loop_unroll_factor = 4 : i64, sc.parallel_access}
            %dma_start3A_229 = arith.constant 0 : i32
            %dma_start3A_230 = arith.constant 0 : i32
            %dma_start3A_231 = arith.constant 0 : i32
            %dma_start3A_232 = tpu.memref_slice %arg14[%dma_start3A_229, %dma_start3A_230, %dma_start3A_231] : memref<2x64x16xf32, #tpu.memory_space<vmem>> -> memref<1x64x16xf32, #tpu.memory_space<vmem>>
            %dma_start3A_233 = tpu.memref_squeeze %dma_start3A_232 : memref<1x64x16xf32, #tpu.memory_space<vmem>> -> memref<64x16xf32, #tpu.memory_space<vmem>>
            %dma_start3A_234 = arith.constant 0 : i32
            %dma_start3A_235 = tpu.memref_slice %arg10[%mul3A_116, %dma_start3A_234] : memref<40x64xi32, #tpu.memory_space<vmem>> -> memref<1x64xi32, #tpu.memory_space<vmem>>
            %dma_start3A_236 = tpu.memref_squeeze %dma_start3A_235 : memref<1x64xi32, #tpu.memory_space<vmem>> -> memref<64xi32, #tpu.memory_space<vmem>>
            %dma_start3A_237 = arith.constant 0 : i32
            %dma_start3A_238 = arith.constant 0 : i32
            %dma_start3A_239 = tpu.memref_slice %arg15[%dma_start3A_237, %dma_start3A_238] : memref<10240x16xf32, #tpu.memory_space<vmem_shared>> -> memref<10240x16xf32, #tpu.memory_space<vmem_shared>>
            tpu.enqueue_indirect_dma source(%dma_start3A_233 : memref<64x16xf32, #tpu.memory_space<vmem>>) target(%dma_start3A_239 : memref<10240x16xf32, #tpu.memory_space<vmem_shared>>) offsets(%dma_start3A_236 : memref<64xi32, #tpu.memory_space<vmem>>) semaphore(%arg23 : memref<!tpu.dma_semaphore, #tpu.memory_space<semaphore_mem>>) {add = true}
            %dma_start3A_240 = arith.constant 0 : i32
            %dma_start3A_241 = arith.constant 0 : i32
            %dma_start3A_242 = arith.constant 0 : i32
            %dma_start3A_243 = tpu.memref_slice %arg13[%dma_start3A_240, %dma_start3A_241, %dma_start3A_242] : memref<2x64x16xf32, #tpu.memory_space<vmem>> -> memref<1x64x16xf32, #tpu.memory_space<vmem>>
            %dma_start3A_244 = tpu.memref_squeeze %dma_start3A_243 : memref<1x64x16xf32, #tpu.memory_space<vmem>> -> memref<64x16xf32, #tpu.memory_space<vmem>>
            %dma_start3A_245 = arith.constant 0 : i32
            %dma_start3A_246 = tpu.memref_slice %arg10[%mul3A_116, %dma_start3A_245] : memref<40x64xi32, #tpu.memory_space<vmem>> -> memref<1x64xi32, #tpu.memory_space<vmem>>
            %dma_start3A_247 = tpu.memref_squeeze %dma_start3A_246 : memref<1x64xi32, #tpu.memory_space<vmem>> -> memref<64xi32, #tpu.memory_space<vmem>>
            %dma_start3A_248 = arith.constant 0 : i32
            %dma_start3A_249 = arith.constant 0 : i32
            %dma_start3A_250 = tpu.memref_slice %arg16[%dma_start3A_248, %dma_start3A_249] : memref<10240x16xf32, #tpu.memory_space<vmem_shared>> -> memref<10240x16xf32, #tpu.memory_space<vmem_shared>>
            tpu.enqueue_indirect_dma source(%dma_start3A_244 : memref<64x16xf32, #tpu.memory_space<vmem>>) target(%dma_start3A_250 : memref<10240x16xf32, #tpu.memory_space<vmem_shared>>) offsets(%dma_start3A_247 : memref<64xi32, #tpu.memory_space<vmem>>) semaphore(%arg24 : memref<!tpu.dma_semaphore, #tpu.memory_space<semaphore_mem>>) {add = true}
            %dma_wait3A_251 = arith.constant 1 : i32
            %dma_wait3A_252 = arith.constant 0 : i32
            %dma_wait3A_253 = arith.constant 0 : i32
            %dma_wait3A_254 = tpu.memref_slice %arg11[%dma_wait3A_251, %dma_wait3A_252, %dma_wait3A_253] : memref<2x64x16xf32, #tpu.memory_space<vmem>> -> memref<1x64x16xf32, #tpu.memory_space<vmem>>
            %dma_wait3A_255 = tpu.memref_squeeze %dma_wait3A_254 : memref<1x64x16xf32, #tpu.memory_space<vmem>> -> memref<64x16xf32, #tpu.memory_space<vmem>>
            %dma_wait3A_256 = arith.constant 0 : i32
            %dma_wait3A_257 = tpu.memref_slice %arg9[%add3A_118, %dma_wait3A_256] : memref<40x64xi32, #tpu.memory_space<vmem>> -> memref<1x64xi32, #tpu.memory_space<vmem>>
            %dma_wait3A_258 = tpu.memref_squeeze %dma_wait3A_257 : memref<1x64xi32, #tpu.memory_space<vmem>> -> memref<64xi32, #tpu.memory_space<vmem>>
            %dma_wait3A_259 = arith.constant 0 : i32
            %dma_wait3A_260 = arith.constant 0 : i32
            %dma_wait3A_261 = tpu.memref_slice %arg2[%dma_wait3A_259, %dma_wait3A_260] : memref<10240x16xf32, #tpu.memory_space<hbm>> -> memref<10240x16xf32, #tpu.memory_space<hbm>>
            tpu.wait_indirect_dma semaphore(%arg20 : memref<!tpu.dma_semaphore, #tpu.memory_space<semaphore_mem>>) src(%dma_wait3A_261 : memref<10240x16xf32, #tpu.memory_space<hbm>>) dst(%dma_wait3A_255 : memref<64x16xf32, #tpu.memory_space<vmem>>)
            %dma_wait3A_262 = arith.constant 1 : i32
            %dma_wait3A_263 = arith.constant 0 : i32
            %dma_wait3A_264 = arith.constant 0 : i32
            %dma_wait3A_265 = tpu.memref_slice %arg12[%dma_wait3A_262, %dma_wait3A_263, %dma_wait3A_264] : memref<2x64x16xf32, #tpu.memory_space<vmem>> -> memref<1x64x16xf32, #tpu.memory_space<vmem>>
            %dma_wait3A_266 = tpu.memref_squeeze %dma_wait3A_265 : memref<1x64x16xf32, #tpu.memory_space<vmem>> -> memref<64x16xf32, #tpu.memory_space<vmem>>
            %dma_wait3A_267 = arith.constant 0 : i32
            %dma_wait3A_268 = tpu.memref_slice %arg10[%add3A_118, %dma_wait3A_267] : memref<40x64xi32, #tpu.memory_space<vmem>> -> memref<1x64xi32, #tpu.memory_space<vmem>>
            %dma_wait3A_269 = tpu.memref_squeeze %dma_wait3A_268 : memref<1x64xi32, #tpu.memory_space<vmem>> -> memref<64xi32, #tpu.memory_space<vmem>>
            %dma_wait3A_270 = arith.constant 0 : i32
            %dma_wait3A_271 = arith.constant 0 : i32
            %dma_wait3A_272 = tpu.memref_slice %arg3[%dma_wait3A_270, %dma_wait3A_271] : memref<10240x16xf32, #tpu.memory_space<hbm>> -> memref<10240x16xf32, #tpu.memory_space<hbm>>
            tpu.wait_indirect_dma semaphore(%arg21 : memref<!tpu.dma_semaphore, #tpu.memory_space<semaphore_mem>>) src(%dma_wait3A_272 : memref<10240x16xf32, #tpu.memory_space<hbm>>) dst(%dma_wait3A_266 : memref<64x16xf32, #tpu.memory_space<vmem>>)
            %dma_wait3A_273 = arith.constant 1 : i32
            %dma_wait3A_274 = arith.constant 0 : i32
            %dma_wait3A_275 = arith.constant 0 : i32
            %dma_wait3A_276 = tpu.memref_slice %arg13[%dma_wait3A_273, %dma_wait3A_274, %dma_wait3A_275] : memref<2x64x16xf32, #tpu.memory_space<vmem>> -> memref<1x64x16xf32, #tpu.memory_space<vmem>>
            %dma_wait3A_277 = tpu.memref_squeeze %dma_wait3A_276 : memref<1x64x16xf32, #tpu.memory_space<vmem>> -> memref<64x16xf32, #tpu.memory_space<vmem>>
            %dma_wait3A_278 = arith.constant 0 : i32
            %dma_wait3A_279 = tpu.memref_slice %arg9[%add3A_118, %dma_wait3A_278] : memref<40x64xi32, #tpu.memory_space<vmem>> -> memref<1x64xi32, #tpu.memory_space<vmem>>
            %dma_wait3A_280 = tpu.memref_squeeze %dma_wait3A_279 : memref<1x64xi32, #tpu.memory_space<vmem>> -> memref<64xi32, #tpu.memory_space<vmem>>
            %dma_wait3A_281 = arith.constant 0 : i32
            %dma_wait3A_282 = arith.constant 0 : i32
            %dma_wait3A_283 = tpu.memref_slice %arg4[%dma_wait3A_281, %dma_wait3A_282] : memref<10240x16xf32, #tpu.memory_space<hbm>> -> memref<10240x16xf32, #tpu.memory_space<hbm>>
            tpu.wait_indirect_dma semaphore(%arg22 : memref<!tpu.dma_semaphore, #tpu.memory_space<semaphore_mem>>) src(%dma_wait3A_283 : memref<10240x16xf32, #tpu.memory_space<hbm>>) dst(%dma_wait3A_277 : memref<64x16xf32, #tpu.memory_space<vmem>>)
            %parallel_loop3A_284 = arith.constant 0 : i32
            %parallel_loop3A_285 = arith.constant 64 : i32
            %parallel_loop3A_286 = arith.constant 1 : i32
            scf.for %parallel_loop3A_309 = %parallel_loop3A_284 to %parallel_loop3A_285 step %parallel_loop3A_286  : i32 {
              %parallel_loop3A_310 = arith.constant 1 : i32
              %parallel_loop3A_311 = arith.index_cast %parallel_loop3A_310 : i32 to index
              %parallel_loop3A_312 = arith.index_cast %parallel_loop3A_309 : i32 to index
              %parallel_loop3A_313 = arith.constant 0 : index
              %parallel_loop3A_314 = tpu.vector_load %arg11[%parallel_loop3A_311, %parallel_loop3A_312, %parallel_loop3A_313] {strides = array<i32>} : memref<2x64x16xf32, #tpu.memory_space<vmem>>, vector<1x1x16xf32>,
              %parallel_loop3A_315 = vector.shape_cast %parallel_loop3A_314 : vector<1x1x16xf32> to vector<16xf32>
              %parallel_loop3A_316 = arith.constant 1 : i32
              %parallel_loop3A_317 = arith.index_cast %parallel_loop3A_316 : i32 to index
              %parallel_loop3A_318 = arith.index_cast %parallel_loop3A_309 : i32 to index
              %parallel_loop3A_319 = arith.constant 0 : index
              %parallel_loop3A_320 = tpu.vector_load %arg12[%parallel_loop3A_317, %parallel_loop3A_318, %parallel_loop3A_319] {strides = array<i32>} : memref<2x64x16xf32, #tpu.memory_space<vmem>>, vector<1x1x16xf32>,
              %parallel_loop3A_321 = vector.shape_cast %parallel_loop3A_320 : vector<1x1x16xf32> to vector<16xf32>
              %parallel_loop3A_322 = arith.addf %parallel_loop3A_315, %parallel_loop3A_321 : vector<16xf32>
              %parallel_loop3A_323 = arith.constant 2.000000e-01 : f32
              %parallel_loop3A_324 = vector.broadcast %parallel_loop3A_323 : f32 to vector<16xf32>
              %parallel_loop3A_325 = arith.mulf %parallel_loop3A_324, %parallel_loop3A_322 : vector<16xf32>
              %parallel_loop3A_326 = arith.maximumf %parallel_loop3A_322, %parallel_loop3A_325 : vector<16xf32>
              %parallel_loop3A_327 = vector.shape_cast %add3A_32 : vector<16xi32> to vector<16x1xi32>
              %parallel_loop3A_328 = vector.shape_cast %parallel_loop3A_327 : vector<16x1xi32> to vector<16xi32>
              %parallel_loop3A_329 = tpu.dynamic_gather %parallel_loop3A_321[%parallel_loop3A_328] in [0] : vector<16xf32>, vector<16xi32> -> vector<16xf32>
              %parallel_loop3A_330 = math.exp %parallel_loop3A_326 : vector<16xf32>
              %parallel_loop3A_331 = arith.mulf %parallel_loop3A_330, %parallel_loop3A_329 : vector<16xf32>
              %parallel_loop3A_332 = arith.constant 1 : i32
              %parallel_loop3A_333 = arith.index_cast %parallel_loop3A_332 : i32 to index
              %parallel_loop3A_334 = arith.index_cast %parallel_loop3A_309 : i32 to index
              %parallel_loop3A_335 = arith.constant 0 : index
              %parallel_loop3A_336 = tpu.vector_load %arg14[%parallel_loop3A_333, %parallel_loop3A_334, %parallel_loop3A_335] {strides = array<i32>} : memref<2x64x16xf32, #tpu.memory_space<vmem>>, vector<1x1x16xf32>,
              %parallel_loop3A_337 = vector.shape_cast %parallel_loop3A_336 : vector<1x1x16xf32> to vector<16xf32>
              %parallel_loop3A_338 = vector.shape_cast %parallel_loop3A_331 : vector<16xf32> to vector<1x1x16xf32>
              tpu.vector_store %arg14[%parallel_loop3A_333, %parallel_loop3A_334, %parallel_loop3A_335], %parallel_loop3A_338 {strides = array<i32>} : memref<2x64x16xf32, #tpu.memory_space<vmem>>, vector<1x1x16xf32>,
              %parallel_loop3A_339 = arith.constant 1 : i32
              %parallel_loop3A_340 = arith.index_cast %parallel_loop3A_339 : i32 to index
              %parallel_loop3A_341 = arith.index_cast %parallel_loop3A_309 : i32 to index
              %parallel_loop3A_342 = arith.constant 0 : index
              %parallel_loop3A_343 = tpu.vector_load %arg13[%parallel_loop3A_340, %parallel_loop3A_341, %parallel_loop3A_342] {strides = array<i32>} : memref<2x64x16xf32, #tpu.memory_space<vmem>>, vector<1x1x16xf32>,
              %parallel_loop3A_344 = vector.shape_cast %parallel_loop3A_343 : vector<1x1x16xf32> to vector<16xf32>
              %parallel_loop3A_345 = vector.extract_strided_slice %parallel_loop3A_331 {offsets = [0], sizes = [1], strides = [1]} : vector<16xf32> to vector<1xf32>
              %parallel_loop3A_346 = vector.extract %parallel_loop3A_345[0] : f32 from vector<1xf32>
              %parallel_loop3A_347 = vector.broadcast %parallel_loop3A_346 : f32 to vector<16xf32>
              %parallel_loop3A_348 = arith.mulf %parallel_loop3A_344, %parallel_loop3A_347 : vector<16xf32>
              %parallel_loop3A_349 = arith.constant 1 : i32
              %parallel_loop3A_350 = arith.index_cast %parallel_loop3A_349 : i32 to index
              %parallel_loop3A_351 = arith.index_cast %parallel_loop3A_309 : i32 to index
              %parallel_loop3A_352 = arith.constant 0 : index
              %parallel_loop3A_353 = tpu.vector_load %arg13[%parallel_loop3A_350, %parallel_loop3A_351, %parallel_loop3A_352] {strides = array<i32>} : memref<2x64x16xf32, #tpu.memory_space<vmem>>, vector<1x1x16xf32>,
              %parallel_loop3A_354 = vector.shape_cast %parallel_loop3A_353 : vector<1x1x16xf32> to vector<16xf32>
              %parallel_loop3A_355 = vector.shape_cast %parallel_loop3A_348 : vector<16xf32> to vector<1x1x16xf32>
              tpu.vector_store %arg13[%parallel_loop3A_350, %parallel_loop3A_351, %parallel_loop3A_352], %parallel_loop3A_355 {strides = array<i32>} : memref<2x64x16xf32, #tpu.memory_space<vmem>>, vector<1x1x16xf32>,
            } {sc.loop_unroll_factor = 4 : i64, sc.parallel_access}
            %dma_start3A_287 = arith.constant 1 : i32
            %dma_start3A_288 = arith.constant 0 : i32
            %dma_start3A_289 = arith.constant 0 : i32
            %dma_start3A_290 = tpu.memref_slice %arg14[%dma_start3A_287, %dma_start3A_288, %dma_start3A_289] : memref<2x64x16xf32, #tpu.memory_space<vmem>> -> memref<1x64x16xf32, #tpu.memory_space<vmem>>
            %dma_start3A_291 = tpu.memref_squeeze %dma_start3A_290 : memref<1x64x16xf32, #tpu.memory_space<vmem>> -> memref<64x16xf32, #tpu.memory_space<vmem>>
            %dma_start3A_292 = arith.constant 0 : i32
            %dma_start3A_293 = tpu.memref_slice %arg10[%add3A_118, %dma_start3A_292] : memref<40x64xi32, #tpu.memory_space<vmem>> -> memref<1x64xi32, #tpu.memory_space<vmem>>
            %dma_start3A_294 = tpu.memref_squeeze %dma_start3A_293 : memref<1x64xi32, #tpu.memory_space<vmem>> -> memref<64xi32, #tpu.memory_space<vmem>>
            %dma_start3A_295 = arith.constant 0 : i32
            %dma_start3A_296 = arith.constant 0 : i32
            %dma_start3A_297 = tpu.memref_slice %arg15[%dma_start3A_295, %dma_start3A_296] : memref<10240x16xf32, #tpu.memory_space<vmem_shared>> -> memref<10240x16xf32, #tpu.memory_space<vmem_shared>>
            tpu.enqueue_indirect_dma source(%dma_start3A_291 : memref<64x16xf32, #tpu.memory_space<vmem>>) target(%dma_start3A_297 : memref<10240x16xf32, #tpu.memory_space<vmem_shared>>) offsets(%dma_start3A_294 : memref<64xi32, #tpu.memory_space<vmem>>) semaphore(%arg25 : memref<!tpu.dma_semaphore, #tpu.memory_space<semaphore_mem>>) {add = true}
            %dma_start3A_298 = arith.constant 1 : i32
            %dma_start3A_299 = arith.constant 0 : i32
            %dma_start3A_300 = arith.constant 0 : i32
            %dma_start3A_301 = tpu.memref_slice %arg13[%dma_start3A_298, %dma_start3A_299, %dma_start3A_300] : memref<2x64x16xf32, #tpu.memory_space<vmem>> -> memref<1x64x16xf32, #tpu.memory_space<vmem>>
            %dma_start3A_302 = tpu.memref_squeeze %dma_start3A_301 : memref<1x64x16xf32, #tpu.memory_space<vmem>> -> memref<64x16xf32, #tpu.memory_space<vmem>>
            %dma_start3A_303 = arith.constant 0 : i32
            %dma_start3A_304 = tpu.memref_slice %arg10[%add3A_118, %dma_start3A_303] : memref<40x64xi32, #tpu.memory_space<vmem>> -> memref<1x64xi32, #tpu.memory_space<vmem>>
            %dma_start3A_305 = tpu.memref_squeeze %dma_start3A_304 : memref<1x64xi32, #tpu.memory_space<vmem>> -> memref<64xi32, #tpu.memory_space<vmem>>
            %dma_start3A_306 = arith.constant 0 : i32
            %dma_start3A_307 = arith.constant 0 : i32
            %dma_start3A_308 = tpu.memref_slice %arg16[%dma_start3A_306, %dma_start3A_307] : memref<10240x16xf32, #tpu.memory_space<vmem_shared>> -> memref<10240x16xf32, #tpu.memory_space<vmem_shared>>
            tpu.enqueue_indirect_dma source(%dma_start3A_302 : memref<64x16xf32, #tpu.memory_space<vmem>>) target(%dma_start3A_308 : memref<10240x16xf32, #tpu.memory_space<vmem_shared>>) offsets(%dma_start3A_305 : memref<64xi32, #tpu.memory_space<vmem>>) semaphore(%arg26 : memref<!tpu.dma_semaphore, #tpu.memory_space<semaphore_mem>>) {add = true}
          } else {
          }
        }
        %scan3A_109 = arith.constant 20 : i32
      } else {
      }
    }
    %scan3A_37 = arith.constant 4 : i32
    %dma_wait3A = arith.constant 0 : i32
    %dma_wait3A_38 = arith.constant 0 : i32
    %dma_wait3A_39 = arith.constant 0 : i32
    %dma_wait3A_40 = arith.constant 0 : i32
    %dma_wait3A_41 = tpu.memref_slice %arg14[%dma_wait3A, %dma_wait3A_39, %dma_wait3A_40] : memref<2x64x16xf32, #tpu.memory_space<vmem>> -> memref<1x64x16xf32, #tpu.memory_space<vmem>>
    %dma_wait3A_42 = tpu.memref_squeeze %dma_wait3A_41 : memref<1x64x16xf32, #tpu.memory_space<vmem>> -> memref<64x16xf32, #tpu.memory_space<vmem>>
    %dma_wait3A_43 = arith.constant 0 : i32
    %dma_wait3A_44 = tpu.memref_slice %arg10[%dma_wait3A_38, %dma_wait3A_43] : memref<40x64xi32, #tpu.memory_space<vmem>> -> memref<1x64xi32, #tpu.memory_space<vmem>>
    %dma_wait3A_45 = tpu.memref_squeeze %dma_wait3A_44 : memref<1x64xi32, #tpu.memory_space<vmem>> -> memref<64xi32, #tpu.memory_space<vmem>>
    %dma_wait3A_46 = arith.constant 0 : i32
    %dma_wait3A_47 = arith.constant 0 : i32
    %dma_wait3A_48 = tpu.memref_slice %arg15[%dma_wait3A_46, %dma_wait3A_47] : memref<10240x16xf32, #tpu.memory_space<vmem_shared>> -> memref<10240x16xf32, #tpu.memory_space<vmem_shared>>
    tpu.wait_indirect_dma semaphore(%arg23 : memref<!tpu.dma_semaphore, #tpu.memory_space<semaphore_mem>>) src(%dma_wait3A_42 : memref<64x16xf32, #tpu.memory_space<vmem>>) dst(%dma_wait3A_48 : memref<10240x16xf32, #tpu.memory_space<vmem_shared>>)
    %dma_wait3A_49 = arith.constant 0 : i32
    %dma_wait3A_50 = arith.constant 0 : i32
    %dma_wait3A_51 = arith.constant 0 : i32
    %dma_wait3A_52 = arith.constant 0 : i32
    %dma_wait3A_53 = tpu.memref_slice %arg13[%dma_wait3A_49, %dma_wait3A_51, %dma_wait3A_52] : memref<2x64x16xf32, #tpu.memory_space<vmem>> -> memref<1x64x16xf32, #tpu.memory_space<vmem>>
    %dma_wait3A_54 = tpu.memref_squeeze %dma_wait3A_53 : memref<1x64x16xf32, #tpu.memory_space<vmem>> -> memref<64x16xf32, #tpu.memory_space<vmem>>
    %dma_wait3A_55 = arith.constant 0 : i32
    %dma_wait3A_56 = tpu.memref_slice %arg10[%dma_wait3A_50, %dma_wait3A_55] : memref<40x64xi32, #tpu.memory_space<vmem>> -> memref<1x64xi32, #tpu.memory_space<vmem>>
    %dma_wait3A_57 = tpu.memref_squeeze %dma_wait3A_56 : memref<1x64xi32, #tpu.memory_space<vmem>> -> memref<64xi32, #tpu.memory_space<vmem>>
    %dma_wait3A_58 = arith.constant 0 : i32
    %dma_wait3A_59 = arith.constant 0 : i32
    %dma_wait3A_60 = tpu.memref_slice %arg16[%dma_wait3A_58, %dma_wait3A_59] : memref<10240x16xf32, #tpu.memory_space<vmem_shared>> -> memref<10240x16xf32, #tpu.memory_space<vmem_shared>>
    tpu.wait_indirect_dma semaphore(%arg24 : memref<!tpu.dma_semaphore, #tpu.memory_space<semaphore_mem>>) src(%dma_wait3A_54 : memref<64x16xf32, #tpu.memory_space<vmem>>) dst(%dma_wait3A_60 : memref<10240x16xf32, #tpu.memory_space<vmem_shared>>)
    %dma_wait3A_61 = arith.constant 1 : i32
    %dma_wait3A_62 = arith.constant 0 : i32
    %dma_wait3A_63 = arith.constant 0 : i32
    %dma_wait3A_64 = arith.constant 0 : i32
    %dma_wait3A_65 = tpu.memref_slice %arg14[%dma_wait3A_61, %dma_wait3A_63, %dma_wait3A_64] : memref<2x64x16xf32, #tpu.memory_space<vmem>> -> memref<1x64x16xf32, #tpu.memory_space<vmem>>
    %dma_wait3A_66 = tpu.memref_squeeze %dma_wait3A_65 : memref<1x64x16xf32, #tpu.memory_space<vmem>> -> memref<64x16xf32, #tpu.memory_space<vmem>>
    %dma_wait3A_67 = arith.constant 0 : i32
    %dma_wait3A_68 = tpu.memref_slice %arg10[%dma_wait3A_62, %dma_wait3A_67] : memref<40x64xi32, #tpu.memory_space<vmem>> -> memref<1x64xi32, #tpu.memory_space<vmem>>
    %dma_wait3A_69 = tpu.memref_squeeze %dma_wait3A_68 : memref<1x64xi32, #tpu.memory_space<vmem>> -> memref<64xi32, #tpu.memory_space<vmem>>
    %dma_wait3A_70 = arith.constant 0 : i32
    %dma_wait3A_71 = arith.constant 0 : i32
    %dma_wait3A_72 = tpu.memref_slice %arg15[%dma_wait3A_70, %dma_wait3A_71] : memref<10240x16xf32, #tpu.memory_space<vmem_shared>> -> memref<10240x16xf32, #tpu.memory_space<vmem_shared>>
    tpu.wait_indirect_dma semaphore(%arg25 : memref<!tpu.dma_semaphore, #tpu.memory_space<semaphore_mem>>) src(%dma_wait3A_66 : memref<64x16xf32, #tpu.memory_space<vmem>>) dst(%dma_wait3A_72 : memref<10240x16xf32, #tpu.memory_space<vmem_shared>>)
    %dma_wait3A_73 = arith.constant 1 : i32
    %dma_wait3A_74 = arith.constant 0 : i32
    %dma_wait3A_75 = arith.constant 0 : i32
    %dma_wait3A_76 = arith.constant 0 : i32
    %dma_wait3A_77 = tpu.memref_slice %arg13[%dma_wait3A_73, %dma_wait3A_75, %dma_wait3A_76] : memref<2x64x16xf32, #tpu.memory_space<vmem>> -> memref<1x64x16xf32, #tpu.memory_space<vmem>>
    %dma_wait3A_78 = tpu.memref_squeeze %dma_wait3A_77 : memref<1x64x16xf32, #tpu.memory_space<vmem>> -> memref<64x16xf32, #tpu.memory_space<vmem>>
    %dma_wait3A_79 = arith.constant 0 : i32
    %dma_wait3A_80 = tpu.memref_slice %arg10[%dma_wait3A_74, %dma_wait3A_79] : memref<40x64xi32, #tpu.memory_space<vmem>> -> memref<1x64xi32, #tpu.memory_space<vmem>>
    %dma_wait3A_81 = tpu.memref_squeeze %dma_wait3A_80 : memref<1x64xi32, #tpu.memory_space<vmem>> -> memref<64xi32, #tpu.memory_space<vmem>>
    %dma_wait3A_82 = arith.constant 0 : i32
    %dma_wait3A_83 = arith.constant 0 : i32
    %dma_wait3A_84 = tpu.memref_slice %arg16[%dma_wait3A_82, %dma_wait3A_83] : memref<10240x16xf32, #tpu.memory_space<vmem_shared>> -> memref<10240x16xf32, #tpu.memory_space<vmem_shared>>
    tpu.wait_indirect_dma semaphore(%arg26 : memref<!tpu.dma_semaphore, #tpu.memory_space<semaphore_mem>>) src(%dma_wait3A_78 : memref<64x16xf32, #tpu.memory_space<vmem>>) dst(%dma_wait3A_84 : memref<10240x16xf32, #tpu.memory_space<vmem_shared>>)
    %barrier3A_85 = arith.constant 0 : index
    tpu.barrier barrier_id(%barrier3A_85)
    %mul3A_86 = arith.constant 640 : i32
    %mul3A_87 = arith.muli %arg1, %mul3A_86 : i32
    %mul3A_88 = arith.constant 640 : i32
    %mul3A_89 = arith.muli %arg1, %mul3A_88 : i32
    "tpu.region"() ({
      %run_scoped3A = tpu.sem_alloc : memref<!tpu.dma_semaphore, #tpu.memory_space<semaphore_mem>>
      %dma_start3A = arith.constant 0 : i32
      %dma_start3A_94 = arith.constant 0 : i32
      %dma_start3A_95 = tpu.memref_slice %arg7[%arg0, %dma_start3A, %dma_start3A_94] : memref<2x10240x16xf32, #tpu.memory_space<hbm>> -> memref<1x10240x16xf32, #tpu.memory_space<hbm>>
      %dma_start3A_96 = tpu.memref_squeeze %dma_start3A_95 : memref<1x10240x16xf32, #tpu.memory_space<hbm>> -> memref<10240x16xf32, #tpu.memory_space<hbm>>
      %dma_start3A_97 = arith.constant 0 : i32
      %dma_start3A_98 = tpu.memref_slice %dma_start3A_96[%mul3A_89, %dma_start3A_97] : memref<10240x16xf32, #tpu.memory_space<hbm>> -> memref<640x16xf32, #tpu.memory_space<hbm>>
      %dma_start3A_99 = arith.constant 0 : i32
      %dma_start3A_100 = tpu.memref_slice %arg15[%mul3A_87, %dma_start3A_99] : memref<10240x16xf32, #tpu.memory_space<vmem_shared>> -> memref<640x16xf32, #tpu.memory_space<vmem_shared>>
      tpu.enqueue_dma source(%dma_start3A_100 : memref<640x16xf32, #tpu.memory_space<vmem_shared>>) target(%dma_start3A_98 : memref<640x16xf32, #tpu.memory_space<hbm>>) target_semaphore(%run_scoped3A : memref<!tpu.dma_semaphore, #tpu.memory_space<semaphore_mem>>)
      %dma_wait3A_101 = arith.constant 0 : i32
      %dma_wait3A_102 = arith.constant 0 : i32
      %dma_wait3A_103 = tpu.memref_slice %arg7[%arg0, %dma_wait3A_101, %dma_wait3A_102] : memref<2x10240x16xf32, #tpu.memory_space<hbm>> -> memref<1x10240x16xf32, #tpu.memory_space<hbm>>
      %dma_wait3A_104 = tpu.memref_squeeze %dma_wait3A_103 : memref<1x10240x16xf32, #tpu.memory_space<hbm>> -> memref<10240x16xf32, #tpu.memory_space<hbm>>
      %dma_wait3A_105 = arith.constant 0 : i32
      %dma_wait3A_106 = tpu.memref_slice %dma_wait3A_104[%mul3A_89, %dma_wait3A_105] : memref<10240x16xf32, #tpu.memory_space<hbm>> -> memref<640x16xf32, #tpu.memory_space<hbm>>
      %dma_wait3A_107 = arith.constant 0 : i32
      %dma_wait3A_108 = tpu.memref_slice %arg15[%mul3A_87, %dma_wait3A_107] : memref<10240x16xf32, #tpu.memory_space<vmem_shared>> -> memref<640x16xf32, #tpu.memory_space<vmem_shared>>
      tpu.wait_dma2 semaphore(%run_scoped3A : memref<!tpu.dma_semaphore, #tpu.memory_space<semaphore_mem>>) src(%dma_wait3A_108 : memref<640x16xf32, #tpu.memory_space<vmem_shared>>) dst(%dma_wait3A_106 : memref<640x16xf32, #tpu.memory_space<hbm>>)
      tpu.yield
    }) : () -> ()
    %mul3A_90 = arith.constant 640 : i32
    %mul3A_91 = arith.muli %arg1, %mul3A_90 : i32
    %mul3A_92 = arith.constant 640 : i32
    %mul3A_93 = arith.muli %arg1, %mul3A_92 : i32
    "tpu.region"() ({
      %run_scoped3A = tpu.sem_alloc : memref<!tpu.dma_semaphore, #tpu.memory_space<semaphore_mem>>
      %dma_start3A = arith.constant 0 : i32
      %dma_start3A_94 = arith.constant 0 : i32
      %dma_start3A_95 = tpu.memref_slice %arg8[%arg0, %dma_start3A, %dma_start3A_94] : memref<2x10240x16xf32, #tpu.memory_space<hbm>> -> memref<1x10240x16xf32, #tpu.memory_space<hbm>>
      %dma_start3A_96 = tpu.memref_squeeze %dma_start3A_95 : memref<1x10240x16xf32, #tpu.memory_space<hbm>> -> memref<10240x16xf32, #tpu.memory_space<hbm>>
      %dma_start3A_97 = arith.constant 0 : i32
      %dma_start3A_98 = tpu.memref_slice %dma_start3A_96[%mul3A_93, %dma_start3A_97] : memref<10240x16xf32, #tpu.memory_space<hbm>> -> memref<640x16xf32, #tpu.memory_space<hbm>>
      %dma_start3A_99 = arith.constant 0 : i32
      %dma_start3A_100 = tpu.memref_slice %arg16[%mul3A_91, %dma_start3A_99] : memref<10240x16xf32, #tpu.memory_space<vmem_shared>> -> memref<640x16xf32, #tpu.memory_space<vmem_shared>>
      tpu.enqueue_dma source(%dma_start3A_100 : memref<640x16xf32, #tpu.memory_space<vmem_shared>>) target(%dma_start3A_98 : memref<640x16xf32, #tpu.memory_space<hbm>>) target_semaphore(%run_scoped3A : memref<!tpu.dma_semaphore, #tpu.memory_space<semaphore_mem>>)
      %dma_wait3A_101 = arith.constant 0 : i32
      %dma_wait3A_102 = arith.constant 0 : i32
      %dma_wait3A_103 = tpu.memref_slice %arg8[%arg0, %dma_wait3A_101, %dma_wait3A_102] : memref<2x10240x16xf32, #tpu.memory_space<hbm>> -> memref<1x10240x16xf32, #tpu.memory_space<hbm>>
      %dma_wait3A_104 = tpu.memref_squeeze %dma_wait3A_103 : memref<1x10240x16xf32, #tpu.memory_space<hbm>> -> memref<10240x16xf32, #tpu.memory_space<hbm>>
      %dma_wait3A_105 = arith.constant 0 : i32
      %dma_wait3A_106 = tpu.memref_slice %dma_wait3A_104[%mul3A_93, %dma_wait3A_105] : memref<10240x16xf32, #tpu.memory_space<hbm>> -> memref<640x16xf32, #tpu.memory_space<hbm>>
      %dma_wait3A_107 = arith.constant 0 : i32
      %dma_wait3A_108 = tpu.memref_slice %arg16[%mul3A_91, %dma_wait3A_107] : memref<10240x16xf32, #tpu.memory_space<vmem_shared>> -> memref<640x16xf32, #tpu.memory_space<vmem_shared>>
      tpu.wait_dma2 semaphore(%run_scoped3A : memref<!tpu.dma_semaphore, #tpu.memory_space<semaphore_mem>>) src(%dma_wait3A_108 : memref<640x16xf32, #tpu.memory_space<vmem_shared>>) dst(%dma_wait3A_106 : memref<640x16xf32, #tpu.memory_space<hbm>>)
      tpu.yield
    }) : () -> ()
    return
  }
}

module attributes {stable_mosaic.version = 14 : i64} {
  func.func @_prep1_body(%arg0: i32, %arg1: memref<2000x128xf32, #tpu.memory_space<vmem>>, %arg2: memref<128x128xf32, #tpu.memory_space<vmem>>, %arg3: memref<128x16xf32, #tpu.memory_space<vmem>>, %arg4: memref<128x16xf32, #tpu.memory_space<vmem>>, %arg5: memref<2000x128xf32, #tpu.memory_space<vmem>>, %arg6: memref<2000x16xf32, #tpu.memory_space<vmem>>, %arg7: memref<2000x16xf32, #tpu.memory_space<vmem>>) attributes {dimension_semantics = [#tpu.dimension_semantics<arbitrary>], iteration_bounds = array<i64: 5>, scalar_prefetch = 0 : i64, scratch_operands = 0 : i64, tpu.core_type = #tpu.core_type<tc>, window_params = [{transform_indices = @transform_0, window_bounds = array<i64: 2000, 128>}, {pipeline_mode = #tpu.pipeline_mode<synchronous>, transform_indices = @transform_1, window_bounds = array<i64: 128, 128>}, {pipeline_mode = #tpu.pipeline_mode<synchronous>, transform_indices = @transform_2, window_bounds = array<i64: 128, 16>}, {pipeline_mode = #tpu.pipeline_mode<synchronous>, transform_indices = @transform_3, window_bounds = array<i64: 128, 16>}, {transform_indices = @transform_4, window_bounds = array<i64: 2000, 128>}, {transform_indices = @transform_5, window_bounds = array<i64: 2000, 16>}, {transform_indices = @transform_6, window_bounds = array<i64: 2000, 16>}]} {
    %get3A = arith.constant 0 : index
    %get3A_0 = arith.constant 0 : index
    %get3A_1 = vector.load %arg1[%get3A, %get3A_0] : memref<2000x128xf32, #tpu.memory_space<vmem>>, vector<2000x128xf32>
    %get3A_2 = arith.constant 0 : index
    %get3A_3 = arith.constant 0 : index
    %get3A_4 = vector.load %arg2[%get3A_2, %get3A_3] : memref<128x128xf32, #tpu.memory_space<vmem>>, vector<128x128xf32>
    %dot_general3A = arith.constant dense<0.000000e+00> : vector<2000x128xf32>
    %dot_general3A_5 = tpu.matmul %get3A_1, %get3A_4, %dot_general3A {dimension_numbers = #tpu.dot_dimension_numbers<[1], [0], [0], [1], [0, 0, 1, 1], [], []>, precision = #tpu.contract_precision<fp32>, transpose_lhs_hint = false} : vector<2000x128xf32>, vector<128x128xf32>, vector<2000x128xf32> -> vector<2000x128xf32>
    %get3A_6 = arith.constant 0 : index
    %get3A_7 = arith.constant 0 : index
    %get3A_8 = vector.load %arg3[%get3A_6, %get3A_7] : memref<128x16xf32, #tpu.memory_space<vmem>>, vector<128x16xf32>
    %dot_general3A_9 = arith.constant dense<0.000000e+00> : vector<2000x16xf32>
    %dot_general3A_10 = tpu.matmul %dot_general3A_5, %get3A_8, %dot_general3A_9 {dimension_numbers = #tpu.dot_dimension_numbers<[1], [0], [0], [1], [0, 0, 1, 1], [], []>, precision = #tpu.contract_precision<fp32>, transpose_lhs_hint = false} : vector<2000x128xf32>, vector<128x16xf32>, vector<2000x16xf32> -> vector<2000x16xf32>
    %get3A_11 = arith.constant 0 : index
    %get3A_12 = arith.constant 0 : index
    %get3A_13 = vector.load %arg4[%get3A_11, %get3A_12] : memref<128x16xf32, #tpu.memory_space<vmem>>, vector<128x16xf32>
    %dot_general3A_14 = arith.constant dense<0.000000e+00> : vector<2000x16xf32>
    %dot_general3A_15 = tpu.matmul %dot_general3A_5, %get3A_13, %dot_general3A_14 {dimension_numbers = #tpu.dot_dimension_numbers<[1], [0], [0], [1], [0, 0, 1, 1], [], []>, precision = #tpu.contract_precision<fp32>, transpose_lhs_hint = false} : vector<2000x128xf32>, vector<128x16xf32>, vector<2000x16xf32> -> vector<2000x16xf32>
    %add3A = arith.addf %dot_general3A_10, %dot_general3A_15 : vector<2000x16xf32>
    %mul3A = arith.constant 2.000000e-01 : f32
    %mul3A_16 = vector.broadcast %mul3A : f32 to vector<2000x16xf32>
    %mul3A_17 = arith.mulf %mul3A_16, %add3A : vector<2000x16xf32>
    %max3A = arith.maximumf %add3A, %mul3A_17 : vector<2000x16xf32>
    %iota3A = tpu.iota {dimensions = array<i32: 1>} : vector<2000x16xi32>
    %lt3A = arith.constant 8 : i32
    %lt3A_18 = vector.broadcast %lt3A : i32 to vector<2000x16xi32>
    %lt3A_19 = arith.cmpi slt, %iota3A, %lt3A_18 : vector<2000x16xi32>
    %neg3A = arith.constant 0.000000e+00 : f32
    %neg3A_20 = vector.broadcast %neg3A : f32 to vector<2000x16xf32>
    %neg3A_21 = arith.subf %neg3A_20, %max3A : vector<2000x16xf32>
    %exp3A = math.exp %neg3A_21 : vector<2000x16xf32>
    %jit3A = arith.constant 0.000000e+00 : f32
    %broadcast_in_dim3A = vector.broadcast %jit3A : f32 to vector<2000x16xf32>
    %select_n3A = arith.select %lt3A_19, %exp3A, %broadcast_in_dim3A : vector<2000x16xi1>, vector<2000x16xf32>
    %swap3A = arith.constant 0 : index
    %swap3A_22 = arith.constant 0 : index
    %swap3A_23 = vector.load %arg5[%swap3A, %swap3A_22] : memref<2000x128xf32, #tpu.memory_space<vmem>>, vector<2000x128xf32>
    tpu.vector_store %arg5[%swap3A, %swap3A_22], %dot_general3A_5 {strides = array<i32>} : memref<2000x128xf32, #tpu.memory_space<vmem>>, vector<2000x128xf32>,
    %swap3A_24 = arith.constant 0 : index
    %swap3A_25 = arith.constant 0 : index
    %swap3A_26 = vector.load %arg6[%swap3A_24, %swap3A_25] : memref<2000x16xf32, #tpu.memory_space<vmem>>, vector<2000x16xf32>
    tpu.vector_store %arg6[%swap3A_24, %swap3A_25], %dot_general3A_10 {strides = array<i32>} : memref<2000x16xf32, #tpu.memory_space<vmem>>, vector<2000x16xf32>,
    %iota3A_27 = tpu.iota {dimensions = array<i32: 0>} : vector<16x16xi32>
    %iota3A_28 = tpu.iota {dimensions = array<i32: 1>} : vector<16x16xi32>
    %add3A_29 = arith.constant 8 : i32
    %add3A_30 = vector.broadcast %add3A_29 : i32 to vector<16x16xi32>
    %add3A_31 = arith.addi %iota3A_27, %add3A_30 : vector<16x16xi32>
    %eq3A = arith.cmpi eq, %add3A_31, %iota3A_28 : vector<16x16xi32>
    %convert_element_type3A = arith.extui %eq3A : vector<16x16xi1> to vector<16x16xi32>
    %convert_element_type3A_32 = arith.sitofp %convert_element_type3A : vector<16x16xi32> to vector<16x16xf32>
    %dot_general3A_33 = arith.constant dense<0.000000e+00> : vector<2000x16xf32>
    %dot_general3A_34 = tpu.matmul %select_n3A, %convert_element_type3A_32, %dot_general3A_33 {dimension_numbers = #tpu.dot_dimension_numbers<[1], [0], [0], [1], [0, 0, 1, 1], [], []>, precision = #tpu.contract_precision<fp32>, transpose_lhs_hint = false} : vector<2000x16xf32>, vector<16x16xf32>, vector<2000x16xf32> -> vector<2000x16xf32>
    %add3A_35 = arith.addf %dot_general3A_15, %dot_general3A_34 : vector<2000x16xf32>
    %swap3A_36 = arith.constant 0 : index
    %swap3A_37 = arith.constant 0 : index
    %swap3A_38 = vector.load %arg7[%swap3A_36, %swap3A_37] : memref<2000x16xf32, #tpu.memory_space<vmem>>, vector<2000x16xf32>
    tpu.vector_store %arg7[%swap3A_36, %swap3A_37], %add3A_35 {strides = array<i32>} : memref<2000x16xf32, #tpu.memory_space<vmem>>, vector<2000x16xf32>,
    return
  }
  func.func @transform_0(%arg0: i32) -> (i32, i32) {
    %c0_i32 = arith.constant 0 : i32
    %c0_i32_0 = arith.constant 0 : i32
    return %arg0, %c0_i32 : i32, i32
  }
  func.func @transform_1(%arg0: i32) -> (i32, i32) {
    %c0_i32 = arith.constant 0 : i32
    %c0_i32_0 = arith.constant 0 : i32
    %c0_i32_1 = arith.constant 0 : i32
    return %c0_i32, %c0_i32_0 : i32, i32
  }
  func.func @transform_2(%arg0: i32) -> (i32, i32) {
    %c0_i32 = arith.constant 0 : i32
    %c0_i32_0 = arith.constant 0 : i32
    %c0_i32_1 = arith.constant 0 : i32
    return %c0_i32, %c0_i32_0 : i32, i32
  }
  func.func @transform_3(%arg0: i32) -> (i32, i32) {
    %c0_i32 = arith.constant 0 : i32
    %c0_i32_0 = arith.constant 0 : i32
    %c0_i32_1 = arith.constant 0 : i32
    return %c0_i32, %c0_i32_0 : i32, i32
  }
  func.func @transform_4(%arg0: i32) -> (i32, i32) {
    %c0_i32 = arith.constant 0 : i32
    %c0_i32_0 = arith.constant 0 : i32
    return %arg0, %c0_i32 : i32, i32
  }
  func.func @transform_5(%arg0: i32) -> (i32, i32) {
    %c0_i32 = arith.constant 0 : i32
    %c0_i32_0 = arith.constant 0 : i32
    return %arg0, %c0_i32 : i32, i32
  }
  func.func @transform_6(%arg0: i32) -> (i32, i32) {
    %c0_i32 = arith.constant 0 : i32
    %c0_i32_0 = arith.constant 0 : i32
    return %arg0, %c0_i32 : i32, i32
  }
}

module attributes {stable_mosaic.version = 14 : i64} {
  func.func @_comb1_body(%arg0: i32, %arg1: memref<1x2000x128xf32, #tpu.memory_space<vmem>>, %arg2: memref<1x2000x128xf32, #tpu.memory_space<vmem>>, %arg3: memref<1x2000x16xf32, #tpu.memory_space<vmem>>, %arg4: memref<1x2000x16xf32, #tpu.memory_space<vmem>>, %arg5: memref<2000x128xf32, #tpu.memory_space<vmem>>, %arg6: memref<128x16xf32, #tpu.memory_space<vmem>>, %arg7: memref<16x16xf32, #tpu.memory_space<vmem>>, %arg8: memref<16x16xf32, #tpu.memory_space<vmem>>, %arg9: memref<1x128xf32, #tpu.memory_space<vmem>>, %arg10: memref<16x128xf32, #tpu.memory_space<vmem>>, %arg11: memref<2000x16xf32, #tpu.memory_space<vmem>>, %arg12: memref<2000x16xf32, #tpu.memory_space<vmem>>, %arg13: memref<2000x16xf32, #tpu.memory_space<vmem>>) attributes {dimension_semantics = [#tpu.dimension_semantics<arbitrary>], iteration_bounds = array<i64: 5>, scalar_prefetch = 0 : i64, scratch_operands = 0 : i64, tpu.core_type = #tpu.core_type<tc>, window_params = [{transform_indices = @transform_0, window_bounds = array<i64: 1, 2000, 128>}, {transform_indices = @transform_1, window_bounds = array<i64: 1, 2000, 128>}, {transform_indices = @transform_2, window_bounds = array<i64: 1, 2000, 16>}, {transform_indices = @transform_3, window_bounds = array<i64: 1, 2000, 16>}, {transform_indices = @transform_4, window_bounds = array<i64: 2000, 128>}, {pipeline_mode = #tpu.pipeline_mode<synchronous>, transform_indices = @transform_5, window_bounds = array<i64: 128, 16>}, {pipeline_mode = #tpu.pipeline_mode<synchronous>, transform_indices = @transform_6, window_bounds = array<i64: 16, 16>}, {pipeline_mode = #tpu.pipeline_mode<synchronous>, transform_indices = @transform_7, window_bounds = array<i64: 16, 16>}, {pipeline_mode = #tpu.pipeline_mode<synchronous>, transform_indices = @transform_8, window_bounds = array<i64: 1, 128>}, {pipeline_mode = #tpu.pipeline_mode<synchronous>, transform_indices = @transform_9, window_bounds = array<i64: 16, 128>}, {transform_indices = @transform_10, window_bounds = array<i64: 2000, 16>}, {transform_indices = @transform_11, window_bounds = array<i64: 2000, 16>}, {transform_indices = @transform_12, window_bounds = array<i64: 2000, 16>}]} {
    %get3A = arith.constant 0 : index
    %get3A_0 = arith.constant 0 : index
    %get3A_1 = arith.constant 0 : index
    %get3A_2 = vector.load %arg3[%get3A, %get3A_0, %get3A_1] : memref<1x2000x16xf32, #tpu.memory_space<vmem>>, vector<1x2000x16xf32>
    %get3A_3 = vector.shape_cast %get3A_2 : vector<1x2000x16xf32> to vector<2000x16xf32>
    %get3A_4 = arith.constant 0 : index
    %get3A_5 = arith.constant 0 : index
    %get3A_6 = arith.constant 0 : index
    %get3A_7 = vector.load %arg4[%get3A_4, %get3A_5, %get3A_6] : memref<1x2000x16xf32, #tpu.memory_space<vmem>>, vector<1x2000x16xf32>
    %get3A_8 = vector.shape_cast %get3A_7 : vector<1x2000x16xf32> to vector<2000x16xf32>
    %add3A = arith.addf %get3A_3, %get3A_8 : vector<2000x16xf32>
    %add3A_9 = arith.constant 1.000000e+00 : f32
    %add3A_10 = vector.broadcast %add3A_9 : f32 to vector<2000x16xf32>
    %add3A_11 = arith.addf %add3A, %add3A_10 : vector<2000x16xf32>
    %add3A_12 = arith.constant 1.000000e-16 : f32
    %add3A_13 = vector.broadcast %add3A_12 : f32 to vector<2000x16xf32>
    %add3A_14 = arith.addf %add3A_11, %add3A_13 : vector<2000x16xf32>
    %div3A = arith.constant 1.000000e+00 : f32
    %div3A_15 = vector.broadcast %div3A : f32 to vector<2000x16xf32>
    %div3A_16 = arith.divf %div3A_15, %add3A_14 : vector<2000x16xf32>
    %get3A_17 = arith.constant 0 : index
    %get3A_18 = arith.constant 0 : index
    %get3A_19 = vector.load %arg10[%get3A_17, %get3A_18] : memref<16x128xf32, #tpu.memory_space<vmem>>, vector<16x128xf32>
    %dot_general3A = arith.constant dense<0.000000e+00> : vector<2000x128xf32>
    %dot_general3A_20 = tpu.matmul %div3A_16, %get3A_19, %dot_general3A {dimension_numbers = #tpu.dot_dimension_numbers<[1], [0], [0], [1], [0, 0, 1, 1], [], []>, precision = #tpu.contract_precision<fp32>, transpose_lhs_hint = false} : vector<2000x16xf32>, vector<16x128xf32>, vector<2000x128xf32> -> vector<2000x128xf32>
    %get3A_21 = arith.constant 0 : index
    %get3A_22 = arith.constant 0 : index
    %get3A_23 = arith.constant 0 : index
    %get3A_24 = vector.load %arg1[%get3A_21, %get3A_22, %get3A_23] : memref<1x2000x128xf32, #tpu.memory_space<vmem>>, vector<1x2000x128xf32>
    %get3A_25 = vector.shape_cast %get3A_24 : vector<1x2000x128xf32> to vector<2000x128xf32>
    %get3A_26 = arith.constant 0 : index
    %get3A_27 = arith.constant 0 : index
    %get3A_28 = arith.constant 0 : index
    %get3A_29 = vector.load %arg2[%get3A_26, %get3A_27, %get3A_28] : memref<1x2000x128xf32, #tpu.memory_space<vmem>>, vector<1x2000x128xf32>
    %get3A_30 = vector.shape_cast %get3A_29 : vector<1x2000x128xf32> to vector<2000x128xf32>
    %add3A_31 = arith.addf %get3A_25, %get3A_30 : vector<2000x128xf32>
    %get3A_32 = arith.constant 0 : index
    %get3A_33 = arith.constant 0 : index
    %get3A_34 = vector.load %arg5[%get3A_32, %get3A_33] : memref<2000x128xf32, #tpu.memory_space<vmem>>, vector<2000x128xf32>
    %add3A_35 = arith.addf %add3A_31, %get3A_34 : vector<2000x128xf32>
    %mul3A = arith.mulf %add3A_35, %dot_general3A_20 : vector<2000x128xf32>
    %get3A_36 = arith.constant 0 : index
    %get3A_37 = arith.constant 0 : index
    %get3A_38 = vector.load %arg9[%get3A_36, %get3A_37] : memref<1x128xf32, #tpu.memory_space<vmem>>, vector<1x128xf32>
    %add3A_39 = vector.broadcast %get3A_38 : vector<1x128xf32> to vector<2000x128xf32>
    %add3A_40 = arith.addf %mul3A, %add3A_39 : vector<2000x128xf32>
    %gt3A = arith.constant 0.000000e+00 : f32
    %gt3A_41 = vector.broadcast %gt3A : f32 to vector<2000x128xf32>
    %gt3A_42 = arith.cmpf ogt, %add3A_40, %gt3A_41 : vector<2000x128xf32>
    %exp3A = math.exp %add3A_40 : vector<2000x128xf32>
    %sub3A = arith.constant 1.000000e+00 : f32
    %sub3A_43 = vector.broadcast %sub3A : f32 to vector<2000x128xf32>
    %sub3A_44 = arith.subf %exp3A, %sub3A_43 : vector<2000x128xf32>
    %select_n3A = arith.select %gt3A_42, %add3A_40, %sub3A_44 : vector<2000x128xi1>, vector<2000x128xf32>
    %get3A_45 = arith.constant 0 : index
    %get3A_46 = arith.constant 0 : index
    %get3A_47 = vector.load %arg6[%get3A_45, %get3A_46] : memref<128x16xf32, #tpu.memory_space<vmem>>, vector<128x16xf32>
    %dot_general3A_48 = arith.constant dense<0.000000e+00> : vector<2000x16xf32>
    %dot_general3A_49 = tpu.matmul %select_n3A, %get3A_47, %dot_general3A_48 {dimension_numbers = #tpu.dot_dimension_numbers<[1], [0], [0], [1], [0, 0, 1, 1], [], []>, precision = #tpu.contract_precision<fp32>, transpose_lhs_hint = false} : vector<2000x128xf32>, vector<128x16xf32>, vector<2000x16xf32> -> vector<2000x16xf32>
    %get3A_50 = arith.constant 0 : index
    %get3A_51 = arith.constant 0 : index
    %get3A_52 = vector.load %arg7[%get3A_50, %get3A_51] : memref<16x16xf32, #tpu.memory_space<vmem>>, vector<16x16xf32>
    %dot_general3A_53 = arith.constant dense<0.000000e+00> : vector<2000x16xf32>
    %dot_general3A_54 = tpu.matmul %dot_general3A_49, %get3A_52, %dot_general3A_53 {dimension_numbers = #tpu.dot_dimension_numbers<[1], [0], [0], [1], [0, 0, 1, 1], [], []>, precision = #tpu.contract_precision<fp32>, transpose_lhs_hint = false} : vector<2000x16xf32>, vector<16x16xf32>, vector<2000x16xf32> -> vector<2000x16xf32>
    %get3A_55 = arith.constant 0 : index
    %get3A_56 = arith.constant 0 : index
    %get3A_57 = vector.load %arg8[%get3A_55, %get3A_56] : memref<16x16xf32, #tpu.memory_space<vmem>>, vector<16x16xf32>
    %dot_general3A_58 = arith.constant dense<0.000000e+00> : vector<2000x16xf32>
    %dot_general3A_59 = tpu.matmul %dot_general3A_49, %get3A_57, %dot_general3A_58 {dimension_numbers = #tpu.dot_dimension_numbers<[1], [0], [0], [1], [0, 0, 1, 1], [], []>, precision = #tpu.contract_precision<fp32>, transpose_lhs_hint = false} : vector<2000x16xf32>, vector<16x16xf32>, vector<2000x16xf32> -> vector<2000x16xf32>
    %add3A_60 = arith.addf %dot_general3A_54, %dot_general3A_59 : vector<2000x16xf32>
    %mul3A_61 = arith.constant 2.000000e-01 : f32
    %mul3A_62 = vector.broadcast %mul3A_61 : f32 to vector<2000x16xf32>
    %mul3A_63 = arith.mulf %mul3A_62, %add3A_60 : vector<2000x16xf32>
    %max3A = arith.maximumf %add3A_60, %mul3A_63 : vector<2000x16xf32>
    %iota3A = tpu.iota {dimensions = array<i32: 1>} : vector<2000x16xi32>
    %lt3A = arith.constant 1 : i32
    %lt3A_64 = vector.broadcast %lt3A : i32 to vector<2000x16xi32>
    %lt3A_65 = arith.cmpi slt, %iota3A, %lt3A_64 : vector<2000x16xi32>
    %neg3A = arith.constant 0.000000e+00 : f32
    %neg3A_66 = vector.broadcast %neg3A : f32 to vector<2000x16xf32>
    %neg3A_67 = arith.subf %neg3A_66, %max3A : vector<2000x16xf32>
    %exp3A_68 = math.exp %neg3A_67 : vector<2000x16xf32>
    %jit3A = arith.constant 0.000000e+00 : f32
    %broadcast_in_dim3A = vector.broadcast %jit3A : f32 to vector<2000x16xf32>
    %select_n3A_69 = arith.select %lt3A_65, %exp3A_68, %broadcast_in_dim3A : vector<2000x16xi1>, vector<2000x16xf32>
    %swap3A = arith.constant 0 : index
    %swap3A_70 = arith.constant 0 : index
    %swap3A_71 = vector.load %arg11[%swap3A, %swap3A_70] : memref<2000x16xf32, #tpu.memory_space<vmem>>, vector<2000x16xf32>
    tpu.vector_store %arg11[%swap3A, %swap3A_70], %dot_general3A_49 {strides = array<i32>} : memref<2000x16xf32, #tpu.memory_space<vmem>>, vector<2000x16xf32>,
    %swap3A_72 = arith.constant 0 : index
    %swap3A_73 = arith.constant 0 : index
    %swap3A_74 = vector.load %arg12[%swap3A_72, %swap3A_73] : memref<2000x16xf32, #tpu.memory_space<vmem>>, vector<2000x16xf32>
    tpu.vector_store %arg12[%swap3A_72, %swap3A_73], %dot_general3A_54 {strides = array<i32>} : memref<2000x16xf32, #tpu.memory_space<vmem>>, vector<2000x16xf32>,
    %iota3A_75 = tpu.iota {dimensions = array<i32: 0>} : vector<16x16xi32>
    %iota3A_76 = tpu.iota {dimensions = array<i32: 1>} : vector<16x16xi32>
    %add3A_77 = arith.constant 8 : i32
    %add3A_78 = vector.broadcast %add3A_77 : i32 to vector<16x16xi32>
    %add3A_79 = arith.addi %iota3A_75, %add3A_78 : vector<16x16xi32>
    %eq3A = arith.cmpi eq, %add3A_79, %iota3A_76 : vector<16x16xi32>
    %convert_element_type3A = arith.extui %eq3A : vector<16x16xi1> to vector<16x16xi32>
    %convert_element_type3A_80 = arith.sitofp %convert_element_type3A : vector<16x16xi32> to vector<16x16xf32>
    %dot_general3A_81 = arith.constant dense<0.000000e+00> : vector<2000x16xf32>
    %dot_general3A_82 = tpu.matmul %select_n3A_69, %convert_element_type3A_80, %dot_general3A_81 {dimension_numbers = #tpu.dot_dimension_numbers<[1], [0], [0], [1], [0, 0, 1, 1], [], []>, precision = #tpu.contract_precision<fp32>, transpose_lhs_hint = false} : vector<2000x16xf32>, vector<16x16xf32>, vector<2000x16xf32> -> vector<2000x16xf32>
    %add3A_83 = arith.addf %dot_general3A_59, %dot_general3A_82 : vector<2000x16xf32>
    %swap3A_84 = arith.constant 0 : index
    %swap3A_85 = arith.constant 0 : index
    %swap3A_86 = vector.load %arg13[%swap3A_84, %swap3A_85] : memref<2000x16xf32, #tpu.memory_space<vmem>>, vector<2000x16xf32>
    tpu.vector_store %arg13[%swap3A_84, %swap3A_85], %add3A_83 {strides = array<i32>} : memref<2000x16xf32, #tpu.memory_space<vmem>>, vector<2000x16xf32>,
    return
  }
  func.func @transform_0(%arg0: i32) -> (i32, i32, i32) {
    %c0_i32 = arith.constant 0 : i32
    %c0_i32_0 = arith.constant 0 : i32
    %c0_i32_1 = arith.constant 0 : i32
    return %c0_i32, %arg0, %c0_i32_0 : i32, i32, i32
  }
  func.func @transform_1(%arg0: i32) -> (i32, i32, i32) {
    %c1_i32 = arith.constant 1 : i32
    %c0_i32 = arith.constant 0 : i32
    %c0_i32_0 = arith.constant 0 : i32
    return %c1_i32, %arg0, %c0_i32 : i32, i32, i32
  }
  func.func @transform_2(%arg0: i32) -> (i32, i32, i32) {
    %c0_i32 = arith.constant 0 : i32
    %c0_i32_0 = arith.constant 0 : i32
    %c0_i32_1 = arith.constant 0 : i32
    return %c0_i32, %arg0, %c0_i32_0 : i32, i32, i32
  }
  func.func @transform_3(%arg0: i32) -> (i32, i32, i32) {
    %c1_i32 = arith.constant 1 : i32
    %c0_i32 = arith.constant 0 : i32
    %c0_i32_0 = arith.constant 0 : i32
    return %c1_i32, %arg0, %c0_i32 : i32, i32, i32
  }
  func.func @transform_4(%arg0: i32) -> (i32, i32) {
    %c0_i32 = arith.constant 0 : i32
    %c0_i32_0 = arith.constant 0 : i32
    return %arg0, %c0_i32 : i32, i32
  }
  func.func @transform_5(%arg0: i32) -> (i32, i32) {
    %c0_i32 = arith.constant 0 : i32
    %c0_i32_0 = arith.constant 0 : i32
    %c0_i32_1 = arith.constant 0 : i32
    return %c0_i32, %c0_i32_0 : i32, i32
  }
  func.func @transform_6(%arg0: i32) -> (i32, i32) {
    %c0_i32 = arith.constant 0 : i32
    %c0_i32_0 = arith.constant 0 : i32
    %c0_i32_1 = arith.constant 0 : i32
    return %c0_i32, %c0_i32_0 : i32, i32
  }
  func.func @transform_7(%arg0: i32) -> (i32, i32) {
    %c0_i32 = arith.constant 0 : i32
    %c0_i32_0 = arith.constant 0 : i32
    %c0_i32_1 = arith.constant 0 : i32
    return %c0_i32, %c0_i32_0 : i32, i32
  }
  func.func @transform_8(%arg0: i32) -> (i32, i32) {
    %c0_i32 = arith.constant 0 : i32
    %c0_i32_0 = arith.constant 0 : i32
    %c0_i32_1 = arith.constant 0 : i32
    return %c0_i32, %c0_i32_0 : i32, i32
  }
  func.func @transform_9(%arg0: i32) -> (i32, i32) {
    %c0_i32 = arith.constant 0 : i32
    %c0_i32_0 = arith.constant 0 : i32
    %c0_i32_1 = arith.constant 0 : i32
    return %c0_i32, %c0_i32_0 : i32, i32
  }
  func.func @transform_10(%arg0: i32) -> (i32, i32) {
    %c0_i32 = arith.constant 0 : i32
    %c0_i32_0 = arith.constant 0 : i32
    return %arg0, %c0_i32 : i32, i32
  }
  func.func @transform_11(%arg0: i32) -> (i32, i32) {
    %c0_i32 = arith.constant 0 : i32
    %c0_i32_0 = arith.constant 0 : i32
    return %arg0, %c0_i32 : i32, i32
  }
  func.func @transform_12(%arg0: i32) -> (i32, i32) {
    %c0_i32 = arith.constant 0 : i32
    %c0_i32_0 = arith.constant 0 : i32
    return %arg0, %c0_i32 : i32, i32
  }
}

module attributes {stable_mosaic.version = 14 : i64} {
  func.func @_comb2_body(%arg0: i32, %arg1: memref<1x2000x16xf32, #tpu.memory_space<vmem>>, %arg2: memref<1x2000x16xf32, #tpu.memory_space<vmem>>, %arg3: memref<1x2000x16xf32, #tpu.memory_space<vmem>>, %arg4: memref<1x2000x16xf32, #tpu.memory_space<vmem>>, %arg5: memref<2000x16xf32, #tpu.memory_space<vmem>>, %arg6: memref<1x16xf32, #tpu.memory_space<vmem>>, %arg7: memref<16x16xf32, #tpu.memory_space<vmem>>, %arg8: memref<2000x16xf32, #tpu.memory_space<vmem>>) attributes {dimension_semantics = [#tpu.dimension_semantics<arbitrary>], iteration_bounds = array<i64: 5>, scalar_prefetch = 0 : i64, scratch_operands = 0 : i64, tpu.core_type = #tpu.core_type<tc>, window_params = [{transform_indices = @transform_0, window_bounds = array<i64: 1, 2000, 16>}, {transform_indices = @transform_1, window_bounds = array<i64: 1, 2000, 16>}, {transform_indices = @transform_2, window_bounds = array<i64: 1, 2000, 16>}, {transform_indices = @transform_3, window_bounds = array<i64: 1, 2000, 16>}, {transform_indices = @transform_4, window_bounds = array<i64: 2000, 16>}, {pipeline_mode = #tpu.pipeline_mode<synchronous>, transform_indices = @transform_5, window_bounds = array<i64: 1, 16>}, {pipeline_mode = #tpu.pipeline_mode<synchronous>, transform_indices = @transform_6, window_bounds = array<i64: 16, 16>}, {transform_indices = @transform_7, window_bounds = array<i64: 2000, 16>}]} {
    %get3A = arith.constant 0 : index
    %get3A_0 = arith.constant 0 : index
    %get3A_1 = arith.constant 0 : index
    %get3A_2 = vector.load %arg3[%get3A, %get3A_0, %get3A_1] : memref<1x2000x16xf32, #tpu.memory_space<vmem>>, vector<1x2000x16xf32>
    %get3A_3 = vector.shape_cast %get3A_2 : vector<1x2000x16xf32> to vector<2000x16xf32>
    %get3A_4 = arith.constant 0 : index
    %get3A_5 = arith.constant 0 : index
    %get3A_6 = arith.constant 0 : index
    %get3A_7 = vector.load %arg4[%get3A_4, %get3A_5, %get3A_6] : memref<1x2000x16xf32, #tpu.memory_space<vmem>>, vector<1x2000x16xf32>
    %get3A_8 = vector.shape_cast %get3A_7 : vector<1x2000x16xf32> to vector<2000x16xf32>
    %add3A = arith.addf %get3A_3, %get3A_8 : vector<2000x16xf32>
    %add3A_9 = arith.constant 1.000000e+00 : f32
    %add3A_10 = vector.broadcast %add3A_9 : f32 to vector<2000x16xf32>
    %add3A_11 = arith.addf %add3A, %add3A_10 : vector<2000x16xf32>
    %add3A_12 = arith.constant 1.000000e-16 : f32
    %add3A_13 = vector.broadcast %add3A_12 : f32 to vector<2000x16xf32>
    %add3A_14 = arith.addf %add3A_11, %add3A_13 : vector<2000x16xf32>
    %div3A = arith.constant 1.000000e+00 : f32
    %div3A_15 = vector.broadcast %div3A : f32 to vector<2000x16xf32>
    %div3A_16 = arith.divf %div3A_15, %add3A_14 : vector<2000x16xf32>
    %get3A_17 = arith.constant 0 : index
    %get3A_18 = arith.constant 0 : index
    %get3A_19 = vector.load %arg7[%get3A_17, %get3A_18] : memref<16x16xf32, #tpu.memory_space<vmem>>, vector<16x16xf32>
    %dot_general3A = arith.constant dense<0.000000e+00> : vector<2000x16xf32>
    %dot_general3A_20 = tpu.matmul %div3A_16, %get3A_19, %dot_general3A {dimension_numbers = #tpu.dot_dimension_numbers<[1], [0], [0], [1], [0, 0, 1, 1], [], []>, precision = #tpu.contract_precision<fp32>, transpose_lhs_hint = false} : vector<2000x16xf32>, vector<16x16xf32>, vector<2000x16xf32> -> vector<2000x16xf32>
    %get3A_21 = arith.constant 0 : index
    %get3A_22 = arith.constant 0 : index
    %get3A_23 = arith.constant 0 : index
    %get3A_24 = vector.load %arg1[%get3A_21, %get3A_22, %get3A_23] : memref<1x2000x16xf32, #tpu.memory_space<vmem>>, vector<1x2000x16xf32>
    %get3A_25 = vector.shape_cast %get3A_24 : vector<1x2000x16xf32> to vector<2000x16xf32>
    %get3A_26 = arith.constant 0 : index
    %get3A_27 = arith.constant 0 : index
    %get3A_28 = arith.constant 0 : index
    %get3A_29 = vector.load %arg2[%get3A_26, %get3A_27, %get3A_28] : memref<1x2000x16xf32, #tpu.memory_space<vmem>>, vector<1x2000x16xf32>
    %get3A_30 = vector.shape_cast %get3A_29 : vector<1x2000x16xf32> to vector<2000x16xf32>
    %add3A_31 = arith.addf %get3A_25, %get3A_30 : vector<2000x16xf32>
    %get3A_32 = arith.constant 0 : index
    %get3A_33 = arith.constant 0 : index
    %get3A_34 = vector.load %arg5[%get3A_32, %get3A_33] : memref<2000x16xf32, #tpu.memory_space<vmem>>, vector<2000x16xf32>
    %add3A_35 = arith.addf %add3A_31, %get3A_34 : vector<2000x16xf32>
    %mul3A = arith.mulf %add3A_35, %dot_general3A_20 : vector<2000x16xf32>
    %get3A_36 = arith.constant 0 : index
    %get3A_37 = arith.constant 0 : index
    %get3A_38 = vector.load %arg6[%get3A_36, %get3A_37] : memref<1x16xf32, #tpu.memory_space<vmem>>, vector<1x16xf32>
    %add3A_39 = vector.broadcast %get3A_38 : vector<1x16xf32> to vector<2000x16xf32>
    %add3A_40 = arith.addf %mul3A, %add3A_39 : vector<2000x16xf32>
    %swap3A = arith.constant 0 : index
    %swap3A_41 = arith.constant 0 : index
    %swap3A_42 = vector.load %arg8[%swap3A, %swap3A_41] : memref<2000x16xf32, #tpu.memory_space<vmem>>, vector<2000x16xf32>
    tpu.vector_store %arg8[%swap3A, %swap3A_41], %add3A_40 {strides = array<i32>} : memref<2000x16xf32, #tpu.memory_space<vmem>>, vector<2000x16xf32>,
    return
  }
  func.func @transform_0(%arg0: i32) -> (i32, i32, i32) {
    %c0_i32 = arith.constant 0 : i32
    %c0_i32_0 = arith.constant 0 : i32
    %c0_i32_1 = arith.constant 0 : i32
    return %c0_i32, %arg0, %c0_i32_0 : i32, i32, i32
  }
  func.func @transform_1(%arg0: i32) -> (i32, i32, i32) {
    %c1_i32 = arith.constant 1 : i32
    %c0_i32 = arith.constant 0 : i32
    %c0_i32_0 = arith.constant 0 : i32
    return %c1_i32, %arg0, %c0_i32 : i32, i32, i32
  }
  func.func @transform_2(%arg0: i32) -> (i32, i32, i32) {
    %c0_i32 = arith.constant 0 : i32
    %c0_i32_0 = arith.constant 0 : i32
    %c0_i32_1 = arith.constant 0 : i32
    return %c0_i32, %arg0, %c0_i32_0 : i32, i32, i32
  }
  func.func @transform_3(%arg0: i32) -> (i32, i32, i32) {
    %c1_i32 = arith.constant 1 : i32
    %c0_i32 = arith.constant 0 : i32
    %c0_i32_0 = arith.constant 0 : i32
    return %c1_i32, %arg0, %c0_i32 : i32, i32, i32
  }
  func.func @transform_4(%arg0: i32) -> (i32, i32) {
    %c0_i32 = arith.constant 0 : i32
    %c0_i32_0 = arith.constant 0 : i32
    return %arg0, %c0_i32 : i32, i32
  }
  func.func @transform_5(%arg0: i32) -> (i32, i32) {
    %c0_i32 = arith.constant 0 : i32
    %c0_i32_0 = arith.constant 0 : i32
    %c0_i32_1 = arith.constant 0 : i32
    return %c0_i32, %c0_i32_0 : i32, i32
  }
  func.func @transform_6(%arg0: i32) -> (i32, i32) {
    %c0_i32 = arith.constant 0 : i32
    %c0_i32_0 = arith.constant 0 : i32
    %c0_i32_1 = arith.constant 0 : i32
    return %c0_i32, %c0_i32_0 : i32, i32
  }
  func.func @transform_7(%arg0: i32) -> (i32, i32) {
    %c0_i32 = arith.constant 0 : i32
    %c0_i32_0 = arith.constant 0 : i32
    return %arg0, %c0_i32 : i32, i32
  }
}

</mosaic_0001>

<sc_bundles>
// kernel: kernel.10.cloned.1.call-start
scs
__scs_entry_jumppad:
0x0: {  	(pc) =	sbr.rel $0x88, $3  }
0x1: {  	(tag) =	ssettag $0x0;
	lr =	simm.s32 $0x1  }
0x2: {  	[smem:$0x3F97] =	sst lr;
	_ =	strace $0xD0000000  }
0x3: {  	_ = 	snop  }
0x4: {  	_ = 	snop  }
0x5: {  	_ = 	snop  }
0x6: {  	_ = 	snop  }
0x7: {  	_ = 	snop  }
__scs_overlays_trampoline_lowered:
0x8: {  	[smem:$0x3FA6] =	sst s0  }
0x9: {  	[smem:$0x3FA7] =	sst s1  }
0xa: {  	[smem:$0x3FA8] =	sst s2  }
0xb: {  	[smem:$0x3FA9] =	sst s3  }
0xc: {  	[smem:$0x3FAA] =	sst s4  }
0xd: {  	[smem:$0x3FAB] =	sst s5  }
0xe: {  	[smem:$0x3FAC] =	sst s6  }
0xf: {  	[smem:$0x3FAD] =	sst s7  }
0x10: {  	[smem:$0x3FAE] =	sst s8  }
0x11: {  	[smem:$0x3FAF] =	sst s9;
	s0 =	simm.s32 @!p0 $0x0  }
0x12: {  	s1 =	sld [smem:$0x3F95];
	s0 =	simm.s32 @p0 $0x1  }
0x13: {  	[smem:$0x3FB0] =	sst s0;
	s0 =	simm.s32 @!p1 $0x0  }
0x14: {  	s2 =	sld [smem:$0x3F94];
	s0 =	simm.s32 @p1 $0x1  }
0x15: {  	[smem:$0x3FB1] =	sst s0;
	s0 =	simm.s32 @!p2 $0x0  }
0x16: {  	s3 =	sld [smem:$0x3FDB];
	s0 =	simm.s32 @p2 $0x1  }
0x17: {  	s4 =	simm.s32 $0x1BF5;
	[smem:$0x3FB3] =	sst s0  }
0x18: {  	s0 =	sld [smem:$0x3F96];
	_ =	swait.ge [sflag:s4], $0x0  }
0x19: {  	s7 =	sld [smem:$0x3F97]  }
0x1a: {  	s8 =	sadd.s32 $0xFFFFE003, lr  }
0x1b: {  	s9 =	sadd.s32 $0xFFFFFEF7, lr;
	s5 =	simm.s32 $0xFFFFFFFF;
	p2 =	slt.u32 s8, $0xFFFFF086  }
0x1c: {  	p1 =	slt.u32 s9, $0xF7A;
	s5 =	simm.s32 @!p2 $0x0  }
0x1d: {  	s5 =	simm.s32 @p1 $0x1;
	p0 =	seq.s32 s7, s2  }
0x1e: {  	s7 =	smul.u32 @!p0 $0xF7A, s2;
	p2 =	seq.s32 @!p0 s5, $0x0  }
0x1f: {  	s9 =	smul.u32 $0xF7A, s1;
	s8 =	simm.s32 @!p0 $0x1BF5;
	p2 =	por !p2, p0  }
0x20: {  	[sflag:s8] =	ssyncset.s32 @!p0 $0xFFFFF086;
	s6 =	sadd.s32 @!p0 s3, s7;
	s7 =	simm.s32 @!p0 $0x108  }
0x21: {  	s3 =	sadd.s32 s3, s9;
	s6 =	sadd.s32 @!p0 $0x88, s6;
	s7 =	simm.s32 @p2 $0x1082  }
0x22: {  	[simem:s7], [sflag:s8] =	dma.local @!p0 [hbm:s6], $0xF7A  }
0x23: {  	s9 =	sor.u32 $0xD0000000, s2;
	s6 =	simm.s32 $0x108;
	_ =	swait.ge @!p0 [sflag:s8], $0x0  }
0x24: {  	s3 =	sadd.s32 $0x88, s3;
	s6 =	simm.s32 @!p1 $0x1082;
	[sflag:s4] =	ssyncset.s32 $0xFFFFF086  }
0x25: {  	[simem:s6], [sflag:s4] =	dma.local [hbm:s3], $0xF7A  }
0x26: {  	[smem:$0x3F97] =	sst s1;
	(tag) =	ssettag s2;
	_ =	strace s9  }
0x27: {  	s1 =	sld [smem:$0x3FA7]  }
0x28: {  	s2 =	sld [smem:$0x3FA8]  }
0x29: {  	s4 =	sld [smem:$0x3FAA]  }
0x2a: {  	p0 =	seq.s32 s5, $0x0;
	s5 =	sld [smem:$0x3FAB]  }
0x2b: {  	s6 =	sld [smem:$0x3FAC]  }
0x2c: {  	s7 =	sld [smem:$0x3FAD]  }
0x2d: {  	s3 =	simm.s32 $0x108;
	s8 =	sld [smem:$0x3FAE]  }
0x2e: {  	s3 =	simm.s32 @!p0 $0x1082;
	s9 =	sld [smem:$0x3FAF]  }
0x2f: {  	lr =	sadd.s32 s0, s3;
	s0 =	sld [smem:$0x3FA6]  }
0x30: {  	s3 =	sld [smem:$0x3FA9]  }
0x31: {  	[smem:$0x3FB2] =	sst s10  }
0x32: {  	s10 =	sld [smem:$0x3FB0];
	_ =	sdelay $0x3  }
0x33: {  	p0 =	seq.s32 s10, $0x1;
	s10 =	sld [smem:$0x3FB2];
	_ =	sdelay $0x3  }
0x34: {  	[smem:$0x3FB2] =	sst s10  }
0x35: {  	s10 =	sld [smem:$0x3FB1];
	_ =	sdelay $0x3  }
0x36: {  	p1 =	seq.s32 s10, $0x1;
	s10 =	sld [smem:$0x3FB2];
	_ =	sdelay $0x3  }
0x37: {  	[smem:$0x3FB2] =	sst s10  }
0x38: {  	s10 =	sld [smem:$0x3FB3]  }
0x39: {  	_ = 	snop;
	(pc) =	sbr.ind lr, $3  }
0x3a: {  	_ = 	snop  }
0x3b: {  	_ = 	snop  }
0x3c: {  	p2 =	seq.s32 s10, $0x1;
	s10 =	sld [smem:$0x3FB2]  }
0x3d: {  	_ =	shalt  }
0x3e: {  	_ =	shalt  }
0x3f: {  	_ =	shalt  }
0x40: {  	_ =	shalt  }
0x41: {  	_ =	shalt  }
0x42: {  	_ =	shalt  }
0x43: {  	_ =	shalt  }
0x44: {  	_ =	shalt  }
0x45: {  	_ =	shalt  }
0x46: {  	_ =	shalt  }
0x47: {  	_ =	shalt  }
0x48: {  	_ =	shalt  }
0x49: {  	_ =	shalt  }
0x4a: {  	_ =	shalt  }
0x4b: {  	_ =	shalt  }
0x4c: {  	_ =	shalt  }
0x4d: {  	_ =	shalt  }
0x4e: {  	_ =	shalt  }
0x4f: {  	_ =	shalt  }
0x50: {  	_ =	shalt  }
0x51: {  	_ =	shalt  }
0x52: {  	_ =	shalt  }
0x53: {  	_ =	shalt  }
0x54: {  	_ =	shalt  }
0x55: {  	_ =	shalt  }
0x56: {  	_ =	shalt  }
0x57: {  	_ =	shalt  }
0x58: {  	_ =	shalt  }
0x59: {  	_ =	shalt  }
0x5a: {  	_ =	shalt  }
0x5b: {  	_ =	shalt  }
0x5c: {  	_ =	shalt  }
0x5d: {  	_ =	shalt  }
0x5e: {  	_ =	shalt  }
0x5f: {  	_ =	shalt  }
0x60: {  	_ =	shalt  }
0x61: {  	_ =	shalt  }
0x62: {  	_ =	shalt  }
0x63: {  	_ =	shalt  }
0x64: {  	_ =	shalt  }
0x65: {  	_ =	shalt  }
0x66: {  	_ =	shalt  }
0x67: {  	_ =	shalt  }
0x68: {  	_ =	shalt  }
0x69: {  	_ =	shalt  }
0x6a: {  	_ =	shalt  }
0x6b: {  	_ =	shalt  }
0x6c: {  	_ =	shalt  }
0x6d: {  	_ =	shalt  }
0x6e: {  	_ =	shalt  }
0x6f: {  	_ =	shalt  }
0x70: {  	_ =	shalt  }
0x71: {  	_ =	shalt  }
0x72: {  	_ =	shalt  }
0x73: {  	_ =	shalt  }
0x74: {  	_ =	shalt  }
0x75: {  	_ =	shalt  }
0x76: {  	_ =	shalt  }
0x77: {  	_ =	shalt  }
0x78: {  	_ =	shalt  }
0x79: {  	_ =	shalt  }
0x7a: {  	_ =	shalt  }
0x7b: {  	_ =	shalt  }
0x7c: {  	_ =	shalt  }
0x7d: {  	_ =	shalt  }
0x7e: {  	_ =	shalt  }
0x7f: {  	_ =	shalt  }
0x80: {  	_ =	shalt  }
0x81: {  	_ =	shalt  }
0x82: {  	_ =	shalt  }
0x83: {  	_ =	shalt  }
0x84: {  	_ =	shalt  }
0x85: {  	_ =	shalt  }
0x86: {  	_ =	shalt  }
0x87: {  	_ =	shalt  }
.Lfunc_end0:
.L_simem_size_0:
called_computation.1_lowered:
.L_overlay_start_0:
0x88: {  	s2 =	sld [smem:$0x3FD9]  }
0x89: {  	s3 =	sld [smem:$0x3FFE];
	_ =	sdelay $0x1  }
0x8a: {  	s1 =	srdreg.scid  }
0x8b: {  	s0 =	sand.u32 $0x1, s1  }
0x8c: {  	s16 =	sshll.u32 s0, $0xA;
	s2 =	sadd.s32 s3, s2  }
0x8d: {  	s2 =	sadd.s32 s2, s16  }
0x8e: {  	[smem:$0x3FBE] =	sst s2  }
0x8f: {  	_ = 	snop  }
0x90: {  	(tm) =	ssettm $0x1  }
0x91: {  	s17 =	sld [smem:$0x3FFB];
	_ =	sdelay $0x3  }
0x92: {  	_ =	strace s17  }
0x93: {  	s2 =	sld [smem:$0x3FFC];
	_ =	sdelay $0x3  }
0x94: {  	_ =	strace s2  }
0x95: {  	s2 =	sld [smem:$0x3FFD];
	_ =	sdelay $0x3  }
0x96: {  	_ =	strace s2  }
0x97: {  	_ =	strace $0x8FFFFFFF  }
0x98: {  	s18 =	sld [smem:$0x3FDB];
	_ =	sdelay $0x1  }
0x99: {  	s19 =	simm.s32 $_scs_section_size  }
0x9a: {  	s4 =	simm.s32 $_size__tile_overlayer_lowered;
	s5 =	simm.s32 $_tile_overlayer_lowered  }
0x9b: {  	s22 =	simm.s32 $0x1BFF;
	s21 =	sshll.u32 s5, $0x1;
	s2 =	sadd.s32 s19, s18  }
0x9c: {  	s6 =	simm.s32 $0x0;
	s20 =	sshll.u32 s4, $0x1;
	s4 =	sadd.s32 s21, s2  }
0x9d: {  	[timem:s6], [sflag:s22] =	dma.local [hbm:s4], s20  }
0x9e: {  	_ =	swait.ge [sflag:s22], s20  }
0x9f: {  	s3 =	ssub.s32 $0x0, s20;
	[sflag:s22] =	ssyncset.done $0x0  }
0xa0: {  	[sflag:s22] =	ssyncadd.s32 s3;
	_ =	sdelay $0x1  }
0xa1: {  	s23 =	simm.s32 $0x1B8B  }
0xa2: {  	_ =	swait.ge [sflag:s23], $0x1  }
0xa3: {  	[sflag:s23] =	ssyncset.done $0x0  }
0xa4: {  	s25 =	simm.s32 $0x1B8E;
	s24 =	sld [smem:$0x3FFE];
	[sflag:s23] =	ssyncadd.s32 $0xFFFFFFFF  }
0xa5: {  	s26 =	simm.s32 $execute0_lowered;
	[smem:$0x3FD2] =	sst s25  }
0xa6: {  	s4 =	sshll.u32 s26, $0x1;
	_ =	strace $0x80000049;
	[dreg:$0x1] =	wrdreg $0xFFFFFFFF  }
0xa7: {  	s28 =	simm.s32 $_size_execute0_lowered;
	s2 =	sadd.s32 s2, s4;
	[dreg:$0x0] =	wrdreg $0x0  }
0xa8: {  	s4 =	sshll.u32 s28, $0x1;
	[dreg:$0x2] =	wrdreg s2  }
0xa9: {  	[dreg:$0x3] =	wrdreg s4  }
0xaa: {  	[dreg:$0x4] =	wrdreg $0xC0  }
0xab: {  	_ =	task [dreg:s6], $0x5FFFF  }
0xac: {  	[dreg:$0x1] =	wrdreg $0xFFFFFFFF  }
0xad: {  	[dreg:$0x0] =	wrdreg $0x60  }
0xae: {  	[dreg:$0x2] =	wrdreg s24  }
0xaf: {  	[dreg:$0x3] =	wrdreg $0x34000  }
0xb0: {  	[dreg:$0x4] =	wrdreg $0x5C000  }
0xb1: {  	[dreg:$0x5] =	wrdreg $0x9  }
0xb2: {  	_ =	task.clear_ibuf [dreg:s6], $0x6FFFF;
	_ =	strace $0x90000049  }
0xb3: {  	s29 =	simm.s32 $0x9;
	_ =	strace $0x8000004B  }
0xb4: {  	_ =	swait.ge [sflag:s29], $0x1  }
0xb5: {  	[sflag:s29] =	ssyncadd.s32 $0xFFFFFFFF  }
0xb6: {  	_ =	strace $0x9000004B  }
0xb7: {  	_ =	sfence  }
0xb8: {  	s30 =	sld [smem:$0x0];
	_ =	sdelay $0x2  }
0xb9: {  	s31 =	sshll.u32 s1, $0xD;
	s1 =	sshrl.u32 s1, $0x2  }
0xba: {  	s3 =	sand.u32 $0x4000, s31;
	s1 =	sadd.s32 s1, s30  }
0xbb: {  	s0 =	sor.u32 s3, s0;
	s1 =	sshll.u32 s1, $0x11  }
0xbc: {  	s0 =	sor.u32 s1, s0  }
0xbd: {  	s0 =	sadd.s32 $0x8F2B, s0  }
0xbe: {  	[sflag:s0] =	ssyncadd.remote.s32 $0x1  }
0xbf: {  	_ =	sfence.sel $0xFFFF  }
0xc0: {  	[dreg:$0x0] =	wrdreg $0xFFFFFFFF;
	(pc) =	sbr.abs _section_cstart, $3  }
0xc1: {  	[dreg:$0x1] =	wrdreg $0xFFFFFFFF  }
0xc2: {  	_ =	task.clear_ibuf [dreg:s6], $0x2FFFF;
	_ =	strace $0x9FFFFFFF  }
0xc3: {  	(tm) =	ssettm $0x7FFFFFFF  }
tec
execute0_lowered:
.L_overlay_start_1:
0x0: {  	(tag) =	ssettag $0x1  }
0x1: {  	s0 =	rddreg [dreg:$0x0]  }
0x2: {  	s1 =	rddreg [dreg:$0x1]  }
0x3: {  	s2 =	rddreg [dreg:$0x2];
	s10 =	simm.s32 $0x0  }
0x4: {  	s3 =	srdreg.scid;
	s9 =	stileid.u32;
	s28 =	simm.s32 $0x4  }
0x5: {  	s29 =	simm.s32 $0x5;
	[smem:$0x7FF] =	sst s10;
	s5 =	sadd.s32 $0x16400, s0  }
0x6: {  	s6 =	sadd.s32 $0x1B400, s0;
	s3 =	sand.u32 $0x1, s3;
	s4 =	sshll.u32 s9, $0x1  }
0x7: {  	s7 =	sadd.s32 $0x20400, s0;
	s11 =	sadd.s32 $0xC600, s0;
	s9 =	smul.u32 $0x2800, s9  }
0x8: {  	s20 =	sadd.s32 $0x2800, s0;
	_ =	strace $0x8000004A;
	s8 =	smul.u32 $0x5000, s3  }
0x9: {  	s4 =	sor.u32 s3, s4;
	[dreg:$0x5] =	wrdreg s11;
	s3 =	ssub.s32 $0x2, s3  }
0xa: {  	[dreg:$0x7] =	wrdreg s20;
	s19 =	smul.u32 $0xA0, s4;
	s21 =	sshrl.u32 s3, $0x1  }
0xb: {  	s24 =	sshrl.u32 s9, $0x3;
	s25 =	sor.u32 $0x400, s9;
	s26 =	sadd.s32 $0x800, s9  }
0xc: {  	s31 =	sadd.s32 $0xC00, s9;
	s12 =	sadd.s32 s25, s1;
	[dreg:$0x6] =	wrdreg s19  }
0xd: {  	s14 =	sadd.s32 $0x1000, s9;
	s30 =	sadd.s32 s26, s1;
	[dreg:$0x9] =	wrdreg s12  }
0xe: {  	s16 =	sadd.s32 $0x1400, s9;
	s13 =	sadd.s32 s31, s1;
	[dreg:$0xb] =	wrdreg s30  }
0xf: {  	s20 =	sadd.s32 $0x1C00, s9;
	s15 =	sadd.s32 s14, s1;
	[dreg:$0xd] =	wrdreg s13  }
0x10: {  	s0 =	sadd.s32 s8, s0;
	s17 =	sadd.s32 s16, s1;
	[dreg:$0xf] =	wrdreg s15  }
0x11: {  	s3 =	ssub.s32 s3, s21;
	s18 =	sadd.s32 s16, s2;
	[dreg:$0x13] =	wrdreg s17  }
0x12: {  	s16 =	simm.s32 $0x2400;
	s3 =	smax.u32 s3, $0x1;
	[dreg:$0x14] =	wrdreg s18  }
0x13: {  	s22 =	ssub.s32 $0x1388, s19;
	s12 =	sadd.s32 s9, s1;
	[dreg:$0x8] =	wrdreg s3  }
0x14: {  	s23 =	sadd.s32 $0x25400, s0;
	s13 =	sadd.s32 s9, s2;
	[dreg:$0x19] =	wrdreg s12  }
0x15: {  	s0 =	sadd.s32 $0x2F400, s0;
	s3 =	sadd.s32 s25, s2;
	[dreg:$0x1a] =	wrdreg s13  }
0x16: {  	s19 =	sadd.s32 $0x1800, s9;
	s4 =	sadd.s32 s24, s23;
	[dreg:$0xa] =	wrdreg s3  }
0x17: {  	s18 =	simm.s32 $0x40;
	s0 =	sadd.s32 s24, s0;
	[dreg:$0x11] =	wrdreg s4  }
0x18: {  	s11 =	smin.u32 s22, $0xA0;
	s21 =	sadd.s32 s19, s1;
	[dreg:$0x12] =	wrdreg s0  }
0x19: {  	s22 =	sadd.s32 s20, s1;
	s23 =	sadd.s32 s20, s2;
	[dreg:$0x15] =	wrdreg s21  }
0x1a: {  	s24 =	sadd.s32 $0x2000, s9;
	s25 =	sadd.s32 $0x2400, s9;
	[dreg:$0x17] =	wrdreg s22  }
0x1b: {  	s3 =	sadd.s32 s26, s2;
	s0 =	sadd.s32 s19, s2;
	[dreg:$0x18] =	wrdreg s23  }
0x1c: {  	s26 =	sadd.s32 s24, s1;
	s30 =	sadd.s32 s25, s1;
	[dreg:$0xc] =	wrdreg s3  }
0x1d: {  	s21 =	simm.s32 $0x1800;
	s22 =	simm.s32 $0x2000;
	[dreg:$0x16] =	wrdreg s0  }
0x1e: {  	s23 =	simm.s32 $0x2800;
	s4 =	simm.s32 $0x3000;
	[dreg:$0x1b] =	wrdreg s26  }
.Ltmp0:
0x1f: {  	s3 =	sadd.s32 s31, s2;
	[dreg:$0x1d] =	wrdreg s30;
	(pc) =	sbr.rel .LBB2_1-.Ltmp0, $4  }
0x20: {  	s0 =	sadd.s32 s24, s2;
	s31 =	sadd.s32 s25, s2;
	[dreg:$0xe] =	wrdreg s3  }
0x21: {  	s24 =	simm.s32 $0x1;
	s25 =	simm.s32 $0x2;
	[dreg:$0x1c] =	wrdreg s0  }
0x22: {  	v1 =	vlaneseq.u32;
	s26 =	simm.s32 $0x3;
	s3 =	sadd.s32 s14, s2;
	[dreg:$0x1e] =	wrdreg s31  }
0x23: {  	v0 =	vimm.f32 $0.0e+00;
	v1 =	vor.u32 $0x8, v1;
	s14 =	simm.s32 $0x2C00;
	s0 =	simm.s32 $0x6;
	[dreg:$0x10] =	wrdreg s3  }
.LBB2_14:
0x24: {  	s3 =	simm.s32 $0x7  }
0x25: {  	_ =	swait.ge [sflag:s3], $0x400  }
0x26: {  	[sflag:s3] =	ssyncset.done $0x0  }
0x27: {  	s13 =	simm.s32 $0x8;
	[sflag:s3] =	ssyncadd.s32 $0xFFFFFC00  }
0x28: {  	_ =	swait.ge [sflag:s13], $0x400  }
0x29: {  	[sflag:s13] =	ssyncset.done $0x0  }
0x2a: {  	s15 =	simm.s32 $0x9;
	[sflag:s13] =	ssyncadd.s32 $0xFFFFFC00  }
0x2b: {  	_ =	swait.ge [sflag:s15], $0x400  }
0x2c: {  	[sflag:s15] =	ssyncset.done $0x0  }
0x2d: {  	s17 =	simm.s32 $0xA;
	[sflag:s15] =	ssyncadd.s32 $0xFFFFFC00  }
0x2e: {  	_ =	swait.ge [sflag:s17], $0x400  }
0x2f: {  	[sflag:s17] =	ssyncset.done $0x0  }
0x30: {  	s19 =	stileid.u32;
	[sflag:s17] =	ssyncadd.s32 $0xFFFFFC00  }
0x31: {  	s3 =	sshll.u32 s19, $0x6;
	[bflag:$0x0] =	sbarrier.arrive $0xFFFF  }
0x32: {  	s3 =	sor.u32 $0x1C0B, s3;
	s12 =	rddreg [dreg:$0x19]  }
0x33: {  	s15 =	simm.s32 $0xB;
	s9 =	rddreg [dreg:$0x11];
	s8 =	sshrl.u32 s12, $0x3  }
0x34: {  	[hbm:s9], [sflag:s3] =	dma.local [spmem:s8], $0x500  }
0x35: {  	_ =	swait.ge [sflag:s15], $0x500  }
0x36: {  	[sflag:s15] =	ssyncset.done $0x0;
	s13 =	rddreg [dreg:$0x1a]  }
0x37: {  	s30 =	rddreg [dreg:$0x12];
	[sflag:s15] =	ssyncadd.s32 $0xFFFFFB00;
	s20 =	sshrl.u32 s13, $0x3  }
0x38: {  	[hbm:s30], [sflag:s3] =	dma.local [spmem:s20], $0x500  }
0x39: {  	_ =	swait.ge [sflag:s15], $0x500  }
0x3a: {  	s10 =	rddreg [dreg:$0x4]  }
0x3b: {  	s31 =	rddreg [dreg:$0x8];
	s10 =	sadd.s32 $0x1, s10  }
0x3c: {  	p0 =	sne.s32 s10, s31  }
.Ltmp1:
0x3d: {  	_ = 	snop;
	(pc) =	sbr.rel @!p0 .LBB2_15-.Ltmp1, $3  }
0x3e: {  	_ =	sdelay $0x1  }
0x3f: {  	[sflag:s15] =	ssyncset.done $0x0  }
0x40: {  	[sflag:s15] =	ssyncadd.s32 $0xFFFFFB00  }
.LBB2_1:
0x41: {  	[dreg:$0x4] =	wrdreg s10;
	s3 =	simm.s32 $0x40;
	s8 =	simm.s32 $0x0  }
.LBB2_2:
0x42: {  	p0 =	sne.s32 s3, $0xFC0;
	[tilespmem:s8+$0x2C00] =	vst v0;
	s9 =	smov.u32 s3;
	s3 =	sadd.s32 $0x40, s3  }
.Ltmp2:
0x43: {  	[tilespmem:s8+$0x2400] =	vst v0;
	(pc) =	sbr.rel @p0 .LBB2_2-.Ltmp2, $2  }
0x44: {  	_ =	sdelay $0x2  }
0x45: {  	s8 =	sshra.s32 s9, $0x2  }
0x46: {  	[tilespmem:s8+$0x2C00] =	vst v0  }
0x47: {  	[tilespmem:s8+$0x2400] =	vst v0;
	s8 =	simm.s32 $0xB  }
0x48: {  	[spmem:s12] =	stream.linear.scatter [tilespmem:s14], [sflag:$0xB], $0x400, $0x38;
	[tilespmem:$0x8400] =	vst v63  }
0x49: {  	_ =	swait.ge [sflag:s8], $0x400  }
0x4a: {  	[sflag:s8] =	ssyncset.done $0x0  }
0x4b: {  	[sflag:s8] =	ssyncadd.s32 $0xFFFFFC00  }
0x4c: {  	[spmem:s13] =	stream.linear.scatter [tilespmem:s16], [sflag:$0xB], $0x400, $0x38;
	[tilespmem:$0x8400] =	vst v63  }
0x4d: {  	_ =	swait.ge [sflag:s8], $0x400  }
0x4e: {  	[sflag:s8] =	ssyncset.done $0x0  }
0x4f: {  	s3 =	rddreg [dreg:$0x9];
	[sflag:s8] =	ssyncadd.s32 $0xFFFFFC00  }
0x50: {  	[spmem:s3] =	stream.linear.scatter [tilespmem:s14], [sflag:$0xB], $0x400, $0x38;
	[tilespmem:$0x8400] =	vst v63  }
0x51: {  	_ =	swait.ge [sflag:s8], $0x400  }
0x52: {  	[sflag:s8] =	ssyncset.done $0x0  }
0x53: {  	s13 =	rddreg [dreg:$0xa];
	[sflag:s8] =	ssyncadd.s32 $0xFFFFFC00  }
0x54: {  	[spmem:s13] =	stream.linear.scatter [tilespmem:s16], [sflag:$0xB], $0x400, $0x38;
	[tilespmem:$0x8400] =	vst v63  }
0x55: {  	_ =	swait.ge [sflag:s8], $0x400  }
0x56: {  	[sflag:s8] =	ssyncset.done $0x0  }
0x57: {  	s15 =	rddreg [dreg:$0xb];
	[sflag:s8] =	ssyncadd.s32 $0xFFFFFC00  }
0x58: {  	[spmem:s15] =	stream.linear.scatter [tilespmem:s14], [sflag:$0xB], $0x400, $0x38;
	[tilespmem:$0x8400] =	vst v63  }
0x59: {  	_ =	swait.ge [sflag:s8], $0x400  }
0x5a: {  	[sflag:s8] =	ssyncset.done $0x0  }
0x5b: {  	s17 =	rddreg [dreg:$0xc];
	[sflag:s8] =	ssyncadd.s32 $0xFFFFFC00  }
0x5c: {  	[spmem:s17] =	stream.linear.scatter [tilespmem:s16], [sflag:$0xB], $0x400, $0x38;
	[tilespmem:$0x8400] =	vst v63  }
0x5d: {  	_ =	swait.ge [sflag:s8], $0x400  }
0x5e: {  	[sflag:s8] =	ssyncset.done $0x0  }
0x5f: {  	s19 =	rddreg [dreg:$0xd];
	[sflag:s8] =	ssyncadd.s32 $0xFFFFFC00  }
0x60: {  	[spmem:s19] =	stream.linear.scatter [tilespmem:s14], [sflag:$0xB], $0x400, $0x38;
	[tilespmem:$0x8400] =	vst v63  }
0x61: {  	_ =	swait.ge [sflag:s8], $0x400  }
0x62: {  	[sflag:s8] =	ssyncset.done $0x0  }
0x63: {  	s20 =	rddreg [dreg:$0xe];
	[sflag:s8] =	ssyncadd.s32 $0xFFFFFC00  }
0x64: {  	[spmem:s20] =	stream.linear.scatter [tilespmem:s16], [sflag:$0xB], $0x400, $0x38;
	[tilespmem:$0x8400] =	vst v63  }
0x65: {  	_ =	swait.ge [sflag:s8], $0x400  }
0x66: {  	[sflag:s8] =	ssyncset.done $0x0  }
0x67: {  	s30 =	rddreg [dreg:$0xf];
	[sflag:s8] =	ssyncadd.s32 $0xFFFFFC00  }
0x68: {  	[spmem:s30] =	stream.linear.scatter [tilespmem:s14], [sflag:$0xB], $0x400, $0x38;
	[tilespmem:$0x8400] =	vst v63  }
0x69: {  	_ =	swait.ge [sflag:s8], $0x400  }
0x6a: {  	[sflag:s8] =	ssyncset.done $0x0  }
0x6b: {  	s31 =	rddreg [dreg:$0x10];
	[sflag:s8] =	ssyncadd.s32 $0xFFFFFC00  }
0x6c: {  	[spmem:s31] =	stream.linear.scatter [tilespmem:s16], [sflag:$0xB], $0x400, $0x38;
	[tilespmem:$0x8400] =	vst v63  }
0x6d: {  	_ =	swait.ge [sflag:s8], $0x400  }
0x6e: {  	[sflag:s8] =	ssyncset.done $0x0  }
0x6f: {  	s9 =	rddreg [dreg:$0x13];
	[sflag:s8] =	ssyncadd.s32 $0xFFFFFC00  }
0x70: {  	[spmem:s9] =	stream.linear.scatter [tilespmem:s14], [sflag:$0xB], $0x400, $0x38;
	[tilespmem:$0x8400] =	vst v63  }
0x71: {  	_ =	swait.ge [sflag:s8], $0x400  }
0x72: {  	[sflag:s8] =	ssyncset.done $0x0  }
0x73: {  	s10 =	rddreg [dreg:$0x14];
	[sflag:s8] =	ssyncadd.s32 $0xFFFFFC00  }
0x74: {  	[spmem:s10] =	stream.linear.scatter [tilespmem:s16], [sflag:$0xB], $0x400, $0x38;
	[tilespmem:$0x8400] =	vst v63  }
0x75: {  	_ =	swait.ge [sflag:s8], $0x400  }
0x76: {  	[sflag:s8] =	ssyncset.done $0x0  }
0x77: {  	s12 =	rddreg [dreg:$0x15];
	[sflag:s8] =	ssyncadd.s32 $0xFFFFFC00  }
0x78: {  	[spmem:s12] =	stream.linear.scatter [tilespmem:s14], [sflag:$0xB], $0x400, $0x38;
	[tilespmem:$0x8400] =	vst v63  }
0x79: {  	_ =	swait.ge [sflag:s8], $0x400  }
0x7a: {  	[sflag:s8] =	ssyncset.done $0x0  }
0x7b: {  	s13 =	rddreg [dreg:$0x16];
	[sflag:s8] =	ssyncadd.s32 $0xFFFFFC00  }
0x7c: {  	[spmem:s13] =	stream.linear.scatter [tilespmem:s16], [sflag:$0xB], $0x400, $0x38;
	[tilespmem:$0x8400] =	vst v63  }
0x7d: {  	_ =	swait.ge [sflag:s8], $0x400  }
0x7e: {  	[sflag:s8] =	ssyncset.done $0x0  }
0x7f: {  	s15 =	rddreg [dreg:$0x17];
	[sflag:s8] =	ssyncadd.s32 $0xFFFFFC00  }
0x80: {  	[spmem:s15] =	stream.linear.scatter [tilespmem:s14], [sflag:$0xB], $0x400, $0x38;
	[tilespmem:$0x8400] =	vst v63  }
0x81: {  	_ =	swait.ge [sflag:s8], $0x400  }
0x82: {  	[sflag:s8] =	ssyncset.done $0x0  }
0x83: {  	s17 =	rddreg [dreg:$0x18];
	[sflag:s8] =	ssyncadd.s32 $0xFFFFFC00  }
0x84: {  	[spmem:s17] =	stream.linear.scatter [tilespmem:s16], [sflag:$0xB], $0x400, $0x38;
	[tilespmem:$0x8400] =	vst v63  }
0x85: {  	_ =	swait.ge [sflag:s8], $0x400  }
0x86: {  	[sflag:s8] =	ssyncset.done $0x0  }
0x87: {  	s19 =	rddreg [dreg:$0x1b];
	[sflag:s8] =	ssyncadd.s32 $0xFFFFFC00  }
0x88: {  	[spmem:s19] =	stream.linear.scatter [tilespmem:s14], [sflag:$0xB], $0x400, $0x38;
	[tilespmem:$0x8400] =	vst v63  }
0x89: {  	_ =	swait.ge [sflag:s8], $0x400  }
0x8a: {  	[sflag:s8] =	ssyncset.done $0x0  }
0x8b: {  	s20 =	rddreg [dreg:$0x1c];
	[sflag:s8] =	ssyncadd.s32 $0xFFFFFC00  }
0x8c: {  	[spmem:s20] =	stream.linear.scatter [tilespmem:s16], [sflag:$0xB], $0x400, $0x38;
	[tilespmem:$0x8400] =	vst v63  }
0x8d: {  	_ =	swait.ge [sflag:s8], $0x400  }
0x8e: {  	[sflag:s8] =	ssyncset.done $0x0  }
0x8f: {  	s30 =	rddreg [dreg:$0x1d];
	[sflag:s8] =	ssyncadd.s32 $0xFFFFFC00  }
0x90: {  	[spmem:s30] =	stream.linear.scatter [tilespmem:s14], [sflag:$0xB], $0x400, $0x38;
	[tilespmem:$0x8400] =	vst v63  }
0x91: {  	_ =	swait.ge [sflag:s8], $0x400  }
0x92: {  	[sflag:s8] =	ssyncset.done $0x0  }
0x93: {  	s31 =	rddreg [dreg:$0x1e];
	[sflag:s8] =	ssyncadd.s32 $0xFFFFFC00  }
0x94: {  	[spmem:s31] =	stream.linear.scatter [tilespmem:s16], [sflag:$0xB], $0x400, $0x38;
	[tilespmem:$0x8400] =	vst v63  }
.Ltmp3:
0x95: {  	_ =	swait.ge [sflag:s8], $0x400;
	(pc) =	sbr.rel .LBB2_4-.Ltmp3, $4  }
0x96: {  	[sflag:s8] =	ssyncset.done $0x0  }
0x97: {  	[sflag:s8] =	ssyncadd.s32 $0xFFFFFC00  }
0x98: {  	[bflag:$0x0] =	sbarrier.arrive $0xFFFF  }
0x99: {  	s12 =	simm.s32 $0x0  }
.LBB2_13:
0x9a: {  	s12 =	sadd.s32 $0x1, s12  }
0x9b: {  	p0 =	sne.s32 s12, $0x4  }
.Ltmp4:
0x9c: {  	_ = 	snop;
	(pc) =	sbr.rel @!p0 .LBB2_14-.Ltmp4, $1  }
0x9d: {  	_ =	sdelay $0x3  }
.LBB2_4:
0x9e: {  	s13 =	smul.u32 $0x28, s12;
	_ =	sdelay $0x1  }
0x9f: {  	p0 =	sge.u32 s13, s11  }
.Ltmp5:
0xa0: {  	_ = 	snop;
	(pc) =	sbr.rel @p0 .LBB2_13-.Ltmp5, $1  }
0xa1: {  	_ =	sdelay $0x3  }
0xa2: {  	s3 =	rddreg [dreg:$0x6]  }
0xa3: {  	s3 =	sadd.s32 s3, s13  }
0xa4: {  	s8 =	rddreg [dreg:$0x5];
	s3 =	sshll.u32 s3, $0x3  }
0xa5: {  	s30 =	simm.s32 $0x0;
	s9 =	simm.s32 $0xB;
	s8 =	sadd.s32 s8, s3  }
0xa6: {  	[tilespmem:s30], [sflag:$0xB] =	stream.linear.gather [hbm4b:s8+s30], $0xA00, $0x38;
	[tilespmem:$0x8400] =	vst v63  }
0xa7: {  	_ =	swait.ge [sflag:s9], $0xA00  }
0xa8: {  	s31 =	simm.s32 $0xA00;
	[sflag:s9] =	ssyncset.done $0x0;
	s20 =	rddreg [dreg:$0x7]  }
.Ltmp6:
0xa9: {  	[sflag:s9] =	ssyncadd.s32 $0xFFFFF600;
	s3 =	sadd.s32 s20, s3;
	(pc) =	sbr.rel .LBB2_6-.Ltmp6, $4  }
0xaa: {  	[tilespmem:s31], [sflag:$0xB] =	stream.linear.gather [hbm4b:s3+s30], $0xA00, $0x38;
	[tilespmem:$0x8400] =	vst v63  }
0xab: {  	_ =	swait.ge [sflag:s9], $0xA00  }
0xac: {  	[sflag:s9] =	ssyncset.done $0x0  }
0xad: {  	[sflag:s9] =	ssyncadd.s32 $0xFFFFF600  }
.LBB2_11:
0xae: {  	v23 =	vmul.f32 $1.442695020e+00, v23;
	v17 =	vmax.f32 v17, v21  }
0xaf: {  	v18 =	vmax.f32 v18, v22;
	v17 =	vmul.f32 $1.442695020e+00, v17  }
0xb0: {  	v18 =	vmul.f32 $1.442695020e+00, v18;
	(erf) = vpow2.f32 v23  }
0xb1: {  	(erf) = vpow2.f32 v17  }
0xb2: {  	(erf) = vpow2.f32 v18;
	_ =	sdelay $0x1  }
0xb3: {  	v2 =	vmul.f32 v20, v2  }
0xb4: {  	v3 =	vmul.f32 v15, v3  }
0xb5: {  	v49 =	vmul.f32 v19, v16;
	[tilespmem:s15+$0xFFFFFFD0] =	vst v2  }
0xb6: {  	v4 =	vperm.xlane v4, v1;
	v7 =	vmul.f32 v7, v10;
	[tilespmem:s15+$0xFFFFFFF0] =	vst v3  }
0xb7: {  	v6 =	vmul.f32 v6, v11;
	v48 =	vpop (erf);
	[tilespmem:s9+$0x0] =	vst v49  }
0xb8: {  	[tilespmem:s3+$0xFFFFFFD0] =	vst v7;
	v4 =	vmul.f32 v48, v4;
	v54 =	vld [tilespmem:s9+$0xFFFFFFD0];
	v50 =	vpop (erf)  }
0xb9: {  	s8 =	sadd.s32 $0x40, s15;
	v56 =	vld [tilespmem:s9+$0xFFFFFFE0];
	[tilespmem:s3+$0xFFFFFFE0] =	vst v6;
	v51 =	vpop (erf);
	v57 =	vmul.f32 v50, v8  }
0xba: {  	s20 =	sadd.s32 $0x40, s9;
	v58 =	vld [tilespmem:s10+$0xFFFFFFF0];
	[tilespmem:s8+$0x0] =	vst v4;
	v53 =	vpop (erf);
	v10 =	vmul.f32 v51, v14  }
0xbb: {  	v2 =	vbroadcast v2, $0x0;
	v52 =	vld [tilespmem:s20+$0x0];
	v55 =	vmul.f32 v53, v12;
	[tilespmem:s8+$0xFFFFFFE0] =	vst v57  }
0xbc: {  	v5 =	vmul.f32 v5, v9;
	v13 =	vbroadcast v13, $0x0;
	[tilespmem:s8+$0xFFFFFFF0] =	vst v10;
	v60 =	vld [tilespmem:s20+$0xFFFFFFE0]  }
0xbd: {  	v3 =	vbroadcast v3, $0x0;
	v2 =	vmul.f32 v2, v54;
	[tilespmem:s8+$0xFFFFFFD0] =	vst v55;
	v61 =	vld [tilespmem:s20+$0xFFFFFFF0]  }
0xbe: {  	[tilespmem:s3+$0xFFFFFFF0] =	vst v5;
	v4 =	vbroadcast v4, $0x0;
	v63 =	vmul.f32 v13, v56;
	v59 =	vld [tilespmem:s20+$0xFFFFFFD0]  }
0xbf: {  	[tilespmem:s10+$0xFFFFFFD0] =	vst v2;
	v2 =	vmul.f32 v3, v58;
	v6 =	vbroadcast v57, $0x0  }
0xc0: {  	[tilespmem:s10+$0xFFFFFFE0] =	vst v63;
	v4 =	vmul.f32 v4, v52;
	v3 =	vbroadcast v10, $0x0  }
0xc1: {  	[tilespmem:s10+$0xFFFFFFF0] =	vst v2;
	v62 =	vbroadcast v55, $0x0;
	v2 =	vmul.f32 v6, v60  }
0xc2: {  	[tilespmem:s20+$0x0] =	vst v4;
	v3 =	vmul.f32 v3, v61  }
0xc3: {  	v4 =	vmul.f32 v62, v59;
	[tilespmem:s20+$0xFFFFFFE0] =	vst v2  }
0xc4: {  	[tilespmem:s20+$0xFFFFFFF0] =	vst v3  }
0xc5: {  	[tilespmem:s20+$0xFFFFFFD0] =	vst v4  }
0xc6: {  	[spmem:s1] =	stream.indirect.scatter.add.f32 [tilespmem:s4], [sflag:$0x9], $0x10, s31, s18, $0xb8;
	[tilespmem:$0x8400] =	vst v63  }
0xc7: {  	_ = 	snop  }
0xc8: {  	[spmem:s2] =	stream.indirect.scatter.add.f32 [tilespmem:s23], [sflag:$0xA], $0x10, s31, s18, $0xb8;
	[tilespmem:$0x8400] =	vst v63  }
.LBB2_12:
0xc9: {  	s30 =	sadd.s32 $0x1, s30  }
0xca: {  	p0 =	sne.s32 s30, $0x14  }
.Ltmp7:
0xcb: {  	_ = 	snop;
	(pc) =	sbr.rel @!p0 .LBB2_13-.Ltmp7, $1  }
0xcc: {  	_ =	sdelay $0x3  }
.LBB2_6:
0xcd: {  	s3 =	sshll.u32 s30, $0x1  }
0xce: {  	s3 =	sadd.s32 s13, s3  }
0xcf: {  	p0 =	sge.u32 s3, s11  }
.Ltmp8:
0xd0: {  	_ = 	snop;
	(pc) =	sbr.rel @p0 .LBB2_12-.Ltmp8, $1  }
0xd1: {  	_ =	sdelay $0x3  }
0xd2: {  	s3 =	sor.u32 s13, s30  }
0xd3: {  	p0 =	seq.s32 s3, $0x0  }
0xd4: {  	s3 =	simm.s32 @!p0 $0x7  }
0xd5: {  	_ =	swait.ge @!p0 [sflag:s3], $0x400  }
0xd6: {  	[sflag:s3] =	ssyncset.done @!p0 $0x0  }
0xd7: {  	[sflag:s3] =	ssyncadd.s32 @!p0 $0xFFFFFC00;
	s3 =	simm.s32 @!p0 $0x8  }
0xd8: {  	_ =	swait.ge @!p0 [sflag:s3], $0x400  }
0xd9: {  	[sflag:s3] =	ssyncset.done @!p0 $0x0  }
0xda: {  	[sflag:s3] =	ssyncadd.s32 @!p0 $0xFFFFFC00;
	s3 =	simm.s32 @!p0 $0x9  }
0xdb: {  	_ =	swait.ge @!p0 [sflag:s3], $0x400  }
0xdc: {  	[sflag:s3] =	ssyncset.done @!p0 $0x0  }
0xdd: {  	[sflag:s3] =	ssyncadd.s32 @!p0 $0xFFFFFC00;
	s3 =	simm.s32 @!p0 $0xA  }
0xde: {  	_ =	swait.ge @!p0 [sflag:s3], $0x400  }
0xdf: {  	[sflag:s3] =	ssyncset.done @!p0 $0x0  }
0xe0: {  	s8 =	sshll.u32 s30, $0x7;
	s19 =	simm.s32 $0x1400;
	[sflag:s3] =	ssyncadd.s32 @!p0 $0xFFFFFC00  }
0xe1: {  	[tilespmem:s19], [sflag:$0x1] =	stream.indirect.gather [hbm4b:s5+s18], $0x10, s8, s18, $0xb8;
	[tilespmem:$0x8400] =	vst v63  }
0xe2: {  	s9 =	simm.s32 $0x1C00;
	s3 =	sadd.s32 $0xA00, s8  }
0xe3: {  	[tilespmem:s9], [sflag:$0x2] =	stream.indirect.gather [hbm4b:s6+s18], $0x10, s3, s18, $0xb8;
	[tilespmem:$0x8400] =	vst v63  }
0xe4: {  	_ = 	snop  }
0xe5: {  	[tilespmem:s16], [sflag:$0x3] =	stream.indirect.gather [hbm4b:s7+s18], $0x10, s8, s18, $0xb8;
	[tilespmem:$0x8400] =	vst v63  }
0xe6: {  	s20 =	sor.u32 $0x40, s8  }
0xe7: {  	[tilespmem:s21], [sflag:$0x4] =	stream.indirect.gather [hbm4b:s5+s18], $0x10, s20, s18, $0xb8;
	[tilespmem:$0x8400] =	vst v63  }
0xe8: {  	s31 =	sadd.s32 $0xA40, s8  }
0xe9: {  	[tilespmem:s22], [sflag:$0x5] =	stream.indirect.gather [hbm4b:s6+s18], $0x10, s31, s18, $0xb8;
	[tilespmem:$0x8400] =	vst v63  }
0xea: {  	_ = 	snop  }
0xeb: {  	[tilespmem:s23], [sflag:$0x6] =	stream.indirect.gather [hbm4b:s7+s18], $0x10, s20, s18, $0xb8;
	[tilespmem:$0x8400] =	vst v63  }
0xec: {  	_ =	swait.ge [sflag:s24], $0x400  }
0xed: {  	[sflag:s24] =	ssyncset.done $0x0  }
0xee: {  	[sflag:s24] =	ssyncadd.s32 $0xFFFFFC00  }
0xef: {  	_ =	swait.ge [sflag:s25], $0x400  }
0xf0: {  	[sflag:s25] =	ssyncset.done $0x0  }
0xf1: {  	[sflag:s25] =	ssyncadd.s32 $0xFFFFFC00  }
0xf2: {  	_ =	swait.ge [sflag:s26], $0x400  }
0xf3: {  	[sflag:s26] =	ssyncset.done $0x0  }
0xf4: {  	s10 =	simm.s32 $0x1420;
	[sflag:s26] =	ssyncadd.s32 $0xFFFFFC00  }
0xf5: {  	s15 =	simm.s32 $0x1C20;
	v2 =	vld [tilespmem:s10+$0x10]  }
0xf6: {  	v3 =	vld [tilespmem:s15+$0x10];
	_ =	sdelay $0x1  }
0xf7: {  	v4 =	vld [tilespmem:s10+$0xFFFFFFF0]  }
0xf8: {  	v5 =	vld [tilespmem:s15+$0xFFFFFFF0]  }
0xf9: {  	v6 =	vld [tilespmem:s10+$0x0]  }
0xfa: {  	v7 =	vld [tilespmem:s15+$0x0];
	v2 =	vadd.f32 v3, v2  }
0xfb: {  	v9 =	vld [tilespmem:s15+$0xFFFFFFE0]  }
0xfc: {  	v10 =	vld [tilespmem:s10+$0xFFFFFFE0];
	v8 =	vmul.f32 $2.000000030e-01, v2;
	_ =	sdelay $0x1  }
0xfd: {  	v2 =	vmax.f32 v2, v8  }
0xfe: {  	v2 =	vmul.f32 $1.442695020e+00, v2  }
0xff: {  	s19 =	simm.s32 $0x1C60;
	v4 =	vadd.f32 v5, v4;
	v6 =	vadd.f32 v7, v6  }
0x100: {  	s17 =	simm.s32 $0x1460;
	v11 =	vld [tilespmem:s19+$0x10];
	v10 =	vadd.f32 v9, v10;
	(erf) = vpow2.f32 v2  }
0x101: {  	v12 =	vmul.f32 $2.000000030e-01, v6;
	v8 =	vmul.f32 $2.000000030e-01, v4;
	v2 =	vld [tilespmem:s17+$0x10]  }
0x102: {  	v13 =	vld [tilespmem:s19+$0xFFFFFFE0];
	v14 =	vmul.f32 $2.000000030e-01, v10  }
0x103: {  	v6 =	vmax.f32 v6, v12;
	v12 =	vld [tilespmem:s19+$0xFFFFFFF0];
	v4 =	vmax.f32 v4, v8  }
0x104: {  	v10 =	vmax.f32 v10, v14;
	v8 =	vld [tilespmem:s17+$0xFFFFFFF0];
	v4 =	vmul.f32 $1.442695020e+00, v4  }
0x105: {  	v15 =	vld [tilespmem:s17+$0x0];
	v6 =	vmul.f32 $1.442695020e+00, v6;
	v10 =	vmul.f32 $1.442695020e+00, v10  }
0x106: {  	(erf) = vpow2.f32 v4;
	v4 =	vld [tilespmem:s19+$0x0];
	v2 =	vadd.f32 v11, v2  }
0x107: {  	(erf) = vpow2.f32 v6;
	v6 =	vld [tilespmem:s17+$0xFFFFFFE0]  }
0x108: {  	v3 =	vperm.xlane v3, v1;
	v14 =	vmul.f32 $2.000000030e-01, v2  }
0x109: {  	(erf) = vpow2.f32 v10;
	v8 =	vadd.f32 v12, v8;
	v10 =	vpop (erf)  }
0x10a: {  	v9 =	vperm.xlane v9, v1;
	v2 =	vmax.f32 v2, v14;
	v10 =	vmul.f32 v10, v3  }
0x10b: {  	s8 =	simm.s32 $0x1CA0;
	v14 =	vadd.f32 v4, v15;
	v3 =	vmul.f32 $2.000000030e-01, v8;
	v15 =	vmul.f32 $1.442695020e+00, v2  }
0x10c: {  	s10 =	simm.s32 $0x14A0;
	v20 =	vld [tilespmem:s8+$0x0];
	v5 =	vperm.xlane v5, v1;
	v7 =	vperm.xlane v7, v1;
	v6 =	vadd.f32 v13, v6  }
0x10d: {  	v16 =	vld [tilespmem:s10+$0x10];
	v3 =	vmax.f32 v8, v3;
	v8 =	vmul.f32 $2.000000030e-01, v14;
	(erf) = vpow2.f32 v15  }
0x10e: {  	s20 =	simm.s32 $0x2C20;
	v17 =	vmul.f32 $1.442695020e+00, v3;
	v3 =	vperm.xlane v4, v1;
	v4 =	vld [tilespmem:s8+$0x10]  }
0x10f: {  	v18 =	vld [tilespmem:s10+$0xFFFFFFE0];
	v19 =	vperm.xlane v12, v1;
	s17 =	simm.s32 $0x2420;
	v12 =	vpop (erf);
	[tilespmem:s20+$0x10] =	vst v10;
	v15 =	vmul.f32 $2.000000030e-01, v6  }
0x110: {  	v2 =	vperm.xlane v13, v1;
	v5 =	vmul.f32 v12, v5;
	v13 =	vld [tilespmem:s17+$0x10];
	v8 =	vmax.f32 v14, v8  }
0x111: {  	v12 =	vpop (erf);
	v6 =	vmax.f32 v6, v15;
	v14 =	vld [tilespmem:s8+$0xFFFFFFE0];
	v8 =	vmul.f32 $1.442695020e+00, v8;
	(erf) = vpow2.f32 v17  }
0x112: {  	v10 =	vbroadcast v10, $0x0;
	v15 =	vld [tilespmem:s10+$0xFFFFFFF0];
	v6 =	vmul.f32 $1.442695020e+00, v6;
	v17 =	vpop (erf)  }
0x113: {  	(erf) = vpow2.f32 v8;
	v9 =	vmul.f32 v17, v9;
	v17 =	vld [tilespmem:s10+$0x0];
	v16 =	vadd.f32 v4, v16  }
0x114: {  	v11 =	vperm.xlane v11, v1;
	v8 =	vld [tilespmem:s8+$0xFFFFFFF0];
	(erf) = vpow2.f32 v6  }
0x115: {  	v10 =	vmul.f32 v10, v13;
	v21 =	vmul.f32 $2.000000030e-01, v16  }
0x116: {  	v13 =	vmul.f32 v12, v7;
	v6 =	vbroadcast v5, $0x0;
	v22 =	vpop (erf)  }
0x117: {  	v7 =	vbroadcast v9, $0x0;
	[tilespmem:s20+$0xFFFFFFE0] =	vst v9;
	v24 =	vmul.f32 v22, v11;
	v9 =	vmax.f32 v16, v21  }
0x118: {  	s15 =	simm.s32 $0x2C60;
	[tilespmem:s20+$0xFFFFFFF0] =	vst v5;
	v12 =	vperm.xlane v14, v1;
	v16 =	vadd.f32 v20, v17;
	v17 =	vmul.f32 $1.442695020e+00, v9  }
0x119: {  	s9 =	simm.s32 $0x2460;
	v18 =	vadd.f32 v14, v18;
	v14 =	vperm.xlane v20, v1;
	v23 =	vadd.f32 v8, v15;
	[tilespmem:s15+$0x10] =	vst v24  }
0x11a: {  	v5 =	vbroadcast v13, $0x0;
	[tilespmem:s17+$0x10] =	vst v10;
	v9 =	vpop (erf);
	(erf) = vpow2.f32 v17;
	v17 =	vld [tilespmem:s9+$0x10]  }
0x11b: {  	[tilespmem:s20+$0x0] =	vst v13;
	v10 =	vld [tilespmem:s17+$0xFFFFFFE0];
	v22 =	vmul.f32 $2.000000030e-01, v23;
	v13 =	vmul.f32 v9, v19  }
0x11c: {  	v8 =	vperm.xlane v8, v1;
	v11 =	vld [tilespmem:s17+$0xFFFFFFF0];
	v21 =	vmul.f32 $2.000000030e-01, v16;
	v15 =	vpop (erf)  }
0x11d: {  	s19 =	simm.s32 $0x8;
	s10 =	simm.s32 $0x2460;
	s20 =	simm.s32 $0x14E0;
	v20 =	vbroadcast v24, $0x0;
	v9 =	vld [tilespmem:s17+$0x0];
	v23 =	vmax.f32 v23, v22;
	v22 =	vmul.f32 $2.000000030e-01, v18;
	v19 =	vpop (erf);
	[tilespmem:s15+$0xFFFFFFF0] =	vst v13  }
.LBB2_8:
0x11e: {  	v24 =	vld [tilespmem:s20+$0x10];
	v23 =	vmul.f32 $1.442695020e+00, v23;
	v16 =	vmax.f32 v16, v21;
	s8 =	sadd.s32 $0x40, s8;
	v19 =	vmul.f32 v19, v2;
	v2 =	vmovc v12  }
0x11f: {  	s19 =	sadd.s32 $0x4, s19;
	v12 =	vld [tilespmem:s8+$0x10];
	v18 =	vmax.f32 v18, v22;
	v16 =	vmul.f32 $1.442695020e+00, v16;
	v17 =	vmul.f32 v20, v17  }
0x120: {  	p0 =	slt.u32 s19, $0x3C;
	v20 =	vld [tilespmem:s8+$0xFFFFFFE0];
	v18 =	vmul.f32 $1.442695020e+00, v18;
	(erf) = vpow2.f32 v23;
	[tilespmem:s15+$0xFFFFFFE0] =	vst v19  }
0x121: {  	v15 =	vmul.f32 v15, v3;
	v3 =	vmov v14;
	v21 =	vld [tilespmem:s20+$0xFFFFFFF0];
	(erf) = vpow2.f32 v16;
	[tilespmem:s9+$0x10] =	vst v17  }
0x122: {  	v16 =	vbroadcast v19, $0x0;
	v14 =	vld [tilespmem:s8+$0xFFFFFFF0];
	(erf) = vpow2.f32 v18  }
0x123: {  	v13 =	vbroadcast v13, $0x0;
	v17 =	vld [tilespmem:s20+$0x0];
	[tilespmem:s15+$0x0] =	vst v15;
	v15 =	vbroadcast v15, $0x0  }
0x124: {  	v22 =	vperm.xlane v4, v1;
	v23 =	vmul.f32 v7, v10;
	v19 =	vld [tilespmem:s8+$0x0];
	v18 =	vadd.f32 v12, v24;
	v4 =	vmovc v12  }
0x125: {  	v25 =	vmul.f32 v6, v11;
	v7 =	vmov v16;
	v24 =	vld [tilespmem:s20+$0xFFFFFFE0];
	v12 =	vperm.xlane v20, v1;
	v10 =	vpop (erf)  }
0x126: {  	v6 =	vmov v13;
	v16 =	vmul.f32 $2.000000030e-01, v18;
	v26 =	vmul.f32 v10, v22;
	v10 =	vld [tilespmem:s9+$0xFFFFFFE0];
	[tilespmem:s17+$0xFFFFFFE0] =	vst v23  }
0x127: {  	v13 =	vmul.f32 v5, v9;
	s15 =	sadd.s32 $0x40, s15;
	v21 =	vadd.f32 v14, v21;
	v27 =	vperm.xlane v14, v1;
	v11 =	vld [tilespmem:s9+$0xFFFFFFF0];
	[tilespmem:s17+$0xFFFFFFF0] =	vst v25  }
.Ltmp9:
0x128: {  	v5 =	vmov v15;
	s9 =	sadd.s32 $0x40, s9;
	v14 =	vmax.f32 v18, v16;
	[tilespmem:s15+$0x10] =	vst v26;
	v9 =	vld [tilespmem:s10+$0x0];
	(pc) =	sbr.rel @p0 .LBB2_8-.Ltmp9, $4  }
0x129: {  	v22 =	vmul.f32 $2.000000030e-01, v21;
	v16 =	vadd.f32 v19, v17;
	v25 =	vmul.f32 $1.442695020e+00, v14;
	v17 =	vld [tilespmem:s9+$0x10];
	v15 =	vpop (erf);
	[tilespmem:s17+$0x0] =	vst v13;
	s17 =	smov.u32 s10;
	s10 =	smov.u32 s9  }
0x12a: {  	v14 =	vperm.xlane v19, v1;
	v18 =	vadd.f32 v20, v24;
	v13 =	vmul.f32 v15, v8;
	v15 =	vpop (erf)  }
0x12b: {  	v23 =	vmax.f32 v21, v22;
	v21 =	vmul.f32 $2.000000030e-01, v16;
	(erf) = vpow2.f32 v25;
	v19 =	vpop (erf)  }
0x12c: {  	s20 =	sadd.s32 $0x40, s20;
	v20 =	vbroadcast v26, $0x0;
	v8 =	vmov v27;
	v22 =	vmul.f32 $2.000000030e-01, v18;
	[tilespmem:s15+$0xFFFFFFF0] =	vst v13  }
0x12d: {  	_ = 	snop  }
0x12e: {  	v23 =	vmul.f32 $1.442695020e+00, v23;
	v16 =	vmax.f32 v16, v21  }
0x12f: {  	v18 =	vmax.f32 v18, v22;
	v16 =	vmul.f32 $1.442695020e+00, v16  }
0x130: {  	v18 =	vmul.f32 $1.442695020e+00, v18;
	(erf) = vpow2.f32 v23  }
0x131: {  	(erf) = vpow2.f32 v16  }
0x132: {  	(erf) = vpow2.f32 v18  }
0x133: {  	v2 =	vmul.f32 v19, v2;
	v4 =	vperm.xlane v4, v1  }
0x134: {  	v3 =	vmul.f32 v15, v3;
	v16 =	vmul.f32 v20, v17;
	v17 =	vpop (erf)  }
0x135: {  	[tilespmem:s15+$0xFFFFFFE0] =	vst v2;
	v4 =	vmul.f32 v17, v4  }
0x136: {  	s8 =	sadd.s32 $0x40, s15;
	v7 =	vmul.f32 v7, v10;
	[tilespmem:s15+$0x0] =	vst v3  }
0x137: {  	s19 =	sadd.s32 $0x40, s9;
	v6 =	vmul.f32 v6, v11;
	[tilespmem:s8+$0x10] =	vst v4  }
0x138: {  	v5 =	vmul.f32 v5, v9;
	[tilespmem:s17+$0xFFFFFFE0] =	vst v7;
	v11 =	vld [tilespmem:s19+$0x10]  }
0x139: {  	[tilespmem:s17+$0xFFFFFFF0] =	vst v6;
	v17 =	vld [tilespmem:s9+$0xFFFFFFE0];
	v15 =	vpop (erf)  }
0x13a: {  	[tilespmem:s17+$0x0] =	vst v5;
	v10 =	vpop (erf);
	v6 =	vmul.f32 v15, v8  }
0x13b: {  	[tilespmem:s9+$0x10] =	vst v16;
	v4 =	vbroadcast v4, $0x0;
	v8 =	vld [tilespmem:s10+$0x0];
	v16 =	vpop (erf);
	v10 =	vmul.f32 v10, v14  }
0x13c: {  	v2 =	vbroadcast v2, $0x0;
	v7 =	vmul.f32 v16, v12;
	v12 =	vld [tilespmem:s9+$0xFFFFFFF0];
	[tilespmem:s8+$0xFFFFFFF0] =	vst v6  }
0x13d: {  	[tilespmem:s8+$0x0] =	vst v10;
	v4 =	vmul.f32 v4, v11;
	v11 =	vld [tilespmem:s19+$0xFFFFFFF0]  }
0x13e: {  	v3 =	vbroadcast v3, $0x0;
	v2 =	vmul.f32 v2, v17;
	[tilespmem:s8+$0xFFFFFFE0] =	vst v7;
	v5 =	vld [tilespmem:s19+$0x0]  }
0x13f: {  	v13 =	vbroadcast v13, $0x0;
	v6 =	vbroadcast v6, $0x0;
	v9 =	vld [tilespmem:s19+$0xFFFFFFE0]  }
0x140: {  	[tilespmem:s10+$0xFFFFFFE0] =	vst v2;
	v2 =	vmul.f32 v3, v8;
	v3 =	vbroadcast v10, $0x0  }
0x141: {  	[tilespmem:s19+$0x10] =	vst v4;
	v4 =	vbroadcast v7, $0x0;
	v7 =	vmul.f32 v13, v12  }
0x142: {  	[tilespmem:s10+$0x0] =	vst v2;
	v2 =	vmul.f32 v6, v11  }
0x143: {  	[tilespmem:s10+$0xFFFFFFF0] =	vst v7;
	v3 =	vmul.f32 v3, v5  }
0x144: {  	v4 =	vmul.f32 v4, v9;
	[tilespmem:s19+$0xFFFFFFF0] =	vst v2  }
0x145: {  	[tilespmem:s19+$0x0] =	vst v3  }
0x146: {  	[tilespmem:s19+$0xFFFFFFE0] =	vst v4  }
0x147: {  	[spmem:s1] =	stream.indirect.scatter.add.f32 [tilespmem:s14], [sflag:$0x7], $0x10, s3, s18, $0xb8;
	[tilespmem:$0x8400] =	vst v63  }
0x148: {  	_ = 	snop  }
0x149: {  	[spmem:s2] =	stream.indirect.scatter.add.f32 [tilespmem:s16], [sflag:$0x8], $0x10, s3, s18, $0xb8;
	[tilespmem:$0x8400] =	vst v63  }
0x14a: {  	_ =	swait.ge [sflag:s28], $0x400  }
0x14b: {  	[sflag:s28] =	ssyncset.done $0x0  }
0x14c: {  	[sflag:s28] =	ssyncadd.s32 $0xFFFFFC00  }
0x14d: {  	_ =	swait.ge [sflag:s29], $0x400  }
0x14e: {  	[sflag:s29] =	ssyncset.done $0x0  }
0x14f: {  	[sflag:s29] =	ssyncadd.s32 $0xFFFFFC00  }
0x150: {  	_ =	swait.ge [sflag:s0], $0x400  }
0x151: {  	[sflag:s0] =	ssyncset.done $0x0  }
0x152: {  	s9 =	simm.s32 $0x1830;
	[sflag:s0] =	ssyncadd.s32 $0xFFFFFC00  }
0x153: {  	s10 =	simm.s32 $0x2030;
	v2 =	vld [tilespmem:s9+$0x0]  }
0x154: {  	v3 =	vld [tilespmem:s10+$0x0];
	_ =	sdelay $0x1  }
0x155: {  	v4 =	vld [tilespmem:s9+$0xFFFFFFE0]  }
0x156: {  	v5 =	vld [tilespmem:s10+$0xFFFFFFE0]  }
0x157: {  	v6 =	vld [tilespmem:s9+$0xFFFFFFF0]  }
0x158: {  	v7 =	vld [tilespmem:s10+$0xFFFFFFF0];
	v2 =	vadd.f32 v3, v2  }
0x159: {  	v9 =	vld [tilespmem:s10+$0xFFFFFFD0]  }
0x15a: {  	v10 =	vld [tilespmem:s9+$0xFFFFFFD0];
	v8 =	vmul.f32 $2.000000030e-01, v2;
	_ =	sdelay $0x1  }
0x15b: {  	v2 =	vmax.f32 v2, v8  }
0x15c: {  	v2 =	vmul.f32 $1.442695020e+00, v2  }
0x15d: {  	s17 =	simm.s32 $0x2070;
	v4 =	vadd.f32 v5, v4;
	v6 =	vadd.f32 v7, v6  }
0x15e: {  	s15 =	simm.s32 $0x1870;
	v11 =	vld [tilespmem:s17+$0x0];
	v10 =	vadd.f32 v9, v10;
	(erf) = vpow2.f32 v2  }
0x15f: {  	v12 =	vmul.f32 $2.000000030e-01, v6;
	v8 =	vmul.f32 $2.000000030e-01, v4;
	v2 =	vld [tilespmem:s15+$0x0]  }
0x160: {  	v13 =	vld [tilespmem:s17+$0xFFFFFFD0];
	v14 =	vmul.f32 $2.000000030e-01, v10  }
0x161: {  	v6 =	vmax.f32 v6, v12;
	v12 =	vld [tilespmem:s17+$0xFFFFFFE0];
	v4 =	vmax.f32 v4, v8  }
0x162: {  	v10 =	vmax.f32 v10, v14;
	v8 =	vld [tilespmem:s15+$0xFFFFFFE0];
	v4 =	vmul.f32 $1.442695020e+00, v4  }
0x163: {  	v15 =	vld [tilespmem:s15+$0xFFFFFFF0];
	v6 =	vmul.f32 $1.442695020e+00, v6;
	v10 =	vmul.f32 $1.442695020e+00, v10  }
0x164: {  	(erf) = vpow2.f32 v4;
	v4 =	vld [tilespmem:s17+$0xFFFFFFF0];
	v2 =	vadd.f32 v11, v2  }
0x165: {  	(erf) = vpow2.f32 v6;
	v6 =	vld [tilespmem:s15+$0xFFFFFFD0]  }
0x166: {  	v3 =	vperm.xlane v3, v1;
	v14 =	vmul.f32 $2.000000030e-01, v2  }
0x167: {  	(erf) = vpow2.f32 v10;
	v8 =	vadd.f32 v12, v8;
	v10 =	vpop (erf)  }
0x168: {  	v9 =	vperm.xlane v9, v1;
	v2 =	vmax.f32 v2, v14;
	v10 =	vmul.f32 v10, v3  }
0x169: {  	v14 =	vadd.f32 v4, v15;
	v3 =	vmul.f32 $2.000000030e-01, v8;
	v15 =	vmul.f32 $1.442695020e+00, v2  }
0x16a: {  	s20 =	simm.s32 $0x18B0;
	v5 =	vperm.xlane v5, v1;
	v7 =	vperm.xlane v7, v1;
	v6 =	vadd.f32 v13, v6  }
0x16b: {  	s8 =	simm.s32 $0x20B0;
	v16 =	vld [tilespmem:s20+$0x0];
	v3 =	vmax.f32 v8, v3;
	v8 =	vmul.f32 $2.000000030e-01, v14;
	(erf) = vpow2.f32 v15  }
0x16c: {  	s19 =	simm.s32 $0x3030;
	v17 =	vmul.f32 $1.442695020e+00, v3;
	v3 =	vperm.xlane v4, v1;
	v4 =	vld [tilespmem:s8+$0x0]  }
0x16d: {  	s3 =	simm.s32 $0x2830;
	v20 =	vld [tilespmem:s8+$0xFFFFFFF0];
	v19 =	vperm.xlane v12, v1;
	[tilespmem:s19+$0x0] =	vst v10;
	v15 =	vmul.f32 $2.000000030e-01, v6  }
0x16e: {  	v11 =	vperm.xlane v11, v1;
	v2 =	vperm.xlane v13, v1;
	v13 =	vld [tilespmem:s3+$0x0];
	v8 =	vmax.f32 v14, v8  }
0x16f: {  	v18 =	vld [tilespmem:s20+$0xFFFFFFD0];
	v12 =	vpop (erf);
	v6 =	vmax.f32 v6, v15;
	v8 =	vmul.f32 $1.442695020e+00, v8;
	(erf) = vpow2.f32 v17  }
0x170: {  	v5 =	vmul.f32 v12, v5;
	v12 =	vpop (erf);
	v14 =	vld [tilespmem:s8+$0xFFFFFFD0];
	v6 =	vmul.f32 $1.442695020e+00, v6  }
0x171: {  	v10 =	vbroadcast v10, $0x0;
	v15 =	vld [tilespmem:s20+$0xFFFFFFE0];
	v17 =	vpop (erf);
	(erf) = vpow2.f32 v8;
	v16 =	vadd.f32 v4, v16  }
0x172: {  	v8 =	vld [tilespmem:s8+$0xFFFFFFE0];
	v9 =	vmul.f32 v17, v9;
	(erf) = vpow2.f32 v6  }
0x173: {  	v17 =	vld [tilespmem:s20+$0xFFFFFFF0];
	v10 =	vmul.f32 v10, v13;
	v21 =	vmul.f32 $2.000000030e-01, v16  }
0x174: {  	v13 =	vmul.f32 v12, v7;
	v6 =	vbroadcast v5, $0x0;
	v22 =	vpop (erf)  }
0x175: {  	v7 =	vbroadcast v9, $0x0;
	[tilespmem:s19+$0xFFFFFFD0] =	vst v9;
	v24 =	vmul.f32 v22, v11;
	v9 =	vmax.f32 v16, v21  }
0x176: {  	s15 =	simm.s32 $0x3070;
	[tilespmem:s19+$0xFFFFFFE0] =	vst v5;
	v12 =	vperm.xlane v14, v1;
	v16 =	vmul.f32 $1.442695020e+00, v9  }
0x177: {  	s9 =	simm.s32 $0x2870;
	v18 =	vadd.f32 v14, v18;
	v14 =	vperm.xlane v20, v1;
	v23 =	vadd.f32 v8, v15;
	[tilespmem:s15+$0x0] =	vst v24  }
0x178: {  	v5 =	vbroadcast v13, $0x0;
	[tilespmem:s3+$0x0] =	vst v10;
	v17 =	vadd.f32 v20, v17;
	v9 =	vpop (erf);
	(erf) = vpow2.f32 v16;
	v16 =	vld [tilespmem:s9+$0x0]  }
0x179: {  	[tilespmem:s19+$0xFFFFFFF0] =	vst v13;
	v10 =	vld [tilespmem:s3+$0xFFFFFFD0];
	v22 =	vmul.f32 $2.000000030e-01, v23;
	v13 =	vmul.f32 v9, v19  }
0x17a: {  	v8 =	vperm.xlane v8, v1;
	v11 =	vld [tilespmem:s3+$0xFFFFFFE0];
	v21 =	vmul.f32 $2.000000030e-01, v17;
	v15 =	vpop (erf)  }
0x17b: {  	s10 =	simm.s32 $0x2870;
	s17 =	simm.s32 $0x8;
	s19 =	simm.s32 $0x18F0;
	v9 =	vld [tilespmem:s3+$0xFFFFFFF0];
	v23 =	vmax.f32 v23, v22;
	v22 =	vmul.f32 $2.000000030e-01, v18;
	v19 =	vbroadcast v24, $0x0;
	v20 =	vpop (erf);
	[tilespmem:s15+$0xFFFFFFE0] =	vst v13  }
.LBB2_10:
0x17c: {  	v24 =	vld [tilespmem:s19+$0x0];
	v23 =	vmul.f32 $1.442695020e+00, v23;
	v17 =	vmax.f32 v17, v21;
	s8 =	sadd.s32 $0x40, s8;
	v20 =	vmul.f32 v20, v2;
	v2 =	vmovc v12  }
0x17d: {  	s17 =	sadd.s32 $0x4, s17;
	v18 =	vmax.f32 v18, v22;
	v16 =	vmul.f32 v19, v16;
	v12 =	vld [tilespmem:s8+$0x0];
	v17 =	vmul.f32 $1.442695020e+00, v17  }
0x17e: {  	p0 =	slt.u32 s17, $0x3C;
	v18 =	vmul.f32 $1.442695020e+00, v18;
	v19 =	vld [tilespmem:s8+$0xFFFFFFD0];
	(erf) = vpow2.f32 v23;
	[tilespmem:s15+$0xFFFFFFD0] =	vst v20  }
0x17f: {  	v15 =	vmul.f32 v15, v3;
	v3 =	vmov v14;
	v21 =	vld [tilespmem:s19+$0xFFFFFFE0];
	(erf) = vpow2.f32 v17;
	[tilespmem:s9+$0x0] =	vst v16  }
0x180: {  	v16 =	vbroadcast v20, $0x0;
	v14 =	vld [tilespmem:s8+$0xFFFFFFE0];
	(erf) = vpow2.f32 v18  }
0x181: {  	v13 =	vbroadcast v13, $0x0;
	v17 =	vld [tilespmem:s19+$0xFFFFFFF0];
	[tilespmem:s15+$0xFFFFFFF0] =	vst v15;
	v15 =	vbroadcast v15, $0x0  }
0x182: {  	v22 =	vperm.xlane v4, v1;
	v23 =	vmul.f32 v7, v10;
	v20 =	vld [tilespmem:s8+$0xFFFFFFF0];
	v18 =	vadd.f32 v12, v24;
	v4 =	vmovc v12  }
0x183: {  	v25 =	vmul.f32 v6, v11;
	v7 =	vmov v16;
	v24 =	vld [tilespmem:s19+$0xFFFFFFD0];
	v12 =	vperm.xlane v19, v1;
	v10 =	vpop (erf)  }
0x184: {  	v6 =	vmov v13;
	v16 =	vmul.f32 $2.000000030e-01, v18;
	v26 =	vmul.f32 v10, v22;
	v10 =	vld [tilespmem:s9+$0xFFFFFFD0];
	[tilespmem:s3+$0xFFFFFFD0] =	vst v23  }
0x185: {  	v13 =	vmul.f32 v5, v9;
	s15 =	sadd.s32 $0x40, s15;
	v21 =	vadd.f32 v14, v21;
	v27 =	vperm.xlane v14, v1;
	v11 =	vld [tilespmem:s9+$0xFFFFFFE0];
	[tilespmem:s3+$0xFFFFFFE0] =	vst v25  }
.Ltmp10:
0x186: {  	v5 =	vmov v15;
	s9 =	sadd.s32 $0x40, s9;
	v14 =	vmax.f32 v18, v16;
	[tilespmem:s15+$0x0] =	vst v26;
	v9 =	vld [tilespmem:s10+$0xFFFFFFF0];
	(pc) =	sbr.rel @p0 .LBB2_10-.Ltmp10, $4  }
0x187: {  	v22 =	vmul.f32 $2.000000030e-01, v21;
	v17 =	vadd.f32 v20, v17;
	v25 =	vmul.f32 $1.442695020e+00, v14;
	v16 =	vld [tilespmem:s9+$0x0];
	v15 =	vpop (erf);
	[tilespmem:s3+$0xFFFFFFF0] =	vst v13;
	s3 =	smov.u32 s10;
	s10 =	smov.u32 s9  }
0x188: {  	v14 =	vperm.xlane v20, v1;
	v18 =	vadd.f32 v19, v24;
	v13 =	vmul.f32 v15, v8;
	v15 =	vpop (erf)  }
0x189: {  	v23 =	vmax.f32 v21, v22;
	v21 =	vmul.f32 $2.000000030e-01, v17;
	(erf) = vpow2.f32 v25;
	v20 =	vpop (erf)  }
0x18a: {  	s19 =	sadd.s32 $0x40, s19;
	v19 =	vbroadcast v26, $0x0;
	v8 =	vmov v27;
	v22 =	vmul.f32 $2.000000030e-01, v18;
	[tilespmem:s15+$0xFFFFFFE0] =	vst v13  }
.Ltmp11:
0x18b: {  	_ = 	snop;
	(pc) =	sbr.rel .LBB2_11-.Ltmp11, $1  }
0x18c: {  	_ =	sdelay $0x3  }
.LBB2_15:
0x18d: {  	_ =	sfence.sel $0x180000  }
0x18e: {  	[bflag:$0x0] =	sbarrier.arrive $0xFFFF  }
0x18f: {  	_ =	strace $0x9000004A  }
0x190: {  	s0 =	stileid.u32;
	[bflag:$0x2] =	sbarrier.arrive $0xFFFF  }
0x191: {  	p0 =	sne.s32 s0, $0x0;
	s0 =	rddreg [dreg:$0x3]  }
0x192: {  	s0 =	sadd.s32 @!p0 $0x100000, s0  }
0x193: {  	[sflag:s0] =	ssyncadd.tile.s32 @!p0 $0x1;
	_ =	shalt  }
.Lfunc_end2:
_tile_overlayer_lowered:
.L_overlay_start_2:
0x194: {  	(tag) =	ssettag $0x2  }
0x195: {  	s0 =	rddreg [dreg:$0x0];
	s2 =	stileid.u32  }
0x196: {  	s1 =	rddreg [dreg:$0x1];
	p0 =	sne.s32 s2, $0x0  }
0x197: {  	s3 =	rddreg [dreg:$0x2];
	[bflag:$0x3] =	sbarrier.arrive $0xFFFF;
	s2 =	simm.s32 @!p0 $0x1C0B  }
0x198: {  	[timem:s3], [sflag:s2] =	dma.local @!p0 [hbm:s0], s1  }
0x199: {  	s0 =	simm.s32 @!p0 $0xB  }
0x19a: {  	_ =	swait.ge @!p0 [sflag:s0], s1  }
0x19b: {  	s1 =	ssub.s32 @!p0 $0x0, s1;
	[sflag:s0] =	ssyncset.done @!p0 $0x0  }
0x19c: {  	[sflag:s0] =	ssyncadd.s32 @!p0 s1  }
0x19d: {  	[bflag:$0x3] =	sbarrier.arrive $0xFFFF  }
0x19e: {  	_ =	shalt  }

// kernel: kernel.7.cloned.1.call-start
scs
__scs_entry_jumppad:
0x0: {  	(pc) =	sbr.rel $0x88, $3  }
0x1: {  	(tag) =	ssettag $0x0;
	lr =	simm.s32 $0x1  }
0x2: {  	[smem:$0x3F97] =	sst lr;
	_ =	strace $0xD0000000  }
0x3: {  	_ = 	snop  }
0x4: {  	_ = 	snop  }
0x5: {  	_ = 	snop  }
0x6: {  	_ = 	snop  }
0x7: {  	_ = 	snop  }
__scs_overlays_trampoline_lowered:
0x8: {  	[smem:$0x3FA6] =	sst s0  }
0x9: {  	[smem:$0x3FA7] =	sst s1  }
0xa: {  	[smem:$0x3FA8] =	sst s2  }
0xb: {  	[smem:$0x3FA9] =	sst s3  }
0xc: {  	[smem:$0x3FAA] =	sst s4  }
0xd: {  	[smem:$0x3FAB] =	sst s5  }
0xe: {  	[smem:$0x3FAC] =	sst s6  }
0xf: {  	[smem:$0x3FAD] =	sst s7  }
0x10: {  	[smem:$0x3FAE] =	sst s8  }
0x11: {  	[smem:$0x3FAF] =	sst s9;
	s0 =	simm.s32 @!p0 $0x0  }
0x12: {  	s1 =	sld [smem:$0x3F95];
	s0 =	simm.s32 @p0 $0x1  }
0x13: {  	[smem:$0x3FB0] =	sst s0;
	s0 =	simm.s32 @!p1 $0x0  }
0x14: {  	s2 =	sld [smem:$0x3F94];
	s0 =	simm.s32 @p1 $0x1  }
0x15: {  	[smem:$0x3FB1] =	sst s0;
	s0 =	simm.s32 @!p2 $0x0  }
0x16: {  	s3 =	sld [smem:$0x3FDB];
	s0 =	simm.s32 @p2 $0x1  }
0x17: {  	s4 =	simm.s32 $0x1BF5;
	[smem:$0x3FB3] =	sst s0  }
0x18: {  	s0 =	sld [smem:$0x3F96];
	_ =	swait.ge [sflag:s4], $0x0  }
0x19: {  	s7 =	sld [smem:$0x3F97]  }
0x1a: {  	s8 =	sadd.s32 $0xFFFFE003, lr  }
0x1b: {  	s9 =	sadd.s32 $0xFFFFFEF7, lr;
	s5 =	simm.s32 $0xFFFFFFFF;
	p2 =	slt.u32 s8, $0xFFFFF086  }
0x1c: {  	p1 =	slt.u32 s9, $0xF7A;
	s5 =	simm.s32 @!p2 $0x0  }
0x1d: {  	s5 =	simm.s32 @p1 $0x1;
	p0 =	seq.s32 s7, s2  }
0x1e: {  	s7 =	smul.u32 @!p0 $0xF7A, s2;
	p2 =	seq.s32 @!p0 s5, $0x0  }
0x1f: {  	s9 =	smul.u32 $0xF7A, s1;
	s8 =	simm.s32 @!p0 $0x1BF5;
	p2 =	por !p2, p0  }
0x20: {  	[sflag:s8] =	ssyncset.s32 @!p0 $0xFFFFF086;
	s6 =	sadd.s32 @!p0 s3, s7;
	s7 =	simm.s32 @!p0 $0x108  }
0x21: {  	s3 =	sadd.s32 s3, s9;
	s6 =	sadd.s32 @!p0 $0x88, s6;
	s7 =	simm.s32 @p2 $0x1082  }
0x22: {  	[simem:s7], [sflag:s8] =	dma.local @!p0 [hbm:s6], $0xF7A  }
0x23: {  	s9 =	sor.u32 $0xD0000000, s2;
	s6 =	simm.s32 $0x108;
	_ =	swait.ge @!p0 [sflag:s8], $0x0  }
0x24: {  	s3 =	sadd.s32 $0x88, s3;
	s6 =	simm.s32 @!p1 $0x1082;
	[sflag:s4] =	ssyncset.s32 $0xFFFFF086  }
0x25: {  	[simem:s6], [sflag:s4] =	dma.local [hbm:s3], $0xF7A  }
0x26: {  	[smem:$0x3F97] =	sst s1;
	(tag) =	ssettag s2;
	_ =	strace s9  }
0x27: {  	s1 =	sld [smem:$0x3FA7]  }
0x28: {  	s2 =	sld [smem:$0x3FA8]  }
0x29: {  	s4 =	sld [smem:$0x3FAA]  }
0x2a: {  	p0 =	seq.s32 s5, $0x0;
	s5 =	sld [smem:$0x3FAB]  }
0x2b: {  	s6 =	sld [smem:$0x3FAC]  }
0x2c: {  	s7 =	sld [smem:$0x3FAD]  }
0x2d: {  	s3 =	simm.s32 $0x108;
	s8 =	sld [smem:$0x3FAE]  }
0x2e: {  	s3 =	simm.s32 @!p0 $0x1082;
	s9 =	sld [smem:$0x3FAF]  }
0x2f: {  	lr =	sadd.s32 s0, s3;
	s0 =	sld [smem:$0x3FA6]  }
0x30: {  	s3 =	sld [smem:$0x3FA9]  }
0x31: {  	[smem:$0x3FB2] =	sst s10  }
0x32: {  	s10 =	sld [smem:$0x3FB0];
	_ =	sdelay $0x3  }
0x33: {  	p0 =	seq.s32 s10, $0x1;
	s10 =	sld [smem:$0x3FB2];
	_ =	sdelay $0x3  }
0x34: {  	[smem:$0x3FB2] =	sst s10  }
0x35: {  	s10 =	sld [smem:$0x3FB1];
	_ =	sdelay $0x3  }
0x36: {  	p1 =	seq.s32 s10, $0x1;
	s10 =	sld [smem:$0x3FB2];
	_ =	sdelay $0x3  }
0x37: {  	[smem:$0x3FB2] =	sst s10  }
0x38: {  	s10 =	sld [smem:$0x3FB3]  }
0x39: {  	_ = 	snop;
	(pc) =	sbr.ind lr, $3  }
0x3a: {  	_ = 	snop  }
0x3b: {  	_ = 	snop  }
0x3c: {  	p2 =	seq.s32 s10, $0x1;
	s10 =	sld [smem:$0x3FB2]  }
0x3d: {  	_ =	shalt  }
0x3e: {  	_ =	shalt  }
0x3f: {  	_ =	shalt  }
0x40: {  	_ =	shalt  }
0x41: {  	_ =	shalt  }
0x42: {  	_ =	shalt  }
0x43: {  	_ =	shalt  }
0x44: {  	_ =	shalt  }
0x45: {  	_ =	shalt  }
0x46: {  	_ =	shalt  }
0x47: {  	_ =	shalt  }
0x48: {  	_ =	shalt  }
0x49: {  	_ =	shalt  }
0x4a: {  	_ =	shalt  }
0x4b: {  	_ =	shalt  }
0x4c: {  	_ =	shalt  }
0x4d: {  	_ =	shalt  }
0x4e: {  	_ =	shalt  }
0x4f: {  	_ =	shalt  }
0x50: {  	_ =	shalt  }
0x51: {  	_ =	shalt  }
0x52: {  	_ =	shalt  }
0x53: {  	_ =	shalt  }
0x54: {  	_ =	shalt  }
0x55: {  	_ =	shalt  }
0x56: {  	_ =	shalt  }
0x57: {  	_ =	shalt  }
0x58: {  	_ =	shalt  }
0x59: {  	_ =	shalt  }
0x5a: {  	_ =	shalt  }
0x5b: {  	_ =	shalt  }
0x5c: {  	_ =	shalt  }
0x5d: {  	_ =	shalt  }
0x5e: {  	_ =	shalt  }
0x5f: {  	_ =	shalt  }
0x60: {  	_ =	shalt  }
0x61: {  	_ =	shalt  }
0x62: {  	_ =	shalt  }
0x63: {  	_ =	shalt  }
0x64: {  	_ =	shalt  }
0x65: {  	_ =	shalt  }
0x66: {  	_ =	shalt  }
0x67: {  	_ =	shalt  }
0x68: {  	_ =	shalt  }
0x69: {  	_ =	shalt  }
0x6a: {  	_ =	shalt  }
0x6b: {  	_ =	shalt  }
0x6c: {  	_ =	shalt  }
0x6d: {  	_ =	shalt  }
0x6e: {  	_ =	shalt  }
0x6f: {  	_ =	shalt  }
0x70: {  	_ =	shalt  }
0x71: {  	_ =	shalt  }
0x72: {  	_ =	shalt  }
0x73: {  	_ =	shalt  }
0x74: {  	_ =	shalt  }
0x75: {  	_ =	shalt  }
0x76: {  	_ =	shalt  }
0x77: {  	_ =	shalt  }
0x78: {  	_ =	shalt  }
0x79: {  	_ =	shalt  }
0x7a: {  	_ =	shalt  }
0x7b: {  	_ =	shalt  }
0x7c: {  	_ =	shalt  }
0x7d: {  	_ =	shalt  }
0x7e: {  	_ =	shalt  }
0x7f: {  	_ =	shalt  }
0x80: {  	_ =	shalt  }
0x81: {  	_ =	shalt  }
0x82: {  	_ =	shalt  }
0x83: {  	_ =	shalt  }
0x84: {  	_ =	shalt  }
0x85: {  	_ =	shalt  }
0x86: {  	_ =	shalt  }
0x87: {  	_ =	shalt  }
.Lfunc_end0:
.L_simem_size_0:
called_computation_lowered:
.L_overlay_start_0:
0x88: {  	s2 =	sld [smem:$0x3FD9]  }
0x89: {  	s3 =	sld [smem:$0x3FFE];
	_ =	sdelay $0x1  }
0x8a: {  	s1 =	srdreg.scid  }
0x8b: {  	s0 =	sand.u32 $0x1, s1  }
0x8c: {  	s16 =	sshll.u32 s0, $0xA;
	s2 =	sadd.s32 s3, s2  }
0x8d: {  	s2 =	sadd.s32 s2, s16  }
0x8e: {  	[smem:$0x3FBE] =	sst s2  }
0x8f: {  	_ = 	snop  }
0x90: {  	(tm) =	ssettm $0x1  }
0x91: {  	s17 =	sld [smem:$0x3FFB];
	_ =	sdelay $0x3  }
0x92: {  	_ =	strace s17  }
0x93: {  	s2 =	sld [smem:$0x3FFC];
	_ =	sdelay $0x3  }
0x94: {  	_ =	strace s2  }
0x95: {  	s2 =	sld [smem:$0x3FFD];
	_ =	sdelay $0x3  }
0x96: {  	_ =	strace s2  }
0x97: {  	_ =	strace $0x8FFFFFFF  }
0x98: {  	s18 =	sld [smem:$0x3FDB];
	_ =	sdelay $0x1  }
0x99: {  	s19 =	simm.s32 $_scs_section_size  }
0x9a: {  	s4 =	simm.s32 $_size__tile_overlayer_lowered;
	s5 =	simm.s32 $_tile_overlayer_lowered  }
0x9b: {  	s22 =	simm.s32 $0x1BFF;
	s21 =	sshll.u32 s5, $0x1;
	s2 =	sadd.s32 s19, s18  }
0x9c: {  	s6 =	simm.s32 $0x0;
	s20 =	sshll.u32 s4, $0x1;
	s4 =	sadd.s32 s21, s2  }
0x9d: {  	[timem:s6], [sflag:s22] =	dma.local [hbm:s4], s20  }
0x9e: {  	_ =	swait.ge [sflag:s22], s20  }
0x9f: {  	s3 =	ssub.s32 $0x0, s20;
	[sflag:s22] =	ssyncset.done $0x0  }
0xa0: {  	[sflag:s22] =	ssyncadd.s32 s3;
	_ =	sdelay $0x1  }
0xa1: {  	s23 =	simm.s32 $0x1B8B  }
0xa2: {  	_ =	swait.ge [sflag:s23], $0x1  }
0xa3: {  	[sflag:s23] =	ssyncset.done $0x0  }
0xa4: {  	s25 =	simm.s32 $0x1B8E;
	s24 =	sld [smem:$0x3FFE];
	[sflag:s23] =	ssyncadd.s32 $0xFFFFFFFF  }
0xa5: {  	s26 =	simm.s32 $execute0_lowered;
	[smem:$0x3FD2] =	sst s25  }
0xa6: {  	s4 =	sshll.u32 s26, $0x1;
	_ =	strace $0x80000046;
	[dreg:$0x1] =	wrdreg $0xFFFFFFFF  }
0xa7: {  	s28 =	simm.s32 $_size_execute0_lowered;
	s2 =	sadd.s32 s2, s4;
	[dreg:$0x0] =	wrdreg $0x0  }
0xa8: {  	s4 =	sshll.u32 s28, $0x1;
	[dreg:$0x2] =	wrdreg s2  }
0xa9: {  	[dreg:$0x3] =	wrdreg s4  }
0xaa: {  	[dreg:$0x4] =	wrdreg $0xC0  }
0xab: {  	_ =	task [dreg:s6], $0x5FFFF  }
0xac: {  	[dreg:$0x1] =	wrdreg $0xFFFFFFFF  }
0xad: {  	[dreg:$0x0] =	wrdreg $0x60  }
0xae: {  	[dreg:$0x2] =	wrdreg s24  }
0xaf: {  	[dreg:$0x3] =	wrdreg $0x6C000  }
0xb0: {  	[dreg:$0x4] =	wrdreg $0x94000  }
0xb1: {  	[dreg:$0x5] =	wrdreg $0x9  }
0xb2: {  	_ =	task.clear_ibuf [dreg:s6], $0x6FFFF;
	_ =	strace $0x90000046  }
0xb3: {  	s29 =	simm.s32 $0x9;
	_ =	strace $0x80000048  }
0xb4: {  	_ =	swait.ge [sflag:s29], $0x1  }
0xb5: {  	[sflag:s29] =	ssyncadd.s32 $0xFFFFFFFF  }
0xb6: {  	_ =	strace $0x90000048  }
0xb7: {  	_ =	sfence  }
0xb8: {  	s30 =	sld [smem:$0x0];
	_ =	sdelay $0x2  }
0xb9: {  	s31 =	sshll.u32 s1, $0xD;
	s1 =	sshrl.u32 s1, $0x2  }
0xba: {  	s3 =	sand.u32 $0x4000, s31;
	s1 =	sadd.s32 s1, s30  }
0xbb: {  	s0 =	sor.u32 s3, s0;
	s1 =	sshll.u32 s1, $0x11  }
0xbc: {  	s0 =	sor.u32 s1, s0  }
0xbd: {  	s0 =	sadd.s32 $0x8F2B, s0  }
0xbe: {  	[sflag:s0] =	ssyncadd.remote.s32 $0x1  }
0xbf: {  	_ =	sfence.sel $0xFFFF  }
0xc0: {  	[dreg:$0x0] =	wrdreg $0xFFFFFFFF;
	(pc) =	sbr.abs _section_cstart, $3  }
0xc1: {  	[dreg:$0x1] =	wrdreg $0xFFFFFFFF  }
0xc2: {  	_ =	task.clear_ibuf [dreg:s6], $0x2FFFF;
	_ =	strace $0x9FFFFFFF  }
0xc3: {  	(tm) =	ssettm $0x7FFFFFFF  }
tec
execute0_lowered:
.L_overlay_start_1:
0x0: {  	(tag) =	ssettag $0x1  }
0x1: {  	s0 =	rddreg [dreg:$0x0]  }
0x2: {  	s1 =	rddreg [dreg:$0x1]  }
0x3: {  	s2 =	rddreg [dreg:$0x2]  }
0x4: {  	s4 =	simm.s32 $0x0;
	s3 =	simm.s32 $0x0;
	s17 =	srdreg.scid  }
0x5: {  	s15 =	stileid.u32;
	s28 =	simm.s32 $0x2;
	s29 =	simm.s32 $0x3  }
0x6: {  	s30 =	simm.s32 $0x4;
	s31 =	simm.s32 $0x5;
	[dreg:$0x4] =	wrdreg s3  }
0x7: {  	[smem:$0x7FF] =	sst s4;
	s5 =	sadd.s32 $0x3E400, s0;
	s23 =	smul.u32 $0x2800, s15  }
0x8: {  	s3 =	sand.u32 $0x1, s17;
	s6 =	sadd.s32 $0x43400, s0;
	s12 =	smul.u32 $0x14000, s15  }
0x9: {  	s8 =	sshll.u32 s15, $0x1;
	s7 =	sadd.s32 $0x16400, s0;
	s13 =	smul.u32 $0xA000, s15  }
0xa: {  	s10 =	sadd.s32 $0xC600, s0;
	s19 =	sadd.s32 $0x2800, s0;
	s18 =	smul.u32 $0x5000, s3  }
0xb: {  	_ =	strace $0x80000047;
	s9 =	smul.u32 $0x28000, s3;
	s8 =	sor.u32 s3, s8  }
0xc: {  	[dreg:$0x5] =	wrdreg s10;
	s3 =	ssub.s32 $0x2, s3;
	s20 =	smul.u32 $0xA0, s8  }
0xd: {  	[dreg:$0x6] =	wrdreg s19;
	s21 =	sshrl.u32 s3, $0x1;
	s8 =	smul.u32 $0x280, s15  }
0xe: {  	s24 =	sshrl.u32 s23, $0x3;
	s10 =	sadd.s32 s23, s1;
	s14 =	sshrl.u32 s12, $0x3  }
0xf: {  	s12 =	sadd.s32 s12, s2;
	s15 =	smul.u32 $0x50000, s15;
	s25 =	sshrl.u32 s13, $0x2  }
0x10: {  	s4 =	sadd.s32 s18, s0;
	s0 =	sadd.s32 s9, s0;
	s3 =	ssub.s32 s3, s21  }
0x11: {  	[dreg:$0x7] =	wrdreg s20;
	s22 =	ssub.s32 $0x1388, s20;
	s4 =	sadd.s32 $0x48400, s4  }
0x12: {  	s0 =	sadd.s32 $0x52400, s0;
	s3 =	smax.u32 s3, $0x1;
	s26 =	sor.u32 $0x40, s8  }
0x13: {  	s16 =	sshrl.u32 s15, $0x2;
	s19 =	sadd.s32 $0x80, s8;
	s23 =	sadd.s32 $0xC0, s8  }
0x14: {  	s9 =	sadd.s32 $0x140, s8;
	s15 =	sadd.s32 $0x180, s8;
	s11 =	smin.u32 s22, $0xA0  }
0x15: {  	[dreg:$0x8] =	wrdreg s3;
	s3 =	sadd.s32 s25, s1;
	s17 =	sshll.u32 s26, $0x4  }
0x16: {  	s13 =	sshll.u32 s26, $0x7;
	s22 =	sadd.s32 s24, s4;
	[dreg:$0x9] =	wrdreg s3  }
0x17: {  	s20 =	sshll.u32 s19, $0x4;
	s0 =	sadd.s32 s14, s0;
	[dreg:$0xf] =	wrdreg s22  }
0x18: {  	s24 =	sshll.u32 s23, $0x4;
	s3 =	sadd.s32 s16, s2;
	[dreg:$0x10] =	wrdreg s0  }
0x19: {  	s25 =	sadd.s32 $0x100, s8;
	s18 =	sadd.s32 s17, s1;
	[dreg:$0xa] =	wrdreg s3  }
0x1a: {  	s13 =	sadd.s32 s13, s2;
	s21 =	sadd.s32 s20, s1;
	[dreg:$0xb] =	wrdreg s18  }
0x1b: {  	s0 =	sadd.s32 s24, s1;
	s4 =	sshll.u32 s25, $0x7;
	[dreg:$0xc] =	wrdreg s13  }
0x1c: {  	s16 =	sshll.u32 s15, $0x4;
	s17 =	sadd.s32 $0x1C0, s8;
	[dreg:$0xd] =	wrdreg s21  }
0x1d: {  	s20 =	sadd.s32 $0x200, s8;
	s3 =	sshll.u32 s19, $0x7;
	[dreg:$0x11] =	wrdreg s0  }
0x1e: {  	s13 =	sshll.u32 s9, $0x4;
	s18 =	sshll.u32 s17, $0x4;
	s3 =	sadd.s32 s3, s2  }
0x1f: {  	s21 =	sadd.s32 $0x240, s8;
	[dreg:$0xe] =	wrdreg s3;
	s3 =	sshll.u32 s23, $0x7  }
0x20: {  	s19 =	sshll.u32 s17, $0x7;
	s23 =	sshll.u32 s21, $0x4;
	s26 =	sadd.s32 s3, s2  }
0x21: {  	s22 =	sshll.u32 s20, $0x4;
	s24 =	sadd.s32 s23, s1;
	[dreg:$0x12] =	wrdreg s26  }
0x22: {  	s3 =	sshll.u32 s25, $0x4;
	s25 =	sshrl.u32 s10, $0x3;
	[dreg:$0x1d] =	wrdreg s24  }
0x23: {  	s23 =	simm.s32 $0x1800;
	s0 =	sadd.s32 s3, s1;
	[dreg:$0x1f] =	wrdreg s25  }
0x24: {  	s3 =	sshll.u32 s9, $0x7;
	s26 =	sshrl.u32 s12, $0x3;
	[dreg:$0x13] =	wrdreg s0  }
0x25: {  	s24 =	simm.s32 $0x2000;
	s0 =	sadd.s32 s4, s2;
	[smem:$0x7FD] =	sst s26  }
0x26: {  	s25 =	simm.s32 $0x4400;
	s14 =	sadd.s32 s3, s2;
	[dreg:$0x14] =	wrdreg s0  }
0x27: {  	s3 =	sadd.s32 s16, s1;
	s4 =	sadd.s32 s22, s1;
	[dreg:$0x16] =	wrdreg s14  }
0x28: {  	s16 =	simm.s32 $0x6400;
	s0 =	sadd.s32 s13, s1;
	[dreg:$0x17] =	wrdreg s3  }
0x29: {  	s26 =	simm.s32 $0x1;
	[dreg:$0x15] =	wrdreg s0;
	s0 =	sshll.u32 s15, $0x7  }
0x2a: {  	[dreg:$0x1b] =	wrdreg s4;
	s3 =	sshll.u32 s20, $0x7;
	s0 =	sadd.s32 s0, s2  }
.Ltmp0:
0x2b: {  	[dreg:$0x18] =	wrdreg s0;
	s0 =	sadd.s32 s18, s1;
	(pc) =	sbr.rel .LBB2_1-.Ltmp0, $4  }
0x2c: {  	s20 =	simm.s32 $0x40;
	[dreg:$0x19] =	wrdreg s0;
	s0 =	sadd.s32 s19, s2  }
0x2d: {  	s3 =	sadd.s32 s3, s2;
	[dreg:$0x1a] =	wrdreg s0;
	s0 =	sshll.u32 s21, $0x7  }
0x2e: {  	v1 =	vlaneseq.u32;
	s4 =	simm.s32 $0x6800;
	[dreg:$0x1c] =	wrdreg s3;
	s0 =	sadd.s32 s0, s2  }
0x2f: {  	v0 =	vimm.f32 $0.0e+00;
	v1 =	vor.u32 $0x8, v1;
	s18 =	simm.s32 $0x2400;
	[dreg:$0x1e] =	wrdreg s0;
	s0 =	simm.s32 $0x6  }
.LBB2_14:
0x30: {  	s3 =	simm.s32 $0x7  }
0x31: {  	_ =	swait.ge [sflag:s3], $0x400  }
0x32: {  	[sflag:s3] =	ssyncset.done $0x0  }
0x33: {  	s12 =	simm.s32 $0x8;
	[sflag:s3] =	ssyncadd.s32 $0xFFFFFC00  }
0x34: {  	_ =	swait.ge [sflag:s12], $0x2000  }
0x35: {  	[sflag:s12] =	ssyncset.done $0x0  }
0x36: {  	s13 =	simm.s32 $0x9;
	[sflag:s12] =	ssyncadd.s32 $0xFFFFE000  }
0x37: {  	_ =	swait.ge [sflag:s13], $0x400  }
0x38: {  	[sflag:s13] =	ssyncset.done $0x0  }
0x39: {  	s14 =	simm.s32 $0xA;
	[sflag:s13] =	ssyncadd.s32 $0xFFFFFC00  }
0x3a: {  	_ =	swait.ge [sflag:s14], $0x2000  }
0x3b: {  	[sflag:s14] =	ssyncset.done $0x0  }
0x3c: {  	[sflag:s14] =	ssyncadd.s32 $0xFFFFE000  }
0x3d: {  	s15 =	stileid.u32;
	[bflag:$0x0] =	sbarrier.arrive $0xFFFF  }
0x3e: {  	s3 =	sshll.u32 s15, $0x6;
	s8 =	rddreg [dreg:$0xf]  }
0x3f: {  	s10 =	simm.s32 $0xB;
	s3 =	sor.u32 $0x1C0B, s3;
	s9 =	rddreg [dreg:$0x1f]  }
0x40: {  	[hbm:s8], [sflag:s3] =	dma.local [spmem:s9], $0x500  }
0x41: {  	_ =	swait.ge [sflag:s10], $0x500  }
0x42: {  	s19 =	sld [smem:$0x7FD]  }
0x43: {  	[sflag:s10] =	ssyncset.done $0x0  }
0x44: {  	s17 =	rddreg [dreg:$0x10];
	[sflag:s10] =	ssyncadd.s32 $0xFFFFFB00  }
0x45: {  	[hbm:s17], [sflag:s3] =	dma.local [spmem:s19], $0x2800  }
0x46: {  	_ =	swait.ge [sflag:s10], $0x2800  }
0x47: {  	s21 =	rddreg [dreg:$0x4]  }
0x48: {  	s22 =	rddreg [dreg:$0x8];
	s3 =	sadd.s32 $0x1, s21  }
0x49: {  	p0 =	sne.s32 s3, s22  }
.Ltmp1:
0x4a: {  	_ = 	snop;
	(pc) =	sbr.rel @!p0 .LBB2_15-.Ltmp1, $3  }
0x4b: {  	_ =	sdelay $0x1  }
0x4c: {  	[sflag:s10] =	ssyncset.done $0x0  }
0x4d: {  	[sflag:s10] =	ssyncadd.s32 $0xFFFFD800;
	[dreg:$0x4] =	wrdreg s3  }
.LBB2_1:
0x4e: {  	s8 =	simm.s32 $0x0  }
0x4f: {  	s3 =	simm.s32 $0x2440;
	[tilespmem:s8+$0x6400] =	vst v0;
	s8 =	simm.s32 $0x40  }
.LBB2_2:
0x50: {  	p0 =	sne.s32 s8, $0xFC0;
	[tilespmem:s3+$0xFFFFFFC0] =	vst v0  }
0x51: {  	[tilespmem:s3+$0xFFFFFFD0] =	vst v0  }
0x52: {  	[tilespmem:s3+$0xFFFFFFE0] =	vst v0  }
0x53: {  	[tilespmem:s3+$0xFFFFFFF0] =	vst v0  }
.Ltmp2:
0x54: {  	[tilespmem:s3+$0x0] =	vst v0;
	(pc) =	sbr.rel @p0 .LBB2_2-.Ltmp2, $4  }
0x55: {  	[tilespmem:s3+$0x10] =	vst v0  }
0x56: {  	[tilespmem:s3+$0x20] =	vst v0  }
0x57: {  	s9 =	sshra.s32 s8, $0x2;
	[tilespmem:s3+$0x30] =	vst v0  }
0x58: {  	s8 =	sadd.s32 $0x40, s8;
	s3 =	sadd.s32 $0x80, s3;
	[tilespmem:s9+$0x6400] =	vst v0  }
0x59: {  	[tilespmem:s3+$0xFFFFFFC0] =	vst v0  }
0x5a: {  	[tilespmem:s3+$0xFFFFFFD0] =	vst v0  }
0x5b: {  	[tilespmem:s3+$0xFFFFFFE0] =	vst v0  }
0x5c: {  	[tilespmem:s3+$0xFFFFFFF0] =	vst v0  }
0x5d: {  	[tilespmem:s3+$0x0] =	vst v0  }
0x5e: {  	[tilespmem:s3+$0x10] =	vst v0  }
0x5f: {  	[tilespmem:s3+$0x20] =	vst v0  }
0x60: {  	[tilespmem:s3+$0x30] =	vst v0;
	s9 =	rddreg [dreg:$0x9];
	s8 =	simm.s32 $0xB  }
0x61: {  	[spmem:s9] =	stream.linear.scatter [tilespmem:s16], [sflag:$0xB], $0x400, $0x38;
	[tilespmem:$0x1D400] =	vst v63  }
0x62: {  	_ =	swait.ge [sflag:s8], $0x400  }
0x63: {  	[sflag:s8] =	ssyncset.done $0x0  }
0x64: {  	s10 =	rddreg [dreg:$0xa];
	[sflag:s8] =	ssyncadd.s32 $0xFFFFFC00  }
0x65: {  	[spmem:s10] =	stream.linear.scatter [tilespmem:s18], [sflag:$0xB], $0x2000, $0x38;
	[tilespmem:$0x1D400] =	vst v63  }
0x66: {  	_ =	swait.ge [sflag:s8], $0x2000  }
0x67: {  	[sflag:s8] =	ssyncset.done $0x0  }
0x68: {  	s12 =	rddreg [dreg:$0xb];
	[sflag:s8] =	ssyncadd.s32 $0xFFFFE000  }
0x69: {  	[spmem:s12] =	stream.linear.scatter [tilespmem:s16], [sflag:$0xB], $0x400, $0x38;
	[tilespmem:$0x1D400] =	vst v63  }
0x6a: {  	_ =	swait.ge [sflag:s8], $0x400  }
0x6b: {  	[sflag:s8] =	ssyncset.done $0x0  }
0x6c: {  	s13 =	rddreg [dreg:$0xc];
	[sflag:s8] =	ssyncadd.s32 $0xFFFFFC00  }
0x6d: {  	[spmem:s13] =	stream.linear.scatter [tilespmem:s18], [sflag:$0xB], $0x2000, $0x38;
	[tilespmem:$0x1D400] =	vst v63  }
0x6e: {  	_ =	swait.ge [sflag:s8], $0x2000  }
0x6f: {  	[sflag:s8] =	ssyncset.done $0x0  }
0x70: {  	s14 =	rddreg [dreg:$0xd];
	[sflag:s8] =	ssyncadd.s32 $0xFFFFE000  }
0x71: {  	[spmem:s14] =	stream.linear.scatter [tilespmem:s16], [sflag:$0xB], $0x400, $0x38;
	[tilespmem:$0x1D400] =	vst v63  }
0x72: {  	_ =	swait.ge [sflag:s8], $0x400  }
0x73: {  	[sflag:s8] =	ssyncset.done $0x0  }
0x74: {  	s15 =	rddreg [dreg:$0xe];
	[sflag:s8] =	ssyncadd.s32 $0xFFFFFC00  }
0x75: {  	[spmem:s15] =	stream.linear.scatter [tilespmem:s18], [sflag:$0xB], $0x2000, $0x38;
	[tilespmem:$0x1D400] =	vst v63  }
0x76: {  	_ =	swait.ge [sflag:s8], $0x2000  }
0x77: {  	[sflag:s8] =	ssyncset.done $0x0  }
0x78: {  	s17 =	rddreg [dreg:$0x11];
	[sflag:s8] =	ssyncadd.s32 $0xFFFFE000  }
0x79: {  	[spmem:s17] =	stream.linear.scatter [tilespmem:s16], [sflag:$0xB], $0x400, $0x38;
	[tilespmem:$0x1D400] =	vst v63  }
0x7a: {  	_ =	swait.ge [sflag:s8], $0x400  }
0x7b: {  	[sflag:s8] =	ssyncset.done $0x0  }
0x7c: {  	s19 =	rddreg [dreg:$0x12];
	[sflag:s8] =	ssyncadd.s32 $0xFFFFFC00  }
0x7d: {  	[spmem:s19] =	stream.linear.scatter [tilespmem:s18], [sflag:$0xB], $0x2000, $0x38;
	[tilespmem:$0x1D400] =	vst v63  }
0x7e: {  	_ =	swait.ge [sflag:s8], $0x2000  }
0x7f: {  	[sflag:s8] =	ssyncset.done $0x0  }
0x80: {  	s21 =	rddreg [dreg:$0x13];
	[sflag:s8] =	ssyncadd.s32 $0xFFFFE000  }
0x81: {  	[spmem:s21] =	stream.linear.scatter [tilespmem:s16], [sflag:$0xB], $0x400, $0x38;
	[tilespmem:$0x1D400] =	vst v63  }
0x82: {  	_ =	swait.ge [sflag:s8], $0x400  }
0x83: {  	[sflag:s8] =	ssyncset.done $0x0  }
0x84: {  	s22 =	rddreg [dreg:$0x14];
	[sflag:s8] =	ssyncadd.s32 $0xFFFFFC00  }
0x85: {  	[spmem:s22] =	stream.linear.scatter [tilespmem:s18], [sflag:$0xB], $0x2000, $0x38;
	[tilespmem:$0x1D400] =	vst v63  }
0x86: {  	_ =	swait.ge [sflag:s8], $0x2000  }
0x87: {  	[sflag:s8] =	ssyncset.done $0x0  }
0x88: {  	s9 =	rddreg [dreg:$0x15];
	[sflag:s8] =	ssyncadd.s32 $0xFFFFE000  }
0x89: {  	[spmem:s9] =	stream.linear.scatter [tilespmem:s16], [sflag:$0xB], $0x400, $0x38;
	[tilespmem:$0x1D400] =	vst v63  }
0x8a: {  	_ =	swait.ge [sflag:s8], $0x400  }
0x8b: {  	[sflag:s8] =	ssyncset.done $0x0  }
0x8c: {  	s10 =	rddreg [dreg:$0x16];
	[sflag:s8] =	ssyncadd.s32 $0xFFFFFC00  }
0x8d: {  	[spmem:s10] =	stream.linear.scatter [tilespmem:s18], [sflag:$0xB], $0x2000, $0x38;
	[tilespmem:$0x1D400] =	vst v63  }
0x8e: {  	_ =	swait.ge [sflag:s8], $0x2000  }
0x8f: {  	[sflag:s8] =	ssyncset.done $0x0  }
0x90: {  	s12 =	rddreg [dreg:$0x17];
	[sflag:s8] =	ssyncadd.s32 $0xFFFFE000  }
0x91: {  	[spmem:s12] =	stream.linear.scatter [tilespmem:s16], [sflag:$0xB], $0x400, $0x38;
	[tilespmem:$0x1D400] =	vst v63  }
0x92: {  	_ =	swait.ge [sflag:s8], $0x400  }
0x93: {  	[sflag:s8] =	ssyncset.done $0x0  }
0x94: {  	s13 =	rddreg [dreg:$0x18];
	[sflag:s8] =	ssyncadd.s32 $0xFFFFFC00  }
0x95: {  	[spmem:s13] =	stream.linear.scatter [tilespmem:s18], [sflag:$0xB], $0x2000, $0x38;
	[tilespmem:$0x1D400] =	vst v63  }
0x96: {  	_ =	swait.ge [sflag:s8], $0x2000  }
0x97: {  	[sflag:s8] =	ssyncset.done $0x0  }
0x98: {  	s14 =	rddreg [dreg:$0x19];
	[sflag:s8] =	ssyncadd.s32 $0xFFFFE000  }
0x99: {  	[spmem:s14] =	stream.linear.scatter [tilespmem:s16], [sflag:$0xB], $0x400, $0x38;
	[tilespmem:$0x1D400] =	vst v63  }
0x9a: {  	_ =	swait.ge [sflag:s8], $0x400  }
0x9b: {  	[sflag:s8] =	ssyncset.done $0x0  }
0x9c: {  	s15 =	rddreg [dreg:$0x1a];
	[sflag:s8] =	ssyncadd.s32 $0xFFFFFC00  }
0x9d: {  	[spmem:s15] =	stream.linear.scatter [tilespmem:s18], [sflag:$0xB], $0x2000, $0x38;
	[tilespmem:$0x1D400] =	vst v63  }
0x9e: {  	_ =	swait.ge [sflag:s8], $0x2000  }
0x9f: {  	[sflag:s8] =	ssyncset.done $0x0  }
0xa0: {  	s17 =	rddreg [dreg:$0x1b];
	[sflag:s8] =	ssyncadd.s32 $0xFFFFE000  }
0xa1: {  	[spmem:s17] =	stream.linear.scatter [tilespmem:s16], [sflag:$0xB], $0x400, $0x38;
	[tilespmem:$0x1D400] =	vst v63  }
0xa2: {  	_ =	swait.ge [sflag:s8], $0x400  }
0xa3: {  	[sflag:s8] =	ssyncset.done $0x0  }
0xa4: {  	s19 =	rddreg [dreg:$0x1c];
	[sflag:s8] =	ssyncadd.s32 $0xFFFFFC00  }
0xa5: {  	[spmem:s19] =	stream.linear.scatter [tilespmem:s18], [sflag:$0xB], $0x2000, $0x38;
	[tilespmem:$0x1D400] =	vst v63  }
0xa6: {  	_ =	swait.ge [sflag:s8], $0x2000  }
0xa7: {  	[sflag:s8] =	ssyncset.done $0x0  }
0xa8: {  	s21 =	rddreg [dreg:$0x1d];
	[sflag:s8] =	ssyncadd.s32 $0xFFFFE000  }
0xa9: {  	[spmem:s21] =	stream.linear.scatter [tilespmem:s16], [sflag:$0xB], $0x400, $0x38;
	[tilespmem:$0x1D400] =	vst v63  }
0xaa: {  	_ =	swait.ge [sflag:s8], $0x400  }
0xab: {  	[sflag:s8] =	ssyncset.done $0x0  }
0xac: {  	s22 =	rddreg [dreg:$0x1e];
	[sflag:s8] =	ssyncadd.s32 $0xFFFFFC00  }
0xad: {  	[spmem:s22] =	stream.linear.scatter [tilespmem:s18], [sflag:$0xB], $0x2000, $0x38;
	[tilespmem:$0x1D400] =	vst v63  }
.Ltmp3:
0xae: {  	_ =	swait.ge [sflag:s8], $0x2000;
	(pc) =	sbr.rel .LBB2_4-.Ltmp3, $4  }
0xaf: {  	[sflag:s8] =	ssyncset.done $0x0  }
0xb0: {  	[sflag:s8] =	ssyncadd.s32 $0xFFFFE000  }
0xb1: {  	[bflag:$0x0] =	sbarrier.arrive $0xFFFF  }
0xb2: {  	s12 =	simm.s32 $0x0  }
.LBB2_13:
0xb3: {  	s12 =	sadd.s32 $0x1, s12  }
0xb4: {  	p0 =	sne.s32 s12, $0x4  }
.Ltmp4:
0xb5: {  	_ = 	snop;
	(pc) =	sbr.rel @!p0 .LBB2_14-.Ltmp4, $1  }
0xb6: {  	_ =	sdelay $0x3  }
.LBB2_4:
0xb7: {  	s13 =	smul.u32 $0x28, s12;
	_ =	sdelay $0x1  }
0xb8: {  	p0 =	sge.u32 s13, s11  }
.Ltmp5:
0xb9: {  	_ = 	snop;
	(pc) =	sbr.rel @p0 .LBB2_13-.Ltmp5, $1  }
0xba: {  	_ =	sdelay $0x3  }
0xbb: {  	s3 =	rddreg [dreg:$0x7]  }
0xbc: {  	s3 =	sadd.s32 s3, s13  }
0xbd: {  	s8 =	rddreg [dreg:$0x5];
	s3 =	sshll.u32 s3, $0x3  }
0xbe: {  	s14 =	simm.s32 $0x0;
	s9 =	simm.s32 $0xB;
	s8 =	sadd.s32 s8, s3  }
0xbf: {  	[tilespmem:s14], [sflag:$0xB] =	stream.linear.gather [hbm4b:s8+s14], $0xA00, $0x38;
	[tilespmem:$0x1D400] =	vst v63  }
0xc0: {  	_ =	swait.ge [sflag:s9], $0xA00  }
0xc1: {  	s22 =	simm.s32 $0xA00;
	[sflag:s9] =	ssyncset.done $0x0;
	s21 =	rddreg [dreg:$0x6]  }
.Ltmp6:
0xc2: {  	[sflag:s9] =	ssyncadd.s32 $0xFFFFF600;
	s3 =	sadd.s32 s21, s3;
	(pc) =	sbr.rel .LBB2_6-.Ltmp6, $4  }
0xc3: {  	[tilespmem:s22], [sflag:$0xB] =	stream.linear.gather [hbm4b:s3+s14], $0xA00, $0x38;
	[tilespmem:$0x1D400] =	vst v63  }
0xc4: {  	_ =	swait.ge [sflag:s9], $0xA00  }
0xc5: {  	[sflag:s9] =	ssyncset.done $0x0  }
0xc6: {  	[sflag:s9] =	ssyncadd.s32 $0xFFFFF600  }
.LBB2_11:
0xc7: {  	v38 =	vmul.f32 v38, v44  }
0xc8: {  	v61 =	vmul.f32 v45, v47  }
0xc9: {  	v41 =	vmul.f32 v41, v48;
	[tilespmem:s9+$0xFFFFFE10] =	vst v38  }
0xca: {  	v62 =	vmul.f32 v49, v46;
	[tilespmem:s9+$0xFFFFFE20] =	vst v61  }
0xcb: {  	v39 =	vmul.f32 v50, v39;
	[tilespmem:s9+$0xFFFFFE30] =	vst v41  }
0xcc: {  	v63 =	vmul.f32 v51, v42;
	[tilespmem:s9+$0xFFFFFE40] =	vst v62  }
0xcd: {  	v42 =	vmul.f32 v53, v40;
	[tilespmem:s9+$0xFFFFFE50] =	vst v39  }
0xce: {  	v44 =	vmul.f32 v54, v43;
	[tilespmem:s9+$0xFFFFFE60] =	vst v63  }
0xcf: {  	v25 =	vmul.f32 v25, v26;
	[tilespmem:s9+$0xFFFFFE70] =	vst v42  }
0xd0: {  	v45 =	vld [tilespmem:s9+$0xFFFFFEF0];
	v28 =	vmul.f32 v29, v28;
	[tilespmem:s9+$0xFFFFFE80] =	vst v44  }
0xd1: {  	v46 =	vld [tilespmem:s9+$0xFFFFFF00];
	v27 =	vmul.f32 v27, v31;
	[tilespmem:s9+$0xFFFFFE90] =	vst v25  }
0xd2: {  	v47 =	vmul.f32 v33, v37;
	v48 =	vld [tilespmem:s9+$0xFFFFFF10];
	[tilespmem:s9+$0xFFFFFEA0] =	vst v28  }
0xd3: {  	v49 =	vmul.f32 v35, v36;
	v50 =	vld [tilespmem:s9+$0xFFFFFF20];
	[tilespmem:s9+$0xFFFFFEB0] =	vst v27  }
0xd4: {  	v51 =	vmul.f32 v52, v34;
	v52 =	vld [tilespmem:s9+$0xFFFFFF30];
	[tilespmem:s9+$0xFFFFFEC0] =	vst v47  }
0xd5: {  	v12 =	vmul.f32 v12, v14;
	v53 =	vld [tilespmem:s9+$0xFFFFFF40];
	[tilespmem:s9+$0xFFFFFED0] =	vst v49  }
0xd6: {  	v54 =	vld [tilespmem:s9+$0xFFFFFF50];
	v2 =	vmul.f32 v7, v2;
	[tilespmem:s9+$0xFFFFFEE0] =	vst v51  }
0xd7: {  	v58 =	vld [tilespmem:s9+$0xFFFFFFB0];
	v3 =	vmul.f32 v8, v3;
	[tilespmem:s9+$0xFFFFFF90] =	vst v12  }
0xd8: {  	v59 =	vld [tilespmem:s9+$0xFFFFFFC0];
	v4 =	vmul.f32 v9, v4;
	[tilespmem:s3+$0xFFFFFFD0] =	vst v2  }
0xd9: {  	v60 =	vld [tilespmem:s9+$0xFFFFFFD0];
	v11 =	vmul.f32 v11, v13;
	[tilespmem:s3+$0xFFFFFFE0] =	vst v3  }
0xda: {  	v61 =	vld [tilespmem:s9+$0xFFFFFFE0];
	[tilespmem:s3+$0xFFFFFFF0] =	vst v4;
	v23 =	vmul.f32 v45, v23  }
0xdb: {  	v62 =	vld [tilespmem:s9+$0xFFFFFFF0];
	[tilespmem:s10+$0xFFFFFFA0] =	vst v11;
	v24 =	vmul.f32 v46, v24  }
0xdc: {  	v55 =	vld [tilespmem:s9+$0xFFFFFF60];
	v22 =	vmul.f32 v22, v48;
	[tilespmem:s9+$0xFFFFFEF0] =	vst v23  }
0xdd: {  	v21 =	vmul.f32 v21, v50;
	[tilespmem:s9+$0xFFFFFF00] =	vst v24  }
0xde: {  	v20 =	vmul.f32 v20, v52;
	[tilespmem:s9+$0xFFFFFF10] =	vst v22  }
0xdf: {  	v14 =	vmul.f32 v53, v18;
	[tilespmem:s9+$0xFFFFFF20] =	vst v21  }
0xe0: {  	v56 =	vld [tilespmem:s9+$0xFFFFFF70];
	v19 =	vmul.f32 v54, v19;
	[tilespmem:s9+$0xFFFFFF30] =	vst v20  }
0xe1: {  	v57 =	vld [tilespmem:s9+$0xFFFFFF80];
	v17 =	vmul.f32 v55, v17;
	[tilespmem:s9+$0xFFFFFF40] =	vst v14  }
0xe2: {  	v5 =	vmul.f32 v5, v58;
	[tilespmem:s9+$0xFFFFFF50] =	vst v19  }
0xe3: {  	v6 =	vmul.f32 v59, v6;
	[tilespmem:s9+$0xFFFFFF60] =	vst v17  }
0xe4: {  	v2 =	vmul.f32 v60, v10;
	[tilespmem:s10+$0xFFFFFFB0] =	vst v5  }
0xe5: {  	v12 =	vmul.f32 v56, v16;
	[tilespmem:s10+$0xFFFFFFC0] =	vst v6  }
0xe6: {  	v15 =	vmul.f32 v57, v15;
	[tilespmem:s10+$0xFFFFFFD0] =	vst v2  }
0xe7: {  	v3 =	vmul.f32 v61, v32;
	[tilespmem:s10+$0xFFFFFF70] =	vst v12  }
0xe8: {  	v63 =	vmul.f32 v62, v30;
	[tilespmem:s10+$0xFFFFFF80] =	vst v15  }
0xe9: {  	[tilespmem:s10+$0xFFFFFFE0] =	vst v3  }
0xea: {  	[tilespmem:s10+$0xFFFFFFF0] =	vst v63  }
0xeb: {  	[spmem:s1] =	stream.indirect.scatter.add.f32 [tilespmem:s4], [sflag:$0x9], $0x10, s15, s20, $0xb8;
	[tilespmem:$0x1D400] =	vst v63  }
0xec: {  	_ = 	snop  }
0xed: {  	[spmem:s2] =	stream.indirect.scatter.add.f32 [tilespmem:s25], [sflag:$0xA], $0x80, s15, s20, $0xb8;
	[tilespmem:$0x1D400] =	vst v63  }
.LBB2_12:
0xee: {  	s14 =	sadd.s32 $0x1, s14  }
0xef: {  	p0 =	sne.s32 s14, $0x14  }
.Ltmp7:
0xf0: {  	_ = 	snop;
	(pc) =	sbr.rel @!p0 .LBB2_13-.Ltmp7, $1  }
0xf1: {  	_ =	sdelay $0x3  }
.LBB2_6:
0xf2: {  	s3 =	sshll.u32 s14, $0x1  }
0xf3: {  	s3 =	sadd.s32 s13, s3  }
0xf4: {  	p0 =	sge.u32 s3, s11  }
.Ltmp8:
0xf5: {  	_ = 	snop;
	(pc) =	sbr.rel @p0 .LBB2_12-.Ltmp8, $1  }
0xf6: {  	_ =	sdelay $0x3  }
0xf7: {  	s3 =	sor.u32 s13, s14  }
0xf8: {  	p0 =	seq.s32 s3, $0x0  }
0xf9: {  	s3 =	simm.s32 @!p0 $0x7  }
0xfa: {  	_ =	swait.ge @!p0 [sflag:s3], $0x400  }
0xfb: {  	[sflag:s3] =	ssyncset.done @!p0 $0x0  }
0xfc: {  	[sflag:s3] =	ssyncadd.s32 @!p0 $0xFFFFFC00;
	s3 =	simm.s32 @!p0 $0x8  }
0xfd: {  	_ =	swait.ge @!p0 [sflag:s3], $0x2000  }
0xfe: {  	[sflag:s3] =	ssyncset.done @!p0 $0x0  }
0xff: {  	[sflag:s3] =	ssyncadd.s32 @!p0 $0xFFFFE000;
	s3 =	simm.s32 @!p0 $0x9  }
0x100: {  	_ =	swait.ge @!p0 [sflag:s3], $0x400  }
0x101: {  	[sflag:s3] =	ssyncset.done @!p0 $0x0  }
0x102: {  	[sflag:s3] =	ssyncadd.s32 @!p0 $0xFFFFFC00;
	s3 =	simm.s32 @!p0 $0xA  }
0x103: {  	_ =	swait.ge @!p0 [sflag:s3], $0x2000  }
0x104: {  	[sflag:s3] =	ssyncset.done @!p0 $0x0  }
0x105: {  	s8 =	sshll.u32 s14, $0x7;
	s15 =	simm.s32 $0x1400;
	[sflag:s3] =	ssyncadd.s32 @!p0 $0xFFFFE000  }
0x106: {  	[tilespmem:s15], [sflag:$0x1] =	stream.indirect.gather [hbm4b:s5+s20], $0x10, s8, s20, $0xb8;
	[tilespmem:$0x1D400] =	vst v63  }
0x107: {  	s9 =	simm.s32 $0x1C00;
	s3 =	sadd.s32 $0xA00, s8  }
0x108: {  	[tilespmem:s9], [sflag:$0x2] =	stream.indirect.gather [hbm4b:s6+s20], $0x10, s3, s20, $0xb8;
	[tilespmem:$0x1D400] =	vst v63  }
0x109: {  	_ = 	snop  }
0x10a: {  	[tilespmem:s18], [sflag:$0x3] =	stream.indirect.gather [hbm4b:s7+s20], $0x80, s8, s20, $0xb8;
	[tilespmem:$0x1D400] =	vst v63  }
0x10b: {  	s17 =	sor.u32 $0x40, s8  }
0x10c: {  	[tilespmem:s23], [sflag:$0x4] =	stream.indirect.gather [hbm4b:s5+s20], $0x10, s17, s20, $0xb8;
	[tilespmem:$0x1D400] =	vst v63  }
0x10d: {  	s15 =	sadd.s32 $0xA40, s8  }
0x10e: {  	[tilespmem:s24], [sflag:$0x5] =	stream.indirect.gather [hbm4b:s6+s20], $0x10, s15, s20, $0xb8;
	[tilespmem:$0x1D400] =	vst v63  }
0x10f: {  	_ = 	snop  }
0x110: {  	[tilespmem:s25], [sflag:$0x6] =	stream.indirect.gather [hbm4b:s7+s20], $0x80, s17, s20, $0xb8;
	[tilespmem:$0x1D400] =	vst v63  }
0x111: {  	_ =	swait.ge [sflag:s26], $0x400  }
0x112: {  	[sflag:s26] =	ssyncset.done $0x0  }
0x113: {  	[sflag:s26] =	ssyncadd.s32 $0xFFFFFC00  }
0x114: {  	_ =	swait.ge [sflag:s28], $0x400  }
0x115: {  	[sflag:s28] =	ssyncset.done $0x0  }
0x116: {  	[sflag:s28] =	ssyncadd.s32 $0xFFFFFC00  }
0x117: {  	_ =	swait.ge [sflag:s29], $0x2000  }
0x118: {  	[sflag:s29] =	ssyncset.done $0x0  }
0x119: {  	s19 =	simm.s32 $0x1420;
	[sflag:s29] =	ssyncadd.s32 $0xFFFFE000  }
0x11a: {  	s21 =	simm.s32 $0x1C20;
	v2 =	vld [tilespmem:s19+$0x10]  }
0x11b: {  	v3 =	vld [tilespmem:s21+$0x10]  }
0x11c: {  	v5 =	vld [tilespmem:s19+$0xFFFFFFF0]  }
0x11d: {  	v6 =	vld [tilespmem:s21+$0xFFFFFFF0];
	_ =	sdelay $0x2  }
0x11e: {  	v7 =	vld [tilespmem:s19+$0x0];
	v2 =	vadd.f32 v3, v2  }
0x11f: {  	v8 =	vld [tilespmem:s21+$0x0]  }
0x120: {  	v4 =	vld [tilespmem:s21+$0xFFFFFFE0];
	v5 =	vadd.f32 v6, v5;
	v10 =	vmul.f32 $2.000000030e-01, v2  }
0x121: {  	v9 =	vld [tilespmem:s19+$0xFFFFFFE0]  }
0x122: {  	v2 =	vmax.f32 v2, v10;
	v10 =	vmul.f32 $2.000000030e-01, v5  }
0x123: {  	v2 =	vmul.f32 $1.442695020e+00, v2  }
0x124: {  	v7 =	vadd.f32 v8, v7;
	v5 =	vmax.f32 v5, v10  }
0x125: {  	(erf) = vpow2.f32 v2;
	v5 =	vmul.f32 $1.442695020e+00, v5  }
0x126: {  	v9 =	vadd.f32 v4, v9;
	v10 =	vmul.f32 $2.000000030e-01, v7  }
0x127: {  	(erf) = vpow2.f32 v5  }
0x128: {  	v2 =	vmul.f32 $2.000000030e-01, v9;
	v7 =	vmax.f32 v7, v10  }
0x129: {  	v7 =	vmul.f32 $1.442695020e+00, v7  }
0x12a: {  	v2 =	vmax.f32 v9, v2  }
0x12b: {  	v2 =	vmul.f32 $1.442695020e+00, v2;
	(erf) = vpow2.f32 v7;
	_ =	sdelay $0x1  }
0x12c: {  	(erf) = vpow2.f32 v2;
	v2 =	vperm.xlane v3, v1  }
0x12d: {  	v3 =	vpop (erf)  }
0x12e: {  	v7 =	vmul.f32 v3, v2;
	v2 =	vperm.xlane v6, v1  }
0x12f: {  	s10 =	simm.s32 $0x1460;
	v3 =	vpop (erf)  }
0x130: {  	s22 =	simm.s32 $0x6420;
	s8 =	simm.s32 $0x1C60;
	v51 =	vld [tilespmem:s10+$0x10];
	v3 =	vmul.f32 v3, v2  }
0x131: {  	s19 =	simm.s32 $0x2500;
	v53 =	vld [tilespmem:s8+$0x10];
	[tilespmem:s22+$0x10] =	vst v7;
	v2 =	vperm.xlane v4, v1;
	v4 =	vperm.xlane v8, v1  }
0x132: {  	v11 =	vbroadcast v7, $0x0;
	v12 =	vbroadcast v7, $0x1;
	v9 =	vld [tilespmem:s19+$0xF0]  }
0x133: {  	v5 =	vbroadcast v7, $0x2;
	v8 =	vld [tilespmem:s19+$0x80];
	v10 =	vpop (erf);
	v17 =	vbroadcast v3, $0x0  }
0x134: {  	v13 =	vld [tilespmem:s19+$0x90];
	[tilespmem:s22+$0xFFFFFFF0] =	vst v3;
	v10 =	vmul.f32 v10, v4;
	v4 =	vbroadcast v7, $0x7  }
0x135: {  	v19 =	vbroadcast v3, $0x1;
	v21 =	vbroadcast v3, $0x2;
	v15 =	vld [tilespmem:s19+$0xFFFFFF80]  }
0x136: {  	v34 =	vbroadcast v3, $0x3;
	v35 =	vbroadcast v3, $0x4;
	v16 =	vld [tilespmem:s19+$0xFFFFFF90]  }
0x137: {  	v6 =	vpop (erf);
	v37 =	vbroadcast v3, $0x5;
	v38 =	vbroadcast v3, $0x6;
	v18 =	vld [tilespmem:s19+$0xFFFFFFA0]  }
0x138: {  	v40 =	vbroadcast v3, $0x7;
	v14 =	vmul.f32 v6, v2;
	v42 =	vld [tilespmem:s19+$0xFFFFFFB0]  }
0x139: {  	v3 =	vbroadcast v7, $0x5;
	v6 =	vbroadcast v7, $0x3;
	v45 =	vld [tilespmem:s19+$0xFFFFFFC0]  }
0x13a: {  	v2 =	vbroadcast v7, $0x4;
	v48 =	vld [tilespmem:s19+$0xFFFFFFD0];
	v41 =	vbroadcast v10, $0x0;
	[tilespmem:s22+$0xFFFFFFE0] =	vst v14  }
0x13b: {  	v43 =	vbroadcast v10, $0x1;
	v44 =	vbroadcast v10, $0x2;
	v20 =	vld [tilespmem:s19+$0xFFFFFF00]  }
0x13c: {  	v46 =	vbroadcast v10, $0x3;
	v47 =	vbroadcast v10, $0x4;
	v23 =	vld [tilespmem:s19+$0xFFFFFF10]  }
0x13d: {  	v49 =	vbroadcast v10, $0x5;
	v50 =	vbroadcast v10, $0x6;
	v25 =	vld [tilespmem:s19+$0xFFFFFF20]  }
0x13e: {  	v52 =	vbroadcast v10, $0x7;
	v22 =	vbroadcast v14, $0x0;
	v28 =	vld [tilespmem:s19+$0xFFFFFF30]  }
0x13f: {  	v24 =	vbroadcast v14, $0x1;
	v26 =	vbroadcast v14, $0x2;
	v31 =	vld [tilespmem:s19+$0xFFFFFF40]  }
0x140: {  	v27 =	vbroadcast v14, $0x3;
	v29 =	vbroadcast v14, $0x4;
	v33 =	vld [tilespmem:s19+$0xFFFFFF50]  }
0x141: {  	v30 =	vbroadcast v14, $0x5;
	v32 =	vbroadcast v14, $0x6;
	v36 =	vld [tilespmem:s19+$0xFFFFFF60]  }
0x142: {  	v14 =	vbroadcast v14, $0x7;
	v9 =	vmul.f32 v9, v4;
	v39 =	vld [tilespmem:s19+$0xFFFFFF70]  }
0x143: {  	v4 =	vbroadcast v7, $0x6;
	v15 =	vmul.f32 v17, v15;
	v17 =	vld [tilespmem:s8+$0x0]  }
0x144: {  	v7 =	vmul.f32 v22, v20;
	v22 =	vmul.f32 v24, v23;
	v24 =	vld [tilespmem:s10+$0xFFFFFFF0]  }
0x145: {  	v23 =	vmul.f32 v26, v25;
	v25 =	vmul.f32 v28, v27;
	v27 =	vld [tilespmem:s8+$0xFFFFFFF0]  }
0x146: {  	v54 =	vmul.f32 v12, v13;
	v16 =	vmul.f32 v19, v16;
	v19 =	vld [tilespmem:s10+$0xFFFFFFE0]  }
0x147: {  	v26 =	vmul.f32 v31, v29;
	v28 =	vmul.f32 v33, v30;
	v30 =	vld [tilespmem:s10+$0x0];
	v31 =	vadd.f32 v53, v51  }
0x148: {  	[tilespmem:s22+$0x0] =	vst v10;
	v18 =	vmul.f32 v21, v18;
	v10 =	vmul.f32 v42, v34;
	v20 =	vld [tilespmem:s8+$0xFFFFFFE0]  }
0x149: {  	v57 =	vld [tilespmem:s19+$0xFFFFFFE0];
	[tilespmem:s19+$0xF0] =	vst v9;
	v9 =	vmul.f32 v45, v35;
	v21 =	vmul.f32 $2.000000030e-01, v31  }
0x14a: {  	v59 =	vld [tilespmem:s19+$0xFFFFFFF0];
	v58 =	vmul.f32 v48, v37;
	v29 =	vmul.f32 v36, v32;
	[tilespmem:s19+$0xFFFFFF00] =	vst v7;
	v24 =	vadd.f32 v27, v24  }
0x14b: {  	v14 =	vmul.f32 v39, v14;
	v7 =	vmul.f32 v11, v8;
	v11 =	vld [tilespmem:s19+$0x0];
	[tilespmem:s19+$0xFFFFFF10] =	vst v22;
	v8 =	vmax.f32 v31, v21  }
0x14c: {  	[tilespmem:s19+$0xFFFFFF30] =	vst v25;
	v25 =	vld [tilespmem:s19+$0x50];
	v22 =	vadd.f32 v17, v30;
	v8 =	vmul.f32 $1.442695020e+00, v8;
	v21 =	vmul.f32 $2.000000030e-01, v24  }
0x14d: {  	[tilespmem:s19+$0xFFFFFF70] =	vst v14;
	v14 =	vld [tilespmem:s19+$0xB0];
	v60 =	vperm.xlane v20, v1;
	v13 =	vperm.xlane v27, v1;
	v12 =	vadd.f32 v20, v19  }
0x14e: {  	v30 =	vld [tilespmem:s19+$0x10];
	(erf) = vpow2.f32 v8;
	v20 =	vmax.f32 v24, v21;
	v21 =	vmul.f32 $2.000000030e-01, v22  }
0x14f: {  	[tilespmem:s19+$0xFFFFFF20] =	vst v23;
	v19 =	vld [tilespmem:s19+$0x20];
	v17 =	vperm.xlane v17, v1;
	v20 =	vmul.f32 $1.442695020e+00, v20  }
0x150: {  	[tilespmem:s19+$0xFFFFFF40] =	vst v26;
	v8 =	vld [tilespmem:s19+$0x30];
	v23 =	vmul.f32 $2.000000030e-01, v12;
	v26 =	vmul.f32 v41, v11;
	v21 =	vmax.f32 v22, v21  }
0x151: {  	[tilespmem:s19+$0x90] =	vst v54;
	v11 =	vld [tilespmem:s19+$0xA0];
	v21 =	vmul.f32 $1.442695020e+00, v21;
	(erf) = vpow2.f32 v20  }
0x152: {  	[tilespmem:s19+$0xFFFFFF80] =	vst v15;
	v62 =	vmul.f32 v14, v6;
	v24 =	vld [tilespmem:s19+$0x40];
	v12 =	vmax.f32 v12, v23;
	v23 =	vmul.f32 v59, v40  }
0x153: {  	[tilespmem:s19+$0x80] =	vst v7;
	v7 =	vmul.f32 $1.442695020e+00, v12;
	v12 =	vld [tilespmem:s19+$0x70];
	(erf) = vpow2.f32 v21  }
0x154: {  	[tilespmem:s19+$0xFFFFFF90] =	vst v16;
	v15 =	vmul.f32 v43, v30;
	v16 =	vmul.f32 v44, v19;
	v20 =	vld [tilespmem:s19+$0x60]  }
0x155: {  	[tilespmem:s19+$0xFFFFFFA0] =	vst v18;
	v22 =	vmul.f32 v57, v38;
	v19 =	vmul.f32 v8, v46  }
0x156: {  	[tilespmem:s19+$0xFFFFFFB0] =	vst v10;
	v8 =	vperm.xlane v53, v1;
	(erf) = vpow2.f32 v7  }
0x157: {  	[tilespmem:s19+$0xFFFFFFC0] =	vst v9;
	v61 =	vmul.f32 v5, v11;
	v18 =	vmul.f32 v24, v47;
	v10 =	vpop (erf)  }
0x158: {  	v9 =	vld [tilespmem:s19+$0xE0];
	[tilespmem:s19+$0xFFFFFF50] =	vst v28;
	v21 =	vmul.f32 v25, v49;
	v30 =	vmul.f32 v10, v8  }
0x159: {  	s17 =	simm.s32 $0x6460;
	[tilespmem:s19+$0xFFFFFF60] =	vst v29;
	v7 =	vld [tilespmem:s19+$0xC0];
	v24 =	vmul.f32 v12, v52;
	v20 =	vmul.f32 v20, v50  }
0x15a: {  	s9 =	simm.s32 $0x2700;
	v8 =	vld [tilespmem:s19+$0xD0];
	[tilespmem:s17+$0x10] =	vst v30;
	v12 =	vbroadcast v30, $0x0;
	v11 =	vbroadcast v30, $0x1;
	v5 =	vpop (erf)  }
0x15b: {  	[tilespmem:s19+$0xFFFFFFE0] =	vst v22;
	v6 =	vbroadcast v30, $0x3;
	v63 =	vld [tilespmem:s9+$0xF0];
	v22 =	vmul.f32 v5, v13  }
0x15c: {  	[tilespmem:s19+$0xFFFFFFF0] =	vst v23;
	v10 =	vbroadcast v30, $0x4;
	v23 =	vbroadcast v30, $0x7;
	v14 =	vld [tilespmem:s9+$0x80];
	v13 =	vpop (erf)  }
0x15d: {  	v32 =	vbroadcast v30, $0x5;
	[tilespmem:s17+$0xFFFFFFF0] =	vst v22;
	v55 =	vmul.f32 v13, v17;
	v13 =	vld [tilespmem:s9+$0x90]  }
0x15e: {  	[tilespmem:s19+$0x0] =	vst v26;
	v5 =	vbroadcast v30, $0x2;
	v30 =	vbroadcast v30, $0x6;
	v26 =	vld [tilespmem:s9+$0xFFFFFF80]  }
0x15f: {  	[tilespmem:s19+$0x10] =	vst v15;
	v25 =	vbroadcast v22, $0x0;
	v17 =	vpop (erf);
	v29 =	vbroadcast v22, $0x1;
	v28 =	vld [tilespmem:s9+$0xFFFFFF90]  }
0x160: {  	[tilespmem:s19+$0x20] =	vst v16;
	v27 =	vbroadcast v22, $0x2;
	v17 =	vmul.f32 v17, v60;
	v31 =	vld [tilespmem:s9+$0xFFFFFFA0]  }
0x161: {  	[tilespmem:s19+$0x70] =	vst v24;
	v37 =	vbroadcast v22, $0x3;
	v36 =	vbroadcast v22, $0x4;
	v33 =	vld [tilespmem:s9+$0xFFFFFFB0]  }
0x162: {  	v34 =	vbroadcast v22, $0x5;
	v24 =	vbroadcast v22, $0x7;
	v35 =	vld [tilespmem:s9+$0xFFFFFFC0];
	[tilespmem:s17+$0xFFFFFFE0] =	vst v17  }
0x163: {  	[tilespmem:s19+$0x40] =	vst v18;
	v15 =	vmul.f32 v63, v23;
	v23 =	vbroadcast v22, $0x6;
	v44 =	vld [tilespmem:s9+$0xFFFFFF00]  }
0x164: {  	[tilespmem:s19+$0x50] =	vst v21;
	v22 =	vbroadcast v55, $0x0;
	v21 =	vbroadcast v55, $0x1;
	v47 =	vld [tilespmem:s9+$0xFFFFFF10]  }
0x165: {  	[tilespmem:s19+$0x60] =	vst v20;
	v20 =	vbroadcast v55, $0x2;
	v18 =	vbroadcast v55, $0x3;
	v48 =	vld [tilespmem:s9+$0xFFFFFF20]  }
0x166: {  	[tilespmem:s19+$0x30] =	vst v19;
	v19 =	vbroadcast v55, $0x4;
	v16 =	vbroadcast v55, $0x6;
	v49 =	vld [tilespmem:s9+$0xFFFFFF30]  }
0x167: {  	[tilespmem:s19+$0xFFFFFFD0] =	vst v58;
	v38 =	vbroadcast v17, $0x0;
	v45 =	vbroadcast v17, $0x1;
	v50 =	vld [tilespmem:s9+$0xFFFFFF40]  }
0x168: {  	[tilespmem:s19+$0xB0] =	vst v62;
	v41 =	vbroadcast v17, $0x2;
	v46 =	vbroadcast v17, $0x3;
	v51 =	vld [tilespmem:s9+$0xFFFFFF50]  }
0x169: {  	[tilespmem:s19+$0xA0] =	vst v61;
	v39 =	vbroadcast v17, $0x4;
	v42 =	vbroadcast v17, $0x5;
	v53 =	vld [tilespmem:s9+$0xFFFFFF60]  }
0x16a: {  	[tilespmem:s17+$0x0] =	vst v55;
	v40 =	vbroadcast v17, $0x6;
	v43 =	vbroadcast v17, $0x7;
	v54 =	vld [tilespmem:s9+$0xFFFFFF70]  }
0x16b: {  	s21 =	simm.s32 $0x4;
	s22 =	simm.s32 $0x14A0;
	s10 =	simm.s32 $0x2700;
	v52 =	vld [tilespmem:s9+$0xFFFFFFD0];
	v17 =	vbroadcast v55, $0x5;
	[tilespmem:s9+$0xF0] =	vst v15;
	v15 =	vbroadcast v55, $0x7  }
.LBB2_8:
0x16c: {  	v55 =	vld [tilespmem:s22+$0x10];
	v38 =	vmul.f32 v38, v44;
	v44 =	vmul.f32 v45, v47;
	s8 =	sadd.s32 $0x40, s8  }
0x16d: {  	s21 =	sadd.s32 $0x4, s21;
	v41 =	vmul.f32 v41, v48;
	v46 =	vmul.f32 v49, v46;
	v45 =	vld [tilespmem:s8+$0x10]  }
0x16e: {  	p0 =	slt.u32 s21, $0x3C;
	v47 =	vld [tilespmem:s8+$0xFFFFFFE0];
	[tilespmem:s9+$0xFFFFFF00] =	vst v38;
	v38 =	vmul.f32 v50, v39;
	v39 =	vmul.f32 v51, v42  }
0x16f: {  	v40 =	vmul.f32 v53, v40;
	v43 =	vmul.f32 v54, v43;
	v42 =	vld [tilespmem:s22+$0xFFFFFFF0];
	[tilespmem:s9+$0xFFFFFF10] =	vst v44  }
0x170: {  	v25 =	vmul.f32 v25, v26;
	v26 =	vmul.f32 v29, v28;
	v44 =	vld [tilespmem:s8+$0xFFFFFFF0];
	[tilespmem:s9+$0xFFFFFF20] =	vst v41  }
0x171: {  	v27 =	vmul.f32 v27, v31;
	v29 =	vmul.f32 v33, v37;
	v28 =	vld [tilespmem:s22+$0x0];
	[tilespmem:s9+$0xFFFFFF30] =	vst v46  }
0x172: {  	v36 =	vmul.f32 v35, v36;
	v37 =	vmul.f32 v52, v34;
	v31 =	vld [tilespmem:s8+$0x0];
	v33 =	vadd.f32 v45, v55;
	[tilespmem:s9+$0xFFFFFF40] =	vst v38  }
0x173: {  	v12 =	vmul.f32 v12, v14;
	v38 =	vld [tilespmem:s22+$0xFFFFFFE0];
	v41 =	vperm.xlane v47, v1;
	[tilespmem:s9+$0xFFFFFF50] =	vst v39  }
0x174: {  	v14 =	vmul.f32 $2.000000030e-01, v33;
	[tilespmem:s9+$0xFFFFFF60] =	vst v40;
	v39 =	vld [tilespmem:s9+$0xFFFFFFE0];
	v40 =	vmul.f32 v11, v13  }
0x175: {  	v34 =	vmul.f32 v7, v2;
	v11 =	vadd.f32 v44, v42;
	v13 =	vperm.xlane v44, v1;
	[tilespmem:s9+$0xFFFFFF70] =	vst v43;
	v42 =	vld [tilespmem:s9+$0xFFFFFFF0]  }
0x176: {  	v35 =	vmul.f32 v8, v3;
	v43 =	vmax.f32 v33, v14;
	[tilespmem:s9+$0xFFFFFF80] =	vst v25;
	v7 =	vld [tilespmem:s9+$0x0];
	v33 =	vmul.f32 v9, v4  }
0x177: {  	v3 =	vmovc v32;
	v2 =	vmovc v10;
	v8 =	vmul.f32 $2.000000030e-01, v11;
	v9 =	vadd.f32 v31, v28;
	v14 =	vmul.f32 $1.442695020e+00, v43;
	[tilespmem:s9+$0xFFFFFF90] =	vst v26;
	v25 =	vld [tilespmem:s9+$0x10]  }
0x178: {  	v4 =	vmov v30;
	v26 =	vperm.xlane v31, v1;
	v10 =	vadd.f32 v47, v38;
	[tilespmem:s9+$0xFFFFFFA0] =	vst v27;
	v27 =	vld [tilespmem:s9+$0x20]  }
0x179: {  	v8 =	vmax.f32 v11, v8;
	v11 =	vmul.f32 $2.000000030e-01, v9;
	(erf) = vpow2.f32 v14;
	[tilespmem:s9+$0xFFFFFFB0] =	vst v29;
	v14 =	vld [tilespmem:s9+$0x30]  }
0x17a: {  	v28 =	vmul.f32 $2.000000030e-01, v10;
	v8 =	vmul.f32 $1.442695020e+00, v8;
	[tilespmem:s9+$0xFFFFFFC0] =	vst v36;
	v29 =	vld [tilespmem:s9+$0x40]  }
0x17b: {  	v9 =	vmax.f32 v9, v11;
	[tilespmem:s9+$0xFFFFFFD0] =	vst v37;
	v11 =	vmul.f32 v39, v23;
	v23 =	vmul.f32 v42, v24;
	v24 =	vld [tilespmem:s9+$0x50]  }
0x17c: {  	v10 =	vmax.f32 v10, v28;
	v9 =	vmul.f32 $1.442695020e+00, v9;
	(erf) = vpow2.f32 v8;
	v28 =	vld [tilespmem:s9+$0x60];
	[tilespmem:s9+$0x80] =	vst v12  }
0x17d: {  	v7 =	vmul.f32 v22, v7;
	v8 =	vmul.f32 $1.442695020e+00, v10;
	[tilespmem:s9+$0xFFFFFFE0] =	vst v11;
	v10 =	vld [tilespmem:s9+$0x70]  }
0x17e: {  	(erf) = vpow2.f32 v9;
	[tilespmem:s9+$0xFFFFFFF0] =	vst v23;
	v9 =	vmul.f32 v21, v25;
	v11 =	vld [tilespmem:s9+$0xA0]  }
0x17f: {  	(erf) = vpow2.f32 v8;
	[tilespmem:s9+$0x0] =	vst v7;
	v8 =	vmul.f32 v20, v27;
	v12 =	vld [tilespmem:s9+$0xB0]  }
0x180: {  	[tilespmem:s9+$0x10] =	vst v9;
	v9 =	vmul.f32 v14, v18;
	v14 =	vmul.f32 v29, v19;
	v7 =	vld [tilespmem:s9+$0xC0]  }
0x181: {  	v18 =	vperm.xlane v45, v1;
	v17 =	vmul.f32 v24, v17;
	[tilespmem:s9+$0x20] =	vst v8;
	v8 =	vld [tilespmem:s9+$0xD0]  }
0x182: {  	v16 =	vmul.f32 v28, v16;
	v19 =	vpop (erf);
	[tilespmem:s9+$0x30] =	vst v9;
	v15 =	vmul.f32 v10, v15;
	v9 =	vld [tilespmem:s9+$0xE0]  }
0x183: {  	v30 =	vmul.f32 v19, v18;
	[tilespmem:s9+$0x40] =	vst v14;
	v18 =	vmul.f32 v5, v11  }
0x184: {  	s17 =	sadd.s32 $0x40, s17;
	[tilespmem:s9+$0x50] =	vst v17;
	v17 =	vmul.f32 v12, v6  }
0x185: {  	s9 =	sadd.s32 $0x200, s9;
	[tilespmem:s17+$0x10] =	vst v30;
	v12 =	vbroadcast v30, $0x0;
	v11 =	vbroadcast v30, $0x1;
	v5 =	vpop (erf)  }
0x186: {  	v19 =	vmul.f32 v5, v13;
	v5 =	vbroadcast v30, $0x2;
	v20 =	vld [tilespmem:s9+$0xF0];
	[tilespmem:s10+$0x60] =	vst v16  }
0x187: {  	v6 =	vbroadcast v30, $0x3;
	v10 =	vbroadcast v30, $0x4;
	v14 =	vld [tilespmem:s9+$0x80];
	v13 =	vpop (erf);
	[tilespmem:s10+$0x70] =	vst v15  }
0x188: {  	[tilespmem:s17+$0xFFFFFFF0] =	vst v19;
	v25 =	vbroadcast v19, $0x0;
	v15 =	vmul.f32 v13, v26;
	v13 =	vld [tilespmem:s9+$0x90];
	v16 =	vpop (erf)  }
0x189: {  	v21 =	vbroadcast v30, $0x7;
	v16 =	vmul.f32 v16, v41;
	v26 =	vld [tilespmem:s9+$0xFFFFFF80];
	[tilespmem:s10+$0x90] =	vst v40  }
0x18a: {  	v29 =	vbroadcast v19, $0x1;
	v27 =	vbroadcast v19, $0x2;
	v28 =	vld [tilespmem:s9+$0xFFFFFF90];
	[tilespmem:s17+$0x0] =	vst v15  }
0x18b: {  	[tilespmem:s17+$0xFFFFFFE0] =	vst v16;
	v38 =	vbroadcast v16, $0x0;
	v31 =	vld [tilespmem:s9+$0xFFFFFFA0];
	v20 =	vmul.f32 v20, v21  }
0x18c: {  	v45 =	vbroadcast v16, $0x1;
	v41 =	vbroadcast v16, $0x2;
	v44 =	vld [tilespmem:s9+$0xFFFFFF00];
	[tilespmem:s10+$0xA0] =	vst v18  }
0x18d: {  	v46 =	vbroadcast v16, $0x3;
	v39 =	vbroadcast v16, $0x4;
	v47 =	vld [tilespmem:s9+$0xFFFFFF10];
	[tilespmem:s9+$0xF0] =	vst v20  }
0x18e: {  	v42 =	vbroadcast v16, $0x5;
	v40 =	vbroadcast v16, $0x6;
	v48 =	vld [tilespmem:s9+$0xFFFFFF20];
	[tilespmem:s10+$0xB0] =	vst v17  }
0x18f: {  	v37 =	vbroadcast v19, $0x3;
	v43 =	vbroadcast v16, $0x7;
	v49 =	vld [tilespmem:s9+$0xFFFFFF30];
	[tilespmem:s19+$0xC0] =	vst v34  }
0x190: {  	v36 =	vbroadcast v19, $0x4;
	v34 =	vbroadcast v19, $0x5;
	v50 =	vld [tilespmem:s9+$0xFFFFFF40];
	[tilespmem:s19+$0xD0] =	vst v35  }
0x191: {  	v23 =	vbroadcast v19, $0x6;
	v24 =	vbroadcast v19, $0x7;
	v51 =	vld [tilespmem:s9+$0xFFFFFF50];
	[tilespmem:s19+$0xE0] =	vst v33;
	s19 =	smov.u32 s10;
	s10 =	smov.u32 s9  }
.Ltmp9:
0x192: {  	v22 =	vbroadcast v15, $0x0;
	v21 =	vbroadcast v15, $0x1;
	v53 =	vld [tilespmem:s9+$0xFFFFFF60];
	(pc) =	sbr.rel @p0 .LBB2_8-.Ltmp9, $4  }
0x193: {  	v18 =	vbroadcast v15, $0x3;
	v20 =	vbroadcast v15, $0x2;
	v54 =	vld [tilespmem:s9+$0xFFFFFF70]  }
0x194: {  	v17 =	vbroadcast v15, $0x5;
	v19 =	vbroadcast v15, $0x4;
	v33 =	vld [tilespmem:s9+$0xFFFFFFB0]  }
0x195: {  	v16 =	vbroadcast v15, $0x6;
	v15 =	vbroadcast v15, $0x7;
	v35 =	vld [tilespmem:s9+$0xFFFFFFC0]  }
0x196: {  	s22 =	sadd.s32 $0x40, s22;
	v32 =	vbroadcast v30, $0x5;
	v30 =	vbroadcast v30, $0x6;
	v52 =	vld [tilespmem:s9+$0xFFFFFFD0]  }
0x197: {  	v38 =	vmul.f32 v38, v44  }
0x198: {  	v63 =	vmul.f32 v45, v47  }
0x199: {  	v41 =	vmul.f32 v41, v48;
	[tilespmem:s9+$0xFFFFFF00] =	vst v38  }
0x19a: {  	v49 =	vmul.f32 v49, v46;
	[tilespmem:s9+$0xFFFFFF10] =	vst v63  }
0x19b: {  	v39 =	vmul.f32 v50, v39;
	[tilespmem:s9+$0xFFFFFF20] =	vst v41  }
0x19c: {  	v50 =	vmul.f32 v51, v42;
	[tilespmem:s9+$0xFFFFFF30] =	vst v49  }
0x19d: {  	v51 =	vmul.f32 v53, v40;
	[tilespmem:s9+$0xFFFFFF40] =	vst v39  }
0x19e: {  	v25 =	vmul.f32 v25, v26;
	[tilespmem:s9+$0xFFFFFF50] =	vst v50  }
0x19f: {  	v28 =	vmul.f32 v29, v28;
	[tilespmem:s9+$0xFFFFFF60] =	vst v51  }
0x1a0: {  	v27 =	vmul.f32 v27, v31;
	[tilespmem:s9+$0xFFFFFF80] =	vst v25  }
0x1a1: {  	v12 =	vmul.f32 v12, v14;
	[tilespmem:s9+$0xFFFFFF90] =	vst v28  }
0x1a2: {  	v2 =	vmul.f32 v7, v2;
	[tilespmem:s9+$0xFFFFFFA0] =	vst v27  }
0x1a3: {  	v3 =	vmul.f32 v8, v3;
	[tilespmem:s9+$0x80] =	vst v12  }
0x1a4: {  	v26 =	vld [tilespmem:s9+$0xFFFFFFE0];
	v4 =	vmul.f32 v9, v4;
	[tilespmem:s19+$0xC0] =	vst v2  }
0x1a5: {  	v29 =	vld [tilespmem:s9+$0xFFFFFFF0];
	v53 =	vmul.f32 v54, v43;
	[tilespmem:s19+$0xD0] =	vst v3  }
0x1a6: {  	v31 =	vld [tilespmem:s9+$0x0];
	v25 =	vmul.f32 v33, v37;
	[tilespmem:s19+$0xE0] =	vst v4  }
0x1a7: {  	v55 =	vld [tilespmem:s9+$0x20];
	[tilespmem:s9+$0xFFFFFF70] =	vst v53;
	v28 =	vmul.f32 v35, v36  }
0x1a8: {  	v14 =	vld [tilespmem:s9+$0x30];
	v27 =	vmul.f32 v52, v34;
	[tilespmem:s9+$0xFFFFFFB0] =	vst v25  }
0x1a9: {  	v54 =	vld [tilespmem:s9+$0x10];
	[tilespmem:s9+$0xFFFFFFC0] =	vst v28;
	v23 =	vmul.f32 v26, v23  }
0x1aa: {  	v25 =	vld [tilespmem:s9+$0x40];
	v24 =	vmul.f32 v29, v24;
	[tilespmem:s9+$0xFFFFFFD0] =	vst v27  }
0x1ab: {  	v26 =	vld [tilespmem:s9+$0x50];
	v22 =	vmul.f32 v22, v31;
	[tilespmem:s9+$0xFFFFFFE0] =	vst v23  }
0x1ac: {  	v12 =	vld [tilespmem:s9+$0x60];
	v20 =	vmul.f32 v20, v55;
	[tilespmem:s9+$0xFFFFFFF0] =	vst v24  }
0x1ad: {  	v14 =	vmul.f32 v14, v18;
	[tilespmem:s9+$0x0] =	vst v22  }
0x1ae: {  	v18 =	vld [tilespmem:s9+$0xA0];
	v21 =	vmul.f32 v21, v54;
	[tilespmem:s9+$0x20] =	vst v20  }
0x1af: {  	v11 =	vmul.f32 v11, v13;
	v13 =	vld [tilespmem:s9+$0xD0];
	[tilespmem:s9+$0x30] =	vst v14;
	v19 =	vmul.f32 v25, v19  }
0x1b0: {  	v23 =	vld [tilespmem:s9+$0x70];
	[tilespmem:s9+$0x10] =	vst v21;
	v17 =	vmul.f32 v26, v17  }
0x1b1: {  	v20 =	vld [tilespmem:s9+$0xB0];
	v12 =	vmul.f32 v12, v16;
	[tilespmem:s9+$0x40] =	vst v19  }
0x1b2: {  	v14 =	vld [tilespmem:s9+$0xC0];
	[tilespmem:s9+$0x50] =	vst v17  }
0x1b3: {  	v5 =	vmul.f32 v5, v18;
	[tilespmem:s10+$0x60] =	vst v12;
	v12 =	vld [tilespmem:s9+$0xE0]  }
0x1b4: {  	v3 =	vmul.f32 v13, v32;
	[tilespmem:s10+$0x90] =	vst v11  }
0x1b5: {  	v15 =	vmul.f32 v23, v15;
	[tilespmem:s10+$0xA0] =	vst v5  }
0x1b6: {  	v6 =	vmul.f32 v20, v6;
	[tilespmem:s10+$0xD0] =	vst v3  }
0x1b7: {  	v2 =	vmul.f32 v14, v10;
	[tilespmem:s10+$0x70] =	vst v15  }
0x1b8: {  	[tilespmem:s10+$0xB0] =	vst v6;
	v4 =	vmul.f32 v12, v30  }
0x1b9: {  	[tilespmem:s10+$0xC0] =	vst v2  }
0x1ba: {  	[tilespmem:s10+$0xE0] =	vst v4  }
0x1bb: {  	[spmem:s1] =	stream.indirect.scatter.add.f32 [tilespmem:s16], [sflag:$0x7], $0x10, s3, s20, $0xb8;
	[tilespmem:$0x1D400] =	vst v63  }
0x1bc: {  	_ = 	snop  }
0x1bd: {  	[spmem:s2] =	stream.indirect.scatter.add.f32 [tilespmem:s18], [sflag:$0x8], $0x80, s3, s20, $0xb8;
	[tilespmem:$0x1D400] =	vst v63  }
0x1be: {  	_ =	swait.ge [sflag:s30], $0x400  }
0x1bf: {  	[sflag:s30] =	ssyncset.done $0x0  }
0x1c0: {  	[sflag:s30] =	ssyncadd.s32 $0xFFFFFC00  }
0x1c1: {  	_ =	swait.ge [sflag:s31], $0x400  }
0x1c2: {  	[sflag:s31] =	ssyncset.done $0x0  }
0x1c3: {  	[sflag:s31] =	ssyncadd.s32 $0xFFFFFC00  }
0x1c4: {  	_ =	swait.ge [sflag:s0], $0x2000  }
0x1c5: {  	[sflag:s0] =	ssyncset.done $0x0  }
0x1c6: {  	s19 =	simm.s32 $0x1830;
	[sflag:s0] =	ssyncadd.s32 $0xFFFFE000  }
0x1c7: {  	s8 =	simm.s32 $0x2030;
	v2 =	vld [tilespmem:s19+$0x0]  }
0x1c8: {  	v3 =	vld [tilespmem:s8+$0x0]  }
0x1c9: {  	v5 =	vld [tilespmem:s19+$0xFFFFFFE0]  }
0x1ca: {  	v6 =	vld [tilespmem:s8+$0xFFFFFFE0];
	_ =	sdelay $0x2  }
0x1cb: {  	v7 =	vld [tilespmem:s19+$0xFFFFFFF0];
	v2 =	vadd.f32 v3, v2  }
0x1cc: {  	v8 =	vld [tilespmem:s8+$0xFFFFFFF0]  }
0x1cd: {  	v4 =	vld [tilespmem:s8+$0xFFFFFFD0];
	v5 =	vadd.f32 v6, v5;
	v10 =	vmul.f32 $2.000000030e-01, v2  }
0x1ce: {  	v9 =	vld [tilespmem:s19+$0xFFFFFFD0]  }
0x1cf: {  	v2 =	vmax.f32 v2, v10;
	v10 =	vmul.f32 $2.000000030e-01, v5  }
0x1d0: {  	v2 =	vmul.f32 $1.442695020e+00, v2  }
0x1d1: {  	v7 =	vadd.f32 v8, v7;
	v5 =	vmax.f32 v5, v10  }
0x1d2: {  	(erf) = vpow2.f32 v2;
	v5 =	vmul.f32 $1.442695020e+00, v5  }
0x1d3: {  	v9 =	vadd.f32 v4, v9;
	v10 =	vmul.f32 $2.000000030e-01, v7  }
0x1d4: {  	(erf) = vpow2.f32 v5  }
0x1d5: {  	v2 =	vmul.f32 $2.000000030e-01, v9;
	v7 =	vmax.f32 v7, v10  }
0x1d6: {  	v7 =	vmul.f32 $1.442695020e+00, v7  }
0x1d7: {  	v2 =	vmax.f32 v9, v2  }
0x1d8: {  	v2 =	vmul.f32 $1.442695020e+00, v2;
	(erf) = vpow2.f32 v7;
	_ =	sdelay $0x1  }
0x1d9: {  	(erf) = vpow2.f32 v2;
	v2 =	vperm.xlane v3, v1  }
0x1da: {  	v3 =	vpop (erf)  }
0x1db: {  	v7 =	vmul.f32 v3, v2;
	v2 =	vperm.xlane v6, v1  }
0x1dc: {  	s22 =	simm.s32 $0x1870;
	v3 =	vpop (erf)  }
0x1dd: {  	s21 =	simm.s32 $0x6830;
	v61 =	vld [tilespmem:s22+$0x0];
	s8 =	simm.s32 $0x2070;
	v3 =	vmul.f32 v3, v2  }
0x1de: {  	s3 =	simm.s32 $0x45F0;
	v63 =	vld [tilespmem:s8+$0x0];
	[tilespmem:s21+$0x0] =	vst v7;
	v2 =	vperm.xlane v4, v1;
	v4 =	vperm.xlane v8, v1  }
0x1df: {  	v11 =	vbroadcast v7, $0x0;
	v12 =	vbroadcast v7, $0x1;
	v9 =	vld [tilespmem:s3+$0x0]  }
0x1e0: {  	v5 =	vbroadcast v7, $0x2;
	v8 =	vld [tilespmem:s3+$0xFFFFFF90];
	v10 =	vpop (erf);
	v17 =	vbroadcast v3, $0x0  }
0x1e1: {  	v13 =	vld [tilespmem:s3+$0xFFFFFFA0];
	[tilespmem:s21+$0xFFFFFFE0] =	vst v3;
	v10 =	vmul.f32 v10, v4;
	v4 =	vbroadcast v7, $0x7  }
0x1e2: {  	v19 =	vbroadcast v3, $0x1;
	v21 =	vbroadcast v3, $0x2;
	v15 =	vld [tilespmem:s3+$0xFFFFFE90]  }
0x1e3: {  	v34 =	vbroadcast v3, $0x3;
	v35 =	vbroadcast v3, $0x4;
	v16 =	vld [tilespmem:s3+$0xFFFFFEA0]  }
0x1e4: {  	v6 =	vpop (erf);
	v56 =	vbroadcast v3, $0x5;
	v38 =	vbroadcast v3, $0x6;
	v18 =	vld [tilespmem:s3+$0xFFFFFEB0]  }
0x1e5: {  	v40 =	vbroadcast v3, $0x7;
	v14 =	vmul.f32 v6, v2;
	v58 =	vld [tilespmem:s3+$0xFFFFFEC0]  }
0x1e6: {  	v3 =	vbroadcast v7, $0x5;
	v6 =	vbroadcast v7, $0x3;
	v59 =	vld [tilespmem:s3+$0xFFFFFED0]  }
0x1e7: {  	v2 =	vbroadcast v7, $0x4;
	v60 =	vld [tilespmem:s3+$0xFFFFFEE0];
	v41 =	vbroadcast v10, $0x0;
	[tilespmem:s21+$0xFFFFFFD0] =	vst v14  }
0x1e8: {  	v43 =	vbroadcast v10, $0x1;
	v44 =	vbroadcast v10, $0x2;
	v20 =	vld [tilespmem:s3+$0xFFFFFE10]  }
0x1e9: {  	v46 =	vbroadcast v10, $0x3;
	v47 =	vbroadcast v10, $0x4;
	v23 =	vld [tilespmem:s3+$0xFFFFFE20]  }
0x1ea: {  	v49 =	vbroadcast v10, $0x5;
	v50 =	vbroadcast v10, $0x6;
	v25 =	vld [tilespmem:s3+$0xFFFFFE30]  }
0x1eb: {  	v62 =	vbroadcast v10, $0x7;
	v22 =	vbroadcast v14, $0x0;
	v28 =	vld [tilespmem:s3+$0xFFFFFE40]  }
0x1ec: {  	v24 =	vbroadcast v14, $0x1;
	v26 =	vbroadcast v14, $0x2;
	v31 =	vld [tilespmem:s3+$0xFFFFFE50]  }
0x1ed: {  	v27 =	vbroadcast v14, $0x3;
	v29 =	vbroadcast v14, $0x4;
	v33 =	vld [tilespmem:s3+$0xFFFFFE60]  }
0x1ee: {  	v30 =	vbroadcast v14, $0x5;
	v32 =	vbroadcast v14, $0x6;
	v36 =	vld [tilespmem:s3+$0xFFFFFE70]  }
0x1ef: {  	v14 =	vbroadcast v14, $0x7;
	v9 =	vmul.f32 v9, v4;
	v57 =	vld [tilespmem:s3+$0xFFFFFE80]  }
0x1f0: {  	v4 =	vbroadcast v7, $0x6;
	v15 =	vmul.f32 v17, v15;
	v17 =	vld [tilespmem:s8+$0xFFFFFFF0]  }
0x1f1: {  	v7 =	vmul.f32 v22, v20;
	v22 =	vmul.f32 v24, v23;
	v24 =	vld [tilespmem:s22+$0xFFFFFFE0]  }
0x1f2: {  	v23 =	vmul.f32 v26, v25;
	v25 =	vmul.f32 v28, v27;
	v27 =	vld [tilespmem:s8+$0xFFFFFFE0]  }
0x1f3: {  	v16 =	vmul.f32 v19, v16;
	v18 =	vmul.f32 v21, v18;
	v19 =	vld [tilespmem:s22+$0xFFFFFFD0]  }
0x1f4: {  	[tilespmem:s21+$0xFFFFFFF0] =	vst v10;
	v26 =	vmul.f32 v31, v29;
	v28 =	vmul.f32 v33, v30;
	v30 =	vld [tilespmem:s22+$0xFFFFFFF0];
	v31 =	vadd.f32 v63, v61  }
0x1f5: {  	v10 =	vmul.f32 v58, v34;
	[tilespmem:s3+$0x0] =	vst v9;
	v9 =	vmul.f32 v59, v35;
	v20 =	vld [tilespmem:s8+$0xFFFFFFD0]  }
0x1f6: {  	v51 =	vld [tilespmem:s3+$0xFFFFFEF0];
	v29 =	vmul.f32 v36, v32;
	v21 =	vmul.f32 $2.000000030e-01, v31  }
0x1f7: {  	v58 =	vld [tilespmem:s3+$0xFFFFFF00];
	v14 =	vmul.f32 v57, v14;
	v57 =	vmul.f32 v60, v56;
	[tilespmem:s3+$0xFFFFFE10] =	vst v7;
	v24 =	vadd.f32 v27, v24  }
0x1f8: {  	v60 =	vmul.f32 v12, v13;
	v7 =	vmul.f32 v11, v8;
	v11 =	vld [tilespmem:s3+$0xFFFFFF10];
	[tilespmem:s3+$0xFFFFFE20] =	vst v22;
	v8 =	vmax.f32 v31, v21  }
0x1f9: {  	[tilespmem:s3+$0xFFFFFE40] =	vst v25;
	v25 =	vld [tilespmem:s3+$0xFFFFFF60];
	v22 =	vadd.f32 v17, v30;
	v8 =	vmul.f32 $1.442695020e+00, v8;
	v21 =	vmul.f32 $2.000000030e-01, v24  }
0x1fa: {  	[tilespmem:s3+$0xFFFFFE80] =	vst v14;
	v14 =	vld [tilespmem:s3+$0xFFFFFFC0];
	v59 =	vperm.xlane v20, v1;
	v13 =	vperm.xlane v27, v1;
	v12 =	vadd.f32 v20, v19  }
0x1fb: {  	v30 =	vld [tilespmem:s3+$0xFFFFFF20];
	(erf) = vpow2.f32 v8;
	v20 =	vmax.f32 v24, v21;
	v21 =	vmul.f32 $2.000000030e-01, v22  }
0x1fc: {  	[tilespmem:s3+$0xFFFFFE30] =	vst v23;
	v19 =	vld [tilespmem:s3+$0xFFFFFF30];
	v23 =	vmul.f32 $2.000000030e-01, v12;
	v20 =	vmul.f32 $1.442695020e+00, v20  }
0x1fd: {  	[tilespmem:s3+$0xFFFFFE50] =	vst v26;
	v17 =	vperm.xlane v17, v1;
	v8 =	vld [tilespmem:s3+$0xFFFFFF40];
	v26 =	vmul.f32 v41, v11;
	v21 =	vmax.f32 v22, v21  }
0x1fe: {  	[tilespmem:s3+$0xFFFFFE90] =	vst v15;
	v11 =	vld [tilespmem:s3+$0xFFFFFFB0];
	v12 =	vmax.f32 v12, v23;
	v21 =	vmul.f32 $1.442695020e+00, v21;
	(erf) = vpow2.f32 v20  }
0x1ff: {  	[tilespmem:s3+$0xFFFFFF90] =	vst v7;
	v24 =	vld [tilespmem:s3+$0xFFFFFF50];
	v23 =	vmul.f32 v58, v40;
	v7 =	vmul.f32 $1.442695020e+00, v12  }
0x200: {  	[tilespmem:s3+$0xFFFFFEA0] =	vst v16;
	v12 =	vld [tilespmem:s3+$0xFFFFFF80];
	v15 =	vmul.f32 v43, v30;
	(erf) = vpow2.f32 v21  }
0x201: {  	[tilespmem:s3+$0xFFFFFEB0] =	vst v18;
	v16 =	vmul.f32 v44, v19;
	v22 =	vmul.f32 v51, v38;
	v20 =	vld [tilespmem:s3+$0xFFFFFF70]  }
0x202: {  	[tilespmem:s3+$0xFFFFFEC0] =	vst v10;
	v19 =	vmul.f32 v8, v46;
	v8 =	vperm.xlane v63, v1  }
0x203: {  	[tilespmem:s3+$0xFFFFFED0] =	vst v9;
	v61 =	vmul.f32 v5, v11;
	(erf) = vpow2.f32 v7  }
0x204: {  	[tilespmem:s3+$0xFFFFFE60] =	vst v28;
	v18 =	vmul.f32 v24, v47;
	v21 =	vmul.f32 v25, v49;
	v10 =	vpop (erf)  }
0x205: {  	v9 =	vld [tilespmem:s3+$0xFFFFFFF0];
	[tilespmem:s3+$0xFFFFFE70] =	vst v29;
	v24 =	vmul.f32 v12, v62;
	v30 =	vmul.f32 v10, v8  }
0x206: {  	s17 =	simm.s32 $0x6870;
	[tilespmem:s3+$0xFFFFFEE0] =	vst v57;
	v7 =	vld [tilespmem:s3+$0xFFFFFFD0];
	v62 =	vmul.f32 v14, v6;
	v20 =	vmul.f32 v20, v50  }
0x207: {  	s9 =	simm.s32 $0x47F0;
	v8 =	vld [tilespmem:s3+$0xFFFFFFE0];
	[tilespmem:s17+$0x0] =	vst v30;
	v12 =	vbroadcast v30, $0x0;
	v11 =	vbroadcast v30, $0x1;
	v5 =	vpop (erf)  }
0x208: {  	[tilespmem:s3+$0xFFFFFEF0] =	vst v22;
	v6 =	vbroadcast v30, $0x3;
	v63 =	vld [tilespmem:s9+$0x0];
	v22 =	vmul.f32 v5, v13  }
0x209: {  	[tilespmem:s3+$0xFFFFFF00] =	vst v23;
	v10 =	vbroadcast v30, $0x4;
	v23 =	vbroadcast v30, $0x7;
	v14 =	vld [tilespmem:s9+$0xFFFFFF90];
	v13 =	vpop (erf)  }
0x20a: {  	v32 =	vbroadcast v30, $0x5;
	[tilespmem:s17+$0xFFFFFFE0] =	vst v22;
	v55 =	vmul.f32 v13, v17;
	v13 =	vld [tilespmem:s9+$0xFFFFFFA0]  }
0x20b: {  	[tilespmem:s3+$0xFFFFFF10] =	vst v26;
	v5 =	vbroadcast v30, $0x2;
	v30 =	vbroadcast v30, $0x6;
	v26 =	vld [tilespmem:s9+$0xFFFFFE90]  }
0x20c: {  	[tilespmem:s3+$0xFFFFFF20] =	vst v15;
	v25 =	vbroadcast v22, $0x0;
	v17 =	vpop (erf);
	v29 =	vbroadcast v22, $0x1;
	v28 =	vld [tilespmem:s9+$0xFFFFFEA0]  }
0x20d: {  	[tilespmem:s3+$0xFFFFFF30] =	vst v16;
	v27 =	vbroadcast v22, $0x2;
	v17 =	vmul.f32 v17, v59;
	v31 =	vld [tilespmem:s9+$0xFFFFFEB0]  }
0x20e: {  	[tilespmem:s3+$0xFFFFFF80] =	vst v24;
	v37 =	vbroadcast v22, $0x3;
	v36 =	vbroadcast v22, $0x4;
	v33 =	vld [tilespmem:s9+$0xFFFFFEC0]  }
0x20f: {  	v34 =	vbroadcast v22, $0x5;
	v24 =	vbroadcast v22, $0x7;
	v35 =	vld [tilespmem:s9+$0xFFFFFED0];
	[tilespmem:s17+$0xFFFFFFD0] =	vst v17  }
0x210: {  	[tilespmem:s3+$0xFFFFFF50] =	vst v18;
	v15 =	vmul.f32 v63, v23;
	v23 =	vbroadcast v22, $0x6;
	v44 =	vld [tilespmem:s9+$0xFFFFFE10]  }
0x211: {  	[tilespmem:s3+$0xFFFFFF60] =	vst v21;
	v22 =	vbroadcast v55, $0x0;
	v21 =	vbroadcast v55, $0x1;
	v47 =	vld [tilespmem:s9+$0xFFFFFE20]  }
0x212: {  	[tilespmem:s3+$0xFFFFFF70] =	vst v20;
	v20 =	vbroadcast v55, $0x2;
	v18 =	vbroadcast v55, $0x3;
	v48 =	vld [tilespmem:s9+$0xFFFFFE30]  }
0x213: {  	[tilespmem:s3+$0xFFFFFF40] =	vst v19;
	v19 =	vbroadcast v55, $0x4;
	v16 =	vbroadcast v55, $0x6;
	v49 =	vld [tilespmem:s9+$0xFFFFFE40]  }
0x214: {  	[tilespmem:s3+$0xFFFFFFA0] =	vst v60;
	v38 =	vbroadcast v17, $0x0;
	v45 =	vbroadcast v17, $0x1;
	v50 =	vld [tilespmem:s9+$0xFFFFFE50]  }
0x215: {  	[tilespmem:s3+$0xFFFFFFB0] =	vst v61;
	v41 =	vbroadcast v17, $0x2;
	v46 =	vbroadcast v17, $0x3;
	v51 =	vld [tilespmem:s9+$0xFFFFFE60]  }
0x216: {  	[tilespmem:s3+$0xFFFFFFC0] =	vst v62;
	v39 =	vbroadcast v17, $0x4;
	v42 =	vbroadcast v17, $0x5;
	v53 =	vld [tilespmem:s9+$0xFFFFFE70]  }
0x217: {  	[tilespmem:s17+$0xFFFFFFF0] =	vst v55;
	v40 =	vbroadcast v17, $0x6;
	v43 =	vbroadcast v17, $0x7;
	v54 =	vld [tilespmem:s9+$0xFFFFFE80]  }
0x218: {  	s10 =	simm.s32 $0x47F0;
	s19 =	simm.s32 $0x4;
	s21 =	simm.s32 $0x18B0;
	v52 =	vld [tilespmem:s9+$0xFFFFFEE0];
	v17 =	vbroadcast v55, $0x5;
	[tilespmem:s9+$0x0] =	vst v15;
	v15 =	vbroadcast v55, $0x7  }
.LBB2_10:
0x219: {  	v55 =	vld [tilespmem:s21+$0x0];
	v38 =	vmul.f32 v38, v44;
	v44 =	vmul.f32 v45, v47;
	s8 =	sadd.s32 $0x40, s8  }
0x21a: {  	s19 =	sadd.s32 $0x4, s19;
	v41 =	vmul.f32 v41, v48;
	v46 =	vmul.f32 v49, v46;
	v45 =	vld [tilespmem:s8+$0x0]  }
0x21b: {  	p0 =	slt.u32 s19, $0x3C;
	v47 =	vld [tilespmem:s8+$0xFFFFFFD0];
	[tilespmem:s9+$0xFFFFFE10] =	vst v38;
	v38 =	vmul.f32 v50, v39;
	v39 =	vmul.f32 v51, v42  }
0x21c: {  	v40 =	vmul.f32 v53, v40;
	v43 =	vmul.f32 v54, v43;
	v42 =	vld [tilespmem:s21+$0xFFFFFFE0];
	[tilespmem:s9+$0xFFFFFE20] =	vst v44  }
0x21d: {  	v25 =	vmul.f32 v25, v26;
	v26 =	vmul.f32 v29, v28;
	v44 =	vld [tilespmem:s8+$0xFFFFFFE0];
	[tilespmem:s9+$0xFFFFFE30] =	vst v41  }
0x21e: {  	v27 =	vmul.f32 v27, v31;
	v29 =	vmul.f32 v33, v37;
	v28 =	vld [tilespmem:s21+$0xFFFFFFF0];
	[tilespmem:s9+$0xFFFFFE40] =	vst v46  }
0x21f: {  	v36 =	vmul.f32 v35, v36;
	v37 =	vmul.f32 v52, v34;
	v31 =	vld [tilespmem:s8+$0xFFFFFFF0];
	v33 =	vadd.f32 v45, v55;
	[tilespmem:s9+$0xFFFFFE50] =	vst v38  }
0x220: {  	v12 =	vmul.f32 v12, v14;
	v38 =	vld [tilespmem:s21+$0xFFFFFFD0];
	v41 =	vperm.xlane v47, v1;
	[tilespmem:s9+$0xFFFFFE60] =	vst v39  }
0x221: {  	v14 =	vmul.f32 $2.000000030e-01, v33;
	[tilespmem:s9+$0xFFFFFE70] =	vst v40;
	v39 =	vld [tilespmem:s9+$0xFFFFFEF0];
	v40 =	vmul.f32 v11, v13  }
0x222: {  	v34 =	vmul.f32 v7, v2;
	v11 =	vadd.f32 v44, v42;
	v13 =	vperm.xlane v44, v1;
	[tilespmem:s9+$0xFFFFFE80] =	vst v43;
	v42 =	vld [tilespmem:s9+$0xFFFFFF00]  }
0x223: {  	v35 =	vmul.f32 v8, v3;
	v43 =	vmax.f32 v33, v14;
	[tilespmem:s9+$0xFFFFFE90] =	vst v25;
	v7 =	vld [tilespmem:s9+$0xFFFFFF10];
	v33 =	vmul.f32 v9, v4  }
0x224: {  	v2 =	vmovc v10;
	v3 =	vmovc v32;
	v8 =	vmul.f32 $2.000000030e-01, v11;
	v9 =	vadd.f32 v31, v28;
	v14 =	vmul.f32 $1.442695020e+00, v43;
	[tilespmem:s9+$0xFFFFFEA0] =	vst v26;
	v25 =	vld [tilespmem:s9+$0xFFFFFF20]  }
0x225: {  	v4 =	vmov v30;
	v26 =	vperm.xlane v31, v1;
	v10 =	vadd.f32 v47, v38;
	[tilespmem:s9+$0xFFFFFEB0] =	vst v27;
	v27 =	vld [tilespmem:s9+$0xFFFFFF30]  }
0x226: {  	v8 =	vmax.f32 v11, v8;
	v11 =	vmul.f32 $2.000000030e-01, v9;
	(erf) = vpow2.f32 v14;
	[tilespmem:s9+$0xFFFFFEC0] =	vst v29;
	v14 =	vld [tilespmem:s9+$0xFFFFFF40]  }
0x227: {  	v28 =	vmul.f32 $2.000000030e-01, v10;
	v8 =	vmul.f32 $1.442695020e+00, v8;
	[tilespmem:s9+$0xFFFFFED0] =	vst v36;
	v29 =	vld [tilespmem:s9+$0xFFFFFF50]  }
0x228: {  	v9 =	vmax.f32 v9, v11;
	[tilespmem:s9+$0xFFFFFEE0] =	vst v37;
	v11 =	vmul.f32 v39, v23;
	v23 =	vmul.f32 v42, v24;
	v24 =	vld [tilespmem:s9+$0xFFFFFF60]  }
0x229: {  	v10 =	vmax.f32 v10, v28;
	v9 =	vmul.f32 $1.442695020e+00, v9;
	(erf) = vpow2.f32 v8;
	v28 =	vld [tilespmem:s9+$0xFFFFFF70];
	[tilespmem:s9+$0xFFFFFF90] =	vst v12  }
0x22a: {  	v7 =	vmul.f32 v22, v7;
	v8 =	vmul.f32 $1.442695020e+00, v10;
	[tilespmem:s9+$0xFFFFFEF0] =	vst v11;
	v10 =	vld [tilespmem:s9+$0xFFFFFF80]  }
0x22b: {  	(erf) = vpow2.f32 v9;
	[tilespmem:s9+$0xFFFFFF00] =	vst v23;
	v9 =	vmul.f32 v21, v25;
	v11 =	vld [tilespmem:s9+$0xFFFFFFB0]  }
0x22c: {  	(erf) = vpow2.f32 v8;
	[tilespmem:s9+$0xFFFFFF10] =	vst v7;
	v8 =	vmul.f32 v20, v27;
	v12 =	vld [tilespmem:s9+$0xFFFFFFC0]  }
0x22d: {  	[tilespmem:s9+$0xFFFFFF20] =	vst v9;
	v9 =	vmul.f32 v14, v18;
	v14 =	vmul.f32 v29, v19;
	v7 =	vld [tilespmem:s9+$0xFFFFFFD0]  }
0x22e: {  	v18 =	vperm.xlane v45, v1;
	v17 =	vmul.f32 v24, v17;
	[tilespmem:s9+$0xFFFFFF30] =	vst v8;
	v8 =	vld [tilespmem:s9+$0xFFFFFFE0]  }
0x22f: {  	v16 =	vmul.f32 v28, v16;
	v19 =	vpop (erf);
	[tilespmem:s9+$0xFFFFFF40] =	vst v9;
	v15 =	vmul.f32 v10, v15;
	v9 =	vld [tilespmem:s9+$0xFFFFFFF0]  }
0x230: {  	v30 =	vmul.f32 v19, v18;
	[tilespmem:s9+$0xFFFFFF50] =	vst v14;
	v18 =	vmul.f32 v5, v11  }
0x231: {  	s17 =	sadd.s32 $0x40, s17;
	[tilespmem:s9+$0xFFFFFF60] =	vst v17;
	v17 =	vmul.f32 v12, v6  }
0x232: {  	s9 =	sadd.s32 $0x200, s9;
	[tilespmem:s17+$0x0] =	vst v30;
	v12 =	vbroadcast v30, $0x0;
	v11 =	vbroadcast v30, $0x1;
	v5 =	vpop (erf)  }
0x233: {  	v19 =	vmul.f32 v5, v13;
	v5 =	vbroadcast v30, $0x2;
	v20 =	vld [tilespmem:s9+$0x0];
	[tilespmem:s10+$0xFFFFFF70] =	vst v16  }
0x234: {  	v6 =	vbroadcast v30, $0x3;
	v10 =	vbroadcast v30, $0x4;
	v14 =	vld [tilespmem:s9+$0xFFFFFF90];
	v13 =	vpop (erf);
	[tilespmem:s10+$0xFFFFFF80] =	vst v15  }
0x235: {  	[tilespmem:s17+$0xFFFFFFE0] =	vst v19;
	v25 =	vbroadcast v19, $0x0;
	v15 =	vmul.f32 v13, v26;
	v13 =	vld [tilespmem:s9+$0xFFFFFFA0];
	v16 =	vpop (erf)  }
0x236: {  	v21 =	vbroadcast v30, $0x7;
	v16 =	vmul.f32 v16, v41;
	v26 =	vld [tilespmem:s9+$0xFFFFFE90];
	[tilespmem:s10+$0xFFFFFFA0] =	vst v40  }
0x237: {  	v29 =	vbroadcast v19, $0x1;
	v27 =	vbroadcast v19, $0x2;
	v28 =	vld [tilespmem:s9+$0xFFFFFEA0];
	[tilespmem:s17+$0xFFFFFFF0] =	vst v15  }
0x238: {  	[tilespmem:s17+$0xFFFFFFD0] =	vst v16;
	v38 =	vbroadcast v16, $0x0;
	v31 =	vld [tilespmem:s9+$0xFFFFFEB0];
	v20 =	vmul.f32 v20, v21  }
0x239: {  	v45 =	vbroadcast v16, $0x1;
	v41 =	vbroadcast v16, $0x2;
	v44 =	vld [tilespmem:s9+$0xFFFFFE10];
	[tilespmem:s10+$0xFFFFFFB0] =	vst v18  }
0x23a: {  	v46 =	vbroadcast v16, $0x3;
	v39 =	vbroadcast v16, $0x4;
	v47 =	vld [tilespmem:s9+$0xFFFFFE20];
	[tilespmem:s9+$0x0] =	vst v20  }
0x23b: {  	v42 =	vbroadcast v16, $0x5;
	v40 =	vbroadcast v16, $0x6;
	v48 =	vld [tilespmem:s9+$0xFFFFFE30];
	[tilespmem:s10+$0xFFFFFFC0] =	vst v17  }
0x23c: {  	v37 =	vbroadcast v19, $0x3;
	v43 =	vbroadcast v16, $0x7;
	v49 =	vld [tilespmem:s9+$0xFFFFFE40];
	[tilespmem:s3+$0xFFFFFFD0] =	vst v34  }
0x23d: {  	v36 =	vbroadcast v19, $0x4;
	v34 =	vbroadcast v19, $0x5;
	v50 =	vld [tilespmem:s9+$0xFFFFFE50];
	[tilespmem:s3+$0xFFFFFFE0] =	vst v35  }
0x23e: {  	v23 =	vbroadcast v19, $0x6;
	v24 =	vbroadcast v19, $0x7;
	v51 =	vld [tilespmem:s9+$0xFFFFFE60];
	[tilespmem:s3+$0xFFFFFFF0] =	vst v33;
	s3 =	smov.u32 s10;
	s10 =	smov.u32 s9  }
.Ltmp10:
0x23f: {  	v22 =	vbroadcast v15, $0x0;
	v21 =	vbroadcast v15, $0x1;
	v53 =	vld [tilespmem:s9+$0xFFFFFE70];
	(pc) =	sbr.rel @p0 .LBB2_10-.Ltmp10, $4  }
0x240: {  	v18 =	vbroadcast v15, $0x3;
	v20 =	vbroadcast v15, $0x2;
	v54 =	vld [tilespmem:s9+$0xFFFFFE80]  }
0x241: {  	v17 =	vbroadcast v15, $0x5;
	v19 =	vbroadcast v15, $0x4;
	v33 =	vld [tilespmem:s9+$0xFFFFFEC0]  }
0x242: {  	v16 =	vbroadcast v15, $0x6;
	v15 =	vbroadcast v15, $0x7;
	v35 =	vld [tilespmem:s9+$0xFFFFFED0]  }
0x243: {  	s21 =	sadd.s32 $0x40, s21;
	v32 =	vbroadcast v30, $0x5;
	v30 =	vbroadcast v30, $0x6;
	v52 =	vld [tilespmem:s9+$0xFFFFFEE0]  }
.Ltmp11:
0x244: {  	_ = 	snop;
	(pc) =	sbr.rel .LBB2_11-.Ltmp11, $1  }
0x245: {  	_ =	sdelay $0x3  }
.LBB2_15:
0x246: {  	_ =	sfence.sel $0x180000  }
0x247: {  	[bflag:$0x0] =	sbarrier.arrive $0xFFFF  }
0x248: {  	_ =	strace $0x90000047  }
0x249: {  	s0 =	stileid.u32;
	[bflag:$0x2] =	sbarrier.arrive $0xFFFF  }
0x24a: {  	p0 =	sne.s32 s0, $0x0;
	s0 =	rddreg [dreg:$0x3]  }
0x24b: {  	s0 =	sadd.s32 @!p0 $0x100000, s0  }
0x24c: {  	[sflag:s0] =	ssyncadd.tile.s32 @!p0 $0x1;
	_ =	shalt  }
.Lfunc_end2:
_tile_overlayer_lowered:
.L_overlay_start_2:
0x24d: {  	(tag) =	ssettag $0x2  }
0x24e: {  	s0 =	rddreg [dreg:$0x0];
	s2 =	stileid.u32  }
0x24f: {  	s1 =	rddreg [dreg:$0x1];
	p0 =	sne.s32 s2, $0x0  }
0x250: {  	s3 =	rddreg [dreg:$0x2];
	[bflag:$0x3] =	sbarrier.arrive $0xFFFF;
	s2 =	simm.s32 @!p0 $0x1C0B  }
0x251: {  	[timem:s3], [sflag:s2] =	dma.local @!p0 [hbm:s0], s1  }
0x252: {  	s0 =	simm.s32 @!p0 $0xB  }
0x253: {  	_ =	swait.ge @!p0 [sflag:s0], s1  }
0x254: {  	s1 =	ssub.s32 @!p0 $0x0, s1;
	[sflag:s0] =	ssyncset.done @!p0 $0x0  }
0x255: {  	[sflag:s0] =	ssyncadd.s32 @!p0 s1  }
0x256: {  	[bflag:$0x3] =	sbarrier.arrive $0xFFFF  }
0x257: {  	_ =	shalt  }

</sc_bundles>
